<compile_context>
chip_gen: v7x
topology: tpu7x:2x2x1
jax: 0.10.2.dev20260603
libtpu: 0.0.44.dev20260713+nightly
codegen_flags: <defaults>
</compile_context>

<pallas_src>
import functools

import jax
import jax.numpy as jnp
from jax import lax
from jax.experimental import pallas as pl
from jax.experimental.pallas import tpu as pltpu
from jax.experimental.pallas import tpu_sc as plsc

QN = 16
DN = 16
KN = 1_000_000
NNBR = 5
NCLS = 32

BLK = 131072
NSPL = 32
QW = BLK // NSPL
GRID = (KN + BLK - 1) // BLK

NEGF = -3.0e38
BIGI = 2**31 - 1


def _topk_extract2(cv, ci, n):
    vs, is_ = [], []
    for _ in range(n):
        m = jnp.max(cv, axis=1, keepdims=True)
        sel = jnp.where(cv == m, ci, BIGI)
        ii = jnp.min(sel, axis=1, keepdims=True)
        vs.append(m)
        is_.append(ii)
        cv = jnp.where(ci == ii, NEGF, cv)
    return jnp.concatenate(vs, axis=1), jnp.concatenate(is_, axis=1)


def _tc_body(q_ref, xt_ref, outv_ref, outi_ref, sv_ref, si_ref):
    i = pl.program_id(0)

    @pl.when(i == 0)
    def _init():
        sv_ref[...] = jnp.full((QN, 8), NEGF, jnp.float32)
        si_ref[...] = jnp.full((QN, 8), BIGI, jnp.int32)

    xt = xt_ref[...]
    q2bf = (q_ref[...] * 2.0).astype(jnp.bfloat16)
    dots = lax.dot_general(q2bf, xt.astype(jnp.bfloat16),
                           (((1,), (0,)), ((), ())),
                           preferred_element_type=jnp.float32)
    xn = jnp.sum(xt * xt, axis=0, keepdims=True)
    neg = dots - xn

    bvs, bis = [sv_ref[:, 0:NNBR]], [si_ref[:, 0:NNBR]]
    for qd in range(NSPL):
        cv = neg[:, qd * QW:(qd + 1) * QW]
        ci = (lax.broadcasted_iota(jnp.int32, (QN, QW), 1)
              + (i * BLK + qd * QW))
        cv = jnp.where(ci < KN, cv, NEGF)
        bv, bi = _topk_extract2(cv, ci, NNBR)
        bvs.append(bv)
        bis.append(bi)
    mv = jnp.concatenate(bvs, axis=1)
    mi = jnp.concatenate(bis, axis=1)
    nv, ni = _topk_extract2(mv, mi, NNBR)
    sv_ref[:, 0:NNBR] = nv
    si_ref[:, 0:NNBR] = ni

    @pl.when(i == GRID - 1)
    def _fin():
        qq = q_ref[...]
        qn = jnp.sum(qq * qq, axis=1, keepdims=True)
        outv_ref[:, 0:NNBR] = sv_ref[:, 0:NNBR] - qn
        outi_ref[:, 0:NNBR] = si_ref[:, 0:NNBR]


def _tc_topk(q, xt):
    return pl.pallas_call(
        _tc_body,
        grid=(GRID,),
        in_specs=[
            pl.BlockSpec((QN, DN), lambda i: (0, 0)),
            pl.BlockSpec((QN, BLK), lambda i: (0, i)),
        ],
        out_specs=[
            pl.BlockSpec((QN, 8), lambda i: (0, 0)),
            pl.BlockSpec((QN, 8), lambda i: (0, 0)),
        ],
        out_shape=[
            jax.ShapeDtypeStruct((QN, 8), jnp.float32),
            jax.ShapeDtypeStruct((QN, 8), jnp.int32),
        ],
        scratch_shapes=[
            pltpu.VMEM((QN, 8), jnp.float32),
            pltpu.VMEM((QN, 8), jnp.int32),
        ],
    )(q, xt)


def _sc_vote_body(labels_hbm, idx_hbm, pred_hbm, idx_v, lab_v, pred_v, sem):
    c = lax.axis_index("c")
    s = lax.axis_index("s")
    wid = s * 2 + c

    @pl.when(wid == 0)
    def _():
        pltpu.sync_copy(idx_hbm, idx_v)
        pltpu.async_copy(labels_hbm.at[idx_v], lab_v, sem).wait()
        labs = [lab_v[pl.ds(j * QN, QN)] for j in range(NNBR)]
        best = jnp.full((QN,), -1, jnp.int32)
        pred = jnp.full((QN,), 0, jnp.int32)
        one = jnp.full((QN,), 1, jnp.int32)
        zero = jnp.full((QN,), 0, jnp.int32)
        for cc in range(NCLS):
            cc_v = jnp.full((QN,), cc, jnp.int32)
            cnt = zero
            for j in range(NNBR):
                cnt = cnt + jnp.where(labs[j] == cc_v, one, zero)
            better = cnt > best
            best = jnp.where(better, cnt, best)
            pred = jnp.where(better, cc_v, pred)
        pred_v[...] = pred
        pltpu.sync_copy(pred_v, pred_hbm)


@functools.cache
def _sc_vote():
    return pl.kernel(
        _sc_vote_body,
        out_type=jax.ShapeDtypeStruct((QN,), jnp.int32),
        mesh=plsc.VectorSubcoreMesh(core_axis_name="c", subcore_axis_name="s"),
        scratch_types=[
            pltpu.VMEM((NNBR * QN,), jnp.int32),
            pltpu.VMEM((NNBR * QN,), jnp.int32),
            pltpu.VMEM((QN,), jnp.int32),
            pltpu.SemaphoreType.DMA,
        ],
    )


def kernel(test_query_embedding, train_x, train_labels):
    q = test_query_embedding
    xt = train_x.T
    outv, outi = _tc_topk(q, xt)
    neg_topk_dist = outv[:, :NNBR]
    idx_flat = outi[:, :NNBR].T.reshape(-1)

    pred = _sc_vote()(train_labels, idx_flat)
    return pred, neg_topk_dist

# --- scband reference (transcript-rebuilt; emitter-appended) ---
"""Pipeline reference for scband-knn-54004918780085 (READ-ONLY COPY).

The authoritative reference and input builder live on the scoring server;
editing this copy changes nothing except your own understanding.
"""

import jax, jax.numpy as jnp
import numpy as np

NUM_NEIGHBORS = 5
NUM_CLASSES = 32
Q, K, D = 16, 1000000, 16


def setup_inputs(seed: int = 0) -> dict:
    key = jax.random.key(seed)
    k1, k2, k3 = jax.random.split(key, 3)
    test_query_embedding = jax.random.normal(k1, (Q, D), dtype=jnp.float32)
    train_x = jax.random.normal(k2, (K, D), dtype=jnp.float32)
    train_labels = jax.random.randint(k3, (K,), 0, NUM_CLASSES, dtype=jnp.int32)
    return {
        'test_query_embedding': test_query_embedding,
        'train_x': train_x,
        'train_labels': train_labels,
    }


def reference(test_query_embedding, train_x, train_labels):
    # Brute-force kNN (what sklearn KNeighborsClassifier.kneighbors does):
    # squared Euclidean distance from each query to every train point.
    q_norm = jnp.sum(test_query_embedding * test_query_embedding, axis=1, keepdims=True)  # [Q, 1]
    x_norm = jnp.sum(train_x * train_x, axis=1)  # [K]
    d2 = q_norm + x_norm[None, :] - 2.0 * (test_query_embedding @ train_x.T)  # [Q, K]
    # nearest neighbors = top-k of negative distance
    neg_topk_dist, nn_idx = jax.lax.top_k(-d2, NUM_NEIGHBORS)  # [Q, k]
    # gather neighbor labels
    neighbor_labels = jnp.take(train_labels, nn_idx, axis=0)  # [Q, k]
    # majority vote over neighbor labels (model_counts + argmax in the original)
    onehot = jax.nn.one_hot(neighbor_labels, NUM_CLASSES, dtype=jnp.int32)  # [Q, k, C]
    counts = jnp.sum(onehot, axis=1)  # [Q, C]
    pred = jnp.argmax(counts, axis=1)  # [Q] predicted label id per query
    return pred, neg_topk_dist

if __name__ == "__main__":
    import jax
    _d = setup_inputs()
    print(jax.jit(kernel)(*tuple(_d.values())))

</pallas_src>

<mosaic_0001>
#map = affine_map<(d0, d1) -> (0)>
module attributes {stable_mosaic.version = 14 : i64} {
  func.func @_sc_vote_body(%arg0: i32, %arg1: i32, %arg2: memref<1000000xi32, #tpu.memory_space<hbm>>, %arg3: memref<80xi32, #tpu.memory_space<hbm>>, %arg4: memref<16xi32, #tpu.memory_space<hbm>>, %arg5: memref<80xi32, #tpu.memory_space<vmem>>, %arg6: memref<80xi32, #tpu.memory_space<vmem>>, %arg7: memref<16xi32, #tpu.memory_space<vmem>>, %arg8: memref<!tpu.dma_semaphore, #tpu.memory_space<semaphore_mem>>) attributes {dimension_semantics = [#tpu.dimension_semantics<core_parallel>, #tpu.dimension_semantics<subcore_parallel>], iteration_bounds = array<i64: 2, 16>, scalar_prefetch = 0 : i64, scratch_operands = 4 : i64, tpu.core_type = #tpu.core_type<sc_vector_subcore>, window_params = [{transform_indices = #map}, {transform_indices = #map}, {transform_indices = #map}]} {
    %mul3A = arith.constant 2 : i32
    %mul3A_0 = arith.muli %arg1, %mul3A : i32
    %add3A = arith.addi %mul3A_0, %arg0 : i32
    %eq3A = arith.constant 0 : i32
    %eq3A_1 = arith.cmpi eq, %add3A, %eq3A : i32
    %convert_element_type3A = arith.extui %eq3A_1 : i1 to i32
    %cond3A = arith.constant 0 : i32
    %cond3A_2 = arith.cmpi ne, %convert_element_type3A, %cond3A : i32
    scf.if %cond3A_2 {
      "tpu.region"() ({
        %run_scoped3A = tpu.sem_alloc : memref<!tpu.dma_semaphore, #tpu.memory_space<semaphore_mem>>
        tpu.enqueue_dma source(%arg3 : memref<80xi32, #tpu.memory_space<hbm>>) target(%arg5 : memref<80xi32, #tpu.memory_space<vmem>>) target_semaphore(%run_scoped3A : memref<!tpu.dma_semaphore, #tpu.memory_space<semaphore_mem>>)
        tpu.wait_dma2 semaphore(%run_scoped3A : memref<!tpu.dma_semaphore, #tpu.memory_space<semaphore_mem>>) src(%arg3 : memref<80xi32, #tpu.memory_space<hbm>>) dst(%arg5 : memref<80xi32, #tpu.memory_space<vmem>>)
        tpu.yield
      }) : () -> ()
      %dma_start3A = arith.constant 0 : i32
      %dma_start3A_3 = tpu.memref_slice %arg2[%dma_start3A] : memref<1000000xi32, #tpu.memory_space<hbm>> -> memref<1000000xi32, #tpu.memory_space<hbm>>
      tpu.enqueue_indirect_dma source(%dma_start3A_3 : memref<1000000xi32, #tpu.memory_space<hbm>>) target(%arg6 : memref<80xi32, #tpu.memory_space<vmem>>) offsets(%arg5 : memref<80xi32, #tpu.memory_space<vmem>>) semaphore(%arg8 : memref<!tpu.dma_semaphore, #tpu.memory_space<semaphore_mem>>)
      %dma_wait3A = arith.constant 0 : i32
      %dma_wait3A_4 = tpu.memref_slice %arg2[%dma_wait3A] : memref<1000000xi32, #tpu.memory_space<hbm>> -> memref<1000000xi32, #tpu.memory_space<hbm>>
      tpu.wait_indirect_dma semaphore(%arg8 : memref<!tpu.dma_semaphore, #tpu.memory_space<semaphore_mem>>) src(%dma_wait3A_4 : memref<1000000xi32, #tpu.memory_space<hbm>>) dst(%arg6 : memref<80xi32, #tpu.memory_space<vmem>>)
      %get3A = arith.constant 0 : index
      %get3A_5 = tpu.vector_load %arg6[%get3A] {strides = array<i32>} : memref<80xi32, #tpu.memory_space<vmem>>, vector<16xi32>,
      %get3A_6 = vector.shape_cast %get3A_5 : vector<16xi32> to vector<16xi32>
      %get3A_7 = arith.constant 16 : index
      %get3A_8 = tpu.vector_load %arg6[%get3A_7] {strides = array<i32>} : memref<80xi32, #tpu.memory_space<vmem>>, vector<16xi32>,
      %get3A_9 = vector.shape_cast %get3A_8 : vector<16xi32> to vector<16xi32>
      %get3A_10 = arith.constant 32 : index
      %get3A_11 = tpu.vector_load %arg6[%get3A_10] {strides = array<i32>} : memref<80xi32, #tpu.memory_space<vmem>>, vector<16xi32>,
      %get3A_12 = vector.shape_cast %get3A_11 : vector<16xi32> to vector<16xi32>
      %get3A_13 = arith.constant 48 : index
      %get3A_14 = tpu.vector_load %arg6[%get3A_13] {strides = array<i32>} : memref<80xi32, #tpu.memory_space<vmem>>, vector<16xi32>,
      %get3A_15 = vector.shape_cast %get3A_14 : vector<16xi32> to vector<16xi32>
      %get3A_16 = arith.constant 64 : index
      %get3A_17 = tpu.vector_load %arg6[%get3A_16] {strides = array<i32>} : memref<80xi32, #tpu.memory_space<vmem>>, vector<16xi32>,
      %get3A_18 = vector.shape_cast %get3A_17 : vector<16xi32> to vector<16xi32>
      %broadcast_in_dim3A = arith.constant -1 : i32
      %broadcast_in_dim3A_19 = vector.broadcast %broadcast_in_dim3A : i32 to vector<16xi32>
      %broadcast_in_dim3A_20 = arith.constant 0 : i32
      %broadcast_in_dim3A_21 = vector.broadcast %broadcast_in_dim3A_20 : i32 to vector<16xi32>
      %broadcast_in_dim3A_22 = arith.constant 1 : i32
      %broadcast_in_dim3A_23 = vector.broadcast %broadcast_in_dim3A_22 : i32 to vector<16xi32>
      %broadcast_in_dim3A_24 = arith.constant 0 : i32
      %broadcast_in_dim3A_25 = vector.broadcast %broadcast_in_dim3A_24 : i32 to vector<16xi32>
      %broadcast_in_dim3A_26 = arith.constant 0 : i32
      %broadcast_in_dim3A_27 = vector.broadcast %broadcast_in_dim3A_26 : i32 to vector<16xi32>
      %eq3A_28 = arith.cmpi eq, %get3A_6, %broadcast_in_dim3A_27 : vector<16xi32>
      %select_n3A = arith.select %eq3A_28, %broadcast_in_dim3A_23, %broadcast_in_dim3A_25 : vector<16xi1>, vector<16xi32>
      %add3A_29 = arith.addi %broadcast_in_dim3A_25, %select_n3A : vector<16xi32>
      %eq3A_30 = arith.cmpi eq, %get3A_9, %broadcast_in_dim3A_27 : vector<16xi32>
      %select_n3A_31 = arith.select %eq3A_30, %broadcast_in_dim3A_23, %broadcast_in_dim3A_25 : vector<16xi1>, vector<16xi32>
      %add3A_32 = arith.addi %add3A_29, %select_n3A_31 : vector<16xi32>
      %eq3A_33 = arith.cmpi eq, %get3A_12, %broadcast_in_dim3A_27 : vector<16xi32>
      %select_n3A_34 = arith.select %eq3A_33, %broadcast_in_dim3A_23, %broadcast_in_dim3A_25 : vector<16xi1>, vector<16xi32>
      %add3A_35 = arith.addi %add3A_32, %select_n3A_34 : vector<16xi32>
      %eq3A_36 = arith.cmpi eq, %get3A_15, %broadcast_in_dim3A_27 : vector<16xi32>
      %select_n3A_37 = arith.select %eq3A_36, %broadcast_in_dim3A_23, %broadcast_in_dim3A_25 : vector<16xi1>, vector<16xi32>
      %add3A_38 = arith.addi %add3A_35, %select_n3A_37 : vector<16xi32>
      %eq3A_39 = arith.cmpi eq, %get3A_18, %broadcast_in_dim3A_27 : vector<16xi32>
      %select_n3A_40 = arith.select %eq3A_39, %broadcast_in_dim3A_23, %broadcast_in_dim3A_25 : vector<16xi1>, vector<16xi32>
      %add3A_41 = arith.addi %add3A_38, %select_n3A_40 : vector<16xi32>
      %gt3A = arith.cmpi sgt, %add3A_41, %broadcast_in_dim3A_19 : vector<16xi32>
      %select_n3A_42 = arith.select %gt3A, %add3A_41, %broadcast_in_dim3A_19 : vector<16xi1>, vector<16xi32>
      %select_n3A_43 = arith.select %gt3A, %broadcast_in_dim3A_27, %broadcast_in_dim3A_21 : vector<16xi1>, vector<16xi32>
      %broadcast_in_dim3A_44 = arith.constant 1 : i32
      %broadcast_in_dim3A_45 = vector.broadcast %broadcast_in_dim3A_44 : i32 to vector<16xi32>
      %eq3A_46 = arith.cmpi eq, %get3A_6, %broadcast_in_dim3A_45 : vector<16xi32>
      %select_n3A_47 = arith.select %eq3A_46, %broadcast_in_dim3A_23, %broadcast_in_dim3A_25 : vector<16xi1>, vector<16xi32>
      %add3A_48 = arith.addi %broadcast_in_dim3A_25, %select_n3A_47 : vector<16xi32>
      %eq3A_49 = arith.cmpi eq, %get3A_9, %broadcast_in_dim3A_45 : vector<16xi32>
      %select_n3A_50 = arith.select %eq3A_49, %broadcast_in_dim3A_23, %broadcast_in_dim3A_25 : vector<16xi1>, vector<16xi32>
      %add3A_51 = arith.addi %add3A_48, %select_n3A_50 : vector<16xi32>
      %eq3A_52 = arith.cmpi eq, %get3A_12, %broadcast_in_dim3A_45 : vector<16xi32>
      %select_n3A_53 = arith.select %eq3A_52, %broadcast_in_dim3A_23, %broadcast_in_dim3A_25 : vector<16xi1>, vector<16xi32>
      %add3A_54 = arith.addi %add3A_51, %select_n3A_53 : vector<16xi32>
      %eq3A_55 = arith.cmpi eq, %get3A_15, %broadcast_in_dim3A_45 : vector<16xi32>
      %select_n3A_56 = arith.select %eq3A_55, %broadcast_in_dim3A_23, %broadcast_in_dim3A_25 : vector<16xi1>, vector<16xi32>
      %add3A_57 = arith.addi %add3A_54, %select_n3A_56 : vector<16xi32>
      %eq3A_58 = arith.cmpi eq, %get3A_18, %broadcast_in_dim3A_45 : vector<16xi32>
      %select_n3A_59 = arith.select %eq3A_58, %broadcast_in_dim3A_23, %broadcast_in_dim3A_25 : vector<16xi1>, vector<16xi32>
      %add3A_60 = arith.addi %add3A_57, %select_n3A_59 : vector<16xi32>
      %gt3A_61 = arith.cmpi sgt, %add3A_60, %select_n3A_42 : vector<16xi32>
      %select_n3A_62 = arith.select %gt3A_61, %add3A_60, %select_n3A_42 : vector<16xi1>, vector<16xi32>
      %select_n3A_63 = arith.select %gt3A_61, %broadcast_in_dim3A_45, %select_n3A_43 : vector<16xi1>, vector<16xi32>
      %broadcast_in_dim3A_64 = arith.constant 2 : i32
      %broadcast_in_dim3A_65 = vector.broadcast %broadcast_in_dim3A_64 : i32 to vector<16xi32>
      %eq3A_66 = arith.cmpi eq, %get3A_6, %broadcast_in_dim3A_65 : vector<16xi32>
      %select_n3A_67 = arith.select %eq3A_66, %broadcast_in_dim3A_23, %broadcast_in_dim3A_25 : vector<16xi1>, vector<16xi32>
      %add3A_68 = arith.addi %broadcast_in_dim3A_25, %select_n3A_67 : vector<16xi32>
      %eq3A_69 = arith.cmpi eq, %get3A_9, %broadcast_in_dim3A_65 : vector<16xi32>
      %select_n3A_70 = arith.select %eq3A_69, %broadcast_in_dim3A_23, %broadcast_in_dim3A_25 : vector<16xi1>, vector<16xi32>
      %add3A_71 = arith.addi %add3A_68, %select_n3A_70 : vector<16xi32>
      %eq3A_72 = arith.cmpi eq, %get3A_12, %broadcast_in_dim3A_65 : vector<16xi32>
      %select_n3A_73 = arith.select %eq3A_72, %broadcast_in_dim3A_23, %broadcast_in_dim3A_25 : vector<16xi1>, vector<16xi32>
      %add3A_74 = arith.addi %add3A_71, %select_n3A_73 : vector<16xi32>
      %eq3A_75 = arith.cmpi eq, %get3A_15, %broadcast_in_dim3A_65 : vector<16xi32>
      %select_n3A_76 = arith.select %eq3A_75, %broadcast_in_dim3A_23, %broadcast_in_dim3A_25 : vector<16xi1>, vector<16xi32>
      %add3A_77 = arith.addi %add3A_74, %select_n3A_76 : vector<16xi32>
      %eq3A_78 = arith.cmpi eq, %get3A_18, %broadcast_in_dim3A_65 : vector<16xi32>
      %select_n3A_79 = arith.select %eq3A_78, %broadcast_in_dim3A_23, %broadcast_in_dim3A_25 : vector<16xi1>, vector<16xi32>
      %add3A_80 = arith.addi %add3A_77, %select_n3A_79 : vector<16xi32>
      %gt3A_81 = arith.cmpi sgt, %add3A_80, %select_n3A_62 : vector<16xi32>
      %select_n3A_82 = arith.select %gt3A_81, %add3A_80, %select_n3A_62 : vector<16xi1>, vector<16xi32>
      %select_n3A_83 = arith.select %gt3A_81, %broadcast_in_dim3A_65, %select_n3A_63 : vector<16xi1>, vector<16xi32>
      %broadcast_in_dim3A_84 = arith.constant 3 : i32
      %broadcast_in_dim3A_85 = vector.broadcast %broadcast_in_dim3A_84 : i32 to vector<16xi32>
      %eq3A_86 = arith.cmpi eq, %get3A_6, %broadcast_in_dim3A_85 : vector<16xi32>
      %select_n3A_87 = arith.select %eq3A_86, %broadcast_in_dim3A_23, %broadcast_in_dim3A_25 : vector<16xi1>, vector<16xi32>
      %add3A_88 = arith.addi %broadcast_in_dim3A_25, %select_n3A_87 : vector<16xi32>
      %eq3A_89 = arith.cmpi eq, %get3A_9, %broadcast_in_dim3A_85 : vector<16xi32>
      %select_n3A_90 = arith.select %eq3A_89, %broadcast_in_dim3A_23, %broadcast_in_dim3A_25 : vector<16xi1>, vector<16xi32>
      %add3A_91 = arith.addi %add3A_88, %select_n3A_90 : vector<16xi32>
      %eq3A_92 = arith.cmpi eq, %get3A_12, %broadcast_in_dim3A_85 : vector<16xi32>
      %select_n3A_93 = arith.select %eq3A_92, %broadcast_in_dim3A_23, %broadcast_in_dim3A_25 : vector<16xi1>, vector<16xi32>
      %add3A_94 = arith.addi %add3A_91, %select_n3A_93 : vector<16xi32>
      %eq3A_95 = arith.cmpi eq, %get3A_15, %broadcast_in_dim3A_85 : vector<16xi32>
      %select_n3A_96 = arith.select %eq3A_95, %broadcast_in_dim3A_23, %broadcast_in_dim3A_25 : vector<16xi1>, vector<16xi32>
      %add3A_97 = arith.addi %add3A_94, %select_n3A_96 : vector<16xi32>
      %eq3A_98 = arith.cmpi eq, %get3A_18, %broadcast_in_dim3A_85 : vector<16xi32>
      %select_n3A_99 = arith.select %eq3A_98, %broadcast_in_dim3A_23, %broadcast_in_dim3A_25 : vector<16xi1>, vector<16xi32>
      %add3A_100 = arith.addi %add3A_97, %select_n3A_99 : vector<16xi32>
      %gt3A_101 = arith.cmpi sgt, %add3A_100, %select_n3A_82 : vector<16xi32>
      %select_n3A_102 = arith.select %gt3A_101, %add3A_100, %select_n3A_82 : vector<16xi1>, vector<16xi32>
      %select_n3A_103 = arith.select %gt3A_101, %broadcast_in_dim3A_85, %select_n3A_83 : vector<16xi1>, vector<16xi32>
      %broadcast_in_dim3A_104 = arith.constant 4 : i32
      %broadcast_in_dim3A_105 = vector.broadcast %broadcast_in_dim3A_104 : i32 to vector<16xi32>
      %eq3A_106 = arith.cmpi eq, %get3A_6, %broadcast_in_dim3A_105 : vector<16xi32>
      %select_n3A_107 = arith.select %eq3A_106, %broadcast_in_dim3A_23, %broadcast_in_dim3A_25 : vector<16xi1>, vector<16xi32>
      %add3A_108 = arith.addi %broadcast_in_dim3A_25, %select_n3A_107 : vector<16xi32>
      %eq3A_109 = arith.cmpi eq, %get3A_9, %broadcast_in_dim3A_105 : vector<16xi32>
      %select_n3A_110 = arith.select %eq3A_109, %broadcast_in_dim3A_23, %broadcast_in_dim3A_25 : vector<16xi1>, vector<16xi32>
      %add3A_111 = arith.addi %add3A_108, %select_n3A_110 : vector<16xi32>
      %eq3A_112 = arith.cmpi eq, %get3A_12, %broadcast_in_dim3A_105 : vector<16xi32>
      %select_n3A_113 = arith.select %eq3A_112, %broadcast_in_dim3A_23, %broadcast_in_dim3A_25 : vector<16xi1>, vector<16xi32>
      %add3A_114 = arith.addi %add3A_111, %select_n3A_113 : vector<16xi32>
      %eq3A_115 = arith.cmpi eq, %get3A_15, %broadcast_in_dim3A_105 : vector<16xi32>
      %select_n3A_116 = arith.select %eq3A_115, %broadcast_in_dim3A_23, %broadcast_in_dim3A_25 : vector<16xi1>, vector<16xi32>
      %add3A_117 = arith.addi %add3A_114, %select_n3A_116 : vector<16xi32>
      %eq3A_118 = arith.cmpi eq, %get3A_18, %broadcast_in_dim3A_105 : vector<16xi32>
      %select_n3A_119 = arith.select %eq3A_118, %broadcast_in_dim3A_23, %broadcast_in_dim3A_25 : vector<16xi1>, vector<16xi32>
      %add3A_120 = arith.addi %add3A_117, %select_n3A_119 : vector<16xi32>
      %gt3A_121 = arith.cmpi sgt, %add3A_120, %select_n3A_102 : vector<16xi32>
      %select_n3A_122 = arith.select %gt3A_121, %add3A_120, %select_n3A_102 : vector<16xi1>, vector<16xi32>
      %select_n3A_123 = arith.select %gt3A_121, %broadcast_in_dim3A_105, %select_n3A_103 : vector<16xi1>, vector<16xi32>
      %broadcast_in_dim3A_124 = arith.constant 5 : i32
      %broadcast_in_dim3A_125 = vector.broadcast %broadcast_in_dim3A_124 : i32 to vector<16xi32>
      %eq3A_126 = arith.cmpi eq, %get3A_6, %broadcast_in_dim3A_125 : vector<16xi32>
      %select_n3A_127 = arith.select %eq3A_126, %broadcast_in_dim3A_23, %broadcast_in_dim3A_25 : vector<16xi1>, vector<16xi32>
      %add3A_128 = arith.addi %broadcast_in_dim3A_25, %select_n3A_127 : vector<16xi32>
      %eq3A_129 = arith.cmpi eq, %get3A_9, %broadcast_in_dim3A_125 : vector<16xi32>
      %select_n3A_130 = arith.select %eq3A_129, %broadcast_in_dim3A_23, %broadcast_in_dim3A_25 : vector<16xi1>, vector<16xi32>
      %add3A_131 = arith.addi %add3A_128, %select_n3A_130 : vector<16xi32>
      %eq3A_132 = arith.cmpi eq, %get3A_12, %broadcast_in_dim3A_125 : vector<16xi32>
      %select_n3A_133 = arith.select %eq3A_132, %broadcast_in_dim3A_23, %broadcast_in_dim3A_25 : vector<16xi1>, vector<16xi32>
      %add3A_134 = arith.addi %add3A_131, %select_n3A_133 : vector<16xi32>
      %eq3A_135 = arith.cmpi eq, %get3A_15, %broadcast_in_dim3A_125 : vector<16xi32>
      %select_n3A_136 = arith.select %eq3A_135, %broadcast_in_dim3A_23, %broadcast_in_dim3A_25 : vector<16xi1>, vector<16xi32>
      %add3A_137 = arith.addi %add3A_134, %select_n3A_136 : vector<16xi32>
      %eq3A_138 = arith.cmpi eq, %get3A_18, %broadcast_in_dim3A_125 : vector<16xi32>
      %select_n3A_139 = arith.select %eq3A_138, %broadcast_in_dim3A_23, %broadcast_in_dim3A_25 : vector<16xi1>, vector<16xi32>
      %add3A_140 = arith.addi %add3A_137, %select_n3A_139 : vector<16xi32>
      %gt3A_141 = arith.cmpi sgt, %add3A_140, %select_n3A_122 : vector<16xi32>
      %select_n3A_142 = arith.select %gt3A_141, %add3A_140, %select_n3A_122 : vector<16xi1>, vector<16xi32>
      %select_n3A_143 = arith.select %gt3A_141, %broadcast_in_dim3A_125, %select_n3A_123 : vector<16xi1>, vector<16xi32>
      %broadcast_in_dim3A_144 = arith.constant 6 : i32
      %broadcast_in_dim3A_145 = vector.broadcast %broadcast_in_dim3A_144 : i32 to vector<16xi32>
      %eq3A_146 = arith.cmpi eq, %get3A_6, %broadcast_in_dim3A_145 : vector<16xi32>
      %select_n3A_147 = arith.select %eq3A_146, %broadcast_in_dim3A_23, %broadcast_in_dim3A_25 : vector<16xi1>, vector<16xi32>
      %add3A_148 = arith.addi %broadcast_in_dim3A_25, %select_n3A_147 : vector<16xi32>
      %eq3A_149 = arith.cmpi eq, %get3A_9, %broadcast_in_dim3A_145 : vector<16xi32>
      %select_n3A_150 = arith.select %eq3A_149, %broadcast_in_dim3A_23, %broadcast_in_dim3A_25 : vector<16xi1>, vector<16xi32>
      %add3A_151 = arith.addi %add3A_148, %select_n3A_150 : vector<16xi32>
      %eq3A_152 = arith.cmpi eq, %get3A_12, %broadcast_in_dim3A_145 : vector<16xi32>
      %select_n3A_153 = arith.select %eq3A_152, %broadcast_in_dim3A_23, %broadcast_in_dim3A_25 : vector<16xi1>, vector<16xi32>
      %add3A_154 = arith.addi %add3A_151, %select_n3A_153 : vector<16xi32>
      %eq3A_155 = arith.cmpi eq, %get3A_15, %broadcast_in_dim3A_145 : vector<16xi32>
      %select_n3A_156 = arith.select %eq3A_155, %broadcast_in_dim3A_23, %broadcast_in_dim3A_25 : vector<16xi1>, vector<16xi32>
      %add3A_157 = arith.addi %add3A_154, %select_n3A_156 : vector<16xi32>
      %eq3A_158 = arith.cmpi eq, %get3A_18, %broadcast_in_dim3A_145 : vector<16xi32>
      %select_n3A_159 = arith.select %eq3A_158, %broadcast_in_dim3A_23, %broadcast_in_dim3A_25 : vector<16xi1>, vector<16xi32>
      %add3A_160 = arith.addi %add3A_157, %select_n3A_159 : vector<16xi32>
      %gt3A_161 = arith.cmpi sgt, %add3A_160, %select_n3A_142 : vector<16xi32>
      %select_n3A_162 = arith.select %gt3A_161, %add3A_160, %select_n3A_142 : vector<16xi1>, vector<16xi32>
      %select_n3A_163 = arith.select %gt3A_161, %broadcast_in_dim3A_145, %select_n3A_143 : vector<16xi1>, vector<16xi32>
      %broadcast_in_dim3A_164 = arith.constant 7 : i32
      %broadcast_in_dim3A_165 = vector.broadcast %broadcast_in_dim3A_164 : i32 to vector<16xi32>
      %eq3A_166 = arith.cmpi eq, %get3A_6, %broadcast_in_dim3A_165 : vector<16xi32>
      %select_n3A_167 = arith.select %eq3A_166, %broadcast_in_dim3A_23, %broadcast_in_dim3A_25 : vector<16xi1>, vector<16xi32>
      %add3A_168 = arith.addi %broadcast_in_dim3A_25, %select_n3A_167 : vector<16xi32>
      %eq3A_169 = arith.cmpi eq, %get3A_9, %broadcast_in_dim3A_165 : vector<16xi32>
      %select_n3A_170 = arith.select %eq3A_169, %broadcast_in_dim3A_23, %broadcast_in_dim3A_25 : vector<16xi1>, vector<16xi32>
      %add3A_171 = arith.addi %add3A_168, %select_n3A_170 : vector<16xi32>
      %eq3A_172 = arith.cmpi eq, %get3A_12, %broadcast_in_dim3A_165 : vector<16xi32>
      %select_n3A_173 = arith.select %eq3A_172, %broadcast_in_dim3A_23, %broadcast_in_dim3A_25 : vector<16xi1>, vector<16xi32>
      %add3A_174 = arith.addi %add3A_171, %select_n3A_173 : vector<16xi32>
      %eq3A_175 = arith.cmpi eq, %get3A_15, %broadcast_in_dim3A_165 : vector<16xi32>
      %select_n3A_176 = arith.select %eq3A_175, %broadcast_in_dim3A_23, %broadcast_in_dim3A_25 : vector<16xi1>, vector<16xi32>
      %add3A_177 = arith.addi %add3A_174, %select_n3A_176 : vector<16xi32>
      %eq3A_178 = arith.cmpi eq, %get3A_18, %broadcast_in_dim3A_165 : vector<16xi32>
      %select_n3A_179 = arith.select %eq3A_178, %broadcast_in_dim3A_23, %broadcast_in_dim3A_25 : vector<16xi1>, vector<16xi32>
      %add3A_180 = arith.addi %add3A_177, %select_n3A_179 : vector<16xi32>
      %gt3A_181 = arith.cmpi sgt, %add3A_180, %select_n3A_162 : vector<16xi32>
      %select_n3A_182 = arith.select %gt3A_181, %add3A_180, %select_n3A_162 : vector<16xi1>, vector<16xi32>
      %select_n3A_183 = arith.select %gt3A_181, %broadcast_in_dim3A_165, %select_n3A_163 : vector<16xi1>, vector<16xi32>
      %broadcast_in_dim3A_184 = arith.constant 8 : i32
      %broadcast_in_dim3A_185 = vector.broadcast %broadcast_in_dim3A_184 : i32 to vector<16xi32>
      %eq3A_186 = arith.cmpi eq, %get3A_6, %broadcast_in_dim3A_185 : vector<16xi32>
      %select_n3A_187 = arith.select %eq3A_186, %broadcast_in_dim3A_23, %broadcast_in_dim3A_25 : vector<16xi1>, vector<16xi32>
      %add3A_188 = arith.addi %broadcast_in_dim3A_25, %select_n3A_187 : vector<16xi32>
      %eq3A_189 = arith.cmpi eq, %get3A_9, %broadcast_in_dim3A_185 : vector<16xi32>
      %select_n3A_190 = arith.select %eq3A_189, %broadcast_in_dim3A_23, %broadcast_in_dim3A_25 : vector<16xi1>, vector<16xi32>
      %add3A_191 = arith.addi %add3A_188, %select_n3A_190 : vector<16xi32>
      %eq3A_192 = arith.cmpi eq, %get3A_12, %broadcast_in_dim3A_185 : vector<16xi32>
      %select_n3A_193 = arith.select %eq3A_192, %broadcast_in_dim3A_23, %broadcast_in_dim3A_25 : vector<16xi1>, vector<16xi32>
      %add3A_194 = arith.addi %add3A_191, %select_n3A_193 : vector<16xi32>
      %eq3A_195 = arith.cmpi eq, %get3A_15, %broadcast_in_dim3A_185 : vector<16xi32>
      %select_n3A_196 = arith.select %eq3A_195, %broadcast_in_dim3A_23, %broadcast_in_dim3A_25 : vector<16xi1>, vector<16xi32>
      %add3A_197 = arith.addi %add3A_194, %select_n3A_196 : vector<16xi32>
      %eq3A_198 = arith.cmpi eq, %get3A_18, %broadcast_in_dim3A_185 : vector<16xi32>
      %select_n3A_199 = arith.select %eq3A_198, %broadcast_in_dim3A_23, %broadcast_in_dim3A_25 : vector<16xi1>, vector<16xi32>
      %add3A_200 = arith.addi %add3A_197, %select_n3A_199 : vector<16xi32>
      %gt3A_201 = arith.cmpi sgt, %add3A_200, %select_n3A_182 : vector<16xi32>
      %select_n3A_202 = arith.select %gt3A_201, %add3A_200, %select_n3A_182 : vector<16xi1>, vector<16xi32>
      %select_n3A_203 = arith.select %gt3A_201, %broadcast_in_dim3A_185, %select_n3A_183 : vector<16xi1>, vector<16xi32>
      %broadcast_in_dim3A_204 = arith.constant 9 : i32
      %broadcast_in_dim3A_205 = vector.broadcast %broadcast_in_dim3A_204 : i32 to vector<16xi32>
      %eq3A_206 = arith.cmpi eq, %get3A_6, %broadcast_in_dim3A_205 : vector<16xi32>
      %select_n3A_207 = arith.select %eq3A_206, %broadcast_in_dim3A_23, %broadcast_in_dim3A_25 : vector<16xi1>, vector<16xi32>
      %add3A_208 = arith.addi %broadcast_in_dim3A_25, %select_n3A_207 : vector<16xi32>
      %eq3A_209 = arith.cmpi eq, %get3A_9, %broadcast_in_dim3A_205 : vector<16xi32>
      %select_n3A_210 = arith.select %eq3A_209, %broadcast_in_dim3A_23, %broadcast_in_dim3A_25 : vector<16xi1>, vector<16xi32>
      %add3A_211 = arith.addi %add3A_208, %select_n3A_210 : vector<16xi32>
      %eq3A_212 = arith.cmpi eq, %get3A_12, %broadcast_in_dim3A_205 : vector<16xi32>
      %select_n3A_213 = arith.select %eq3A_212, %broadcast_in_dim3A_23, %broadcast_in_dim3A_25 : vector<16xi1>, vector<16xi32>
      %add3A_214 = arith.addi %add3A_211, %select_n3A_213 : vector<16xi32>
      %eq3A_215 = arith.cmpi eq, %get3A_15, %broadcast_in_dim3A_205 : vector<16xi32>
      %select_n3A_216 = arith.select %eq3A_215, %broadcast_in_dim3A_23, %broadcast_in_dim3A_25 : vector<16xi1>, vector<16xi32>
      %add3A_217 = arith.addi %add3A_214, %select_n3A_216 : vector<16xi32>
      %eq3A_218 = arith.cmpi eq, %get3A_18, %broadcast_in_dim3A_205 : vector<16xi32>
      %select_n3A_219 = arith.select %eq3A_218, %broadcast_in_dim3A_23, %broadcast_in_dim3A_25 : vector<16xi1>, vector<16xi32>
      %add3A_220 = arith.addi %add3A_217, %select_n3A_219 : vector<16xi32>
      %gt3A_221 = arith.cmpi sgt, %add3A_220, %select_n3A_202 : vector<16xi32>
      %select_n3A_222 = arith.select %gt3A_221, %add3A_220, %select_n3A_202 : vector<16xi1>, vector<16xi32>
      %select_n3A_223 = arith.select %gt3A_221, %broadcast_in_dim3A_205, %select_n3A_203 : vector<16xi1>, vector<16xi32>
      %broadcast_in_dim3A_224 = arith.constant 10 : i32
      %broadcast_in_dim3A_225 = vector.broadcast %broadcast_in_dim3A_224 : i32 to vector<16xi32>
      %eq3A_226 = arith.cmpi eq, %get3A_6, %broadcast_in_dim3A_225 : vector<16xi32>
      %select_n3A_227 = arith.select %eq3A_226, %broadcast_in_dim3A_23, %broadcast_in_dim3A_25 : vector<16xi1>, vector<16xi32>
      %add3A_228 = arith.addi %broadcast_in_dim3A_25, %select_n3A_227 : vector<16xi32>
      %eq3A_229 = arith.cmpi eq, %get3A_9, %broadcast_in_dim3A_225 : vector<16xi32>
      %select_n3A_230 = arith.select %eq3A_229, %broadcast_in_dim3A_23, %broadcast_in_dim3A_25 : vector<16xi1>, vector<16xi32>
      %add3A_231 = arith.addi %add3A_228, %select_n3A_230 : vector<16xi32>
      %eq3A_232 = arith.cmpi eq, %get3A_12, %broadcast_in_dim3A_225 : vector<16xi32>
      %select_n3A_233 = arith.select %eq3A_232, %broadcast_in_dim3A_23, %broadcast_in_dim3A_25 : vector<16xi1>, vector<16xi32>
      %add3A_234 = arith.addi %add3A_231, %select_n3A_233 : vector<16xi32>
      %eq3A_235 = arith.cmpi eq, %get3A_15, %broadcast_in_dim3A_225 : vector<16xi32>
      %select_n3A_236 = arith.select %eq3A_235, %broadcast_in_dim3A_23, %broadcast_in_dim3A_25 : vector<16xi1>, vector<16xi32>
      %add3A_237 = arith.addi %add3A_234, %select_n3A_236 : vector<16xi32>
      %eq3A_238 = arith.cmpi eq, %get3A_18, %broadcast_in_dim3A_225 : vector<16xi32>
      %select_n3A_239 = arith.select %eq3A_238, %broadcast_in_dim3A_23, %broadcast_in_dim3A_25 : vector<16xi1>, vector<16xi32>
      %add3A_240 = arith.addi %add3A_237, %select_n3A_239 : vector<16xi32>
      %gt3A_241 = arith.cmpi sgt, %add3A_240, %select_n3A_222 : vector<16xi32>
      %select_n3A_242 = arith.select %gt3A_241, %add3A_240, %select_n3A_222 : vector<16xi1>, vector<16xi32>
      %select_n3A_243 = arith.select %gt3A_241, %broadcast_in_dim3A_225, %select_n3A_223 : vector<16xi1>, vector<16xi32>
      %broadcast_in_dim3A_244 = arith.constant 11 : i32
      %broadcast_in_dim3A_245 = vector.broadcast %broadcast_in_dim3A_244 : i32 to vector<16xi32>
      %eq3A_246 = arith.cmpi eq, %get3A_6, %broadcast_in_dim3A_245 : vector<16xi32>
      %select_n3A_247 = arith.select %eq3A_246, %broadcast_in_dim3A_23, %broadcast_in_dim3A_25 : vector<16xi1>, vector<16xi32>
      %add3A_248 = arith.addi %broadcast_in_dim3A_25, %select_n3A_247 : vector<16xi32>
      %eq3A_249 = arith.cmpi eq, %get3A_9, %broadcast_in_dim3A_245 : vector<16xi32>
      %select_n3A_250 = arith.select %eq3A_249, %broadcast_in_dim3A_23, %broadcast_in_dim3A_25 : vector<16xi1>, vector<16xi32>
      %add3A_251 = arith.addi %add3A_248, %select_n3A_250 : vector<16xi32>
      %eq3A_252 = arith.cmpi eq, %get3A_12, %broadcast_in_dim3A_245 : vector<16xi32>
      %select_n3A_253 = arith.select %eq3A_252, %broadcast_in_dim3A_23, %broadcast_in_dim3A_25 : vector<16xi1>, vector<16xi32>
      %add3A_254 = arith.addi %add3A_251, %select_n3A_253 : vector<16xi32>
      %eq3A_255 = arith.cmpi eq, %get3A_15, %broadcast_in_dim3A_245 : vector<16xi32>
      %select_n3A_256 = arith.select %eq3A_255, %broadcast_in_dim3A_23, %broadcast_in_dim3A_25 : vector<16xi1>, vector<16xi32>
      %add3A_257 = arith.addi %add3A_254, %select_n3A_256 : vector<16xi32>
      %eq3A_258 = arith.cmpi eq, %get3A_18, %broadcast_in_dim3A_245 : vector<16xi32>
      %select_n3A_259 = arith.select %eq3A_258, %broadcast_in_dim3A_23, %broadcast_in_dim3A_25 : vector<16xi1>, vector<16xi32>
      %add3A_260 = arith.addi %add3A_257, %select_n3A_259 : vector<16xi32>
      %gt3A_261 = arith.cmpi sgt, %add3A_260, %select_n3A_242 : vector<16xi32>
      %select_n3A_262 = arith.select %gt3A_261, %add3A_260, %select_n3A_242 : vector<16xi1>, vector<16xi32>
      %select_n3A_263 = arith.select %gt3A_261, %broadcast_in_dim3A_245, %select_n3A_243 : vector<16xi1>, vector<16xi32>
      %broadcast_in_dim3A_264 = arith.constant 12 : i32
      %broadcast_in_dim3A_265 = vector.broadcast %broadcast_in_dim3A_264 : i32 to vector<16xi32>
      %eq3A_266 = arith.cmpi eq, %get3A_6, %broadcast_in_dim3A_265 : vector<16xi32>
      %select_n3A_267 = arith.select %eq3A_266, %broadcast_in_dim3A_23, %broadcast_in_dim3A_25 : vector<16xi1>, vector<16xi32>
      %add3A_268 = arith.addi %broadcast_in_dim3A_25, %select_n3A_267 : vector<16xi32>
      %eq3A_269 = arith.cmpi eq, %get3A_9, %broadcast_in_dim3A_265 : vector<16xi32>
      %select_n3A_270 = arith.select %eq3A_269, %broadcast_in_dim3A_23, %broadcast_in_dim3A_25 : vector<16xi1>, vector<16xi32>
      %add3A_271 = arith.addi %add3A_268, %select_n3A_270 : vector<16xi32>
      %eq3A_272 = arith.cmpi eq, %get3A_12, %broadcast_in_dim3A_265 : vector<16xi32>
      %select_n3A_273 = arith.select %eq3A_272, %broadcast_in_dim3A_23, %broadcast_in_dim3A_25 : vector<16xi1>, vector<16xi32>
      %add3A_274 = arith.addi %add3A_271, %select_n3A_273 : vector<16xi32>
      %eq3A_275 = arith.cmpi eq, %get3A_15, %broadcast_in_dim3A_265 : vector<16xi32>
      %select_n3A_276 = arith.select %eq3A_275, %broadcast_in_dim3A_23, %broadcast_in_dim3A_25 : vector<16xi1>, vector<16xi32>
      %add3A_277 = arith.addi %add3A_274, %select_n3A_276 : vector<16xi32>
      %eq3A_278 = arith.cmpi eq, %get3A_18, %broadcast_in_dim3A_265 : vector<16xi32>
      %select_n3A_279 = arith.select %eq3A_278, %broadcast_in_dim3A_23, %broadcast_in_dim3A_25 : vector<16xi1>, vector<16xi32>
      %add3A_280 = arith.addi %add3A_277, %select_n3A_279 : vector<16xi32>
      %gt3A_281 = arith.cmpi sgt, %add3A_280, %select_n3A_262 : vector<16xi32>
      %select_n3A_282 = arith.select %gt3A_281, %add3A_280, %select_n3A_262 : vector<16xi1>, vector<16xi32>
      %select_n3A_283 = arith.select %gt3A_281, %broadcast_in_dim3A_265, %select_n3A_263 : vector<16xi1>, vector<16xi32>
      %broadcast_in_dim3A_284 = arith.constant 13 : i32
      %broadcast_in_dim3A_285 = vector.broadcast %broadcast_in_dim3A_284 : i32 to vector<16xi32>
      %eq3A_286 = arith.cmpi eq, %get3A_6, %broadcast_in_dim3A_285 : vector<16xi32>
      %select_n3A_287 = arith.select %eq3A_286, %broadcast_in_dim3A_23, %broadcast_in_dim3A_25 : vector<16xi1>, vector<16xi32>
      %add3A_288 = arith.addi %broadcast_in_dim3A_25, %select_n3A_287 : vector<16xi32>
      %eq3A_289 = arith.cmpi eq, %get3A_9, %broadcast_in_dim3A_285 : vector<16xi32>
      %select_n3A_290 = arith.select %eq3A_289, %broadcast_in_dim3A_23, %broadcast_in_dim3A_25 : vector<16xi1>, vector<16xi32>
      %add3A_291 = arith.addi %add3A_288, %select_n3A_290 : vector<16xi32>
      %eq3A_292 = arith.cmpi eq, %get3A_12, %broadcast_in_dim3A_285 : vector<16xi32>
      %select_n3A_293 = arith.select %eq3A_292, %broadcast_in_dim3A_23, %broadcast_in_dim3A_25 : vector<16xi1>, vector<16xi32>
      %add3A_294 = arith.addi %add3A_291, %select_n3A_293 : vector<16xi32>
      %eq3A_295 = arith.cmpi eq, %get3A_15, %broadcast_in_dim3A_285 : vector<16xi32>
      %select_n3A_296 = arith.select %eq3A_295, %broadcast_in_dim3A_23, %broadcast_in_dim3A_25 : vector<16xi1>, vector<16xi32>
      %add3A_297 = arith.addi %add3A_294, %select_n3A_296 : vector<16xi32>
      %eq3A_298 = arith.cmpi eq, %get3A_18, %broadcast_in_dim3A_285 : vector<16xi32>
      %select_n3A_299 = arith.select %eq3A_298, %broadcast_in_dim3A_23, %broadcast_in_dim3A_25 : vector<16xi1>, vector<16xi32>
      %add3A_300 = arith.addi %add3A_297, %select_n3A_299 : vector<16xi32>
      %gt3A_301 = arith.cmpi sgt, %add3A_300, %select_n3A_282 : vector<16xi32>
      %select_n3A_302 = arith.select %gt3A_301, %add3A_300, %select_n3A_282 : vector<16xi1>, vector<16xi32>
      %select_n3A_303 = arith.select %gt3A_301, %broadcast_in_dim3A_285, %select_n3A_283 : vector<16xi1>, vector<16xi32>
      %broadcast_in_dim3A_304 = arith.constant 14 : i32
      %broadcast_in_dim3A_305 = vector.broadcast %broadcast_in_dim3A_304 : i32 to vector<16xi32>
      %eq3A_306 = arith.cmpi eq, %get3A_6, %broadcast_in_dim3A_305 : vector<16xi32>
      %select_n3A_307 = arith.select %eq3A_306, %broadcast_in_dim3A_23, %broadcast_in_dim3A_25 : vector<16xi1>, vector<16xi32>
      %add3A_308 = arith.addi %broadcast_in_dim3A_25, %select_n3A_307 : vector<16xi32>
      %eq3A_309 = arith.cmpi eq, %get3A_9, %broadcast_in_dim3A_305 : vector<16xi32>
      %select_n3A_310 = arith.select %eq3A_309, %broadcast_in_dim3A_23, %broadcast_in_dim3A_25 : vector<16xi1>, vector<16xi32>
      %add3A_311 = arith.addi %add3A_308, %select_n3A_310 : vector<16xi32>
      %eq3A_312 = arith.cmpi eq, %get3A_12, %broadcast_in_dim3A_305 : vector<16xi32>
      %select_n3A_313 = arith.select %eq3A_312, %broadcast_in_dim3A_23, %broadcast_in_dim3A_25 : vector<16xi1>, vector<16xi32>
      %add3A_314 = arith.addi %add3A_311, %select_n3A_313 : vector<16xi32>
      %eq3A_315 = arith.cmpi eq, %get3A_15, %broadcast_in_dim3A_305 : vector<16xi32>
      %select_n3A_316 = arith.select %eq3A_315, %broadcast_in_dim3A_23, %broadcast_in_dim3A_25 : vector<16xi1>, vector<16xi32>
      %add3A_317 = arith.addi %add3A_314, %select_n3A_316 : vector<16xi32>
      %eq3A_318 = arith.cmpi eq, %get3A_18, %broadcast_in_dim3A_305 : vector<16xi32>
      %select_n3A_319 = arith.select %eq3A_318, %broadcast_in_dim3A_23, %broadcast_in_dim3A_25 : vector<16xi1>, vector<16xi32>
      %add3A_320 = arith.addi %add3A_317, %select_n3A_319 : vector<16xi32>
      %gt3A_321 = arith.cmpi sgt, %add3A_320, %select_n3A_302 : vector<16xi32>
      %select_n3A_322 = arith.select %gt3A_321, %add3A_320, %select_n3A_302 : vector<16xi1>, vector<16xi32>
      %select_n3A_323 = arith.select %gt3A_321, %broadcast_in_dim3A_305, %select_n3A_303 : vector<16xi1>, vector<16xi32>
      %broadcast_in_dim3A_324 = arith.constant 15 : i32
      %broadcast_in_dim3A_325 = vector.broadcast %broadcast_in_dim3A_324 : i32 to vector<16xi32>
      %eq3A_326 = arith.cmpi eq, %get3A_6, %broadcast_in_dim3A_325 : vector<16xi32>
      %select_n3A_327 = arith.select %eq3A_326, %broadcast_in_dim3A_23, %broadcast_in_dim3A_25 : vector<16xi1>, vector<16xi32>
      %add3A_328 = arith.addi %broadcast_in_dim3A_25, %select_n3A_327 : vector<16xi32>
      %eq3A_329 = arith.cmpi eq, %get3A_9, %broadcast_in_dim3A_325 : vector<16xi32>
      %select_n3A_330 = arith.select %eq3A_329, %broadcast_in_dim3A_23, %broadcast_in_dim3A_25 : vector<16xi1>, vector<16xi32>
      %add3A_331 = arith.addi %add3A_328, %select_n3A_330 : vector<16xi32>
      %eq3A_332 = arith.cmpi eq, %get3A_12, %broadcast_in_dim3A_325 : vector<16xi32>
      %select_n3A_333 = arith.select %eq3A_332, %broadcast_in_dim3A_23, %broadcast_in_dim3A_25 : vector<16xi1>, vector<16xi32>
      %add3A_334 = arith.addi %add3A_331, %select_n3A_333 : vector<16xi32>
      %eq3A_335 = arith.cmpi eq, %get3A_15, %broadcast_in_dim3A_325 : vector<16xi32>
      %select_n3A_336 = arith.select %eq3A_335, %broadcast_in_dim3A_23, %broadcast_in_dim3A_25 : vector<16xi1>, vector<16xi32>
      %add3A_337 = arith.addi %add3A_334, %select_n3A_336 : vector<16xi32>
      %eq3A_338 = arith.cmpi eq, %get3A_18, %broadcast_in_dim3A_325 : vector<16xi32>
      %select_n3A_339 = arith.select %eq3A_338, %broadcast_in_dim3A_23, %broadcast_in_dim3A_25 : vector<16xi1>, vector<16xi32>
      %add3A_340 = arith.addi %add3A_337, %select_n3A_339 : vector<16xi32>
      %gt3A_341 = arith.cmpi sgt, %add3A_340, %select_n3A_322 : vector<16xi32>
      %select_n3A_342 = arith.select %gt3A_341, %add3A_340, %select_n3A_322 : vector<16xi1>, vector<16xi32>
      %select_n3A_343 = arith.select %gt3A_341, %broadcast_in_dim3A_325, %select_n3A_323 : vector<16xi1>, vector<16xi32>
      %broadcast_in_dim3A_344 = arith.constant 16 : i32
      %broadcast_in_dim3A_345 = vector.broadcast %broadcast_in_dim3A_344 : i32 to vector<16xi32>
      %eq3A_346 = arith.cmpi eq, %get3A_6, %broadcast_in_dim3A_345 : vector<16xi32>
      %select_n3A_347 = arith.select %eq3A_346, %broadcast_in_dim3A_23, %broadcast_in_dim3A_25 : vector<16xi1>, vector<16xi32>
      %add3A_348 = arith.addi %broadcast_in_dim3A_25, %select_n3A_347 : vector<16xi32>
      %eq3A_349 = arith.cmpi eq, %get3A_9, %broadcast_in_dim3A_345 : vector<16xi32>
      %select_n3A_350 = arith.select %eq3A_349, %broadcast_in_dim3A_23, %broadcast_in_dim3A_25 : vector<16xi1>, vector<16xi32>
      %add3A_351 = arith.addi %add3A_348, %select_n3A_350 : vector<16xi32>
      %eq3A_352 = arith.cmpi eq, %get3A_12, %broadcast_in_dim3A_345 : vector<16xi32>
      %select_n3A_353 = arith.select %eq3A_352, %broadcast_in_dim3A_23, %broadcast_in_dim3A_25 : vector<16xi1>, vector<16xi32>
      %add3A_354 = arith.addi %add3A_351, %select_n3A_353 : vector<16xi32>
      %eq3A_355 = arith.cmpi eq, %get3A_15, %broadcast_in_dim3A_345 : vector<16xi32>
      %select_n3A_356 = arith.select %eq3A_355, %broadcast_in_dim3A_23, %broadcast_in_dim3A_25 : vector<16xi1>, vector<16xi32>
      %add3A_357 = arith.addi %add3A_354, %select_n3A_356 : vector<16xi32>
      %eq3A_358 = arith.cmpi eq, %get3A_18, %broadcast_in_dim3A_345 : vector<16xi32>
      %select_n3A_359 = arith.select %eq3A_358, %broadcast_in_dim3A_23, %broadcast_in_dim3A_25 : vector<16xi1>, vector<16xi32>
      %add3A_360 = arith.addi %add3A_357, %select_n3A_359 : vector<16xi32>
      %gt3A_361 = arith.cmpi sgt, %add3A_360, %select_n3A_342 : vector<16xi32>
      %select_n3A_362 = arith.select %gt3A_361, %add3A_360, %select_n3A_342 : vector<16xi1>, vector<16xi32>
      %select_n3A_363 = arith.select %gt3A_361, %broadcast_in_dim3A_345, %select_n3A_343 : vector<16xi1>, vector<16xi32>
      %broadcast_in_dim3A_364 = arith.constant 17 : i32
      %broadcast_in_dim3A_365 = vector.broadcast %broadcast_in_dim3A_364 : i32 to vector<16xi32>
      %eq3A_366 = arith.cmpi eq, %get3A_6, %broadcast_in_dim3A_365 : vector<16xi32>
      %select_n3A_367 = arith.select %eq3A_366, %broadcast_in_dim3A_23, %broadcast_in_dim3A_25 : vector<16xi1>, vector<16xi32>
      %add3A_368 = arith.addi %broadcast_in_dim3A_25, %select_n3A_367 : vector<16xi32>
      %eq3A_369 = arith.cmpi eq, %get3A_9, %broadcast_in_dim3A_365 : vector<16xi32>
      %select_n3A_370 = arith.select %eq3A_369, %broadcast_in_dim3A_23, %broadcast_in_dim3A_25 : vector<16xi1>, vector<16xi32>
      %add3A_371 = arith.addi %add3A_368, %select_n3A_370 : vector<16xi32>
      %eq3A_372 = arith.cmpi eq, %get3A_12, %broadcast_in_dim3A_365 : vector<16xi32>
      %select_n3A_373 = arith.select %eq3A_372, %broadcast_in_dim3A_23, %broadcast_in_dim3A_25 : vector<16xi1>, vector<16xi32>
      %add3A_374 = arith.addi %add3A_371, %select_n3A_373 : vector<16xi32>
      %eq3A_375 = arith.cmpi eq, %get3A_15, %broadcast_in_dim3A_365 : vector<16xi32>
      %select_n3A_376 = arith.select %eq3A_375, %broadcast_in_dim3A_23, %broadcast_in_dim3A_25 : vector<16xi1>, vector<16xi32>
      %add3A_377 = arith.addi %add3A_374, %select_n3A_376 : vector<16xi32>
      %eq3A_378 = arith.cmpi eq, %get3A_18, %broadcast_in_dim3A_365 : vector<16xi32>
      %select_n3A_379 = arith.select %eq3A_378, %broadcast_in_dim3A_23, %broadcast_in_dim3A_25 : vector<16xi1>, vector<16xi32>
      %add3A_380 = arith.addi %add3A_377, %select_n3A_379 : vector<16xi32>
      %gt3A_381 = arith.cmpi sgt, %add3A_380, %select_n3A_362 : vector<16xi32>
      %select_n3A_382 = arith.select %gt3A_381, %add3A_380, %select_n3A_362 : vector<16xi1>, vector<16xi32>
      %select_n3A_383 = arith.select %gt3A_381, %broadcast_in_dim3A_365, %select_n3A_363 : vector<16xi1>, vector<16xi32>
      %broadcast_in_dim3A_384 = arith.constant 18 : i32
      %broadcast_in_dim3A_385 = vector.broadcast %broadcast_in_dim3A_384 : i32 to vector<16xi32>
      %eq3A_386 = arith.cmpi eq, %get3A_6, %broadcast_in_dim3A_385 : vector<16xi32>
      %select_n3A_387 = arith.select %eq3A_386, %broadcast_in_dim3A_23, %broadcast_in_dim3A_25 : vector<16xi1>, vector<16xi32>
      %add3A_388 = arith.addi %broadcast_in_dim3A_25, %select_n3A_387 : vector<16xi32>
      %eq3A_389 = arith.cmpi eq, %get3A_9, %broadcast_in_dim3A_385 : vector<16xi32>
      %select_n3A_390 = arith.select %eq3A_389, %broadcast_in_dim3A_23, %broadcast_in_dim3A_25 : vector<16xi1>, vector<16xi32>
      %add3A_391 = arith.addi %add3A_388, %select_n3A_390 : vector<16xi32>
      %eq3A_392 = arith.cmpi eq, %get3A_12, %broadcast_in_dim3A_385 : vector<16xi32>
      %select_n3A_393 = arith.select %eq3A_392, %broadcast_in_dim3A_23, %broadcast_in_dim3A_25 : vector<16xi1>, vector<16xi32>
      %add3A_394 = arith.addi %add3A_391, %select_n3A_393 : vector<16xi32>
      %eq3A_395 = arith.cmpi eq, %get3A_15, %broadcast_in_dim3A_385 : vector<16xi32>
      %select_n3A_396 = arith.select %eq3A_395, %broadcast_in_dim3A_23, %broadcast_in_dim3A_25 : vector<16xi1>, vector<16xi32>
      %add3A_397 = arith.addi %add3A_394, %select_n3A_396 : vector<16xi32>
      %eq3A_398 = arith.cmpi eq, %get3A_18, %broadcast_in_dim3A_385 : vector<16xi32>
      %select_n3A_399 = arith.select %eq3A_398, %broadcast_in_dim3A_23, %broadcast_in_dim3A_25 : vector<16xi1>, vector<16xi32>
      %add3A_400 = arith.addi %add3A_397, %select_n3A_399 : vector<16xi32>
      %gt3A_401 = arith.cmpi sgt, %add3A_400, %select_n3A_382 : vector<16xi32>
      %select_n3A_402 = arith.select %gt3A_401, %add3A_400, %select_n3A_382 : vector<16xi1>, vector<16xi32>
      %select_n3A_403 = arith.select %gt3A_401, %broadcast_in_dim3A_385, %select_n3A_383 : vector<16xi1>, vector<16xi32>
      %broadcast_in_dim3A_404 = arith.constant 19 : i32
      %broadcast_in_dim3A_405 = vector.broadcast %broadcast_in_dim3A_404 : i32 to vector<16xi32>
      %eq3A_406 = arith.cmpi eq, %get3A_6, %broadcast_in_dim3A_405 : vector<16xi32>
      %select_n3A_407 = arith.select %eq3A_406, %broadcast_in_dim3A_23, %broadcast_in_dim3A_25 : vector<16xi1>, vector<16xi32>
      %add3A_408 = arith.addi %broadcast_in_dim3A_25, %select_n3A_407 : vector<16xi32>
      %eq3A_409 = arith.cmpi eq, %get3A_9, %broadcast_in_dim3A_405 : vector<16xi32>
      %select_n3A_410 = arith.select %eq3A_409, %broadcast_in_dim3A_23, %broadcast_in_dim3A_25 : vector<16xi1>, vector<16xi32>
      %add3A_411 = arith.addi %add3A_408, %select_n3A_410 : vector<16xi32>
      %eq3A_412 = arith.cmpi eq, %get3A_12, %broadcast_in_dim3A_405 : vector<16xi32>
      %select_n3A_413 = arith.select %eq3A_412, %broadcast_in_dim3A_23, %broadcast_in_dim3A_25 : vector<16xi1>, vector<16xi32>
      %add3A_414 = arith.addi %add3A_411, %select_n3A_413 : vector<16xi32>
      %eq3A_415 = arith.cmpi eq, %get3A_15, %broadcast_in_dim3A_405 : vector<16xi32>
      %select_n3A_416 = arith.select %eq3A_415, %broadcast_in_dim3A_23, %broadcast_in_dim3A_25 : vector<16xi1>, vector<16xi32>
      %add3A_417 = arith.addi %add3A_414, %select_n3A_416 : vector<16xi32>
      %eq3A_418 = arith.cmpi eq, %get3A_18, %broadcast_in_dim3A_405 : vector<16xi32>
      %select_n3A_419 = arith.select %eq3A_418, %broadcast_in_dim3A_23, %broadcast_in_dim3A_25 : vector<16xi1>, vector<16xi32>
      %add3A_420 = arith.addi %add3A_417, %select_n3A_419 : vector<16xi32>
      %gt3A_421 = arith.cmpi sgt, %add3A_420, %select_n3A_402 : vector<16xi32>
      %select_n3A_422 = arith.select %gt3A_421, %add3A_420, %select_n3A_402 : vector<16xi1>, vector<16xi32>
      %select_n3A_423 = arith.select %gt3A_421, %broadcast_in_dim3A_405, %select_n3A_403 : vector<16xi1>, vector<16xi32>
      %broadcast_in_dim3A_424 = arith.constant 20 : i32
      %broadcast_in_dim3A_425 = vector.broadcast %broadcast_in_dim3A_424 : i32 to vector<16xi32>
      %eq3A_426 = arith.cmpi eq, %get3A_6, %broadcast_in_dim3A_425 : vector<16xi32>
      %select_n3A_427 = arith.select %eq3A_426, %broadcast_in_dim3A_23, %broadcast_in_dim3A_25 : vector<16xi1>, vector<16xi32>
      %add3A_428 = arith.addi %broadcast_in_dim3A_25, %select_n3A_427 : vector<16xi32>
      %eq3A_429 = arith.cmpi eq, %get3A_9, %broadcast_in_dim3A_425 : vector<16xi32>
      %select_n3A_430 = arith.select %eq3A_429, %broadcast_in_dim3A_23, %broadcast_in_dim3A_25 : vector<16xi1>, vector<16xi32>
      %add3A_431 = arith.addi %add3A_428, %select_n3A_430 : vector<16xi32>
      %eq3A_432 = arith.cmpi eq, %get3A_12, %broadcast_in_dim3A_425 : vector<16xi32>
      %select_n3A_433 = arith.select %eq3A_432, %broadcast_in_dim3A_23, %broadcast_in_dim3A_25 : vector<16xi1>, vector<16xi32>
      %add3A_434 = arith.addi %add3A_431, %select_n3A_433 : vector<16xi32>
      %eq3A_435 = arith.cmpi eq, %get3A_15, %broadcast_in_dim3A_425 : vector<16xi32>
      %select_n3A_436 = arith.select %eq3A_435, %broadcast_in_dim3A_23, %broadcast_in_dim3A_25 : vector<16xi1>, vector<16xi32>
      %add3A_437 = arith.addi %add3A_434, %select_n3A_436 : vector<16xi32>
      %eq3A_438 = arith.cmpi eq, %get3A_18, %broadcast_in_dim3A_425 : vector<16xi32>
      %select_n3A_439 = arith.select %eq3A_438, %broadcast_in_dim3A_23, %broadcast_in_dim3A_25 : vector<16xi1>, vector<16xi32>
      %add3A_440 = arith.addi %add3A_437, %select_n3A_439 : vector<16xi32>
      %gt3A_441 = arith.cmpi sgt, %add3A_440, %select_n3A_422 : vector<16xi32>
      %select_n3A_442 = arith.select %gt3A_441, %add3A_440, %select_n3A_422 : vector<16xi1>, vector<16xi32>
      %select_n3A_443 = arith.select %gt3A_441, %broadcast_in_dim3A_425, %select_n3A_423 : vector<16xi1>, vector<16xi32>
      %broadcast_in_dim3A_444 = arith.constant 21 : i32
      %broadcast_in_dim3A_445 = vector.broadcast %broadcast_in_dim3A_444 : i32 to vector<16xi32>
      %eq3A_446 = arith.cmpi eq, %get3A_6, %broadcast_in_dim3A_445 : vector<16xi32>
      %select_n3A_447 = arith.select %eq3A_446, %broadcast_in_dim3A_23, %broadcast_in_dim3A_25 : vector<16xi1>, vector<16xi32>
      %add3A_448 = arith.addi %broadcast_in_dim3A_25, %select_n3A_447 : vector<16xi32>
      %eq3A_449 = arith.cmpi eq, %get3A_9, %broadcast_in_dim3A_445 : vector<16xi32>
      %select_n3A_450 = arith.select %eq3A_449, %broadcast_in_dim3A_23, %broadcast_in_dim3A_25 : vector<16xi1>, vector<16xi32>
      %add3A_451 = arith.addi %add3A_448, %select_n3A_450 : vector<16xi32>
      %eq3A_452 = arith.cmpi eq, %get3A_12, %broadcast_in_dim3A_445 : vector<16xi32>
      %select_n3A_453 = arith.select %eq3A_452, %broadcast_in_dim3A_23, %broadcast_in_dim3A_25 : vector<16xi1>, vector<16xi32>
      %add3A_454 = arith.addi %add3A_451, %select_n3A_453 : vector<16xi32>
      %eq3A_455 = arith.cmpi eq, %get3A_15, %broadcast_in_dim3A_445 : vector<16xi32>
      %select_n3A_456 = arith.select %eq3A_455, %broadcast_in_dim3A_23, %broadcast_in_dim3A_25 : vector<16xi1>, vector<16xi32>
      %add3A_457 = arith.addi %add3A_454, %select_n3A_456 : vector<16xi32>
      %eq3A_458 = arith.cmpi eq, %get3A_18, %broadcast_in_dim3A_445 : vector<16xi32>
      %select_n3A_459 = arith.select %eq3A_458, %broadcast_in_dim3A_23, %broadcast_in_dim3A_25 : vector<16xi1>, vector<16xi32>
      %add3A_460 = arith.addi %add3A_457, %select_n3A_459 : vector<16xi32>
      %gt3A_461 = arith.cmpi sgt, %add3A_460, %select_n3A_442 : vector<16xi32>
      %select_n3A_462 = arith.select %gt3A_461, %add3A_460, %select_n3A_442 : vector<16xi1>, vector<16xi32>
      %select_n3A_463 = arith.select %gt3A_461, %broadcast_in_dim3A_445, %select_n3A_443 : vector<16xi1>, vector<16xi32>
      %broadcast_in_dim3A_464 = arith.constant 22 : i32
      %broadcast_in_dim3A_465 = vector.broadcast %broadcast_in_dim3A_464 : i32 to vector<16xi32>
      %eq3A_466 = arith.cmpi eq, %get3A_6, %broadcast_in_dim3A_465 : vector<16xi32>
      %select_n3A_467 = arith.select %eq3A_466, %broadcast_in_dim3A_23, %broadcast_in_dim3A_25 : vector<16xi1>, vector<16xi32>
      %add3A_468 = arith.addi %broadcast_in_dim3A_25, %select_n3A_467 : vector<16xi32>
      %eq3A_469 = arith.cmpi eq, %get3A_9, %broadcast_in_dim3A_465 : vector<16xi32>
      %select_n3A_470 = arith.select %eq3A_469, %broadcast_in_dim3A_23, %broadcast_in_dim3A_25 : vector<16xi1>, vector<16xi32>
      %add3A_471 = arith.addi %add3A_468, %select_n3A_470 : vector<16xi32>
      %eq3A_472 = arith.cmpi eq, %get3A_12, %broadcast_in_dim3A_465 : vector<16xi32>
      %select_n3A_473 = arith.select %eq3A_472, %broadcast_in_dim3A_23, %broadcast_in_dim3A_25 : vector<16xi1>, vector<16xi32>
      %add3A_474 = arith.addi %add3A_471, %select_n3A_473 : vector<16xi32>
      %eq3A_475 = arith.cmpi eq, %get3A_15, %broadcast_in_dim3A_465 : vector<16xi32>
      %select_n3A_476 = arith.select %eq3A_475, %broadcast_in_dim3A_23, %broadcast_in_dim3A_25 : vector<16xi1>, vector<16xi32>
      %add3A_477 = arith.addi %add3A_474, %select_n3A_476 : vector<16xi32>
      %eq3A_478 = arith.cmpi eq, %get3A_18, %broadcast_in_dim3A_465 : vector<16xi32>
      %select_n3A_479 = arith.select %eq3A_478, %broadcast_in_dim3A_23, %broadcast_in_dim3A_25 : vector<16xi1>, vector<16xi32>
      %add3A_480 = arith.addi %add3A_477, %select_n3A_479 : vector<16xi32>
      %gt3A_481 = arith.cmpi sgt, %add3A_480, %select_n3A_462 : vector<16xi32>
      %select_n3A_482 = arith.select %gt3A_481, %add3A_480, %select_n3A_462 : vector<16xi1>, vector<16xi32>
      %select_n3A_483 = arith.select %gt3A_481, %broadcast_in_dim3A_465, %select_n3A_463 : vector<16xi1>, vector<16xi32>
      %broadcast_in_dim3A_484 = arith.constant 23 : i32
      %broadcast_in_dim3A_485 = vector.broadcast %broadcast_in_dim3A_484 : i32 to vector<16xi32>
      %eq3A_486 = arith.cmpi eq, %get3A_6, %broadcast_in_dim3A_485 : vector<16xi32>
      %select_n3A_487 = arith.select %eq3A_486, %broadcast_in_dim3A_23, %broadcast_in_dim3A_25 : vector<16xi1>, vector<16xi32>
      %add3A_488 = arith.addi %broadcast_in_dim3A_25, %select_n3A_487 : vector<16xi32>
      %eq3A_489 = arith.cmpi eq, %get3A_9, %broadcast_in_dim3A_485 : vector<16xi32>
      %select_n3A_490 = arith.select %eq3A_489, %broadcast_in_dim3A_23, %broadcast_in_dim3A_25 : vector<16xi1>, vector<16xi32>
      %add3A_491 = arith.addi %add3A_488, %select_n3A_490 : vector<16xi32>
      %eq3A_492 = arith.cmpi eq, %get3A_12, %broadcast_in_dim3A_485 : vector<16xi32>
      %select_n3A_493 = arith.select %eq3A_492, %broadcast_in_dim3A_23, %broadcast_in_dim3A_25 : vector<16xi1>, vector<16xi32>
      %add3A_494 = arith.addi %add3A_491, %select_n3A_493 : vector<16xi32>
      %eq3A_495 = arith.cmpi eq, %get3A_15, %broadcast_in_dim3A_485 : vector<16xi32>
      %select_n3A_496 = arith.select %eq3A_495, %broadcast_in_dim3A_23, %broadcast_in_dim3A_25 : vector<16xi1>, vector<16xi32>
      %add3A_497 = arith.addi %add3A_494, %select_n3A_496 : vector<16xi32>
      %eq3A_498 = arith.cmpi eq, %get3A_18, %broadcast_in_dim3A_485 : vector<16xi32>
      %select_n3A_499 = arith.select %eq3A_498, %broadcast_in_dim3A_23, %broadcast_in_dim3A_25 : vector<16xi1>, vector<16xi32>
      %add3A_500 = arith.addi %add3A_497, %select_n3A_499 : vector<16xi32>
      %gt3A_501 = arith.cmpi sgt, %add3A_500, %select_n3A_482 : vector<16xi32>
      %select_n3A_502 = arith.select %gt3A_501, %add3A_500, %select_n3A_482 : vector<16xi1>, vector<16xi32>
      %select_n3A_503 = arith.select %gt3A_501, %broadcast_in_dim3A_485, %select_n3A_483 : vector<16xi1>, vector<16xi32>
      %broadcast_in_dim3A_504 = arith.constant 24 : i32
      %broadcast_in_dim3A_505 = vector.broadcast %broadcast_in_dim3A_504 : i32 to vector<16xi32>
      %eq3A_506 = arith.cmpi eq, %get3A_6, %broadcast_in_dim3A_505 : vector<16xi32>
      %select_n3A_507 = arith.select %eq3A_506, %broadcast_in_dim3A_23, %broadcast_in_dim3A_25 : vector<16xi1>, vector<16xi32>
      %add3A_508 = arith.addi %broadcast_in_dim3A_25, %select_n3A_507 : vector<16xi32>
      %eq3A_509 = arith.cmpi eq, %get3A_9, %broadcast_in_dim3A_505 : vector<16xi32>
      %select_n3A_510 = arith.select %eq3A_509, %broadcast_in_dim3A_23, %broadcast_in_dim3A_25 : vector<16xi1>, vector<16xi32>
      %add3A_511 = arith.addi %add3A_508, %select_n3A_510 : vector<16xi32>
      %eq3A_512 = arith.cmpi eq, %get3A_12, %broadcast_in_dim3A_505 : vector<16xi32>
      %select_n3A_513 = arith.select %eq3A_512, %broadcast_in_dim3A_23, %broadcast_in_dim3A_25 : vector<16xi1>, vector<16xi32>
      %add3A_514 = arith.addi %add3A_511, %select_n3A_513 : vector<16xi32>
      %eq3A_515 = arith.cmpi eq, %get3A_15, %broadcast_in_dim3A_505 : vector<16xi32>
      %select_n3A_516 = arith.select %eq3A_515, %broadcast_in_dim3A_23, %broadcast_in_dim3A_25 : vector<16xi1>, vector<16xi32>
      %add3A_517 = arith.addi %add3A_514, %select_n3A_516 : vector<16xi32>
      %eq3A_518 = arith.cmpi eq, %get3A_18, %broadcast_in_dim3A_505 : vector<16xi32>
      %select_n3A_519 = arith.select %eq3A_518, %broadcast_in_dim3A_23, %broadcast_in_dim3A_25 : vector<16xi1>, vector<16xi32>
      %add3A_520 = arith.addi %add3A_517, %select_n3A_519 : vector<16xi32>
      %gt3A_521 = arith.cmpi sgt, %add3A_520, %select_n3A_502 : vector<16xi32>
      %select_n3A_522 = arith.select %gt3A_521, %add3A_520, %select_n3A_502 : vector<16xi1>, vector<16xi32>
      %select_n3A_523 = arith.select %gt3A_521, %broadcast_in_dim3A_505, %select_n3A_503 : vector<16xi1>, vector<16xi32>
      %broadcast_in_dim3A_524 = arith.constant 25 : i32
      %broadcast_in_dim3A_525 = vector.broadcast %broadcast_in_dim3A_524 : i32 to vector<16xi32>
      %eq3A_526 = arith.cmpi eq, %get3A_6, %broadcast_in_dim3A_525 : vector<16xi32>
      %select_n3A_527 = arith.select %eq3A_526, %broadcast_in_dim3A_23, %broadcast_in_dim3A_25 : vector<16xi1>, vector<16xi32>
      %add3A_528 = arith.addi %broadcast_in_dim3A_25, %select_n3A_527 : vector<16xi32>
      %eq3A_529 = arith.cmpi eq, %get3A_9, %broadcast_in_dim3A_525 : vector<16xi32>
      %select_n3A_530 = arith.select %eq3A_529, %broadcast_in_dim3A_23, %broadcast_in_dim3A_25 : vector<16xi1>, vector<16xi32>
      %add3A_531 = arith.addi %add3A_528, %select_n3A_530 : vector<16xi32>
      %eq3A_532 = arith.cmpi eq, %get3A_12, %broadcast_in_dim3A_525 : vector<16xi32>
      %select_n3A_533 = arith.select %eq3A_532, %broadcast_in_dim3A_23, %broadcast_in_dim3A_25 : vector<16xi1>, vector<16xi32>
      %add3A_534 = arith.addi %add3A_531, %select_n3A_533 : vector<16xi32>
      %eq3A_535 = arith.cmpi eq, %get3A_15, %broadcast_in_dim3A_525 : vector<16xi32>
      %select_n3A_536 = arith.select %eq3A_535, %broadcast_in_dim3A_23, %broadcast_in_dim3A_25 : vector<16xi1>, vector<16xi32>
      %add3A_537 = arith.addi %add3A_534, %select_n3A_536 : vector<16xi32>
      %eq3A_538 = arith.cmpi eq, %get3A_18, %broadcast_in_dim3A_525 : vector<16xi32>
      %select_n3A_539 = arith.select %eq3A_538, %broadcast_in_dim3A_23, %broadcast_in_dim3A_25 : vector<16xi1>, vector<16xi32>
      %add3A_540 = arith.addi %add3A_537, %select_n3A_539 : vector<16xi32>
      %gt3A_541 = arith.cmpi sgt, %add3A_540, %select_n3A_522 : vector<16xi32>
      %select_n3A_542 = arith.select %gt3A_541, %add3A_540, %select_n3A_522 : vector<16xi1>, vector<16xi32>
      %select_n3A_543 = arith.select %gt3A_541, %broadcast_in_dim3A_525, %select_n3A_523 : vector<16xi1>, vector<16xi32>
      %broadcast_in_dim3A_544 = arith.constant 26 : i32
      %broadcast_in_dim3A_545 = vector.broadcast %broadcast_in_dim3A_544 : i32 to vector<16xi32>
      %eq3A_546 = arith.cmpi eq, %get3A_6, %broadcast_in_dim3A_545 : vector<16xi32>
      %select_n3A_547 = arith.select %eq3A_546, %broadcast_in_dim3A_23, %broadcast_in_dim3A_25 : vector<16xi1>, vector<16xi32>
      %add3A_548 = arith.addi %broadcast_in_dim3A_25, %select_n3A_547 : vector<16xi32>
      %eq3A_549 = arith.cmpi eq, %get3A_9, %broadcast_in_dim3A_545 : vector<16xi32>
      %select_n3A_550 = arith.select %eq3A_549, %broadcast_in_dim3A_23, %broadcast_in_dim3A_25 : vector<16xi1>, vector<16xi32>
      %add3A_551 = arith.addi %add3A_548, %select_n3A_550 : vector<16xi32>
      %eq3A_552 = arith.cmpi eq, %get3A_12, %broadcast_in_dim3A_545 : vector<16xi32>
      %select_n3A_553 = arith.select %eq3A_552, %broadcast_in_dim3A_23, %broadcast_in_dim3A_25 : vector<16xi1>, vector<16xi32>
      %add3A_554 = arith.addi %add3A_551, %select_n3A_553 : vector<16xi32>
      %eq3A_555 = arith.cmpi eq, %get3A_15, %broadcast_in_dim3A_545 : vector<16xi32>
      %select_n3A_556 = arith.select %eq3A_555, %broadcast_in_dim3A_23, %broadcast_in_dim3A_25 : vector<16xi1>, vector<16xi32>
      %add3A_557 = arith.addi %add3A_554, %select_n3A_556 : vector<16xi32>
      %eq3A_558 = arith.cmpi eq, %get3A_18, %broadcast_in_dim3A_545 : vector<16xi32>
      %select_n3A_559 = arith.select %eq3A_558, %broadcast_in_dim3A_23, %broadcast_in_dim3A_25 : vector<16xi1>, vector<16xi32>
      %add3A_560 = arith.addi %add3A_557, %select_n3A_559 : vector<16xi32>
      %gt3A_561 = arith.cmpi sgt, %add3A_560, %select_n3A_542 : vector<16xi32>
      %select_n3A_562 = arith.select %gt3A_561, %add3A_560, %select_n3A_542 : vector<16xi1>, vector<16xi32>
      %select_n3A_563 = arith.select %gt3A_561, %broadcast_in_dim3A_545, %select_n3A_543 : vector<16xi1>, vector<16xi32>
      %broadcast_in_dim3A_564 = arith.constant 27 : i32
      %broadcast_in_dim3A_565 = vector.broadcast %broadcast_in_dim3A_564 : i32 to vector<16xi32>
      %eq3A_566 = arith.cmpi eq, %get3A_6, %broadcast_in_dim3A_565 : vector<16xi32>
      %select_n3A_567 = arith.select %eq3A_566, %broadcast_in_dim3A_23, %broadcast_in_dim3A_25 : vector<16xi1>, vector<16xi32>
      %add3A_568 = arith.addi %broadcast_in_dim3A_25, %select_n3A_567 : vector<16xi32>
      %eq3A_569 = arith.cmpi eq, %get3A_9, %broadcast_in_dim3A_565 : vector<16xi32>
      %select_n3A_570 = arith.select %eq3A_569, %broadcast_in_dim3A_23, %broadcast_in_dim3A_25 : vector<16xi1>, vector<16xi32>
      %add3A_571 = arith.addi %add3A_568, %select_n3A_570 : vector<16xi32>
      %eq3A_572 = arith.cmpi eq, %get3A_12, %broadcast_in_dim3A_565 : vector<16xi32>
      %select_n3A_573 = arith.select %eq3A_572, %broadcast_in_dim3A_23, %broadcast_in_dim3A_25 : vector<16xi1>, vector<16xi32>
      %add3A_574 = arith.addi %add3A_571, %select_n3A_573 : vector<16xi32>
      %eq3A_575 = arith.cmpi eq, %get3A_15, %broadcast_in_dim3A_565 : vector<16xi32>
      %select_n3A_576 = arith.select %eq3A_575, %broadcast_in_dim3A_23, %broadcast_in_dim3A_25 : vector<16xi1>, vector<16xi32>
      %add3A_577 = arith.addi %add3A_574, %select_n3A_576 : vector<16xi32>
      %eq3A_578 = arith.cmpi eq, %get3A_18, %broadcast_in_dim3A_565 : vector<16xi32>
      %select_n3A_579 = arith.select %eq3A_578, %broadcast_in_dim3A_23, %broadcast_in_dim3A_25 : vector<16xi1>, vector<16xi32>
      %add3A_580 = arith.addi %add3A_577, %select_n3A_579 : vector<16xi32>
      %gt3A_581 = arith.cmpi sgt, %add3A_580, %select_n3A_562 : vector<16xi32>
      %select_n3A_582 = arith.select %gt3A_581, %add3A_580, %select_n3A_562 : vector<16xi1>, vector<16xi32>
      %select_n3A_583 = arith.select %gt3A_581, %broadcast_in_dim3A_565, %select_n3A_563 : vector<16xi1>, vector<16xi32>
      %broadcast_in_dim3A_584 = arith.constant 28 : i32
      %broadcast_in_dim3A_585 = vector.broadcast %broadcast_in_dim3A_584 : i32 to vector<16xi32>
      %eq3A_586 = arith.cmpi eq, %get3A_6, %broadcast_in_dim3A_585 : vector<16xi32>
      %select_n3A_587 = arith.select %eq3A_586, %broadcast_in_dim3A_23, %broadcast_in_dim3A_25 : vector<16xi1>, vector<16xi32>
      %add3A_588 = arith.addi %broadcast_in_dim3A_25, %select_n3A_587 : vector<16xi32>
      %eq3A_589 = arith.cmpi eq, %get3A_9, %broadcast_in_dim3A_585 : vector<16xi32>
      %select_n3A_590 = arith.select %eq3A_589, %broadcast_in_dim3A_23, %broadcast_in_dim3A_25 : vector<16xi1>, vector<16xi32>
      %add3A_591 = arith.addi %add3A_588, %select_n3A_590 : vector<16xi32>
      %eq3A_592 = arith.cmpi eq, %get3A_12, %broadcast_in_dim3A_585 : vector<16xi32>
      %select_n3A_593 = arith.select %eq3A_592, %broadcast_in_dim3A_23, %broadcast_in_dim3A_25 : vector<16xi1>, vector<16xi32>
      %add3A_594 = arith.addi %add3A_591, %select_n3A_593 : vector<16xi32>
      %eq3A_595 = arith.cmpi eq, %get3A_15, %broadcast_in_dim3A_585 : vector<16xi32>
      %select_n3A_596 = arith.select %eq3A_595, %broadcast_in_dim3A_23, %broadcast_in_dim3A_25 : vector<16xi1>, vector<16xi32>
      %add3A_597 = arith.addi %add3A_594, %select_n3A_596 : vector<16xi32>
      %eq3A_598 = arith.cmpi eq, %get3A_18, %broadcast_in_dim3A_585 : vector<16xi32>
      %select_n3A_599 = arith.select %eq3A_598, %broadcast_in_dim3A_23, %broadcast_in_dim3A_25 : vector<16xi1>, vector<16xi32>
      %add3A_600 = arith.addi %add3A_597, %select_n3A_599 : vector<16xi32>
      %gt3A_601 = arith.cmpi sgt, %add3A_600, %select_n3A_582 : vector<16xi32>
      %select_n3A_602 = arith.select %gt3A_601, %add3A_600, %select_n3A_582 : vector<16xi1>, vector<16xi32>
      %select_n3A_603 = arith.select %gt3A_601, %broadcast_in_dim3A_585, %select_n3A_583 : vector<16xi1>, vector<16xi32>
      %broadcast_in_dim3A_604 = arith.constant 29 : i32
      %broadcast_in_dim3A_605 = vector.broadcast %broadcast_in_dim3A_604 : i32 to vector<16xi32>
      %eq3A_606 = arith.cmpi eq, %get3A_6, %broadcast_in_dim3A_605 : vector<16xi32>
      %select_n3A_607 = arith.select %eq3A_606, %broadcast_in_dim3A_23, %broadcast_in_dim3A_25 : vector<16xi1>, vector<16xi32>
      %add3A_608 = arith.addi %broadcast_in_dim3A_25, %select_n3A_607 : vector<16xi32>
      %eq3A_609 = arith.cmpi eq, %get3A_9, %broadcast_in_dim3A_605 : vector<16xi32>
      %select_n3A_610 = arith.select %eq3A_609, %broadcast_in_dim3A_23, %broadcast_in_dim3A_25 : vector<16xi1>, vector<16xi32>
      %add3A_611 = arith.addi %add3A_608, %select_n3A_610 : vector<16xi32>
      %eq3A_612 = arith.cmpi eq, %get3A_12, %broadcast_in_dim3A_605 : vector<16xi32>
      %select_n3A_613 = arith.select %eq3A_612, %broadcast_in_dim3A_23, %broadcast_in_dim3A_25 : vector<16xi1>, vector<16xi32>
      %add3A_614 = arith.addi %add3A_611, %select_n3A_613 : vector<16xi32>
      %eq3A_615 = arith.cmpi eq, %get3A_15, %broadcast_in_dim3A_605 : vector<16xi32>
      %select_n3A_616 = arith.select %eq3A_615, %broadcast_in_dim3A_23, %broadcast_in_dim3A_25 : vector<16xi1>, vector<16xi32>
      %add3A_617 = arith.addi %add3A_614, %select_n3A_616 : vector<16xi32>
      %eq3A_618 = arith.cmpi eq, %get3A_18, %broadcast_in_dim3A_605 : vector<16xi32>
      %select_n3A_619 = arith.select %eq3A_618, %broadcast_in_dim3A_23, %broadcast_in_dim3A_25 : vector<16xi1>, vector<16xi32>
      %add3A_620 = arith.addi %add3A_617, %select_n3A_619 : vector<16xi32>
      %gt3A_621 = arith.cmpi sgt, %add3A_620, %select_n3A_602 : vector<16xi32>
      %select_n3A_622 = arith.select %gt3A_621, %add3A_620, %select_n3A_602 : vector<16xi1>, vector<16xi32>
      %select_n3A_623 = arith.select %gt3A_621, %broadcast_in_dim3A_605, %select_n3A_603 : vector<16xi1>, vector<16xi32>
      %broadcast_in_dim3A_624 = arith.constant 30 : i32
      %broadcast_in_dim3A_625 = vector.broadcast %broadcast_in_dim3A_624 : i32 to vector<16xi32>
      %eq3A_626 = arith.cmpi eq, %get3A_6, %broadcast_in_dim3A_625 : vector<16xi32>
      %select_n3A_627 = arith.select %eq3A_626, %broadcast_in_dim3A_23, %broadcast_in_dim3A_25 : vector<16xi1>, vector<16xi32>
      %add3A_628 = arith.addi %broadcast_in_dim3A_25, %select_n3A_627 : vector<16xi32>
      %eq3A_629 = arith.cmpi eq, %get3A_9, %broadcast_in_dim3A_625 : vector<16xi32>
      %select_n3A_630 = arith.select %eq3A_629, %broadcast_in_dim3A_23, %broadcast_in_dim3A_25 : vector<16xi1>, vector<16xi32>
      %add3A_631 = arith.addi %add3A_628, %select_n3A_630 : vector<16xi32>
      %eq3A_632 = arith.cmpi eq, %get3A_12, %broadcast_in_dim3A_625 : vector<16xi32>
      %select_n3A_633 = arith.select %eq3A_632, %broadcast_in_dim3A_23, %broadcast_in_dim3A_25 : vector<16xi1>, vector<16xi32>
      %add3A_634 = arith.addi %add3A_631, %select_n3A_633 : vector<16xi32>
      %eq3A_635 = arith.cmpi eq, %get3A_15, %broadcast_in_dim3A_625 : vector<16xi32>
      %select_n3A_636 = arith.select %eq3A_635, %broadcast_in_dim3A_23, %broadcast_in_dim3A_25 : vector<16xi1>, vector<16xi32>
      %add3A_637 = arith.addi %add3A_634, %select_n3A_636 : vector<16xi32>
      %eq3A_638 = arith.cmpi eq, %get3A_18, %broadcast_in_dim3A_625 : vector<16xi32>
      %select_n3A_639 = arith.select %eq3A_638, %broadcast_in_dim3A_23, %broadcast_in_dim3A_25 : vector<16xi1>, vector<16xi32>
      %add3A_640 = arith.addi %add3A_637, %select_n3A_639 : vector<16xi32>
      %gt3A_641 = arith.cmpi sgt, %add3A_640, %select_n3A_622 : vector<16xi32>
      %select_n3A_642 = arith.select %gt3A_641, %add3A_640, %select_n3A_622 : vector<16xi1>, vector<16xi32>
      %select_n3A_643 = arith.select %gt3A_641, %broadcast_in_dim3A_625, %select_n3A_623 : vector<16xi1>, vector<16xi32>
      %broadcast_in_dim3A_644 = arith.constant 31 : i32
      %broadcast_in_dim3A_645 = vector.broadcast %broadcast_in_dim3A_644 : i32 to vector<16xi32>
      %eq3A_646 = arith.cmpi eq, %get3A_6, %broadcast_in_dim3A_645 : vector<16xi32>
      %select_n3A_647 = arith.select %eq3A_646, %broadcast_in_dim3A_23, %broadcast_in_dim3A_25 : vector<16xi1>, vector<16xi32>
      %add3A_648 = arith.addi %broadcast_in_dim3A_25, %select_n3A_647 : vector<16xi32>
      %eq3A_649 = arith.cmpi eq, %get3A_9, %broadcast_in_dim3A_645 : vector<16xi32>
      %select_n3A_650 = arith.select %eq3A_649, %broadcast_in_dim3A_23, %broadcast_in_dim3A_25 : vector<16xi1>, vector<16xi32>
      %add3A_651 = arith.addi %add3A_648, %select_n3A_650 : vector<16xi32>
      %eq3A_652 = arith.cmpi eq, %get3A_12, %broadcast_in_dim3A_645 : vector<16xi32>
      %select_n3A_653 = arith.select %eq3A_652, %broadcast_in_dim3A_23, %broadcast_in_dim3A_25 : vector<16xi1>, vector<16xi32>
      %add3A_654 = arith.addi %add3A_651, %select_n3A_653 : vector<16xi32>
      %eq3A_655 = arith.cmpi eq, %get3A_15, %broadcast_in_dim3A_645 : vector<16xi32>
      %select_n3A_656 = arith.select %eq3A_655, %broadcast_in_dim3A_23, %broadcast_in_dim3A_25 : vector<16xi1>, vector<16xi32>
      %add3A_657 = arith.addi %add3A_654, %select_n3A_656 : vector<16xi32>
      %eq3A_658 = arith.cmpi eq, %get3A_18, %broadcast_in_dim3A_645 : vector<16xi32>
      %select_n3A_659 = arith.select %eq3A_658, %broadcast_in_dim3A_23, %broadcast_in_dim3A_25 : vector<16xi1>, vector<16xi32>
      %add3A_660 = arith.addi %add3A_657, %select_n3A_659 : vector<16xi32>
      %gt3A_661 = arith.cmpi sgt, %add3A_660, %select_n3A_642 : vector<16xi32>
      %select_n3A_662 = arith.select %gt3A_661, %add3A_660, %select_n3A_642 : vector<16xi1>, vector<16xi32>
      %select_n3A_663 = arith.select %gt3A_661, %broadcast_in_dim3A_645, %select_n3A_643 : vector<16xi1>, vector<16xi32>
      %swap3A = arith.constant 0 : index
      %swap3A_664 = tpu.vector_load %arg7[%swap3A] {strides = array<i32>} : memref<16xi32, #tpu.memory_space<vmem>>, vector<16xi32>,
      %swap3A_665 = vector.shape_cast %swap3A_664 : vector<16xi32> to vector<16xi32>
      %swap3A_666 = vector.shape_cast %select_n3A_663 : vector<16xi32> to vector<16xi32>
      tpu.vector_store %arg7[%swap3A], %swap3A_666 {strides = array<i32>} : memref<16xi32, #tpu.memory_space<vmem>>, vector<16xi32>,
      "tpu.region"() ({
        %run_scoped3A = tpu.sem_alloc : memref<!tpu.dma_semaphore, #tpu.memory_space<semaphore_mem>>
        tpu.enqueue_dma source(%arg7 : memref<16xi32, #tpu.memory_space<vmem>>) target(%arg4 : memref<16xi32, #tpu.memory_space<hbm>>) target_semaphore(%run_scoped3A : memref<!tpu.dma_semaphore, #tpu.memory_space<semaphore_mem>>)
        tpu.wait_dma2 semaphore(%run_scoped3A : memref<!tpu.dma_semaphore, #tpu.memory_space<semaphore_mem>>) src(%arg7 : memref<16xi32, #tpu.memory_space<vmem>>) dst(%arg4 : memref<16xi32, #tpu.memory_space<hbm>>)
        tpu.yield
      }) : () -> ()
    } else {
    }
    return
  }
}

module attributes {stable_mosaic.version = 14 : i64} {
  func.func @_tc_body(%arg0: i32, %arg1: memref<16x16xf32, #tpu.memory_space<vmem>>, %arg2: memref<16x131072xf32, #tpu.memory_space<vmem>>, %arg3: memref<16x8xf32, #tpu.memory_space<vmem>>, %arg4: memref<16x8xi32, #tpu.memory_space<vmem>>, %arg5: memref<16x8xf32, #tpu.memory_space<vmem>>, %arg6: memref<16x8xi32, #tpu.memory_space<vmem>>) attributes {dimension_semantics = [#tpu.dimension_semantics<arbitrary>], iteration_bounds = array<i64: 8>, scalar_prefetch = 0 : i64, scratch_operands = 2 : i64, tpu.core_type = #tpu.core_type<tc>, window_params = [{pipeline_mode = #tpu.pipeline_mode<synchronous>, transform_indices = @transform_0, window_bounds = array<i64: 16, 16>}, {transform_indices = @transform_1, window_bounds = array<i64: 16, 131072>}, {pipeline_mode = #tpu.pipeline_mode<synchronous>, transform_indices = @transform_2, window_bounds = array<i64: 16, 8>}, {pipeline_mode = #tpu.pipeline_mode<synchronous>, transform_indices = @transform_3, window_bounds = array<i64: 16, 8>}]} {
    %eq3A = arith.constant 0 : i32
    %eq3A_0 = arith.cmpi eq, %arg0, %eq3A : i32
    %convert_element_type3A = arith.extui %eq3A_0 : i1 to i32
    %cond3A = arith.constant 0 : i32
    %cond3A_1 = arith.cmpi ne, %convert_element_type3A, %cond3A : i32
    scf.if %cond3A_1 {
      %broadcast_in_dim3A_3013 = arith.constant -3.000000e+38 : f32
      %broadcast_in_dim3A_3014 = vector.broadcast %broadcast_in_dim3A_3013 : f32 to vector<16x8xf32>
      %swap3A_3015 = arith.constant 0 : index
      %swap3A_3016 = arith.constant 0 : index
      %swap3A_3017 = vector.load %arg5[%swap3A_3015, %swap3A_3016] : memref<16x8xf32, #tpu.memory_space<vmem>>, vector<16x8xf32>
      tpu.vector_store %arg5[%swap3A_3015, %swap3A_3016], %broadcast_in_dim3A_3014 {strides = array<i32>} : memref<16x8xf32, #tpu.memory_space<vmem>>, vector<16x8xf32>,
      %broadcast_in_dim3A_3018 = arith.constant 2147483647 : i32
      %broadcast_in_dim3A_3019 = vector.broadcast %broadcast_in_dim3A_3018 : i32 to vector<16x8xi32>
      %swap3A_3020 = arith.constant 0 : index
      %swap3A_3021 = arith.constant 0 : index
      %swap3A_3022 = vector.load %arg6[%swap3A_3020, %swap3A_3021] : memref<16x8xi32, #tpu.memory_space<vmem>>, vector<16x8xi32>
      tpu.vector_store %arg6[%swap3A_3020, %swap3A_3021], %broadcast_in_dim3A_3019 {strides = array<i32>} : memref<16x8xi32, #tpu.memory_space<vmem>>, vector<16x8xi32>,
    } else {
    }
    %get3A = arith.constant 0 : index
    %get3A_2 = arith.constant 0 : index
    %get3A_3 = vector.load %arg2[%get3A, %get3A_2] : memref<16x131072xf32, #tpu.memory_space<vmem>>, vector<16x131072xf32>
    %get3A_4 = arith.constant 0 : index
    %get3A_5 = arith.constant 0 : index
    %get3A_6 = vector.load %arg1[%get3A_4, %get3A_5] : memref<16x16xf32, #tpu.memory_space<vmem>>, vector<16x16xf32>
    %mul3A = arith.constant 2.000000e+00 : f32
    %mul3A_7 = vector.broadcast %mul3A : f32 to vector<16x16xf32>
    %mul3A_8 = arith.mulf %get3A_6, %mul3A_7 : vector<16x16xf32>
    %convert_element_type3A_9 = arith.truncf %mul3A_8 : vector<16x16xf32> to vector<16x16xbf16>
    %convert_element_type3A_10 = arith.truncf %get3A_3 : vector<16x131072xf32> to vector<16x131072xbf16>
    %dot_general3A = arith.constant dense<0.000000e+00> : vector<16x131072xf32>
    %dot_general3A_11 = tpu.matmul %convert_element_type3A_9, %convert_element_type3A_10, %dot_general3A {dimension_numbers = #tpu.dot_dimension_numbers<[1], [0], [0], [1], [0, 0, 1, 1], [], []>, transpose_lhs_hint = false} : vector<16x16xbf16>, vector<16x131072xbf16>, vector<16x131072xf32> -> vector<16x131072xf32>
    %mul3A_12 = arith.mulf %get3A_3, %get3A_3 : vector<16x131072xf32>
    %reduce_sum3A = arith.constant dense<0.000000e+00> : vector<131072xf32>
    %reduce_sum3A_13 = vector.multi_reduction <add>, %mul3A_12, %reduce_sum3A [0] : vector<16x131072xf32> to vector<131072xf32>
    %broadcast_in_dim3A = vector.shape_cast %reduce_sum3A_13 : vector<131072xf32> to vector<1x131072xf32>
    %sub3A = vector.broadcast %broadcast_in_dim3A : vector<1x131072xf32> to vector<16x131072xf32>
    %sub3A_14 = arith.subf %dot_general3A_11, %sub3A : vector<16x131072xf32>
    %get3A_15 = arith.constant 0 : index
    %get3A_16 = arith.constant 0 : index
    %get3A_17 = vector.load %arg5[%get3A_15, %get3A_16] : memref<16x8xf32, #tpu.memory_space<vmem>>, vector<16x5xf32>
    %get3A_18 = arith.constant 0 : index
    %get3A_19 = arith.constant 0 : index
    %get3A_20 = vector.load %arg6[%get3A_18, %get3A_19] : memref<16x8xi32, #tpu.memory_space<vmem>>, vector<16x5xi32>
    %slice3A = vector.extract_strided_slice %sub3A_14 {offsets = [0, 0], sizes = [16, 4096], strides = [1, 1]} : vector<16x131072xf32> to vector<16x4096xf32>
    %iota3A = tpu.iota {dimensions = array<i32: 1>} : vector<16x4096xi32>
    %mul3A_21 = arith.constant 131072 : i32
    %mul3A_22 = arith.muli %arg0, %mul3A_21 : i32
    %add3A = arith.constant 0 : i32
    %add3A_23 = arith.addi %mul3A_22, %add3A : i32
    %add3A_24 = vector.broadcast %add3A_23 : i32 to vector<16x4096xi32>
    %add3A_25 = arith.addi %iota3A, %add3A_24 : vector<16x4096xi32>
    %lt3A = arith.constant 1000000 : i32
    %lt3A_26 = vector.broadcast %lt3A : i32 to vector<16x4096xi32>
    %lt3A_27 = arith.cmpi slt, %add3A_25, %lt3A_26 : vector<16x4096xi32>
    %jit3A = arith.constant -3.000000e+38 : f32
    %broadcast_in_dim3A_28 = vector.broadcast %jit3A : f32 to vector<16x4096xf32>
    %select_n3A = arith.select %lt3A_27, %slice3A, %broadcast_in_dim3A_28 : vector<16x4096xi1>, vector<16x4096xf32>
    %reduce_max3A = arith.constant dense<0xFF800000> : vector<16xf32>
    %reduce_max3A_29 = vector.multi_reduction <maximumf>, %select_n3A, %reduce_max3A [1] : vector<16x4096xf32> to vector<16xf32>
    %broadcast_in_dim3A_30 = vector.shape_cast %reduce_max3A_29 : vector<16xf32> to vector<16x1xf32>
    %eq3A_31 = vector.broadcast %broadcast_in_dim3A_30 : vector<16x1xf32> to vector<16x4096xf32>
    %eq3A_32 = arith.cmpf oeq, %select_n3A, %eq3A_31 : vector<16x4096xf32>
    %jit3A_33 = arith.constant 2147483647 : i32
    %broadcast_in_dim3A_34 = vector.broadcast %jit3A_33 : i32 to vector<16x4096xi32>
    %select_n3A_35 = arith.select %eq3A_32, %add3A_25, %broadcast_in_dim3A_34 : vector<16x4096xi1>, vector<16x4096xi32>
    %reduce_min3A = arith.constant dense<2147483647> : vector<16xi32>
    %reduce_min3A_36 = vector.multi_reduction <minsi>, %select_n3A_35, %reduce_min3A [1] : vector<16x4096xi32> to vector<16xi32>
    %broadcast_in_dim3A_37 = vector.shape_cast %reduce_min3A_36 : vector<16xi32> to vector<16x1xi32>
    %eq3A_38 = vector.broadcast %broadcast_in_dim3A_37 : vector<16x1xi32> to vector<16x4096xi32>
    %eq3A_39 = arith.cmpi eq, %add3A_25, %eq3A_38 : vector<16x4096xi32>
    %jit3A_40 = arith.constant -3.000000e+38 : f32
    %broadcast_in_dim3A_41 = vector.broadcast %jit3A_40 : f32 to vector<16x4096xf32>
    %select_n3A_42 = arith.select %eq3A_39, %broadcast_in_dim3A_41, %select_n3A : vector<16x4096xi1>, vector<16x4096xf32>
    %reduce_max3A_43 = arith.constant dense<0xFF800000> : vector<16xf32>
    %reduce_max3A_44 = vector.multi_reduction <maximumf>, %select_n3A_42, %reduce_max3A_43 [1] : vector<16x4096xf32> to vector<16xf32>
    %broadcast_in_dim3A_45 = vector.shape_cast %reduce_max3A_44 : vector<16xf32> to vector<16x1xf32>
    %eq3A_46 = vector.broadcast %broadcast_in_dim3A_45 : vector<16x1xf32> to vector<16x4096xf32>
    %eq3A_47 = arith.cmpf oeq, %select_n3A_42, %eq3A_46 : vector<16x4096xf32>
    %jit3A_48 = arith.constant 2147483647 : i32
    %broadcast_in_dim3A_49 = vector.broadcast %jit3A_48 : i32 to vector<16x4096xi32>
    %select_n3A_50 = arith.select %eq3A_47, %add3A_25, %broadcast_in_dim3A_49 : vector<16x4096xi1>, vector<16x4096xi32>
    %reduce_min3A_51 = arith.constant dense<2147483647> : vector<16xi32>
    %reduce_min3A_52 = vector.multi_reduction <minsi>, %select_n3A_50, %reduce_min3A_51 [1] : vector<16x4096xi32> to vector<16xi32>
    %broadcast_in_dim3A_53 = vector.shape_cast %reduce_min3A_52 : vector<16xi32> to vector<16x1xi32>
    %eq3A_54 = vector.broadcast %broadcast_in_dim3A_53 : vector<16x1xi32> to vector<16x4096xi32>
    %eq3A_55 = arith.cmpi eq, %add3A_25, %eq3A_54 : vector<16x4096xi32>
    %jit3A_56 = arith.constant -3.000000e+38 : f32
    %broadcast_in_dim3A_57 = vector.broadcast %jit3A_56 : f32 to vector<16x4096xf32>
    %select_n3A_58 = arith.select %eq3A_55, %broadcast_in_dim3A_57, %select_n3A_42 : vector<16x4096xi1>, vector<16x4096xf32>
    %reduce_max3A_59 = arith.constant dense<0xFF800000> : vector<16xf32>
    %reduce_max3A_60 = vector.multi_reduction <maximumf>, %select_n3A_58, %reduce_max3A_59 [1] : vector<16x4096xf32> to vector<16xf32>
    %broadcast_in_dim3A_61 = vector.shape_cast %reduce_max3A_60 : vector<16xf32> to vector<16x1xf32>
    %eq3A_62 = vector.broadcast %broadcast_in_dim3A_61 : vector<16x1xf32> to vector<16x4096xf32>
    %eq3A_63 = arith.cmpf oeq, %select_n3A_58, %eq3A_62 : vector<16x4096xf32>
    %jit3A_64 = arith.constant 2147483647 : i32
    %broadcast_in_dim3A_65 = vector.broadcast %jit3A_64 : i32 to vector<16x4096xi32>
    %select_n3A_66 = arith.select %eq3A_63, %add3A_25, %broadcast_in_dim3A_65 : vector<16x4096xi1>, vector<16x4096xi32>
    %reduce_min3A_67 = arith.constant dense<2147483647> : vector<16xi32>
    %reduce_min3A_68 = vector.multi_reduction <minsi>, %select_n3A_66, %reduce_min3A_67 [1] : vector<16x4096xi32> to vector<16xi32>
    %broadcast_in_dim3A_69 = vector.shape_cast %reduce_min3A_68 : vector<16xi32> to vector<16x1xi32>
    %eq3A_70 = vector.broadcast %broadcast_in_dim3A_69 : vector<16x1xi32> to vector<16x4096xi32>
    %eq3A_71 = arith.cmpi eq, %add3A_25, %eq3A_70 : vector<16x4096xi32>
    %jit3A_72 = arith.constant -3.000000e+38 : f32
    %broadcast_in_dim3A_73 = vector.broadcast %jit3A_72 : f32 to vector<16x4096xf32>
    %select_n3A_74 = arith.select %eq3A_71, %broadcast_in_dim3A_73, %select_n3A_58 : vector<16x4096xi1>, vector<16x4096xf32>
    %reduce_max3A_75 = arith.constant dense<0xFF800000> : vector<16xf32>
    %reduce_max3A_76 = vector.multi_reduction <maximumf>, %select_n3A_74, %reduce_max3A_75 [1] : vector<16x4096xf32> to vector<16xf32>
    %broadcast_in_dim3A_77 = vector.shape_cast %reduce_max3A_76 : vector<16xf32> to vector<16x1xf32>
    %eq3A_78 = vector.broadcast %broadcast_in_dim3A_77 : vector<16x1xf32> to vector<16x4096xf32>
    %eq3A_79 = arith.cmpf oeq, %select_n3A_74, %eq3A_78 : vector<16x4096xf32>
    %jit3A_80 = arith.constant 2147483647 : i32
    %broadcast_in_dim3A_81 = vector.broadcast %jit3A_80 : i32 to vector<16x4096xi32>
    %select_n3A_82 = arith.select %eq3A_79, %add3A_25, %broadcast_in_dim3A_81 : vector<16x4096xi1>, vector<16x4096xi32>
    %reduce_min3A_83 = arith.constant dense<2147483647> : vector<16xi32>
    %reduce_min3A_84 = vector.multi_reduction <minsi>, %select_n3A_82, %reduce_min3A_83 [1] : vector<16x4096xi32> to vector<16xi32>
    %broadcast_in_dim3A_85 = vector.shape_cast %reduce_min3A_84 : vector<16xi32> to vector<16x1xi32>
    %eq3A_86 = vector.broadcast %broadcast_in_dim3A_85 : vector<16x1xi32> to vector<16x4096xi32>
    %eq3A_87 = arith.cmpi eq, %add3A_25, %eq3A_86 : vector<16x4096xi32>
    %jit3A_88 = arith.constant -3.000000e+38 : f32
    %broadcast_in_dim3A_89 = vector.broadcast %jit3A_88 : f32 to vector<16x4096xf32>
    %select_n3A_90 = arith.select %eq3A_87, %broadcast_in_dim3A_89, %select_n3A_74 : vector<16x4096xi1>, vector<16x4096xf32>
    %reduce_max3A_91 = arith.constant dense<0xFF800000> : vector<16xf32>
    %reduce_max3A_92 = vector.multi_reduction <maximumf>, %select_n3A_90, %reduce_max3A_91 [1] : vector<16x4096xf32> to vector<16xf32>
    %broadcast_in_dim3A_93 = vector.shape_cast %reduce_max3A_92 : vector<16xf32> to vector<16x1xf32>
    %eq3A_94 = vector.broadcast %broadcast_in_dim3A_93 : vector<16x1xf32> to vector<16x4096xf32>
    %eq3A_95 = arith.cmpf oeq, %select_n3A_90, %eq3A_94 : vector<16x4096xf32>
    %jit3A_96 = arith.constant 2147483647 : i32
    %broadcast_in_dim3A_97 = vector.broadcast %jit3A_96 : i32 to vector<16x4096xi32>
    %select_n3A_98 = arith.select %eq3A_95, %add3A_25, %broadcast_in_dim3A_97 : vector<16x4096xi1>, vector<16x4096xi32>
    %reduce_min3A_99 = arith.constant dense<2147483647> : vector<16xi32>
    %reduce_min3A_100 = vector.multi_reduction <minsi>, %select_n3A_98, %reduce_min3A_99 [1] : vector<16x4096xi32> to vector<16xi32>
    %broadcast_in_dim3A_101 = vector.shape_cast %reduce_min3A_100 : vector<16xi32> to vector<16x1xi32>
    %concatenate3A = tpu.concatenate %broadcast_in_dim3A_30, %broadcast_in_dim3A_45, %broadcast_in_dim3A_61, %broadcast_in_dim3A_77, %broadcast_in_dim3A_93 in 1 : vector<16x1xf32>, vector<16x1xf32>, vector<16x1xf32>, vector<16x1xf32>, vector<16x1xf32> -> vector<16x5xf32>
    %concatenate3A_102 = tpu.concatenate %broadcast_in_dim3A_37, %broadcast_in_dim3A_53, %broadcast_in_dim3A_69, %broadcast_in_dim3A_85, %broadcast_in_dim3A_101 in 1 : vector<16x1xi32>, vector<16x1xi32>, vector<16x1xi32>, vector<16x1xi32>, vector<16x1xi32> -> vector<16x5xi32>
    %slice3A_103 = vector.extract_strided_slice %sub3A_14 {offsets = [0, 4096], sizes = [16, 4096], strides = [1, 1]} : vector<16x131072xf32> to vector<16x4096xf32>
    %iota3A_104 = tpu.iota {dimensions = array<i32: 1>} : vector<16x4096xi32>
    %mul3A_105 = arith.constant 131072 : i32
    %mul3A_106 = arith.muli %arg0, %mul3A_105 : i32
    %add3A_107 = arith.constant 4096 : i32
    %add3A_108 = arith.addi %mul3A_106, %add3A_107 : i32
    %add3A_109 = vector.broadcast %add3A_108 : i32 to vector<16x4096xi32>
    %add3A_110 = arith.addi %iota3A_104, %add3A_109 : vector<16x4096xi32>
    %lt3A_111 = arith.constant 1000000 : i32
    %lt3A_112 = vector.broadcast %lt3A_111 : i32 to vector<16x4096xi32>
    %lt3A_113 = arith.cmpi slt, %add3A_110, %lt3A_112 : vector<16x4096xi32>
    %jit3A_114 = arith.constant -3.000000e+38 : f32
    %broadcast_in_dim3A_115 = vector.broadcast %jit3A_114 : f32 to vector<16x4096xf32>
    %select_n3A_116 = arith.select %lt3A_113, %slice3A_103, %broadcast_in_dim3A_115 : vector<16x4096xi1>, vector<16x4096xf32>
    %reduce_max3A_117 = arith.constant dense<0xFF800000> : vector<16xf32>
    %reduce_max3A_118 = vector.multi_reduction <maximumf>, %select_n3A_116, %reduce_max3A_117 [1] : vector<16x4096xf32> to vector<16xf32>
    %broadcast_in_dim3A_119 = vector.shape_cast %reduce_max3A_118 : vector<16xf32> to vector<16x1xf32>
    %eq3A_120 = vector.broadcast %broadcast_in_dim3A_119 : vector<16x1xf32> to vector<16x4096xf32>
    %eq3A_121 = arith.cmpf oeq, %select_n3A_116, %eq3A_120 : vector<16x4096xf32>
    %jit3A_122 = arith.constant 2147483647 : i32
    %broadcast_in_dim3A_123 = vector.broadcast %jit3A_122 : i32 to vector<16x4096xi32>
    %select_n3A_124 = arith.select %eq3A_121, %add3A_110, %broadcast_in_dim3A_123 : vector<16x4096xi1>, vector<16x4096xi32>
    %reduce_min3A_125 = arith.constant dense<2147483647> : vector<16xi32>
    %reduce_min3A_126 = vector.multi_reduction <minsi>, %select_n3A_124, %reduce_min3A_125 [1] : vector<16x4096xi32> to vector<16xi32>
    %broadcast_in_dim3A_127 = vector.shape_cast %reduce_min3A_126 : vector<16xi32> to vector<16x1xi32>
    %eq3A_128 = vector.broadcast %broadcast_in_dim3A_127 : vector<16x1xi32> to vector<16x4096xi32>
    %eq3A_129 = arith.cmpi eq, %add3A_110, %eq3A_128 : vector<16x4096xi32>
    %jit3A_130 = arith.constant -3.000000e+38 : f32
    %broadcast_in_dim3A_131 = vector.broadcast %jit3A_130 : f32 to vector<16x4096xf32>
    %select_n3A_132 = arith.select %eq3A_129, %broadcast_in_dim3A_131, %select_n3A_116 : vector<16x4096xi1>, vector<16x4096xf32>
    %reduce_max3A_133 = arith.constant dense<0xFF800000> : vector<16xf32>
    %reduce_max3A_134 = vector.multi_reduction <maximumf>, %select_n3A_132, %reduce_max3A_133 [1] : vector<16x4096xf32> to vector<16xf32>
    %broadcast_in_dim3A_135 = vector.shape_cast %reduce_max3A_134 : vector<16xf32> to vector<16x1xf32>
    %eq3A_136 = vector.broadcast %broadcast_in_dim3A_135 : vector<16x1xf32> to vector<16x4096xf32>
    %eq3A_137 = arith.cmpf oeq, %select_n3A_132, %eq3A_136 : vector<16x4096xf32>
    %jit3A_138 = arith.constant 2147483647 : i32
    %broadcast_in_dim3A_139 = vector.broadcast %jit3A_138 : i32 to vector<16x4096xi32>
    %select_n3A_140 = arith.select %eq3A_137, %add3A_110, %broadcast_in_dim3A_139 : vector<16x4096xi1>, vector<16x4096xi32>
    %reduce_min3A_141 = arith.constant dense<2147483647> : vector<16xi32>
    %reduce_min3A_142 = vector.multi_reduction <minsi>, %select_n3A_140, %reduce_min3A_141 [1] : vector<16x4096xi32> to vector<16xi32>
    %broadcast_in_dim3A_143 = vector.shape_cast %reduce_min3A_142 : vector<16xi32> to vector<16x1xi32>
    %eq3A_144 = vector.broadcast %broadcast_in_dim3A_143 : vector<16x1xi32> to vector<16x4096xi32>
    %eq3A_145 = arith.cmpi eq, %add3A_110, %eq3A_144 : vector<16x4096xi32>
    %jit3A_146 = arith.constant -3.000000e+38 : f32
    %broadcast_in_dim3A_147 = vector.broadcast %jit3A_146 : f32 to vector<16x4096xf32>
    %select_n3A_148 = arith.select %eq3A_145, %broadcast_in_dim3A_147, %select_n3A_132 : vector<16x4096xi1>, vector<16x4096xf32>
    %reduce_max3A_149 = arith.constant dense<0xFF800000> : vector<16xf32>
    %reduce_max3A_150 = vector.multi_reduction <maximumf>, %select_n3A_148, %reduce_max3A_149 [1] : vector<16x4096xf32> to vector<16xf32>
    %broadcast_in_dim3A_151 = vector.shape_cast %reduce_max3A_150 : vector<16xf32> to vector<16x1xf32>
    %eq3A_152 = vector.broadcast %broadcast_in_dim3A_151 : vector<16x1xf32> to vector<16x4096xf32>
    %eq3A_153 = arith.cmpf oeq, %select_n3A_148, %eq3A_152 : vector<16x4096xf32>
    %jit3A_154 = arith.constant 2147483647 : i32
    %broadcast_in_dim3A_155 = vector.broadcast %jit3A_154 : i32 to vector<16x4096xi32>
    %select_n3A_156 = arith.select %eq3A_153, %add3A_110, %broadcast_in_dim3A_155 : vector<16x4096xi1>, vector<16x4096xi32>
    %reduce_min3A_157 = arith.constant dense<2147483647> : vector<16xi32>
    %reduce_min3A_158 = vector.multi_reduction <minsi>, %select_n3A_156, %reduce_min3A_157 [1] : vector<16x4096xi32> to vector<16xi32>
    %broadcast_in_dim3A_159 = vector.shape_cast %reduce_min3A_158 : vector<16xi32> to vector<16x1xi32>
    %eq3A_160 = vector.broadcast %broadcast_in_dim3A_159 : vector<16x1xi32> to vector<16x4096xi32>
    %eq3A_161 = arith.cmpi eq, %add3A_110, %eq3A_160 : vector<16x4096xi32>
    %jit3A_162 = arith.constant -3.000000e+38 : f32
    %broadcast_in_dim3A_163 = vector.broadcast %jit3A_162 : f32 to vector<16x4096xf32>
    %select_n3A_164 = arith.select %eq3A_161, %broadcast_in_dim3A_163, %select_n3A_148 : vector<16x4096xi1>, vector<16x4096xf32>
    %reduce_max3A_165 = arith.constant dense<0xFF800000> : vector<16xf32>
    %reduce_max3A_166 = vector.multi_reduction <maximumf>, %select_n3A_164, %reduce_max3A_165 [1] : vector<16x4096xf32> to vector<16xf32>
    %broadcast_in_dim3A_167 = vector.shape_cast %reduce_max3A_166 : vector<16xf32> to vector<16x1xf32>
    %eq3A_168 = vector.broadcast %broadcast_in_dim3A_167 : vector<16x1xf32> to vector<16x4096xf32>
    %eq3A_169 = arith.cmpf oeq, %select_n3A_164, %eq3A_168 : vector<16x4096xf32>
    %jit3A_170 = arith.constant 2147483647 : i32
    %broadcast_in_dim3A_171 = vector.broadcast %jit3A_170 : i32 to vector<16x4096xi32>
    %select_n3A_172 = arith.select %eq3A_169, %add3A_110, %broadcast_in_dim3A_171 : vector<16x4096xi1>, vector<16x4096xi32>
    %reduce_min3A_173 = arith.constant dense<2147483647> : vector<16xi32>
    %reduce_min3A_174 = vector.multi_reduction <minsi>, %select_n3A_172, %reduce_min3A_173 [1] : vector<16x4096xi32> to vector<16xi32>
    %broadcast_in_dim3A_175 = vector.shape_cast %reduce_min3A_174 : vector<16xi32> to vector<16x1xi32>
    %eq3A_176 = vector.broadcast %broadcast_in_dim3A_175 : vector<16x1xi32> to vector<16x4096xi32>
    %eq3A_177 = arith.cmpi eq, %add3A_110, %eq3A_176 : vector<16x4096xi32>
    %jit3A_178 = arith.constant -3.000000e+38 : f32
    %broadcast_in_dim3A_179 = vector.broadcast %jit3A_178 : f32 to vector<16x4096xf32>
    %select_n3A_180 = arith.select %eq3A_177, %broadcast_in_dim3A_179, %select_n3A_164 : vector<16x4096xi1>, vector<16x4096xf32>
    %reduce_max3A_181 = arith.constant dense<0xFF800000> : vector<16xf32>
    %reduce_max3A_182 = vector.multi_reduction <maximumf>, %select_n3A_180, %reduce_max3A_181 [1] : vector<16x4096xf32> to vector<16xf32>
    %broadcast_in_dim3A_183 = vector.shape_cast %reduce_max3A_182 : vector<16xf32> to vector<16x1xf32>
    %eq3A_184 = vector.broadcast %broadcast_in_dim3A_183 : vector<16x1xf32> to vector<16x4096xf32>
    %eq3A_185 = arith.cmpf oeq, %select_n3A_180, %eq3A_184 : vector<16x4096xf32>
    %jit3A_186 = arith.constant 2147483647 : i32
    %broadcast_in_dim3A_187 = vector.broadcast %jit3A_186 : i32 to vector<16x4096xi32>
    %select_n3A_188 = arith.select %eq3A_185, %add3A_110, %broadcast_in_dim3A_187 : vector<16x4096xi1>, vector<16x4096xi32>
    %reduce_min3A_189 = arith.constant dense<2147483647> : vector<16xi32>
    %reduce_min3A_190 = vector.multi_reduction <minsi>, %select_n3A_188, %reduce_min3A_189 [1] : vector<16x4096xi32> to vector<16xi32>
    %broadcast_in_dim3A_191 = vector.shape_cast %reduce_min3A_190 : vector<16xi32> to vector<16x1xi32>
    %concatenate3A_192 = tpu.concatenate %broadcast_in_dim3A_119, %broadcast_in_dim3A_135, %broadcast_in_dim3A_151, %broadcast_in_dim3A_167, %broadcast_in_dim3A_183 in 1 : vector<16x1xf32>, vector<16x1xf32>, vector<16x1xf32>, vector<16x1xf32>, vector<16x1xf32> -> vector<16x5xf32>
    %concatenate3A_193 = tpu.concatenate %broadcast_in_dim3A_127, %broadcast_in_dim3A_143, %broadcast_in_dim3A_159, %broadcast_in_dim3A_175, %broadcast_in_dim3A_191 in 1 : vector<16x1xi32>, vector<16x1xi32>, vector<16x1xi32>, vector<16x1xi32>, vector<16x1xi32> -> vector<16x5xi32>
    %slice3A_194 = vector.extract_strided_slice %sub3A_14 {offsets = [0, 8192], sizes = [16, 4096], strides = [1, 1]} : vector<16x131072xf32> to vector<16x4096xf32>
    %iota3A_195 = tpu.iota {dimensions = array<i32: 1>} : vector<16x4096xi32>
    %mul3A_196 = arith.constant 131072 : i32
    %mul3A_197 = arith.muli %arg0, %mul3A_196 : i32
    %add3A_198 = arith.constant 8192 : i32
    %add3A_199 = arith.addi %mul3A_197, %add3A_198 : i32
    %add3A_200 = vector.broadcast %add3A_199 : i32 to vector<16x4096xi32>
    %add3A_201 = arith.addi %iota3A_195, %add3A_200 : vector<16x4096xi32>
    %lt3A_202 = arith.constant 1000000 : i32
    %lt3A_203 = vector.broadcast %lt3A_202 : i32 to vector<16x4096xi32>
    %lt3A_204 = arith.cmpi slt, %add3A_201, %lt3A_203 : vector<16x4096xi32>
    %jit3A_205 = arith.constant -3.000000e+38 : f32
    %broadcast_in_dim3A_206 = vector.broadcast %jit3A_205 : f32 to vector<16x4096xf32>
    %select_n3A_207 = arith.select %lt3A_204, %slice3A_194, %broadcast_in_dim3A_206 : vector<16x4096xi1>, vector<16x4096xf32>
    %reduce_max3A_208 = arith.constant dense<0xFF800000> : vector<16xf32>
    %reduce_max3A_209 = vector.multi_reduction <maximumf>, %select_n3A_207, %reduce_max3A_208 [1] : vector<16x4096xf32> to vector<16xf32>
    %broadcast_in_dim3A_210 = vector.shape_cast %reduce_max3A_209 : vector<16xf32> to vector<16x1xf32>
    %eq3A_211 = vector.broadcast %broadcast_in_dim3A_210 : vector<16x1xf32> to vector<16x4096xf32>
    %eq3A_212 = arith.cmpf oeq, %select_n3A_207, %eq3A_211 : vector<16x4096xf32>
    %jit3A_213 = arith.constant 2147483647 : i32
    %broadcast_in_dim3A_214 = vector.broadcast %jit3A_213 : i32 to vector<16x4096xi32>
    %select_n3A_215 = arith.select %eq3A_212, %add3A_201, %broadcast_in_dim3A_214 : vector<16x4096xi1>, vector<16x4096xi32>
    %reduce_min3A_216 = arith.constant dense<2147483647> : vector<16xi32>
    %reduce_min3A_217 = vector.multi_reduction <minsi>, %select_n3A_215, %reduce_min3A_216 [1] : vector<16x4096xi32> to vector<16xi32>
    %broadcast_in_dim3A_218 = vector.shape_cast %reduce_min3A_217 : vector<16xi32> to vector<16x1xi32>
    %eq3A_219 = vector.broadcast %broadcast_in_dim3A_218 : vector<16x1xi32> to vector<16x4096xi32>
    %eq3A_220 = arith.cmpi eq, %add3A_201, %eq3A_219 : vector<16x4096xi32>
    %jit3A_221 = arith.constant -3.000000e+38 : f32
    %broadcast_in_dim3A_222 = vector.broadcast %jit3A_221 : f32 to vector<16x4096xf32>
    %select_n3A_223 = arith.select %eq3A_220, %broadcast_in_dim3A_222, %select_n3A_207 : vector<16x4096xi1>, vector<16x4096xf32>
    %reduce_max3A_224 = arith.constant dense<0xFF800000> : vector<16xf32>
    %reduce_max3A_225 = vector.multi_reduction <maximumf>, %select_n3A_223, %reduce_max3A_224 [1] : vector<16x4096xf32> to vector<16xf32>
    %broadcast_in_dim3A_226 = vector.shape_cast %reduce_max3A_225 : vector<16xf32> to vector<16x1xf32>
    %eq3A_227 = vector.broadcast %broadcast_in_dim3A_226 : vector<16x1xf32> to vector<16x4096xf32>
    %eq3A_228 = arith.cmpf oeq, %select_n3A_223, %eq3A_227 : vector<16x4096xf32>
    %jit3A_229 = arith.constant 2147483647 : i32
    %broadcast_in_dim3A_230 = vector.broadcast %jit3A_229 : i32 to vector<16x4096xi32>
    %select_n3A_231 = arith.select %eq3A_228, %add3A_201, %broadcast_in_dim3A_230 : vector<16x4096xi1>, vector<16x4096xi32>
    %reduce_min3A_232 = arith.constant dense<2147483647> : vector<16xi32>
    %reduce_min3A_233 = vector.multi_reduction <minsi>, %select_n3A_231, %reduce_min3A_232 [1] : vector<16x4096xi32> to vector<16xi32>
    %broadcast_in_dim3A_234 = vector.shape_cast %reduce_min3A_233 : vector<16xi32> to vector<16x1xi32>
    %eq3A_235 = vector.broadcast %broadcast_in_dim3A_234 : vector<16x1xi32> to vector<16x4096xi32>
    %eq3A_236 = arith.cmpi eq, %add3A_201, %eq3A_235 : vector<16x4096xi32>
    %jit3A_237 = arith.constant -3.000000e+38 : f32
    %broadcast_in_dim3A_238 = vector.broadcast %jit3A_237 : f32 to vector<16x4096xf32>
    %select_n3A_239 = arith.select %eq3A_236, %broadcast_in_dim3A_238, %select_n3A_223 : vector<16x4096xi1>, vector<16x4096xf32>
    %reduce_max3A_240 = arith.constant dense<0xFF800000> : vector<16xf32>
    %reduce_max3A_241 = vector.multi_reduction <maximumf>, %select_n3A_239, %reduce_max3A_240 [1] : vector<16x4096xf32> to vector<16xf32>
    %broadcast_in_dim3A_242 = vector.shape_cast %reduce_max3A_241 : vector<16xf32> to vector<16x1xf32>
    %eq3A_243 = vector.broadcast %broadcast_in_dim3A_242 : vector<16x1xf32> to vector<16x4096xf32>
    %eq3A_244 = arith.cmpf oeq, %select_n3A_239, %eq3A_243 : vector<16x4096xf32>
    %jit3A_245 = arith.constant 2147483647 : i32
    %broadcast_in_dim3A_246 = vector.broadcast %jit3A_245 : i32 to vector<16x4096xi32>
    %select_n3A_247 = arith.select %eq3A_244, %add3A_201, %broadcast_in_dim3A_246 : vector<16x4096xi1>, vector<16x4096xi32>
    %reduce_min3A_248 = arith.constant dense<2147483647> : vector<16xi32>
    %reduce_min3A_249 = vector.multi_reduction <minsi>, %select_n3A_247, %reduce_min3A_248 [1] : vector<16x4096xi32> to vector<16xi32>
    %broadcast_in_dim3A_250 = vector.shape_cast %reduce_min3A_249 : vector<16xi32> to vector<16x1xi32>
    %eq3A_251 = vector.broadcast %broadcast_in_dim3A_250 : vector<16x1xi32> to vector<16x4096xi32>
    %eq3A_252 = arith.cmpi eq, %add3A_201, %eq3A_251 : vector<16x4096xi32>
    %jit3A_253 = arith.constant -3.000000e+38 : f32
    %broadcast_in_dim3A_254 = vector.broadcast %jit3A_253 : f32 to vector<16x4096xf32>
    %select_n3A_255 = arith.select %eq3A_252, %broadcast_in_dim3A_254, %select_n3A_239 : vector<16x4096xi1>, vector<16x4096xf32>
    %reduce_max3A_256 = arith.constant dense<0xFF800000> : vector<16xf32>
    %reduce_max3A_257 = vector.multi_reduction <maximumf>, %select_n3A_255, %reduce_max3A_256 [1] : vector<16x4096xf32> to vector<16xf32>
    %broadcast_in_dim3A_258 = vector.shape_cast %reduce_max3A_257 : vector<16xf32> to vector<16x1xf32>
    %eq3A_259 = vector.broadcast %broadcast_in_dim3A_258 : vector<16x1xf32> to vector<16x4096xf32>
    %eq3A_260 = arith.cmpf oeq, %select_n3A_255, %eq3A_259 : vector<16x4096xf32>
    %jit3A_261 = arith.constant 2147483647 : i32
    %broadcast_in_dim3A_262 = vector.broadcast %jit3A_261 : i32 to vector<16x4096xi32>
    %select_n3A_263 = arith.select %eq3A_260, %add3A_201, %broadcast_in_dim3A_262 : vector<16x4096xi1>, vector<16x4096xi32>
    %reduce_min3A_264 = arith.constant dense<2147483647> : vector<16xi32>
    %reduce_min3A_265 = vector.multi_reduction <minsi>, %select_n3A_263, %reduce_min3A_264 [1] : vector<16x4096xi32> to vector<16xi32>
    %broadcast_in_dim3A_266 = vector.shape_cast %reduce_min3A_265 : vector<16xi32> to vector<16x1xi32>
    %eq3A_267 = vector.broadcast %broadcast_in_dim3A_266 : vector<16x1xi32> to vector<16x4096xi32>
    %eq3A_268 = arith.cmpi eq, %add3A_201, %eq3A_267 : vector<16x4096xi32>
    %jit3A_269 = arith.constant -3.000000e+38 : f32
    %broadcast_in_dim3A_270 = vector.broadcast %jit3A_269 : f32 to vector<16x4096xf32>
    %select_n3A_271 = arith.select %eq3A_268, %broadcast_in_dim3A_270, %select_n3A_255 : vector<16x4096xi1>, vector<16x4096xf32>
    %reduce_max3A_272 = arith.constant dense<0xFF800000> : vector<16xf32>
    %reduce_max3A_273 = vector.multi_reduction <maximumf>, %select_n3A_271, %reduce_max3A_272 [1] : vector<16x4096xf32> to vector<16xf32>
    %broadcast_in_dim3A_274 = vector.shape_cast %reduce_max3A_273 : vector<16xf32> to vector<16x1xf32>
    %eq3A_275 = vector.broadcast %broadcast_in_dim3A_274 : vector<16x1xf32> to vector<16x4096xf32>
    %eq3A_276 = arith.cmpf oeq, %select_n3A_271, %eq3A_275 : vector<16x4096xf32>
    %jit3A_277 = arith.constant 2147483647 : i32
    %broadcast_in_dim3A_278 = vector.broadcast %jit3A_277 : i32 to vector<16x4096xi32>
    %select_n3A_279 = arith.select %eq3A_276, %add3A_201, %broadcast_in_dim3A_278 : vector<16x4096xi1>, vector<16x4096xi32>
    %reduce_min3A_280 = arith.constant dense<2147483647> : vector<16xi32>
    %reduce_min3A_281 = vector.multi_reduction <minsi>, %select_n3A_279, %reduce_min3A_280 [1] : vector<16x4096xi32> to vector<16xi32>
    %broadcast_in_dim3A_282 = vector.shape_cast %reduce_min3A_281 : vector<16xi32> to vector<16x1xi32>
    %concatenate3A_283 = tpu.concatenate %broadcast_in_dim3A_210, %broadcast_in_dim3A_226, %broadcast_in_dim3A_242, %broadcast_in_dim3A_258, %broadcast_in_dim3A_274 in 1 : vector<16x1xf32>, vector<16x1xf32>, vector<16x1xf32>, vector<16x1xf32>, vector<16x1xf32> -> vector<16x5xf32>
    %concatenate3A_284 = tpu.concatenate %broadcast_in_dim3A_218, %broadcast_in_dim3A_234, %broadcast_in_dim3A_250, %broadcast_in_dim3A_266, %broadcast_in_dim3A_282 in 1 : vector<16x1xi32>, vector<16x1xi32>, vector<16x1xi32>, vector<16x1xi32>, vector<16x1xi32> -> vector<16x5xi32>
    %slice3A_285 = vector.extract_strided_slice %sub3A_14 {offsets = [0, 12288], sizes = [16, 4096], strides = [1, 1]} : vector<16x131072xf32> to vector<16x4096xf32>
    %iota3A_286 = tpu.iota {dimensions = array<i32: 1>} : vector<16x4096xi32>
    %mul3A_287 = arith.constant 131072 : i32
    %mul3A_288 = arith.muli %arg0, %mul3A_287 : i32
    %add3A_289 = arith.constant 12288 : i32
    %add3A_290 = arith.addi %mul3A_288, %add3A_289 : i32
    %add3A_291 = vector.broadcast %add3A_290 : i32 to vector<16x4096xi32>
    %add3A_292 = arith.addi %iota3A_286, %add3A_291 : vector<16x4096xi32>
    %lt3A_293 = arith.constant 1000000 : i32
    %lt3A_294 = vector.broadcast %lt3A_293 : i32 to vector<16x4096xi32>
    %lt3A_295 = arith.cmpi slt, %add3A_292, %lt3A_294 : vector<16x4096xi32>
    %jit3A_296 = arith.constant -3.000000e+38 : f32
    %broadcast_in_dim3A_297 = vector.broadcast %jit3A_296 : f32 to vector<16x4096xf32>
    %select_n3A_298 = arith.select %lt3A_295, %slice3A_285, %broadcast_in_dim3A_297 : vector<16x4096xi1>, vector<16x4096xf32>
    %reduce_max3A_299 = arith.constant dense<0xFF800000> : vector<16xf32>
    %reduce_max3A_300 = vector.multi_reduction <maximumf>, %select_n3A_298, %reduce_max3A_299 [1] : vector<16x4096xf32> to vector<16xf32>
    %broadcast_in_dim3A_301 = vector.shape_cast %reduce_max3A_300 : vector<16xf32> to vector<16x1xf32>
    %eq3A_302 = vector.broadcast %broadcast_in_dim3A_301 : vector<16x1xf32> to vector<16x4096xf32>
    %eq3A_303 = arith.cmpf oeq, %select_n3A_298, %eq3A_302 : vector<16x4096xf32>
    %jit3A_304 = arith.constant 2147483647 : i32
    %broadcast_in_dim3A_305 = vector.broadcast %jit3A_304 : i32 to vector<16x4096xi32>
    %select_n3A_306 = arith.select %eq3A_303, %add3A_292, %broadcast_in_dim3A_305 : vector<16x4096xi1>, vector<16x4096xi32>
    %reduce_min3A_307 = arith.constant dense<2147483647> : vector<16xi32>
    %reduce_min3A_308 = vector.multi_reduction <minsi>, %select_n3A_306, %reduce_min3A_307 [1] : vector<16x4096xi32> to vector<16xi32>
    %broadcast_in_dim3A_309 = vector.shape_cast %reduce_min3A_308 : vector<16xi32> to vector<16x1xi32>
    %eq3A_310 = vector.broadcast %broadcast_in_dim3A_309 : vector<16x1xi32> to vector<16x4096xi32>
    %eq3A_311 = arith.cmpi eq, %add3A_292, %eq3A_310 : vector<16x4096xi32>
    %jit3A_312 = arith.constant -3.000000e+38 : f32
    %broadcast_in_dim3A_313 = vector.broadcast %jit3A_312 : f32 to vector<16x4096xf32>
    %select_n3A_314 = arith.select %eq3A_311, %broadcast_in_dim3A_313, %select_n3A_298 : vector<16x4096xi1>, vector<16x4096xf32>
    %reduce_max3A_315 = arith.constant dense<0xFF800000> : vector<16xf32>
    %reduce_max3A_316 = vector.multi_reduction <maximumf>, %select_n3A_314, %reduce_max3A_315 [1] : vector<16x4096xf32> to vector<16xf32>
    %broadcast_in_dim3A_317 = vector.shape_cast %reduce_max3A_316 : vector<16xf32> to vector<16x1xf32>
    %eq3A_318 = vector.broadcast %broadcast_in_dim3A_317 : vector<16x1xf32> to vector<16x4096xf32>
    %eq3A_319 = arith.cmpf oeq, %select_n3A_314, %eq3A_318 : vector<16x4096xf32>
    %jit3A_320 = arith.constant 2147483647 : i32
    %broadcast_in_dim3A_321 = vector.broadcast %jit3A_320 : i32 to vector<16x4096xi32>
    %select_n3A_322 = arith.select %eq3A_319, %add3A_292, %broadcast_in_dim3A_321 : vector<16x4096xi1>, vector<16x4096xi32>
    %reduce_min3A_323 = arith.constant dense<2147483647> : vector<16xi32>
    %reduce_min3A_324 = vector.multi_reduction <minsi>, %select_n3A_322, %reduce_min3A_323 [1] : vector<16x4096xi32> to vector<16xi32>
    %broadcast_in_dim3A_325 = vector.shape_cast %reduce_min3A_324 : vector<16xi32> to vector<16x1xi32>
    %eq3A_326 = vector.broadcast %broadcast_in_dim3A_325 : vector<16x1xi32> to vector<16x4096xi32>
    %eq3A_327 = arith.cmpi eq, %add3A_292, %eq3A_326 : vector<16x4096xi32>
    %jit3A_328 = arith.constant -3.000000e+38 : f32
    %broadcast_in_dim3A_329 = vector.broadcast %jit3A_328 : f32 to vector<16x4096xf32>
    %select_n3A_330 = arith.select %eq3A_327, %broadcast_in_dim3A_329, %select_n3A_314 : vector<16x4096xi1>, vector<16x4096xf32>
    %reduce_max3A_331 = arith.constant dense<0xFF800000> : vector<16xf32>
    %reduce_max3A_332 = vector.multi_reduction <maximumf>, %select_n3A_330, %reduce_max3A_331 [1] : vector<16x4096xf32> to vector<16xf32>
    %broadcast_in_dim3A_333 = vector.shape_cast %reduce_max3A_332 : vector<16xf32> to vector<16x1xf32>
    %eq3A_334 = vector.broadcast %broadcast_in_dim3A_333 : vector<16x1xf32> to vector<16x4096xf32>
    %eq3A_335 = arith.cmpf oeq, %select_n3A_330, %eq3A_334 : vector<16x4096xf32>
    %jit3A_336 = arith.constant 2147483647 : i32
    %broadcast_in_dim3A_337 = vector.broadcast %jit3A_336 : i32 to vector<16x4096xi32>
    %select_n3A_338 = arith.select %eq3A_335, %add3A_292, %broadcast_in_dim3A_337 : vector<16x4096xi1>, vector<16x4096xi32>
    %reduce_min3A_339 = arith.constant dense<2147483647> : vector<16xi32>
    %reduce_min3A_340 = vector.multi_reduction <minsi>, %select_n3A_338, %reduce_min3A_339 [1] : vector<16x4096xi32> to vector<16xi32>
    %broadcast_in_dim3A_341 = vector.shape_cast %reduce_min3A_340 : vector<16xi32> to vector<16x1xi32>
    %eq3A_342 = vector.broadcast %broadcast_in_dim3A_341 : vector<16x1xi32> to vector<16x4096xi32>
    %eq3A_343 = arith.cmpi eq, %add3A_292, %eq3A_342 : vector<16x4096xi32>
    %jit3A_344 = arith.constant -3.000000e+38 : f32
    %broadcast_in_dim3A_345 = vector.broadcast %jit3A_344 : f32 to vector<16x4096xf32>
    %select_n3A_346 = arith.select %eq3A_343, %broadcast_in_dim3A_345, %select_n3A_330 : vector<16x4096xi1>, vector<16x4096xf32>
    %reduce_max3A_347 = arith.constant dense<0xFF800000> : vector<16xf32>
    %reduce_max3A_348 = vector.multi_reduction <maximumf>, %select_n3A_346, %reduce_max3A_347 [1] : vector<16x4096xf32> to vector<16xf32>
    %broadcast_in_dim3A_349 = vector.shape_cast %reduce_max3A_348 : vector<16xf32> to vector<16x1xf32>
    %eq3A_350 = vector.broadcast %broadcast_in_dim3A_349 : vector<16x1xf32> to vector<16x4096xf32>
    %eq3A_351 = arith.cmpf oeq, %select_n3A_346, %eq3A_350 : vector<16x4096xf32>
    %jit3A_352 = arith.constant 2147483647 : i32
    %broadcast_in_dim3A_353 = vector.broadcast %jit3A_352 : i32 to vector<16x4096xi32>
    %select_n3A_354 = arith.select %eq3A_351, %add3A_292, %broadcast_in_dim3A_353 : vector<16x4096xi1>, vector<16x4096xi32>
    %reduce_min3A_355 = arith.constant dense<2147483647> : vector<16xi32>
    %reduce_min3A_356 = vector.multi_reduction <minsi>, %select_n3A_354, %reduce_min3A_355 [1] : vector<16x4096xi32> to vector<16xi32>
    %broadcast_in_dim3A_357 = vector.shape_cast %reduce_min3A_356 : vector<16xi32> to vector<16x1xi32>
    %eq3A_358 = vector.broadcast %broadcast_in_dim3A_357 : vector<16x1xi32> to vector<16x4096xi32>
    %eq3A_359 = arith.cmpi eq, %add3A_292, %eq3A_358 : vector<16x4096xi32>
    %jit3A_360 = arith.constant -3.000000e+38 : f32
    %broadcast_in_dim3A_361 = vector.broadcast %jit3A_360 : f32 to vector<16x4096xf32>
    %select_n3A_362 = arith.select %eq3A_359, %broadcast_in_dim3A_361, %select_n3A_346 : vector<16x4096xi1>, vector<16x4096xf32>
    %reduce_max3A_363 = arith.constant dense<0xFF800000> : vector<16xf32>
    %reduce_max3A_364 = vector.multi_reduction <maximumf>, %select_n3A_362, %reduce_max3A_363 [1] : vector<16x4096xf32> to vector<16xf32>
    %broadcast_in_dim3A_365 = vector.shape_cast %reduce_max3A_364 : vector<16xf32> to vector<16x1xf32>
    %eq3A_366 = vector.broadcast %broadcast_in_dim3A_365 : vector<16x1xf32> to vector<16x4096xf32>
    %eq3A_367 = arith.cmpf oeq, %select_n3A_362, %eq3A_366 : vector<16x4096xf32>
    %jit3A_368 = arith.constant 2147483647 : i32
    %broadcast_in_dim3A_369 = vector.broadcast %jit3A_368 : i32 to vector<16x4096xi32>
    %select_n3A_370 = arith.select %eq3A_367, %add3A_292, %broadcast_in_dim3A_369 : vector<16x4096xi1>, vector<16x4096xi32>
    %reduce_min3A_371 = arith.constant dense<2147483647> : vector<16xi32>
    %reduce_min3A_372 = vector.multi_reduction <minsi>, %select_n3A_370, %reduce_min3A_371 [1] : vector<16x4096xi32> to vector<16xi32>
    %broadcast_in_dim3A_373 = vector.shape_cast %reduce_min3A_372 : vector<16xi32> to vector<16x1xi32>
    %concatenate3A_374 = tpu.concatenate %broadcast_in_dim3A_301, %broadcast_in_dim3A_317, %broadcast_in_dim3A_333, %broadcast_in_dim3A_349, %broadcast_in_dim3A_365 in 1 : vector<16x1xf32>, vector<16x1xf32>, vector<16x1xf32>, vector<16x1xf32>, vector<16x1xf32> -> vector<16x5xf32>
    %concatenate3A_375 = tpu.concatenate %broadcast_in_dim3A_309, %broadcast_in_dim3A_325, %broadcast_in_dim3A_341, %broadcast_in_dim3A_357, %broadcast_in_dim3A_373 in 1 : vector<16x1xi32>, vector<16x1xi32>, vector<16x1xi32>, vector<16x1xi32>, vector<16x1xi32> -> vector<16x5xi32>
    %slice3A_376 = vector.extract_strided_slice %sub3A_14 {offsets = [0, 16384], sizes = [16, 4096], strides = [1, 1]} : vector<16x131072xf32> to vector<16x4096xf32>
    %iota3A_377 = tpu.iota {dimensions = array<i32: 1>} : vector<16x4096xi32>
    %mul3A_378 = arith.constant 131072 : i32
    %mul3A_379 = arith.muli %arg0, %mul3A_378 : i32
    %add3A_380 = arith.constant 16384 : i32
    %add3A_381 = arith.addi %mul3A_379, %add3A_380 : i32
    %add3A_382 = vector.broadcast %add3A_381 : i32 to vector<16x4096xi32>
    %add3A_383 = arith.addi %iota3A_377, %add3A_382 : vector<16x4096xi32>
    %lt3A_384 = arith.constant 1000000 : i32
    %lt3A_385 = vector.broadcast %lt3A_384 : i32 to vector<16x4096xi32>
    %lt3A_386 = arith.cmpi slt, %add3A_383, %lt3A_385 : vector<16x4096xi32>
    %jit3A_387 = arith.constant -3.000000e+38 : f32
    %broadcast_in_dim3A_388 = vector.broadcast %jit3A_387 : f32 to vector<16x4096xf32>
    %select_n3A_389 = arith.select %lt3A_386, %slice3A_376, %broadcast_in_dim3A_388 : vector<16x4096xi1>, vector<16x4096xf32>
    %reduce_max3A_390 = arith.constant dense<0xFF800000> : vector<16xf32>
    %reduce_max3A_391 = vector.multi_reduction <maximumf>, %select_n3A_389, %reduce_max3A_390 [1] : vector<16x4096xf32> to vector<16xf32>
    %broadcast_in_dim3A_392 = vector.shape_cast %reduce_max3A_391 : vector<16xf32> to vector<16x1xf32>
    %eq3A_393 = vector.broadcast %broadcast_in_dim3A_392 : vector<16x1xf32> to vector<16x4096xf32>
    %eq3A_394 = arith.cmpf oeq, %select_n3A_389, %eq3A_393 : vector<16x4096xf32>
    %jit3A_395 = arith.constant 2147483647 : i32
    %broadcast_in_dim3A_396 = vector.broadcast %jit3A_395 : i32 to vector<16x4096xi32>
    %select_n3A_397 = arith.select %eq3A_394, %add3A_383, %broadcast_in_dim3A_396 : vector<16x4096xi1>, vector<16x4096xi32>
    %reduce_min3A_398 = arith.constant dense<2147483647> : vector<16xi32>
    %reduce_min3A_399 = vector.multi_reduction <minsi>, %select_n3A_397, %reduce_min3A_398 [1] : vector<16x4096xi32> to vector<16xi32>
    %broadcast_in_dim3A_400 = vector.shape_cast %reduce_min3A_399 : vector<16xi32> to vector<16x1xi32>
    %eq3A_401 = vector.broadcast %broadcast_in_dim3A_400 : vector<16x1xi32> to vector<16x4096xi32>
    %eq3A_402 = arith.cmpi eq, %add3A_383, %eq3A_401 : vector<16x4096xi32>
    %jit3A_403 = arith.constant -3.000000e+38 : f32
    %broadcast_in_dim3A_404 = vector.broadcast %jit3A_403 : f32 to vector<16x4096xf32>
    %select_n3A_405 = arith.select %eq3A_402, %broadcast_in_dim3A_404, %select_n3A_389 : vector<16x4096xi1>, vector<16x4096xf32>
    %reduce_max3A_406 = arith.constant dense<0xFF800000> : vector<16xf32>
    %reduce_max3A_407 = vector.multi_reduction <maximumf>, %select_n3A_405, %reduce_max3A_406 [1] : vector<16x4096xf32> to vector<16xf32>
    %broadcast_in_dim3A_408 = vector.shape_cast %reduce_max3A_407 : vector<16xf32> to vector<16x1xf32>
    %eq3A_409 = vector.broadcast %broadcast_in_dim3A_408 : vector<16x1xf32> to vector<16x4096xf32>
    %eq3A_410 = arith.cmpf oeq, %select_n3A_405, %eq3A_409 : vector<16x4096xf32>
    %jit3A_411 = arith.constant 2147483647 : i32
    %broadcast_in_dim3A_412 = vector.broadcast %jit3A_411 : i32 to vector<16x4096xi32>
    %select_n3A_413 = arith.select %eq3A_410, %add3A_383, %broadcast_in_dim3A_412 : vector<16x4096xi1>, vector<16x4096xi32>
    %reduce_min3A_414 = arith.constant dense<2147483647> : vector<16xi32>
    %reduce_min3A_415 = vector.multi_reduction <minsi>, %select_n3A_413, %reduce_min3A_414 [1] : vector<16x4096xi32> to vector<16xi32>
    %broadcast_in_dim3A_416 = vector.shape_cast %reduce_min3A_415 : vector<16xi32> to vector<16x1xi32>
    %eq3A_417 = vector.broadcast %broadcast_in_dim3A_416 : vector<16x1xi32> to vector<16x4096xi32>
    %eq3A_418 = arith.cmpi eq, %add3A_383, %eq3A_417 : vector<16x4096xi32>
    %jit3A_419 = arith.constant -3.000000e+38 : f32
    %broadcast_in_dim3A_420 = vector.broadcast %jit3A_419 : f32 to vector<16x4096xf32>
    %select_n3A_421 = arith.select %eq3A_418, %broadcast_in_dim3A_420, %select_n3A_405 : vector<16x4096xi1>, vector<16x4096xf32>
    %reduce_max3A_422 = arith.constant dense<0xFF800000> : vector<16xf32>
    %reduce_max3A_423 = vector.multi_reduction <maximumf>, %select_n3A_421, %reduce_max3A_422 [1] : vector<16x4096xf32> to vector<16xf32>
    %broadcast_in_dim3A_424 = vector.shape_cast %reduce_max3A_423 : vector<16xf32> to vector<16x1xf32>
    %eq3A_425 = vector.broadcast %broadcast_in_dim3A_424 : vector<16x1xf32> to vector<16x4096xf32>
    %eq3A_426 = arith.cmpf oeq, %select_n3A_421, %eq3A_425 : vector<16x4096xf32>
    %jit3A_427 = arith.constant 2147483647 : i32
    %broadcast_in_dim3A_428 = vector.broadcast %jit3A_427 : i32 to vector<16x4096xi32>
    %select_n3A_429 = arith.select %eq3A_426, %add3A_383, %broadcast_in_dim3A_428 : vector<16x4096xi1>, vector<16x4096xi32>
    %reduce_min3A_430 = arith.constant dense<2147483647> : vector<16xi32>
    %reduce_min3A_431 = vector.multi_reduction <minsi>, %select_n3A_429, %reduce_min3A_430 [1] : vector<16x4096xi32> to vector<16xi32>
    %broadcast_in_dim3A_432 = vector.shape_cast %reduce_min3A_431 : vector<16xi32> to vector<16x1xi32>
    %eq3A_433 = vector.broadcast %broadcast_in_dim3A_432 : vector<16x1xi32> to vector<16x4096xi32>
    %eq3A_434 = arith.cmpi eq, %add3A_383, %eq3A_433 : vector<16x4096xi32>
    %jit3A_435 = arith.constant -3.000000e+38 : f32
    %broadcast_in_dim3A_436 = vector.broadcast %jit3A_435 : f32 to vector<16x4096xf32>
    %select_n3A_437 = arith.select %eq3A_434, %broadcast_in_dim3A_436, %select_n3A_421 : vector<16x4096xi1>, vector<16x4096xf32>
    %reduce_max3A_438 = arith.constant dense<0xFF800000> : vector<16xf32>
    %reduce_max3A_439 = vector.multi_reduction <maximumf>, %select_n3A_437, %reduce_max3A_438 [1] : vector<16x4096xf32> to vector<16xf32>
    %broadcast_in_dim3A_440 = vector.shape_cast %reduce_max3A_439 : vector<16xf32> to vector<16x1xf32>
    %eq3A_441 = vector.broadcast %broadcast_in_dim3A_440 : vector<16x1xf32> to vector<16x4096xf32>
    %eq3A_442 = arith.cmpf oeq, %select_n3A_437, %eq3A_441 : vector<16x4096xf32>
    %jit3A_443 = arith.constant 2147483647 : i32
    %broadcast_in_dim3A_444 = vector.broadcast %jit3A_443 : i32 to vector<16x4096xi32>
    %select_n3A_445 = arith.select %eq3A_442, %add3A_383, %broadcast_in_dim3A_444 : vector<16x4096xi1>, vector<16x4096xi32>
    %reduce_min3A_446 = arith.constant dense<2147483647> : vector<16xi32>
    %reduce_min3A_447 = vector.multi_reduction <minsi>, %select_n3A_445, %reduce_min3A_446 [1] : vector<16x4096xi32> to vector<16xi32>
    %broadcast_in_dim3A_448 = vector.shape_cast %reduce_min3A_447 : vector<16xi32> to vector<16x1xi32>
    %eq3A_449 = vector.broadcast %broadcast_in_dim3A_448 : vector<16x1xi32> to vector<16x4096xi32>
    %eq3A_450 = arith.cmpi eq, %add3A_383, %eq3A_449 : vector<16x4096xi32>
    %jit3A_451 = arith.constant -3.000000e+38 : f32
    %broadcast_in_dim3A_452 = vector.broadcast %jit3A_451 : f32 to vector<16x4096xf32>
    %select_n3A_453 = arith.select %eq3A_450, %broadcast_in_dim3A_452, %select_n3A_437 : vector<16x4096xi1>, vector<16x4096xf32>
    %reduce_max3A_454 = arith.constant dense<0xFF800000> : vector<16xf32>
    %reduce_max3A_455 = vector.multi_reduction <maximumf>, %select_n3A_453, %reduce_max3A_454 [1] : vector<16x4096xf32> to vector<16xf32>
    %broadcast_in_dim3A_456 = vector.shape_cast %reduce_max3A_455 : vector<16xf32> to vector<16x1xf32>
    %eq3A_457 = vector.broadcast %broadcast_in_dim3A_456 : vector<16x1xf32> to vector<16x4096xf32>
    %eq3A_458 = arith.cmpf oeq, %select_n3A_453, %eq3A_457 : vector<16x4096xf32>
    %jit3A_459 = arith.constant 2147483647 : i32
    %broadcast_in_dim3A_460 = vector.broadcast %jit3A_459 : i32 to vector<16x4096xi32>
    %select_n3A_461 = arith.select %eq3A_458, %add3A_383, %broadcast_in_dim3A_460 : vector<16x4096xi1>, vector<16x4096xi32>
    %reduce_min3A_462 = arith.constant dense<2147483647> : vector<16xi32>
    %reduce_min3A_463 = vector.multi_reduction <minsi>, %select_n3A_461, %reduce_min3A_462 [1] : vector<16x4096xi32> to vector<16xi32>
    %broadcast_in_dim3A_464 = vector.shape_cast %reduce_min3A_463 : vector<16xi32> to vector<16x1xi32>
    %concatenate3A_465 = tpu.concatenate %broadcast_in_dim3A_392, %broadcast_in_dim3A_408, %broadcast_in_dim3A_424, %broadcast_in_dim3A_440, %broadcast_in_dim3A_456 in 1 : vector<16x1xf32>, vector<16x1xf32>, vector<16x1xf32>, vector<16x1xf32>, vector<16x1xf32> -> vector<16x5xf32>
    %concatenate3A_466 = tpu.concatenate %broadcast_in_dim3A_400, %broadcast_in_dim3A_416, %broadcast_in_dim3A_432, %broadcast_in_dim3A_448, %broadcast_in_dim3A_464 in 1 : vector<16x1xi32>, vector<16x1xi32>, vector<16x1xi32>, vector<16x1xi32>, vector<16x1xi32> -> vector<16x5xi32>
    %slice3A_467 = vector.extract_strided_slice %sub3A_14 {offsets = [0, 20480], sizes = [16, 4096], strides = [1, 1]} : vector<16x131072xf32> to vector<16x4096xf32>
    %iota3A_468 = tpu.iota {dimensions = array<i32: 1>} : vector<16x4096xi32>
    %mul3A_469 = arith.constant 131072 : i32
    %mul3A_470 = arith.muli %arg0, %mul3A_469 : i32
    %add3A_471 = arith.constant 20480 : i32
    %add3A_472 = arith.addi %mul3A_470, %add3A_471 : i32
    %add3A_473 = vector.broadcast %add3A_472 : i32 to vector<16x4096xi32>
    %add3A_474 = arith.addi %iota3A_468, %add3A_473 : vector<16x4096xi32>
    %lt3A_475 = arith.constant 1000000 : i32
    %lt3A_476 = vector.broadcast %lt3A_475 : i32 to vector<16x4096xi32>
    %lt3A_477 = arith.cmpi slt, %add3A_474, %lt3A_476 : vector<16x4096xi32>
    %jit3A_478 = arith.constant -3.000000e+38 : f32
    %broadcast_in_dim3A_479 = vector.broadcast %jit3A_478 : f32 to vector<16x4096xf32>
    %select_n3A_480 = arith.select %lt3A_477, %slice3A_467, %broadcast_in_dim3A_479 : vector<16x4096xi1>, vector<16x4096xf32>
    %reduce_max3A_481 = arith.constant dense<0xFF800000> : vector<16xf32>
    %reduce_max3A_482 = vector.multi_reduction <maximumf>, %select_n3A_480, %reduce_max3A_481 [1] : vector<16x4096xf32> to vector<16xf32>
    %broadcast_in_dim3A_483 = vector.shape_cast %reduce_max3A_482 : vector<16xf32> to vector<16x1xf32>
    %eq3A_484 = vector.broadcast %broadcast_in_dim3A_483 : vector<16x1xf32> to vector<16x4096xf32>
    %eq3A_485 = arith.cmpf oeq, %select_n3A_480, %eq3A_484 : vector<16x4096xf32>
    %jit3A_486 = arith.constant 2147483647 : i32
    %broadcast_in_dim3A_487 = vector.broadcast %jit3A_486 : i32 to vector<16x4096xi32>
    %select_n3A_488 = arith.select %eq3A_485, %add3A_474, %broadcast_in_dim3A_487 : vector<16x4096xi1>, vector<16x4096xi32>
    %reduce_min3A_489 = arith.constant dense<2147483647> : vector<16xi32>
    %reduce_min3A_490 = vector.multi_reduction <minsi>, %select_n3A_488, %reduce_min3A_489 [1] : vector<16x4096xi32> to vector<16xi32>
    %broadcast_in_dim3A_491 = vector.shape_cast %reduce_min3A_490 : vector<16xi32> to vector<16x1xi32>
    %eq3A_492 = vector.broadcast %broadcast_in_dim3A_491 : vector<16x1xi32> to vector<16x4096xi32>
    %eq3A_493 = arith.cmpi eq, %add3A_474, %eq3A_492 : vector<16x4096xi32>
    %jit3A_494 = arith.constant -3.000000e+38 : f32
    %broadcast_in_dim3A_495 = vector.broadcast %jit3A_494 : f32 to vector<16x4096xf32>
    %select_n3A_496 = arith.select %eq3A_493, %broadcast_in_dim3A_495, %select_n3A_480 : vector<16x4096xi1>, vector<16x4096xf32>
    %reduce_max3A_497 = arith.constant dense<0xFF800000> : vector<16xf32>
    %reduce_max3A_498 = vector.multi_reduction <maximumf>, %select_n3A_496, %reduce_max3A_497 [1] : vector<16x4096xf32> to vector<16xf32>
    %broadcast_in_dim3A_499 = vector.shape_cast %reduce_max3A_498 : vector<16xf32> to vector<16x1xf32>
    %eq3A_500 = vector.broadcast %broadcast_in_dim3A_499 : vector<16x1xf32> to vector<16x4096xf32>
    %eq3A_501 = arith.cmpf oeq, %select_n3A_496, %eq3A_500 : vector<16x4096xf32>
    %jit3A_502 = arith.constant 2147483647 : i32
    %broadcast_in_dim3A_503 = vector.broadcast %jit3A_502 : i32 to vector<16x4096xi32>
    %select_n3A_504 = arith.select %eq3A_501, %add3A_474, %broadcast_in_dim3A_503 : vector<16x4096xi1>, vector<16x4096xi32>
    %reduce_min3A_505 = arith.constant dense<2147483647> : vector<16xi32>
    %reduce_min3A_506 = vector.multi_reduction <minsi>, %select_n3A_504, %reduce_min3A_505 [1] : vector<16x4096xi32> to vector<16xi32>
    %broadcast_in_dim3A_507 = vector.shape_cast %reduce_min3A_506 : vector<16xi32> to vector<16x1xi32>
    %eq3A_508 = vector.broadcast %broadcast_in_dim3A_507 : vector<16x1xi32> to vector<16x4096xi32>
    %eq3A_509 = arith.cmpi eq, %add3A_474, %eq3A_508 : vector<16x4096xi32>
    %jit3A_510 = arith.constant -3.000000e+38 : f32
    %broadcast_in_dim3A_511 = vector.broadcast %jit3A_510 : f32 to vector<16x4096xf32>
    %select_n3A_512 = arith.select %eq3A_509, %broadcast_in_dim3A_511, %select_n3A_496 : vector<16x4096xi1>, vector<16x4096xf32>
    %reduce_max3A_513 = arith.constant dense<0xFF800000> : vector<16xf32>
    %reduce_max3A_514 = vector.multi_reduction <maximumf>, %select_n3A_512, %reduce_max3A_513 [1] : vector<16x4096xf32> to vector<16xf32>
    %broadcast_in_dim3A_515 = vector.shape_cast %reduce_max3A_514 : vector<16xf32> to vector<16x1xf32>
    %eq3A_516 = vector.broadcast %broadcast_in_dim3A_515 : vector<16x1xf32> to vector<16x4096xf32>
    %eq3A_517 = arith.cmpf oeq, %select_n3A_512, %eq3A_516 : vector<16x4096xf32>
    %jit3A_518 = arith.constant 2147483647 : i32
    %broadcast_in_dim3A_519 = vector.broadcast %jit3A_518 : i32 to vector<16x4096xi32>
    %select_n3A_520 = arith.select %eq3A_517, %add3A_474, %broadcast_in_dim3A_519 : vector<16x4096xi1>, vector<16x4096xi32>
    %reduce_min3A_521 = arith.constant dense<2147483647> : vector<16xi32>
    %reduce_min3A_522 = vector.multi_reduction <minsi>, %select_n3A_520, %reduce_min3A_521 [1] : vector<16x4096xi32> to vector<16xi32>
    %broadcast_in_dim3A_523 = vector.shape_cast %reduce_min3A_522 : vector<16xi32> to vector<16x1xi32>
    %eq3A_524 = vector.broadcast %broadcast_in_dim3A_523 : vector<16x1xi32> to vector<16x4096xi32>
    %eq3A_525 = arith.cmpi eq, %add3A_474, %eq3A_524 : vector<16x4096xi32>
    %jit3A_526 = arith.constant -3.000000e+38 : f32
    %broadcast_in_dim3A_527 = vector.broadcast %jit3A_526 : f32 to vector<16x4096xf32>
    %select_n3A_528 = arith.select %eq3A_525, %broadcast_in_dim3A_527, %select_n3A_512 : vector<16x4096xi1>, vector<16x4096xf32>
    %reduce_max3A_529 = arith.constant dense<0xFF800000> : vector<16xf32>
    %reduce_max3A_530 = vector.multi_reduction <maximumf>, %select_n3A_528, %reduce_max3A_529 [1] : vector<16x4096xf32> to vector<16xf32>
    %broadcast_in_dim3A_531 = vector.shape_cast %reduce_max3A_530 : vector<16xf32> to vector<16x1xf32>
    %eq3A_532 = vector.broadcast %broadcast_in_dim3A_531 : vector<16x1xf32> to vector<16x4096xf32>
    %eq3A_533 = arith.cmpf oeq, %select_n3A_528, %eq3A_532 : vector<16x4096xf32>
    %jit3A_534 = arith.constant 2147483647 : i32
    %broadcast_in_dim3A_535 = vector.broadcast %jit3A_534 : i32 to vector<16x4096xi32>
    %select_n3A_536 = arith.select %eq3A_533, %add3A_474, %broadcast_in_dim3A_535 : vector<16x4096xi1>, vector<16x4096xi32>
    %reduce_min3A_537 = arith.constant dense<2147483647> : vector<16xi32>
    %reduce_min3A_538 = vector.multi_reduction <minsi>, %select_n3A_536, %reduce_min3A_537 [1] : vector<16x4096xi32> to vector<16xi32>
    %broadcast_in_dim3A_539 = vector.shape_cast %reduce_min3A_538 : vector<16xi32> to vector<16x1xi32>
    %eq3A_540 = vector.broadcast %broadcast_in_dim3A_539 : vector<16x1xi32> to vector<16x4096xi32>
    %eq3A_541 = arith.cmpi eq, %add3A_474, %eq3A_540 : vector<16x4096xi32>
    %jit3A_542 = arith.constant -3.000000e+38 : f32
    %broadcast_in_dim3A_543 = vector.broadcast %jit3A_542 : f32 to vector<16x4096xf32>
    %select_n3A_544 = arith.select %eq3A_541, %broadcast_in_dim3A_543, %select_n3A_528 : vector<16x4096xi1>, vector<16x4096xf32>
    %reduce_max3A_545 = arith.constant dense<0xFF800000> : vector<16xf32>
    %reduce_max3A_546 = vector.multi_reduction <maximumf>, %select_n3A_544, %reduce_max3A_545 [1] : vector<16x4096xf32> to vector<16xf32>
    %broadcast_in_dim3A_547 = vector.shape_cast %reduce_max3A_546 : vector<16xf32> to vector<16x1xf32>
    %eq3A_548 = vector.broadcast %broadcast_in_dim3A_547 : vector<16x1xf32> to vector<16x4096xf32>
    %eq3A_549 = arith.cmpf oeq, %select_n3A_544, %eq3A_548 : vector<16x4096xf32>
    %jit3A_550 = arith.constant 2147483647 : i32
    %broadcast_in_dim3A_551 = vector.broadcast %jit3A_550 : i32 to vector<16x4096xi32>
    %select_n3A_552 = arith.select %eq3A_549, %add3A_474, %broadcast_in_dim3A_551 : vector<16x4096xi1>, vector<16x4096xi32>
    %reduce_min3A_553 = arith.constant dense<2147483647> : vector<16xi32>
    %reduce_min3A_554 = vector.multi_reduction <minsi>, %select_n3A_552, %reduce_min3A_553 [1] : vector<16x4096xi32> to vector<16xi32>
    %broadcast_in_dim3A_555 = vector.shape_cast %reduce_min3A_554 : vector<16xi32> to vector<16x1xi32>
    %concatenate3A_556 = tpu.concatenate %broadcast_in_dim3A_483, %broadcast_in_dim3A_499, %broadcast_in_dim3A_515, %broadcast_in_dim3A_531, %broadcast_in_dim3A_547 in 1 : vector<16x1xf32>, vector<16x1xf32>, vector<16x1xf32>, vector<16x1xf32>, vector<16x1xf32> -> vector<16x5xf32>
    %concatenate3A_557 = tpu.concatenate %broadcast_in_dim3A_491, %broadcast_in_dim3A_507, %broadcast_in_dim3A_523, %broadcast_in_dim3A_539, %broadcast_in_dim3A_555 in 1 : vector<16x1xi32>, vector<16x1xi32>, vector<16x1xi32>, vector<16x1xi32>, vector<16x1xi32> -> vector<16x5xi32>
    %slice3A_558 = vector.extract_strided_slice %sub3A_14 {offsets = [0, 24576], sizes = [16, 4096], strides = [1, 1]} : vector<16x131072xf32> to vector<16x4096xf32>
    %iota3A_559 = tpu.iota {dimensions = array<i32: 1>} : vector<16x4096xi32>
    %mul3A_560 = arith.constant 131072 : i32
    %mul3A_561 = arith.muli %arg0, %mul3A_560 : i32
    %add3A_562 = arith.constant 24576 : i32
    %add3A_563 = arith.addi %mul3A_561, %add3A_562 : i32
    %add3A_564 = vector.broadcast %add3A_563 : i32 to vector<16x4096xi32>
    %add3A_565 = arith.addi %iota3A_559, %add3A_564 : vector<16x4096xi32>
    %lt3A_566 = arith.constant 1000000 : i32
    %lt3A_567 = vector.broadcast %lt3A_566 : i32 to vector<16x4096xi32>
    %lt3A_568 = arith.cmpi slt, %add3A_565, %lt3A_567 : vector<16x4096xi32>
    %jit3A_569 = arith.constant -3.000000e+38 : f32
    %broadcast_in_dim3A_570 = vector.broadcast %jit3A_569 : f32 to vector<16x4096xf32>
    %select_n3A_571 = arith.select %lt3A_568, %slice3A_558, %broadcast_in_dim3A_570 : vector<16x4096xi1>, vector<16x4096xf32>
    %reduce_max3A_572 = arith.constant dense<0xFF800000> : vector<16xf32>
    %reduce_max3A_573 = vector.multi_reduction <maximumf>, %select_n3A_571, %reduce_max3A_572 [1] : vector<16x4096xf32> to vector<16xf32>
    %broadcast_in_dim3A_574 = vector.shape_cast %reduce_max3A_573 : vector<16xf32> to vector<16x1xf32>
    %eq3A_575 = vector.broadcast %broadcast_in_dim3A_574 : vector<16x1xf32> to vector<16x4096xf32>
    %eq3A_576 = arith.cmpf oeq, %select_n3A_571, %eq3A_575 : vector<16x4096xf32>
    %jit3A_577 = arith.constant 2147483647 : i32
    %broadcast_in_dim3A_578 = vector.broadcast %jit3A_577 : i32 to vector<16x4096xi32>
    %select_n3A_579 = arith.select %eq3A_576, %add3A_565, %broadcast_in_dim3A_578 : vector<16x4096xi1>, vector<16x4096xi32>
    %reduce_min3A_580 = arith.constant dense<2147483647> : vector<16xi32>
    %reduce_min3A_581 = vector.multi_reduction <minsi>, %select_n3A_579, %reduce_min3A_580 [1] : vector<16x4096xi32> to vector<16xi32>
    %broadcast_in_dim3A_582 = vector.shape_cast %reduce_min3A_581 : vector<16xi32> to vector<16x1xi32>
    %eq3A_583 = vector.broadcast %broadcast_in_dim3A_582 : vector<16x1xi32> to vector<16x4096xi32>
    %eq3A_584 = arith.cmpi eq, %add3A_565, %eq3A_583 : vector<16x4096xi32>
    %jit3A_585 = arith.constant -3.000000e+38 : f32
    %broadcast_in_dim3A_586 = vector.broadcast %jit3A_585 : f32 to vector<16x4096xf32>
    %select_n3A_587 = arith.select %eq3A_584, %broadcast_in_dim3A_586, %select_n3A_571 : vector<16x4096xi1>, vector<16x4096xf32>
    %reduce_max3A_588 = arith.constant dense<0xFF800000> : vector<16xf32>
    %reduce_max3A_589 = vector.multi_reduction <maximumf>, %select_n3A_587, %reduce_max3A_588 [1] : vector<16x4096xf32> to vector<16xf32>
    %broadcast_in_dim3A_590 = vector.shape_cast %reduce_max3A_589 : vector<16xf32> to vector<16x1xf32>
    %eq3A_591 = vector.broadcast %broadcast_in_dim3A_590 : vector<16x1xf32> to vector<16x4096xf32>
    %eq3A_592 = arith.cmpf oeq, %select_n3A_587, %eq3A_591 : vector<16x4096xf32>
    %jit3A_593 = arith.constant 2147483647 : i32
    %broadcast_in_dim3A_594 = vector.broadcast %jit3A_593 : i32 to vector<16x4096xi32>
    %select_n3A_595 = arith.select %eq3A_592, %add3A_565, %broadcast_in_dim3A_594 : vector<16x4096xi1>, vector<16x4096xi32>
    %reduce_min3A_596 = arith.constant dense<2147483647> : vector<16xi32>
    %reduce_min3A_597 = vector.multi_reduction <minsi>, %select_n3A_595, %reduce_min3A_596 [1] : vector<16x4096xi32> to vector<16xi32>
    %broadcast_in_dim3A_598 = vector.shape_cast %reduce_min3A_597 : vector<16xi32> to vector<16x1xi32>
    %eq3A_599 = vector.broadcast %broadcast_in_dim3A_598 : vector<16x1xi32> to vector<16x4096xi32>
    %eq3A_600 = arith.cmpi eq, %add3A_565, %eq3A_599 : vector<16x4096xi32>
    %jit3A_601 = arith.constant -3.000000e+38 : f32
    %broadcast_in_dim3A_602 = vector.broadcast %jit3A_601 : f32 to vector<16x4096xf32>
    %select_n3A_603 = arith.select %eq3A_600, %broadcast_in_dim3A_602, %select_n3A_587 : vector<16x4096xi1>, vector<16x4096xf32>
    %reduce_max3A_604 = arith.constant dense<0xFF800000> : vector<16xf32>
    %reduce_max3A_605 = vector.multi_reduction <maximumf>, %select_n3A_603, %reduce_max3A_604 [1] : vector<16x4096xf32> to vector<16xf32>
    %broadcast_in_dim3A_606 = vector.shape_cast %reduce_max3A_605 : vector<16xf32> to vector<16x1xf32>
    %eq3A_607 = vector.broadcast %broadcast_in_dim3A_606 : vector<16x1xf32> to vector<16x4096xf32>
    %eq3A_608 = arith.cmpf oeq, %select_n3A_603, %eq3A_607 : vector<16x4096xf32>
    %jit3A_609 = arith.constant 2147483647 : i32
    %broadcast_in_dim3A_610 = vector.broadcast %jit3A_609 : i32 to vector<16x4096xi32>
    %select_n3A_611 = arith.select %eq3A_608, %add3A_565, %broadcast_in_dim3A_610 : vector<16x4096xi1>, vector<16x4096xi32>
    %reduce_min3A_612 = arith.constant dense<2147483647> : vector<16xi32>
    %reduce_min3A_613 = vector.multi_reduction <minsi>, %select_n3A_611, %reduce_min3A_612 [1] : vector<16x4096xi32> to vector<16xi32>
    %broadcast_in_dim3A_614 = vector.shape_cast %reduce_min3A_613 : vector<16xi32> to vector<16x1xi32>
    %eq3A_615 = vector.broadcast %broadcast_in_dim3A_614 : vector<16x1xi32> to vector<16x4096xi32>
    %eq3A_616 = arith.cmpi eq, %add3A_565, %eq3A_615 : vector<16x4096xi32>
    %jit3A_617 = arith.constant -3.000000e+38 : f32
    %broadcast_in_dim3A_618 = vector.broadcast %jit3A_617 : f32 to vector<16x4096xf32>
    %select_n3A_619 = arith.select %eq3A_616, %broadcast_in_dim3A_618, %select_n3A_603 : vector<16x4096xi1>, vector<16x4096xf32>
    %reduce_max3A_620 = arith.constant dense<0xFF800000> : vector<16xf32>
    %reduce_max3A_621 = vector.multi_reduction <maximumf>, %select_n3A_619, %reduce_max3A_620 [1] : vector<16x4096xf32> to vector<16xf32>
    %broadcast_in_dim3A_622 = vector.shape_cast %reduce_max3A_621 : vector<16xf32> to vector<16x1xf32>
    %eq3A_623 = vector.broadcast %broadcast_in_dim3A_622 : vector<16x1xf32> to vector<16x4096xf32>
    %eq3A_624 = arith.cmpf oeq, %select_n3A_619, %eq3A_623 : vector<16x4096xf32>
    %jit3A_625 = arith.constant 2147483647 : i32
    %broadcast_in_dim3A_626 = vector.broadcast %jit3A_625 : i32 to vector<16x4096xi32>
    %select_n3A_627 = arith.select %eq3A_624, %add3A_565, %broadcast_in_dim3A_626 : vector<16x4096xi1>, vector<16x4096xi32>
    %reduce_min3A_628 = arith.constant dense<2147483647> : vector<16xi32>
    %reduce_min3A_629 = vector.multi_reduction <minsi>, %select_n3A_627, %reduce_min3A_628 [1] : vector<16x4096xi32> to vector<16xi32>
    %broadcast_in_dim3A_630 = vector.shape_cast %reduce_min3A_629 : vector<16xi32> to vector<16x1xi32>
    %eq3A_631 = vector.broadcast %broadcast_in_dim3A_630 : vector<16x1xi32> to vector<16x4096xi32>
    %eq3A_632 = arith.cmpi eq, %add3A_565, %eq3A_631 : vector<16x4096xi32>
    %jit3A_633 = arith.constant -3.000000e+38 : f32
    %broadcast_in_dim3A_634 = vector.broadcast %jit3A_633 : f32 to vector<16x4096xf32>
    %select_n3A_635 = arith.select %eq3A_632, %broadcast_in_dim3A_634, %select_n3A_619 : vector<16x4096xi1>, vector<16x4096xf32>
    %reduce_max3A_636 = arith.constant dense<0xFF800000> : vector<16xf32>
    %reduce_max3A_637 = vector.multi_reduction <maximumf>, %select_n3A_635, %reduce_max3A_636 [1] : vector<16x4096xf32> to vector<16xf32>
    %broadcast_in_dim3A_638 = vector.shape_cast %reduce_max3A_637 : vector<16xf32> to vector<16x1xf32>
    %eq3A_639 = vector.broadcast %broadcast_in_dim3A_638 : vector<16x1xf32> to vector<16x4096xf32>
    %eq3A_640 = arith.cmpf oeq, %select_n3A_635, %eq3A_639 : vector<16x4096xf32>
    %jit3A_641 = arith.constant 2147483647 : i32
    %broadcast_in_dim3A_642 = vector.broadcast %jit3A_641 : i32 to vector<16x4096xi32>
    %select_n3A_643 = arith.select %eq3A_640, %add3A_565, %broadcast_in_dim3A_642 : vector<16x4096xi1>, vector<16x4096xi32>
    %reduce_min3A_644 = arith.constant dense<2147483647> : vector<16xi32>
    %reduce_min3A_645 = vector.multi_reduction <minsi>, %select_n3A_643, %reduce_min3A_644 [1] : vector<16x4096xi32> to vector<16xi32>
    %broadcast_in_dim3A_646 = vector.shape_cast %reduce_min3A_645 : vector<16xi32> to vector<16x1xi32>
    %concatenate3A_647 = tpu.concatenate %broadcast_in_dim3A_574, %broadcast_in_dim3A_590, %broadcast_in_dim3A_606, %broadcast_in_dim3A_622, %broadcast_in_dim3A_638 in 1 : vector<16x1xf32>, vector<16x1xf32>, vector<16x1xf32>, vector<16x1xf32>, vector<16x1xf32> -> vector<16x5xf32>
    %concatenate3A_648 = tpu.concatenate %broadcast_in_dim3A_582, %broadcast_in_dim3A_598, %broadcast_in_dim3A_614, %broadcast_in_dim3A_630, %broadcast_in_dim3A_646 in 1 : vector<16x1xi32>, vector<16x1xi32>, vector<16x1xi32>, vector<16x1xi32>, vector<16x1xi32> -> vector<16x5xi32>
    %slice3A_649 = vector.extract_strided_slice %sub3A_14 {offsets = [0, 28672], sizes = [16, 4096], strides = [1, 1]} : vector<16x131072xf32> to vector<16x4096xf32>
    %iota3A_650 = tpu.iota {dimensions = array<i32: 1>} : vector<16x4096xi32>
    %mul3A_651 = arith.constant 131072 : i32
    %mul3A_652 = arith.muli %arg0, %mul3A_651 : i32
    %add3A_653 = arith.constant 28672 : i32
    %add3A_654 = arith.addi %mul3A_652, %add3A_653 : i32
    %add3A_655 = vector.broadcast %add3A_654 : i32 to vector<16x4096xi32>
    %add3A_656 = arith.addi %iota3A_650, %add3A_655 : vector<16x4096xi32>
    %lt3A_657 = arith.constant 1000000 : i32
    %lt3A_658 = vector.broadcast %lt3A_657 : i32 to vector<16x4096xi32>
    %lt3A_659 = arith.cmpi slt, %add3A_656, %lt3A_658 : vector<16x4096xi32>
    %jit3A_660 = arith.constant -3.000000e+38 : f32
    %broadcast_in_dim3A_661 = vector.broadcast %jit3A_660 : f32 to vector<16x4096xf32>
    %select_n3A_662 = arith.select %lt3A_659, %slice3A_649, %broadcast_in_dim3A_661 : vector<16x4096xi1>, vector<16x4096xf32>
    %reduce_max3A_663 = arith.constant dense<0xFF800000> : vector<16xf32>
    %reduce_max3A_664 = vector.multi_reduction <maximumf>, %select_n3A_662, %reduce_max3A_663 [1] : vector<16x4096xf32> to vector<16xf32>
    %broadcast_in_dim3A_665 = vector.shape_cast %reduce_max3A_664 : vector<16xf32> to vector<16x1xf32>
    %eq3A_666 = vector.broadcast %broadcast_in_dim3A_665 : vector<16x1xf32> to vector<16x4096xf32>
    %eq3A_667 = arith.cmpf oeq, %select_n3A_662, %eq3A_666 : vector<16x4096xf32>
    %jit3A_668 = arith.constant 2147483647 : i32
    %broadcast_in_dim3A_669 = vector.broadcast %jit3A_668 : i32 to vector<16x4096xi32>
    %select_n3A_670 = arith.select %eq3A_667, %add3A_656, %broadcast_in_dim3A_669 : vector<16x4096xi1>, vector<16x4096xi32>
    %reduce_min3A_671 = arith.constant dense<2147483647> : vector<16xi32>
    %reduce_min3A_672 = vector.multi_reduction <minsi>, %select_n3A_670, %reduce_min3A_671 [1] : vector<16x4096xi32> to vector<16xi32>
    %broadcast_in_dim3A_673 = vector.shape_cast %reduce_min3A_672 : vector<16xi32> to vector<16x1xi32>
    %eq3A_674 = vector.broadcast %broadcast_in_dim3A_673 : vector<16x1xi32> to vector<16x4096xi32>
    %eq3A_675 = arith.cmpi eq, %add3A_656, %eq3A_674 : vector<16x4096xi32>
    %jit3A_676 = arith.constant -3.000000e+38 : f32
    %broadcast_in_dim3A_677 = vector.broadcast %jit3A_676 : f32 to vector<16x4096xf32>
    %select_n3A_678 = arith.select %eq3A_675, %broadcast_in_dim3A_677, %select_n3A_662 : vector<16x4096xi1>, vector<16x4096xf32>
    %reduce_max3A_679 = arith.constant dense<0xFF800000> : vector<16xf32>
    %reduce_max3A_680 = vector.multi_reduction <maximumf>, %select_n3A_678, %reduce_max3A_679 [1] : vector<16x4096xf32> to vector<16xf32>
    %broadcast_in_dim3A_681 = vector.shape_cast %reduce_max3A_680 : vector<16xf32> to vector<16x1xf32>
    %eq3A_682 = vector.broadcast %broadcast_in_dim3A_681 : vector<16x1xf32> to vector<16x4096xf32>
    %eq3A_683 = arith.cmpf oeq, %select_n3A_678, %eq3A_682 : vector<16x4096xf32>
    %jit3A_684 = arith.constant 2147483647 : i32
    %broadcast_in_dim3A_685 = vector.broadcast %jit3A_684 : i32 to vector<16x4096xi32>
    %select_n3A_686 = arith.select %eq3A_683, %add3A_656, %broadcast_in_dim3A_685 : vector<16x4096xi1>, vector<16x4096xi32>
    %reduce_min3A_687 = arith.constant dense<2147483647> : vector<16xi32>
    %reduce_min3A_688 = vector.multi_reduction <minsi>, %select_n3A_686, %reduce_min3A_687 [1] : vector<16x4096xi32> to vector<16xi32>
    %broadcast_in_dim3A_689 = vector.shape_cast %reduce_min3A_688 : vector<16xi32> to vector<16x1xi32>
    %eq3A_690 = vector.broadcast %broadcast_in_dim3A_689 : vector<16x1xi32> to vector<16x4096xi32>
    %eq3A_691 = arith.cmpi eq, %add3A_656, %eq3A_690 : vector<16x4096xi32>
    %jit3A_692 = arith.constant -3.000000e+38 : f32
    %broadcast_in_dim3A_693 = vector.broadcast %jit3A_692 : f32 to vector<16x4096xf32>
    %select_n3A_694 = arith.select %eq3A_691, %broadcast_in_dim3A_693, %select_n3A_678 : vector<16x4096xi1>, vector<16x4096xf32>
    %reduce_max3A_695 = arith.constant dense<0xFF800000> : vector<16xf32>
    %reduce_max3A_696 = vector.multi_reduction <maximumf>, %select_n3A_694, %reduce_max3A_695 [1] : vector<16x4096xf32> to vector<16xf32>
    %broadcast_in_dim3A_697 = vector.shape_cast %reduce_max3A_696 : vector<16xf32> to vector<16x1xf32>
    %eq3A_698 = vector.broadcast %broadcast_in_dim3A_697 : vector<16x1xf32> to vector<16x4096xf32>
    %eq3A_699 = arith.cmpf oeq, %select_n3A_694, %eq3A_698 : vector<16x4096xf32>
    %jit3A_700 = arith.constant 2147483647 : i32
    %broadcast_in_dim3A_701 = vector.broadcast %jit3A_700 : i32 to vector<16x4096xi32>
    %select_n3A_702 = arith.select %eq3A_699, %add3A_656, %broadcast_in_dim3A_701 : vector<16x4096xi1>, vector<16x4096xi32>
    %reduce_min3A_703 = arith.constant dense<2147483647> : vector<16xi32>
    %reduce_min3A_704 = vector.multi_reduction <minsi>, %select_n3A_702, %reduce_min3A_703 [1] : vector<16x4096xi32> to vector<16xi32>
    %broadcast_in_dim3A_705 = vector.shape_cast %reduce_min3A_704 : vector<16xi32> to vector<16x1xi32>
    %eq3A_706 = vector.broadcast %broadcast_in_dim3A_705 : vector<16x1xi32> to vector<16x4096xi32>
    %eq3A_707 = arith.cmpi eq, %add3A_656, %eq3A_706 : vector<16x4096xi32>
    %jit3A_708 = arith.constant -3.000000e+38 : f32
    %broadcast_in_dim3A_709 = vector.broadcast %jit3A_708 : f32 to vector<16x4096xf32>
    %select_n3A_710 = arith.select %eq3A_707, %broadcast_in_dim3A_709, %select_n3A_694 : vector<16x4096xi1>, vector<16x4096xf32>
    %reduce_max3A_711 = arith.constant dense<0xFF800000> : vector<16xf32>
    %reduce_max3A_712 = vector.multi_reduction <maximumf>, %select_n3A_710, %reduce_max3A_711 [1] : vector<16x4096xf32> to vector<16xf32>
    %broadcast_in_dim3A_713 = vector.shape_cast %reduce_max3A_712 : vector<16xf32> to vector<16x1xf32>
    %eq3A_714 = vector.broadcast %broadcast_in_dim3A_713 : vector<16x1xf32> to vector<16x4096xf32>
    %eq3A_715 = arith.cmpf oeq, %select_n3A_710, %eq3A_714 : vector<16x4096xf32>
    %jit3A_716 = arith.constant 2147483647 : i32
    %broadcast_in_dim3A_717 = vector.broadcast %jit3A_716 : i32 to vector<16x4096xi32>
    %select_n3A_718 = arith.select %eq3A_715, %add3A_656, %broadcast_in_dim3A_717 : vector<16x4096xi1>, vector<16x4096xi32>
    %reduce_min3A_719 = arith.constant dense<2147483647> : vector<16xi32>
    %reduce_min3A_720 = vector.multi_reduction <minsi>, %select_n3A_718, %reduce_min3A_719 [1] : vector<16x4096xi32> to vector<16xi32>
    %broadcast_in_dim3A_721 = vector.shape_cast %reduce_min3A_720 : vector<16xi32> to vector<16x1xi32>
    %eq3A_722 = vector.broadcast %broadcast_in_dim3A_721 : vector<16x1xi32> to vector<16x4096xi32>
    %eq3A_723 = arith.cmpi eq, %add3A_656, %eq3A_722 : vector<16x4096xi32>
    %jit3A_724 = arith.constant -3.000000e+38 : f32
    %broadcast_in_dim3A_725 = vector.broadcast %jit3A_724 : f32 to vector<16x4096xf32>
    %select_n3A_726 = arith.select %eq3A_723, %broadcast_in_dim3A_725, %select_n3A_710 : vector<16x4096xi1>, vector<16x4096xf32>
    %reduce_max3A_727 = arith.constant dense<0xFF800000> : vector<16xf32>
    %reduce_max3A_728 = vector.multi_reduction <maximumf>, %select_n3A_726, %reduce_max3A_727 [1] : vector<16x4096xf32> to vector<16xf32>
    %broadcast_in_dim3A_729 = vector.shape_cast %reduce_max3A_728 : vector<16xf32> to vector<16x1xf32>
    %eq3A_730 = vector.broadcast %broadcast_in_dim3A_729 : vector<16x1xf32> to vector<16x4096xf32>
    %eq3A_731 = arith.cmpf oeq, %select_n3A_726, %eq3A_730 : vector<16x4096xf32>
    %jit3A_732 = arith.constant 2147483647 : i32
    %broadcast_in_dim3A_733 = vector.broadcast %jit3A_732 : i32 to vector<16x4096xi32>
    %select_n3A_734 = arith.select %eq3A_731, %add3A_656, %broadcast_in_dim3A_733 : vector<16x4096xi1>, vector<16x4096xi32>
    %reduce_min3A_735 = arith.constant dense<2147483647> : vector<16xi32>
    %reduce_min3A_736 = vector.multi_reduction <minsi>, %select_n3A_734, %reduce_min3A_735 [1] : vector<16x4096xi32> to vector<16xi32>
    %broadcast_in_dim3A_737 = vector.shape_cast %reduce_min3A_736 : vector<16xi32> to vector<16x1xi32>
    %concatenate3A_738 = tpu.concatenate %broadcast_in_dim3A_665, %broadcast_in_dim3A_681, %broadcast_in_dim3A_697, %broadcast_in_dim3A_713, %broadcast_in_dim3A_729 in 1 : vector<16x1xf32>, vector<16x1xf32>, vector<16x1xf32>, vector<16x1xf32>, vector<16x1xf32> -> vector<16x5xf32>
    %concatenate3A_739 = tpu.concatenate %broadcast_in_dim3A_673, %broadcast_in_dim3A_689, %broadcast_in_dim3A_705, %broadcast_in_dim3A_721, %broadcast_in_dim3A_737 in 1 : vector<16x1xi32>, vector<16x1xi32>, vector<16x1xi32>, vector<16x1xi32>, vector<16x1xi32> -> vector<16x5xi32>
    %slice3A_740 = vector.extract_strided_slice %sub3A_14 {offsets = [0, 32768], sizes = [16, 4096], strides = [1, 1]} : vector<16x131072xf32> to vector<16x4096xf32>
    %iota3A_741 = tpu.iota {dimensions = array<i32: 1>} : vector<16x4096xi32>
    %mul3A_742 = arith.constant 131072 : i32
    %mul3A_743 = arith.muli %arg0, %mul3A_742 : i32
    %add3A_744 = arith.constant 32768 : i32
    %add3A_745 = arith.addi %mul3A_743, %add3A_744 : i32
    %add3A_746 = vector.broadcast %add3A_745 : i32 to vector<16x4096xi32>
    %add3A_747 = arith.addi %iota3A_741, %add3A_746 : vector<16x4096xi32>
    %lt3A_748 = arith.constant 1000000 : i32
    %lt3A_749 = vector.broadcast %lt3A_748 : i32 to vector<16x4096xi32>
    %lt3A_750 = arith.cmpi slt, %add3A_747, %lt3A_749 : vector<16x4096xi32>
    %jit3A_751 = arith.constant -3.000000e+38 : f32
    %broadcast_in_dim3A_752 = vector.broadcast %jit3A_751 : f32 to vector<16x4096xf32>
    %select_n3A_753 = arith.select %lt3A_750, %slice3A_740, %broadcast_in_dim3A_752 : vector<16x4096xi1>, vector<16x4096xf32>
    %reduce_max3A_754 = arith.constant dense<0xFF800000> : vector<16xf32>
    %reduce_max3A_755 = vector.multi_reduction <maximumf>, %select_n3A_753, %reduce_max3A_754 [1] : vector<16x4096xf32> to vector<16xf32>
    %broadcast_in_dim3A_756 = vector.shape_cast %reduce_max3A_755 : vector<16xf32> to vector<16x1xf32>
    %eq3A_757 = vector.broadcast %broadcast_in_dim3A_756 : vector<16x1xf32> to vector<16x4096xf32>
    %eq3A_758 = arith.cmpf oeq, %select_n3A_753, %eq3A_757 : vector<16x4096xf32>
    %jit3A_759 = arith.constant 2147483647 : i32
    %broadcast_in_dim3A_760 = vector.broadcast %jit3A_759 : i32 to vector<16x4096xi32>
    %select_n3A_761 = arith.select %eq3A_758, %add3A_747, %broadcast_in_dim3A_760 : vector<16x4096xi1>, vector<16x4096xi32>
    %reduce_min3A_762 = arith.constant dense<2147483647> : vector<16xi32>
    %reduce_min3A_763 = vector.multi_reduction <minsi>, %select_n3A_761, %reduce_min3A_762 [1] : vector<16x4096xi32> to vector<16xi32>
    %broadcast_in_dim3A_764 = vector.shape_cast %reduce_min3A_763 : vector<16xi32> to vector<16x1xi32>
    %eq3A_765 = vector.broadcast %broadcast_in_dim3A_764 : vector<16x1xi32> to vector<16x4096xi32>
    %eq3A_766 = arith.cmpi eq, %add3A_747, %eq3A_765 : vector<16x4096xi32>
    %jit3A_767 = arith.constant -3.000000e+38 : f32
    %broadcast_in_dim3A_768 = vector.broadcast %jit3A_767 : f32 to vector<16x4096xf32>
    %select_n3A_769 = arith.select %eq3A_766, %broadcast_in_dim3A_768, %select_n3A_753 : vector<16x4096xi1>, vector<16x4096xf32>
    %reduce_max3A_770 = arith.constant dense<0xFF800000> : vector<16xf32>
    %reduce_max3A_771 = vector.multi_reduction <maximumf>, %select_n3A_769, %reduce_max3A_770 [1] : vector<16x4096xf32> to vector<16xf32>
    %broadcast_in_dim3A_772 = vector.shape_cast %reduce_max3A_771 : vector<16xf32> to vector<16x1xf32>
    %eq3A_773 = vector.broadcast %broadcast_in_dim3A_772 : vector<16x1xf32> to vector<16x4096xf32>
    %eq3A_774 = arith.cmpf oeq, %select_n3A_769, %eq3A_773 : vector<16x4096xf32>
    %jit3A_775 = arith.constant 2147483647 : i32
    %broadcast_in_dim3A_776 = vector.broadcast %jit3A_775 : i32 to vector<16x4096xi32>
    %select_n3A_777 = arith.select %eq3A_774, %add3A_747, %broadcast_in_dim3A_776 : vector<16x4096xi1>, vector<16x4096xi32>
    %reduce_min3A_778 = arith.constant dense<2147483647> : vector<16xi32>
    %reduce_min3A_779 = vector.multi_reduction <minsi>, %select_n3A_777, %reduce_min3A_778 [1] : vector<16x4096xi32> to vector<16xi32>
    %broadcast_in_dim3A_780 = vector.shape_cast %reduce_min3A_779 : vector<16xi32> to vector<16x1xi32>
    %eq3A_781 = vector.broadcast %broadcast_in_dim3A_780 : vector<16x1xi32> to vector<16x4096xi32>
    %eq3A_782 = arith.cmpi eq, %add3A_747, %eq3A_781 : vector<16x4096xi32>
    %jit3A_783 = arith.constant -3.000000e+38 : f32
    %broadcast_in_dim3A_784 = vector.broadcast %jit3A_783 : f32 to vector<16x4096xf32>
    %select_n3A_785 = arith.select %eq3A_782, %broadcast_in_dim3A_784, %select_n3A_769 : vector<16x4096xi1>, vector<16x4096xf32>
    %reduce_max3A_786 = arith.constant dense<0xFF800000> : vector<16xf32>
    %reduce_max3A_787 = vector.multi_reduction <maximumf>, %select_n3A_785, %reduce_max3A_786 [1] : vector<16x4096xf32> to vector<16xf32>
    %broadcast_in_dim3A_788 = vector.shape_cast %reduce_max3A_787 : vector<16xf32> to vector<16x1xf32>
    %eq3A_789 = vector.broadcast %broadcast_in_dim3A_788 : vector<16x1xf32> to vector<16x4096xf32>
    %eq3A_790 = arith.cmpf oeq, %select_n3A_785, %eq3A_789 : vector<16x4096xf32>
    %jit3A_791 = arith.constant 2147483647 : i32
    %broadcast_in_dim3A_792 = vector.broadcast %jit3A_791 : i32 to vector<16x4096xi32>
    %select_n3A_793 = arith.select %eq3A_790, %add3A_747, %broadcast_in_dim3A_792 : vector<16x4096xi1>, vector<16x4096xi32>
    %reduce_min3A_794 = arith.constant dense<2147483647> : vector<16xi32>
    %reduce_min3A_795 = vector.multi_reduction <minsi>, %select_n3A_793, %reduce_min3A_794 [1] : vector<16x4096xi32> to vector<16xi32>
    %broadcast_in_dim3A_796 = vector.shape_cast %reduce_min3A_795 : vector<16xi32> to vector<16x1xi32>
    %eq3A_797 = vector.broadcast %broadcast_in_dim3A_796 : vector<16x1xi32> to vector<16x4096xi32>
    %eq3A_798 = arith.cmpi eq, %add3A_747, %eq3A_797 : vector<16x4096xi32>
    %jit3A_799 = arith.constant -3.000000e+38 : f32
    %broadcast_in_dim3A_800 = vector.broadcast %jit3A_799 : f32 to vector<16x4096xf32>
    %select_n3A_801 = arith.select %eq3A_798, %broadcast_in_dim3A_800, %select_n3A_785 : vector<16x4096xi1>, vector<16x4096xf32>
    %reduce_max3A_802 = arith.constant dense<0xFF800000> : vector<16xf32>
    %reduce_max3A_803 = vector.multi_reduction <maximumf>, %select_n3A_801, %reduce_max3A_802 [1] : vector<16x4096xf32> to vector<16xf32>
    %broadcast_in_dim3A_804 = vector.shape_cast %reduce_max3A_803 : vector<16xf32> to vector<16x1xf32>
    %eq3A_805 = vector.broadcast %broadcast_in_dim3A_804 : vector<16x1xf32> to vector<16x4096xf32>
    %eq3A_806 = arith.cmpf oeq, %select_n3A_801, %eq3A_805 : vector<16x4096xf32>
    %jit3A_807 = arith.constant 2147483647 : i32
    %broadcast_in_dim3A_808 = vector.broadcast %jit3A_807 : i32 to vector<16x4096xi32>
    %select_n3A_809 = arith.select %eq3A_806, %add3A_747, %broadcast_in_dim3A_808 : vector<16x4096xi1>, vector<16x4096xi32>
    %reduce_min3A_810 = arith.constant dense<2147483647> : vector<16xi32>
    %reduce_min3A_811 = vector.multi_reduction <minsi>, %select_n3A_809, %reduce_min3A_810 [1] : vector<16x4096xi32> to vector<16xi32>
    %broadcast_in_dim3A_812 = vector.shape_cast %reduce_min3A_811 : vector<16xi32> to vector<16x1xi32>
    %eq3A_813 = vector.broadcast %broadcast_in_dim3A_812 : vector<16x1xi32> to vector<16x4096xi32>
    %eq3A_814 = arith.cmpi eq, %add3A_747, %eq3A_813 : vector<16x4096xi32>
    %jit3A_815 = arith.constant -3.000000e+38 : f32
    %broadcast_in_dim3A_816 = vector.broadcast %jit3A_815 : f32 to vector<16x4096xf32>
    %select_n3A_817 = arith.select %eq3A_814, %broadcast_in_dim3A_816, %select_n3A_801 : vector<16x4096xi1>, vector<16x4096xf32>
    %reduce_max3A_818 = arith.constant dense<0xFF800000> : vector<16xf32>
    %reduce_max3A_819 = vector.multi_reduction <maximumf>, %select_n3A_817, %reduce_max3A_818 [1] : vector<16x4096xf32> to vector<16xf32>
    %broadcast_in_dim3A_820 = vector.shape_cast %reduce_max3A_819 : vector<16xf32> to vector<16x1xf32>
    %eq3A_821 = vector.broadcast %broadcast_in_dim3A_820 : vector<16x1xf32> to vector<16x4096xf32>
    %eq3A_822 = arith.cmpf oeq, %select_n3A_817, %eq3A_821 : vector<16x4096xf32>
    %jit3A_823 = arith.constant 2147483647 : i32
    %broadcast_in_dim3A_824 = vector.broadcast %jit3A_823 : i32 to vector<16x4096xi32>
    %select_n3A_825 = arith.select %eq3A_822, %add3A_747, %broadcast_in_dim3A_824 : vector<16x4096xi1>, vector<16x4096xi32>
    %reduce_min3A_826 = arith.constant dense<2147483647> : vector<16xi32>
    %reduce_min3A_827 = vector.multi_reduction <minsi>, %select_n3A_825, %reduce_min3A_826 [1] : vector<16x4096xi32> to vector<16xi32>
    %broadcast_in_dim3A_828 = vector.shape_cast %reduce_min3A_827 : vector<16xi32> to vector<16x1xi32>
    %concatenate3A_829 = tpu.concatenate %broadcast_in_dim3A_756, %broadcast_in_dim3A_772, %broadcast_in_dim3A_788, %broadcast_in_dim3A_804, %broadcast_in_dim3A_820 in 1 : vector<16x1xf32>, vector<16x1xf32>, vector<16x1xf32>, vector<16x1xf32>, vector<16x1xf32> -> vector<16x5xf32>
    %concatenate3A_830 = tpu.concatenate %broadcast_in_dim3A_764, %broadcast_in_dim3A_780, %broadcast_in_dim3A_796, %broadcast_in_dim3A_812, %broadcast_in_dim3A_828 in 1 : vector<16x1xi32>, vector<16x1xi32>, vector<16x1xi32>, vector<16x1xi32>, vector<16x1xi32> -> vector<16x5xi32>
    %slice3A_831 = vector.extract_strided_slice %sub3A_14 {offsets = [0, 36864], sizes = [16, 4096], strides = [1, 1]} : vector<16x131072xf32> to vector<16x4096xf32>
    %iota3A_832 = tpu.iota {dimensions = array<i32: 1>} : vector<16x4096xi32>
    %mul3A_833 = arith.constant 131072 : i32
    %mul3A_834 = arith.muli %arg0, %mul3A_833 : i32
    %add3A_835 = arith.constant 36864 : i32
    %add3A_836 = arith.addi %mul3A_834, %add3A_835 : i32
    %add3A_837 = vector.broadcast %add3A_836 : i32 to vector<16x4096xi32>
    %add3A_838 = arith.addi %iota3A_832, %add3A_837 : vector<16x4096xi32>
    %lt3A_839 = arith.constant 1000000 : i32
    %lt3A_840 = vector.broadcast %lt3A_839 : i32 to vector<16x4096xi32>
    %lt3A_841 = arith.cmpi slt, %add3A_838, %lt3A_840 : vector<16x4096xi32>
    %jit3A_842 = arith.constant -3.000000e+38 : f32
    %broadcast_in_dim3A_843 = vector.broadcast %jit3A_842 : f32 to vector<16x4096xf32>
    %select_n3A_844 = arith.select %lt3A_841, %slice3A_831, %broadcast_in_dim3A_843 : vector<16x4096xi1>, vector<16x4096xf32>
    %reduce_max3A_845 = arith.constant dense<0xFF800000> : vector<16xf32>
    %reduce_max3A_846 = vector.multi_reduction <maximumf>, %select_n3A_844, %reduce_max3A_845 [1] : vector<16x4096xf32> to vector<16xf32>
    %broadcast_in_dim3A_847 = vector.shape_cast %reduce_max3A_846 : vector<16xf32> to vector<16x1xf32>
    %eq3A_848 = vector.broadcast %broadcast_in_dim3A_847 : vector<16x1xf32> to vector<16x4096xf32>
    %eq3A_849 = arith.cmpf oeq, %select_n3A_844, %eq3A_848 : vector<16x4096xf32>
    %jit3A_850 = arith.constant 2147483647 : i32
    %broadcast_in_dim3A_851 = vector.broadcast %jit3A_850 : i32 to vector<16x4096xi32>
    %select_n3A_852 = arith.select %eq3A_849, %add3A_838, %broadcast_in_dim3A_851 : vector<16x4096xi1>, vector<16x4096xi32>
    %reduce_min3A_853 = arith.constant dense<2147483647> : vector<16xi32>
    %reduce_min3A_854 = vector.multi_reduction <minsi>, %select_n3A_852, %reduce_min3A_853 [1] : vector<16x4096xi32> to vector<16xi32>
    %broadcast_in_dim3A_855 = vector.shape_cast %reduce_min3A_854 : vector<16xi32> to vector<16x1xi32>
    %eq3A_856 = vector.broadcast %broadcast_in_dim3A_855 : vector<16x1xi32> to vector<16x4096xi32>
    %eq3A_857 = arith.cmpi eq, %add3A_838, %eq3A_856 : vector<16x4096xi32>
    %jit3A_858 = arith.constant -3.000000e+38 : f32
    %broadcast_in_dim3A_859 = vector.broadcast %jit3A_858 : f32 to vector<16x4096xf32>
    %select_n3A_860 = arith.select %eq3A_857, %broadcast_in_dim3A_859, %select_n3A_844 : vector<16x4096xi1>, vector<16x4096xf32>
    %reduce_max3A_861 = arith.constant dense<0xFF800000> : vector<16xf32>
    %reduce_max3A_862 = vector.multi_reduction <maximumf>, %select_n3A_860, %reduce_max3A_861 [1] : vector<16x4096xf32> to vector<16xf32>
    %broadcast_in_dim3A_863 = vector.shape_cast %reduce_max3A_862 : vector<16xf32> to vector<16x1xf32>
    %eq3A_864 = vector.broadcast %broadcast_in_dim3A_863 : vector<16x1xf32> to vector<16x4096xf32>
    %eq3A_865 = arith.cmpf oeq, %select_n3A_860, %eq3A_864 : vector<16x4096xf32>
    %jit3A_866 = arith.constant 2147483647 : i32
    %broadcast_in_dim3A_867 = vector.broadcast %jit3A_866 : i32 to vector<16x4096xi32>
    %select_n3A_868 = arith.select %eq3A_865, %add3A_838, %broadcast_in_dim3A_867 : vector<16x4096xi1>, vector<16x4096xi32>
    %reduce_min3A_869 = arith.constant dense<2147483647> : vector<16xi32>
    %reduce_min3A_870 = vector.multi_reduction <minsi>, %select_n3A_868, %reduce_min3A_869 [1] : vector<16x4096xi32> to vector<16xi32>
    %broadcast_in_dim3A_871 = vector.shape_cast %reduce_min3A_870 : vector<16xi32> to vector<16x1xi32>
    %eq3A_872 = vector.broadcast %broadcast_in_dim3A_871 : vector<16x1xi32> to vector<16x4096xi32>
    %eq3A_873 = arith.cmpi eq, %add3A_838, %eq3A_872 : vector<16x4096xi32>
    %jit3A_874 = arith.constant -3.000000e+38 : f32
    %broadcast_in_dim3A_875 = vector.broadcast %jit3A_874 : f32 to vector<16x4096xf32>
    %select_n3A_876 = arith.select %eq3A_873, %broadcast_in_dim3A_875, %select_n3A_860 : vector<16x4096xi1>, vector<16x4096xf32>
    %reduce_max3A_877 = arith.constant dense<0xFF800000> : vector<16xf32>
    %reduce_max3A_878 = vector.multi_reduction <maximumf>, %select_n3A_876, %reduce_max3A_877 [1] : vector<16x4096xf32> to vector<16xf32>
    %broadcast_in_dim3A_879 = vector.shape_cast %reduce_max3A_878 : vector<16xf32> to vector<16x1xf32>
    %eq3A_880 = vector.broadcast %broadcast_in_dim3A_879 : vector<16x1xf32> to vector<16x4096xf32>
    %eq3A_881 = arith.cmpf oeq, %select_n3A_876, %eq3A_880 : vector<16x4096xf32>
    %jit3A_882 = arith.constant 2147483647 : i32
    %broadcast_in_dim3A_883 = vector.broadcast %jit3A_882 : i32 to vector<16x4096xi32>
    %select_n3A_884 = arith.select %eq3A_881, %add3A_838, %broadcast_in_dim3A_883 : vector<16x4096xi1>, vector<16x4096xi32>
    %reduce_min3A_885 = arith.constant dense<2147483647> : vector<16xi32>
    %reduce_min3A_886 = vector.multi_reduction <minsi>, %select_n3A_884, %reduce_min3A_885 [1] : vector<16x4096xi32> to vector<16xi32>
    %broadcast_in_dim3A_887 = vector.shape_cast %reduce_min3A_886 : vector<16xi32> to vector<16x1xi32>
    %eq3A_888 = vector.broadcast %broadcast_in_dim3A_887 : vector<16x1xi32> to vector<16x4096xi32>
    %eq3A_889 = arith.cmpi eq, %add3A_838, %eq3A_888 : vector<16x4096xi32>
    %jit3A_890 = arith.constant -3.000000e+38 : f32
    %broadcast_in_dim3A_891 = vector.broadcast %jit3A_890 : f32 to vector<16x4096xf32>
    %select_n3A_892 = arith.select %eq3A_889, %broadcast_in_dim3A_891, %select_n3A_876 : vector<16x4096xi1>, vector<16x4096xf32>
    %reduce_max3A_893 = arith.constant dense<0xFF800000> : vector<16xf32>
    %reduce_max3A_894 = vector.multi_reduction <maximumf>, %select_n3A_892, %reduce_max3A_893 [1] : vector<16x4096xf32> to vector<16xf32>
    %broadcast_in_dim3A_895 = vector.shape_cast %reduce_max3A_894 : vector<16xf32> to vector<16x1xf32>
    %eq3A_896 = vector.broadcast %broadcast_in_dim3A_895 : vector<16x1xf32> to vector<16x4096xf32>
    %eq3A_897 = arith.cmpf oeq, %select_n3A_892, %eq3A_896 : vector<16x4096xf32>
    %jit3A_898 = arith.constant 2147483647 : i32
    %broadcast_in_dim3A_899 = vector.broadcast %jit3A_898 : i32 to vector<16x4096xi32>
    %select_n3A_900 = arith.select %eq3A_897, %add3A_838, %broadcast_in_dim3A_899 : vector<16x4096xi1>, vector<16x4096xi32>
    %reduce_min3A_901 = arith.constant dense<2147483647> : vector<16xi32>
    %reduce_min3A_902 = vector.multi_reduction <minsi>, %select_n3A_900, %reduce_min3A_901 [1] : vector<16x4096xi32> to vector<16xi32>
    %broadcast_in_dim3A_903 = vector.shape_cast %reduce_min3A_902 : vector<16xi32> to vector<16x1xi32>
    %eq3A_904 = vector.broadcast %broadcast_in_dim3A_903 : vector<16x1xi32> to vector<16x4096xi32>
    %eq3A_905 = arith.cmpi eq, %add3A_838, %eq3A_904 : vector<16x4096xi32>
    %jit3A_906 = arith.constant -3.000000e+38 : f32
    %broadcast_in_dim3A_907 = vector.broadcast %jit3A_906 : f32 to vector<16x4096xf32>
    %select_n3A_908 = arith.select %eq3A_905, %broadcast_in_dim3A_907, %select_n3A_892 : vector<16x4096xi1>, vector<16x4096xf32>
    %reduce_max3A_909 = arith.constant dense<0xFF800000> : vector<16xf32>
    %reduce_max3A_910 = vector.multi_reduction <maximumf>, %select_n3A_908, %reduce_max3A_909 [1] : vector<16x4096xf32> to vector<16xf32>
    %broadcast_in_dim3A_911 = vector.shape_cast %reduce_max3A_910 : vector<16xf32> to vector<16x1xf32>
    %eq3A_912 = vector.broadcast %broadcast_in_dim3A_911 : vector<16x1xf32> to vector<16x4096xf32>
    %eq3A_913 = arith.cmpf oeq, %select_n3A_908, %eq3A_912 : vector<16x4096xf32>
    %jit3A_914 = arith.constant 2147483647 : i32
    %broadcast_in_dim3A_915 = vector.broadcast %jit3A_914 : i32 to vector<16x4096xi32>
    %select_n3A_916 = arith.select %eq3A_913, %add3A_838, %broadcast_in_dim3A_915 : vector<16x4096xi1>, vector<16x4096xi32>
    %reduce_min3A_917 = arith.constant dense<2147483647> : vector<16xi32>
    %reduce_min3A_918 = vector.multi_reduction <minsi>, %select_n3A_916, %reduce_min3A_917 [1] : vector<16x4096xi32> to vector<16xi32>
    %broadcast_in_dim3A_919 = vector.shape_cast %reduce_min3A_918 : vector<16xi32> to vector<16x1xi32>
    %concatenate3A_920 = tpu.concatenate %broadcast_in_dim3A_847, %broadcast_in_dim3A_863, %broadcast_in_dim3A_879, %broadcast_in_dim3A_895, %broadcast_in_dim3A_911 in 1 : vector<16x1xf32>, vector<16x1xf32>, vector<16x1xf32>, vector<16x1xf32>, vector<16x1xf32> -> vector<16x5xf32>
    %concatenate3A_921 = tpu.concatenate %broadcast_in_dim3A_855, %broadcast_in_dim3A_871, %broadcast_in_dim3A_887, %broadcast_in_dim3A_903, %broadcast_in_dim3A_919 in 1 : vector<16x1xi32>, vector<16x1xi32>, vector<16x1xi32>, vector<16x1xi32>, vector<16x1xi32> -> vector<16x5xi32>
    %slice3A_922 = vector.extract_strided_slice %sub3A_14 {offsets = [0, 40960], sizes = [16, 4096], strides = [1, 1]} : vector<16x131072xf32> to vector<16x4096xf32>
    %iota3A_923 = tpu.iota {dimensions = array<i32: 1>} : vector<16x4096xi32>
    %mul3A_924 = arith.constant 131072 : i32
    %mul3A_925 = arith.muli %arg0, %mul3A_924 : i32
    %add3A_926 = arith.constant 40960 : i32
    %add3A_927 = arith.addi %mul3A_925, %add3A_926 : i32
    %add3A_928 = vector.broadcast %add3A_927 : i32 to vector<16x4096xi32>
    %add3A_929 = arith.addi %iota3A_923, %add3A_928 : vector<16x4096xi32>
    %lt3A_930 = arith.constant 1000000 : i32
    %lt3A_931 = vector.broadcast %lt3A_930 : i32 to vector<16x4096xi32>
    %lt3A_932 = arith.cmpi slt, %add3A_929, %lt3A_931 : vector<16x4096xi32>
    %jit3A_933 = arith.constant -3.000000e+38 : f32
    %broadcast_in_dim3A_934 = vector.broadcast %jit3A_933 : f32 to vector<16x4096xf32>
    %select_n3A_935 = arith.select %lt3A_932, %slice3A_922, %broadcast_in_dim3A_934 : vector<16x4096xi1>, vector<16x4096xf32>
    %reduce_max3A_936 = arith.constant dense<0xFF800000> : vector<16xf32>
    %reduce_max3A_937 = vector.multi_reduction <maximumf>, %select_n3A_935, %reduce_max3A_936 [1] : vector<16x4096xf32> to vector<16xf32>
    %broadcast_in_dim3A_938 = vector.shape_cast %reduce_max3A_937 : vector<16xf32> to vector<16x1xf32>
    %eq3A_939 = vector.broadcast %broadcast_in_dim3A_938 : vector<16x1xf32> to vector<16x4096xf32>
    %eq3A_940 = arith.cmpf oeq, %select_n3A_935, %eq3A_939 : vector<16x4096xf32>
    %jit3A_941 = arith.constant 2147483647 : i32
    %broadcast_in_dim3A_942 = vector.broadcast %jit3A_941 : i32 to vector<16x4096xi32>
    %select_n3A_943 = arith.select %eq3A_940, %add3A_929, %broadcast_in_dim3A_942 : vector<16x4096xi1>, vector<16x4096xi32>
    %reduce_min3A_944 = arith.constant dense<2147483647> : vector<16xi32>
    %reduce_min3A_945 = vector.multi_reduction <minsi>, %select_n3A_943, %reduce_min3A_944 [1] : vector<16x4096xi32> to vector<16xi32>
    %broadcast_in_dim3A_946 = vector.shape_cast %reduce_min3A_945 : vector<16xi32> to vector<16x1xi32>
    %eq3A_947 = vector.broadcast %broadcast_in_dim3A_946 : vector<16x1xi32> to vector<16x4096xi32>
    %eq3A_948 = arith.cmpi eq, %add3A_929, %eq3A_947 : vector<16x4096xi32>
    %jit3A_949 = arith.constant -3.000000e+38 : f32
    %broadcast_in_dim3A_950 = vector.broadcast %jit3A_949 : f32 to vector<16x4096xf32>
    %select_n3A_951 = arith.select %eq3A_948, %broadcast_in_dim3A_950, %select_n3A_935 : vector<16x4096xi1>, vector<16x4096xf32>
    %reduce_max3A_952 = arith.constant dense<0xFF800000> : vector<16xf32>
    %reduce_max3A_953 = vector.multi_reduction <maximumf>, %select_n3A_951, %reduce_max3A_952 [1] : vector<16x4096xf32> to vector<16xf32>
    %broadcast_in_dim3A_954 = vector.shape_cast %reduce_max3A_953 : vector<16xf32> to vector<16x1xf32>
    %eq3A_955 = vector.broadcast %broadcast_in_dim3A_954 : vector<16x1xf32> to vector<16x4096xf32>
    %eq3A_956 = arith.cmpf oeq, %select_n3A_951, %eq3A_955 : vector<16x4096xf32>
    %jit3A_957 = arith.constant 2147483647 : i32
    %broadcast_in_dim3A_958 = vector.broadcast %jit3A_957 : i32 to vector<16x4096xi32>
    %select_n3A_959 = arith.select %eq3A_956, %add3A_929, %broadcast_in_dim3A_958 : vector<16x4096xi1>, vector<16x4096xi32>
    %reduce_min3A_960 = arith.constant dense<2147483647> : vector<16xi32>
    %reduce_min3A_961 = vector.multi_reduction <minsi>, %select_n3A_959, %reduce_min3A_960 [1] : vector<16x4096xi32> to vector<16xi32>
    %broadcast_in_dim3A_962 = vector.shape_cast %reduce_min3A_961 : vector<16xi32> to vector<16x1xi32>
    %eq3A_963 = vector.broadcast %broadcast_in_dim3A_962 : vector<16x1xi32> to vector<16x4096xi32>
    %eq3A_964 = arith.cmpi eq, %add3A_929, %eq3A_963 : vector<16x4096xi32>
    %jit3A_965 = arith.constant -3.000000e+38 : f32
    %broadcast_in_dim3A_966 = vector.broadcast %jit3A_965 : f32 to vector<16x4096xf32>
    %select_n3A_967 = arith.select %eq3A_964, %broadcast_in_dim3A_966, %select_n3A_951 : vector<16x4096xi1>, vector<16x4096xf32>
    %reduce_max3A_968 = arith.constant dense<0xFF800000> : vector<16xf32>
    %reduce_max3A_969 = vector.multi_reduction <maximumf>, %select_n3A_967, %reduce_max3A_968 [1] : vector<16x4096xf32> to vector<16xf32>
    %broadcast_in_dim3A_970 = vector.shape_cast %reduce_max3A_969 : vector<16xf32> to vector<16x1xf32>
    %eq3A_971 = vector.broadcast %broadcast_in_dim3A_970 : vector<16x1xf32> to vector<16x4096xf32>
    %eq3A_972 = arith.cmpf oeq, %select_n3A_967, %eq3A_971 : vector<16x4096xf32>
    %jit3A_973 = arith.constant 2147483647 : i32
    %broadcast_in_dim3A_974 = vector.broadcast %jit3A_973 : i32 to vector<16x4096xi32>
    %select_n3A_975 = arith.select %eq3A_972, %add3A_929, %broadcast_in_dim3A_974 : vector<16x4096xi1>, vector<16x4096xi32>
    %reduce_min3A_976 = arith.constant dense<2147483647> : vector<16xi32>
    %reduce_min3A_977 = vector.multi_reduction <minsi>, %select_n3A_975, %reduce_min3A_976 [1] : vector<16x4096xi32> to vector<16xi32>
    %broadcast_in_dim3A_978 = vector.shape_cast %reduce_min3A_977 : vector<16xi32> to vector<16x1xi32>
    %eq3A_979 = vector.broadcast %broadcast_in_dim3A_978 : vector<16x1xi32> to vector<16x4096xi32>
    %eq3A_980 = arith.cmpi eq, %add3A_929, %eq3A_979 : vector<16x4096xi32>
    %jit3A_981 = arith.constant -3.000000e+38 : f32
    %broadcast_in_dim3A_982 = vector.broadcast %jit3A_981 : f32 to vector<16x4096xf32>
    %select_n3A_983 = arith.select %eq3A_980, %broadcast_in_dim3A_982, %select_n3A_967 : vector<16x4096xi1>, vector<16x4096xf32>
    %reduce_max3A_984 = arith.constant dense<0xFF800000> : vector<16xf32>
    %reduce_max3A_985 = vector.multi_reduction <maximumf>, %select_n3A_983, %reduce_max3A_984 [1] : vector<16x4096xf32> to vector<16xf32>
    %broadcast_in_dim3A_986 = vector.shape_cast %reduce_max3A_985 : vector<16xf32> to vector<16x1xf32>
    %eq3A_987 = vector.broadcast %broadcast_in_dim3A_986 : vector<16x1xf32> to vector<16x4096xf32>
    %eq3A_988 = arith.cmpf oeq, %select_n3A_983, %eq3A_987 : vector<16x4096xf32>
    %jit3A_989 = arith.constant 2147483647 : i32
    %broadcast_in_dim3A_990 = vector.broadcast %jit3A_989 : i32 to vector<16x4096xi32>
    %select_n3A_991 = arith.select %eq3A_988, %add3A_929, %broadcast_in_dim3A_990 : vector<16x4096xi1>, vector<16x4096xi32>
    %reduce_min3A_992 = arith.constant dense<2147483647> : vector<16xi32>
    %reduce_min3A_993 = vector.multi_reduction <minsi>, %select_n3A_991, %reduce_min3A_992 [1] : vector<16x4096xi32> to vector<16xi32>
    %broadcast_in_dim3A_994 = vector.shape_cast %reduce_min3A_993 : vector<16xi32> to vector<16x1xi32>
    %eq3A_995 = vector.broadcast %broadcast_in_dim3A_994 : vector<16x1xi32> to vector<16x4096xi32>
    %eq3A_996 = arith.cmpi eq, %add3A_929, %eq3A_995 : vector<16x4096xi32>
    %jit3A_997 = arith.constant -3.000000e+38 : f32
    %broadcast_in_dim3A_998 = vector.broadcast %jit3A_997 : f32 to vector<16x4096xf32>
    %select_n3A_999 = arith.select %eq3A_996, %broadcast_in_dim3A_998, %select_n3A_983 : vector<16x4096xi1>, vector<16x4096xf32>
    %reduce_max3A_1000 = arith.constant dense<0xFF800000> : vector<16xf32>
    %reduce_max3A_1001 = vector.multi_reduction <maximumf>, %select_n3A_999, %reduce_max3A_1000 [1] : vector<16x4096xf32> to vector<16xf32>
    %broadcast_in_dim3A_1002 = vector.shape_cast %reduce_max3A_1001 : vector<16xf32> to vector<16x1xf32>
    %eq3A_1003 = vector.broadcast %broadcast_in_dim3A_1002 : vector<16x1xf32> to vector<16x4096xf32>
    %eq3A_1004 = arith.cmpf oeq, %select_n3A_999, %eq3A_1003 : vector<16x4096xf32>
    %jit3A_1005 = arith.constant 2147483647 : i32
    %broadcast_in_dim3A_1006 = vector.broadcast %jit3A_1005 : i32 to vector<16x4096xi32>
    %select_n3A_1007 = arith.select %eq3A_1004, %add3A_929, %broadcast_in_dim3A_1006 : vector<16x4096xi1>, vector<16x4096xi32>
    %reduce_min3A_1008 = arith.constant dense<2147483647> : vector<16xi32>
    %reduce_min3A_1009 = vector.multi_reduction <minsi>, %select_n3A_1007, %reduce_min3A_1008 [1] : vector<16x4096xi32> to vector<16xi32>
    %broadcast_in_dim3A_1010 = vector.shape_cast %reduce_min3A_1009 : vector<16xi32> to vector<16x1xi32>
    %concatenate3A_1011 = tpu.concatenate %broadcast_in_dim3A_938, %broadcast_in_dim3A_954, %broadcast_in_dim3A_970, %broadcast_in_dim3A_986, %broadcast_in_dim3A_1002 in 1 : vector<16x1xf32>, vector<16x1xf32>, vector<16x1xf32>, vector<16x1xf32>, vector<16x1xf32> -> vector<16x5xf32>
    %concatenate3A_1012 = tpu.concatenate %broadcast_in_dim3A_946, %broadcast_in_dim3A_962, %broadcast_in_dim3A_978, %broadcast_in_dim3A_994, %broadcast_in_dim3A_1010 in 1 : vector<16x1xi32>, vector<16x1xi32>, vector<16x1xi32>, vector<16x1xi32>, vector<16x1xi32> -> vector<16x5xi32>
    %slice3A_1013 = vector.extract_strided_slice %sub3A_14 {offsets = [0, 45056], sizes = [16, 4096], strides = [1, 1]} : vector<16x131072xf32> to vector<16x4096xf32>
    %iota3A_1014 = tpu.iota {dimensions = array<i32: 1>} : vector<16x4096xi32>
    %mul3A_1015 = arith.constant 131072 : i32
    %mul3A_1016 = arith.muli %arg0, %mul3A_1015 : i32
    %add3A_1017 = arith.constant 45056 : i32
    %add3A_1018 = arith.addi %mul3A_1016, %add3A_1017 : i32
    %add3A_1019 = vector.broadcast %add3A_1018 : i32 to vector<16x4096xi32>
    %add3A_1020 = arith.addi %iota3A_1014, %add3A_1019 : vector<16x4096xi32>
    %lt3A_1021 = arith.constant 1000000 : i32
    %lt3A_1022 = vector.broadcast %lt3A_1021 : i32 to vector<16x4096xi32>
    %lt3A_1023 = arith.cmpi slt, %add3A_1020, %lt3A_1022 : vector<16x4096xi32>
    %jit3A_1024 = arith.constant -3.000000e+38 : f32
    %broadcast_in_dim3A_1025 = vector.broadcast %jit3A_1024 : f32 to vector<16x4096xf32>
    %select_n3A_1026 = arith.select %lt3A_1023, %slice3A_1013, %broadcast_in_dim3A_1025 : vector<16x4096xi1>, vector<16x4096xf32>
    %reduce_max3A_1027 = arith.constant dense<0xFF800000> : vector<16xf32>
    %reduce_max3A_1028 = vector.multi_reduction <maximumf>, %select_n3A_1026, %reduce_max3A_1027 [1] : vector<16x4096xf32> to vector<16xf32>
    %broadcast_in_dim3A_1029 = vector.shape_cast %reduce_max3A_1028 : vector<16xf32> to vector<16x1xf32>
    %eq3A_1030 = vector.broadcast %broadcast_in_dim3A_1029 : vector<16x1xf32> to vector<16x4096xf32>
    %eq3A_1031 = arith.cmpf oeq, %select_n3A_1026, %eq3A_1030 : vector<16x4096xf32>
    %jit3A_1032 = arith.constant 2147483647 : i32
    %broadcast_in_dim3A_1033 = vector.broadcast %jit3A_1032 : i32 to vector<16x4096xi32>
    %select_n3A_1034 = arith.select %eq3A_1031, %add3A_1020, %broadcast_in_dim3A_1033 : vector<16x4096xi1>, vector<16x4096xi32>
    %reduce_min3A_1035 = arith.constant dense<2147483647> : vector<16xi32>
    %reduce_min3A_1036 = vector.multi_reduction <minsi>, %select_n3A_1034, %reduce_min3A_1035 [1] : vector<16x4096xi32> to vector<16xi32>
    %broadcast_in_dim3A_1037 = vector.shape_cast %reduce_min3A_1036 : vector<16xi32> to vector<16x1xi32>
    %eq3A_1038 = vector.broadcast %broadcast_in_dim3A_1037 : vector<16x1xi32> to vector<16x4096xi32>
    %eq3A_1039 = arith.cmpi eq, %add3A_1020, %eq3A_1038 : vector<16x4096xi32>
    %jit3A_1040 = arith.constant -3.000000e+38 : f32
    %broadcast_in_dim3A_1041 = vector.broadcast %jit3A_1040 : f32 to vector<16x4096xf32>
    %select_n3A_1042 = arith.select %eq3A_1039, %broadcast_in_dim3A_1041, %select_n3A_1026 : vector<16x4096xi1>, vector<16x4096xf32>
    %reduce_max3A_1043 = arith.constant dense<0xFF800000> : vector<16xf32>
    %reduce_max3A_1044 = vector.multi_reduction <maximumf>, %select_n3A_1042, %reduce_max3A_1043 [1] : vector<16x4096xf32> to vector<16xf32>
    %broadcast_in_dim3A_1045 = vector.shape_cast %reduce_max3A_1044 : vector<16xf32> to vector<16x1xf32>
    %eq3A_1046 = vector.broadcast %broadcast_in_dim3A_1045 : vector<16x1xf32> to vector<16x4096xf32>
    %eq3A_1047 = arith.cmpf oeq, %select_n3A_1042, %eq3A_1046 : vector<16x4096xf32>
    %jit3A_1048 = arith.constant 2147483647 : i32
    %broadcast_in_dim3A_1049 = vector.broadcast %jit3A_1048 : i32 to vector<16x4096xi32>
    %select_n3A_1050 = arith.select %eq3A_1047, %add3A_1020, %broadcast_in_dim3A_1049 : vector<16x4096xi1>, vector<16x4096xi32>
    %reduce_min3A_1051 = arith.constant dense<2147483647> : vector<16xi32>
    %reduce_min3A_1052 = vector.multi_reduction <minsi>, %select_n3A_1050, %reduce_min3A_1051 [1] : vector<16x4096xi32> to vector<16xi32>
    %broadcast_in_dim3A_1053 = vector.shape_cast %reduce_min3A_1052 : vector<16xi32> to vector<16x1xi32>
    %eq3A_1054 = vector.broadcast %broadcast_in_dim3A_1053 : vector<16x1xi32> to vector<16x4096xi32>
    %eq3A_1055 = arith.cmpi eq, %add3A_1020, %eq3A_1054 : vector<16x4096xi32>
    %jit3A_1056 = arith.constant -3.000000e+38 : f32
    %broadcast_in_dim3A_1057 = vector.broadcast %jit3A_1056 : f32 to vector<16x4096xf32>
    %select_n3A_1058 = arith.select %eq3A_1055, %broadcast_in_dim3A_1057, %select_n3A_1042 : vector<16x4096xi1>, vector<16x4096xf32>
    %reduce_max3A_1059 = arith.constant dense<0xFF800000> : vector<16xf32>
    %reduce_max3A_1060 = vector.multi_reduction <maximumf>, %select_n3A_1058, %reduce_max3A_1059 [1] : vector<16x4096xf32> to vector<16xf32>
    %broadcast_in_dim3A_1061 = vector.shape_cast %reduce_max3A_1060 : vector<16xf32> to vector<16x1xf32>
    %eq3A_1062 = vector.broadcast %broadcast_in_dim3A_1061 : vector<16x1xf32> to vector<16x4096xf32>
    %eq3A_1063 = arith.cmpf oeq, %select_n3A_1058, %eq3A_1062 : vector<16x4096xf32>
    %jit3A_1064 = arith.constant 2147483647 : i32
    %broadcast_in_dim3A_1065 = vector.broadcast %jit3A_1064 : i32 to vector<16x4096xi32>
    %select_n3A_1066 = arith.select %eq3A_1063, %add3A_1020, %broadcast_in_dim3A_1065 : vector<16x4096xi1>, vector<16x4096xi32>
    %reduce_min3A_1067 = arith.constant dense<2147483647> : vector<16xi32>
    %reduce_min3A_1068 = vector.multi_reduction <minsi>, %select_n3A_1066, %reduce_min3A_1067 [1] : vector<16x4096xi32> to vector<16xi32>
    %broadcast_in_dim3A_1069 = vector.shape_cast %reduce_min3A_1068 : vector<16xi32> to vector<16x1xi32>
    %eq3A_1070 = vector.broadcast %broadcast_in_dim3A_1069 : vector<16x1xi32> to vector<16x4096xi32>
    %eq3A_1071 = arith.cmpi eq, %add3A_1020, %eq3A_1070 : vector<16x4096xi32>
    %jit3A_1072 = arith.constant -3.000000e+38 : f32
    %broadcast_in_dim3A_1073 = vector.broadcast %jit3A_1072 : f32 to vector<16x4096xf32>
    %select_n3A_1074 = arith.select %eq3A_1071, %broadcast_in_dim3A_1073, %select_n3A_1058 : vector<16x4096xi1>, vector<16x4096xf32>
    %reduce_max3A_1075 = arith.constant dense<0xFF800000> : vector<16xf32>
    %reduce_max3A_1076 = vector.multi_reduction <maximumf>, %select_n3A_1074, %reduce_max3A_1075 [1] : vector<16x4096xf32> to vector<16xf32>
    %broadcast_in_dim3A_1077 = vector.shape_cast %reduce_max3A_1076 : vector<16xf32> to vector<16x1xf32>
    %eq3A_1078 = vector.broadcast %broadcast_in_dim3A_1077 : vector<16x1xf32> to vector<16x4096xf32>
    %eq3A_1079 = arith.cmpf oeq, %select_n3A_1074, %eq3A_1078 : vector<16x4096xf32>
    %jit3A_1080 = arith.constant 2147483647 : i32
    %broadcast_in_dim3A_1081 = vector.broadcast %jit3A_1080 : i32 to vector<16x4096xi32>
    %select_n3A_1082 = arith.select %eq3A_1079, %add3A_1020, %broadcast_in_dim3A_1081 : vector<16x4096xi1>, vector<16x4096xi32>
    %reduce_min3A_1083 = arith.constant dense<2147483647> : vector<16xi32>
    %reduce_min3A_1084 = vector.multi_reduction <minsi>, %select_n3A_1082, %reduce_min3A_1083 [1] : vector<16x4096xi32> to vector<16xi32>
    %broadcast_in_dim3A_1085 = vector.shape_cast %reduce_min3A_1084 : vector<16xi32> to vector<16x1xi32>
    %eq3A_1086 = vector.broadcast %broadcast_in_dim3A_1085 : vector<16x1xi32> to vector<16x4096xi32>
    %eq3A_1087 = arith.cmpi eq, %add3A_1020, %eq3A_1086 : vector<16x4096xi32>
    %jit3A_1088 = arith.constant -3.000000e+38 : f32
    %broadcast_in_dim3A_1089 = vector.broadcast %jit3A_1088 : f32 to vector<16x4096xf32>
    %select_n3A_1090 = arith.select %eq3A_1087, %broadcast_in_dim3A_1089, %select_n3A_1074 : vector<16x4096xi1>, vector<16x4096xf32>
    %reduce_max3A_1091 = arith.constant dense<0xFF800000> : vector<16xf32>
    %reduce_max3A_1092 = vector.multi_reduction <maximumf>, %select_n3A_1090, %reduce_max3A_1091 [1] : vector<16x4096xf32> to vector<16xf32>
    %broadcast_in_dim3A_1093 = vector.shape_cast %reduce_max3A_1092 : vector<16xf32> to vector<16x1xf32>
    %eq3A_1094 = vector.broadcast %broadcast_in_dim3A_1093 : vector<16x1xf32> to vector<16x4096xf32>
    %eq3A_1095 = arith.cmpf oeq, %select_n3A_1090, %eq3A_1094 : vector<16x4096xf32>
    %jit3A_1096 = arith.constant 2147483647 : i32
    %broadcast_in_dim3A_1097 = vector.broadcast %jit3A_1096 : i32 to vector<16x4096xi32>
    %select_n3A_1098 = arith.select %eq3A_1095, %add3A_1020, %broadcast_in_dim3A_1097 : vector<16x4096xi1>, vector<16x4096xi32>
    %reduce_min3A_1099 = arith.constant dense<2147483647> : vector<16xi32>
    %reduce_min3A_1100 = vector.multi_reduction <minsi>, %select_n3A_1098, %reduce_min3A_1099 [1] : vector<16x4096xi32> to vector<16xi32>
    %broadcast_in_dim3A_1101 = vector.shape_cast %reduce_min3A_1100 : vector<16xi32> to vector<16x1xi32>
    %concatenate3A_1102 = tpu.concatenate %broadcast_in_dim3A_1029, %broadcast_in_dim3A_1045, %broadcast_in_dim3A_1061, %broadcast_in_dim3A_1077, %broadcast_in_dim3A_1093 in 1 : vector<16x1xf32>, vector<16x1xf32>, vector<16x1xf32>, vector<16x1xf32>, vector<16x1xf32> -> vector<16x5xf32>
    %concatenate3A_1103 = tpu.concatenate %broadcast_in_dim3A_1037, %broadcast_in_dim3A_1053, %broadcast_in_dim3A_1069, %broadcast_in_dim3A_1085, %broadcast_in_dim3A_1101 in 1 : vector<16x1xi32>, vector<16x1xi32>, vector<16x1xi32>, vector<16x1xi32>, vector<16x1xi32> -> vector<16x5xi32>
    %slice3A_1104 = vector.extract_strided_slice %sub3A_14 {offsets = [0, 49152], sizes = [16, 4096], strides = [1, 1]} : vector<16x131072xf32> to vector<16x4096xf32>
    %iota3A_1105 = tpu.iota {dimensions = array<i32: 1>} : vector<16x4096xi32>
    %mul3A_1106 = arith.constant 131072 : i32
    %mul3A_1107 = arith.muli %arg0, %mul3A_1106 : i32
    %add3A_1108 = arith.constant 49152 : i32
    %add3A_1109 = arith.addi %mul3A_1107, %add3A_1108 : i32
    %add3A_1110 = vector.broadcast %add3A_1109 : i32 to vector<16x4096xi32>
    %add3A_1111 = arith.addi %iota3A_1105, %add3A_1110 : vector<16x4096xi32>
    %lt3A_1112 = arith.constant 1000000 : i32
    %lt3A_1113 = vector.broadcast %lt3A_1112 : i32 to vector<16x4096xi32>
    %lt3A_1114 = arith.cmpi slt, %add3A_1111, %lt3A_1113 : vector<16x4096xi32>
    %jit3A_1115 = arith.constant -3.000000e+38 : f32
    %broadcast_in_dim3A_1116 = vector.broadcast %jit3A_1115 : f32 to vector<16x4096xf32>
    %select_n3A_1117 = arith.select %lt3A_1114, %slice3A_1104, %broadcast_in_dim3A_1116 : vector<16x4096xi1>, vector<16x4096xf32>
    %reduce_max3A_1118 = arith.constant dense<0xFF800000> : vector<16xf32>
    %reduce_max3A_1119 = vector.multi_reduction <maximumf>, %select_n3A_1117, %reduce_max3A_1118 [1] : vector<16x4096xf32> to vector<16xf32>
    %broadcast_in_dim3A_1120 = vector.shape_cast %reduce_max3A_1119 : vector<16xf32> to vector<16x1xf32>
    %eq3A_1121 = vector.broadcast %broadcast_in_dim3A_1120 : vector<16x1xf32> to vector<16x4096xf32>
    %eq3A_1122 = arith.cmpf oeq, %select_n3A_1117, %eq3A_1121 : vector<16x4096xf32>
    %jit3A_1123 = arith.constant 2147483647 : i32
    %broadcast_in_dim3A_1124 = vector.broadcast %jit3A_1123 : i32 to vector<16x4096xi32>
    %select_n3A_1125 = arith.select %eq3A_1122, %add3A_1111, %broadcast_in_dim3A_1124 : vector<16x4096xi1>, vector<16x4096xi32>
    %reduce_min3A_1126 = arith.constant dense<2147483647> : vector<16xi32>
    %reduce_min3A_1127 = vector.multi_reduction <minsi>, %select_n3A_1125, %reduce_min3A_1126 [1] : vector<16x4096xi32> to vector<16xi32>
    %broadcast_in_dim3A_1128 = vector.shape_cast %reduce_min3A_1127 : vector<16xi32> to vector<16x1xi32>
    %eq3A_1129 = vector.broadcast %broadcast_in_dim3A_1128 : vector<16x1xi32> to vector<16x4096xi32>
    %eq3A_1130 = arith.cmpi eq, %add3A_1111, %eq3A_1129 : vector<16x4096xi32>
    %jit3A_1131 = arith.constant -3.000000e+38 : f32
    %broadcast_in_dim3A_1132 = vector.broadcast %jit3A_1131 : f32 to vector<16x4096xf32>
    %select_n3A_1133 = arith.select %eq3A_1130, %broadcast_in_dim3A_1132, %select_n3A_1117 : vector<16x4096xi1>, vector<16x4096xf32>
    %reduce_max3A_1134 = arith.constant dense<0xFF800000> : vector<16xf32>
    %reduce_max3A_1135 = vector.multi_reduction <maximumf>, %select_n3A_1133, %reduce_max3A_1134 [1] : vector<16x4096xf32> to vector<16xf32>
    %broadcast_in_dim3A_1136 = vector.shape_cast %reduce_max3A_1135 : vector<16xf32> to vector<16x1xf32>
    %eq3A_1137 = vector.broadcast %broadcast_in_dim3A_1136 : vector<16x1xf32> to vector<16x4096xf32>
    %eq3A_1138 = arith.cmpf oeq, %select_n3A_1133, %eq3A_1137 : vector<16x4096xf32>
    %jit3A_1139 = arith.constant 2147483647 : i32
    %broadcast_in_dim3A_1140 = vector.broadcast %jit3A_1139 : i32 to vector<16x4096xi32>
    %select_n3A_1141 = arith.select %eq3A_1138, %add3A_1111, %broadcast_in_dim3A_1140 : vector<16x4096xi1>, vector<16x4096xi32>
    %reduce_min3A_1142 = arith.constant dense<2147483647> : vector<16xi32>
    %reduce_min3A_1143 = vector.multi_reduction <minsi>, %select_n3A_1141, %reduce_min3A_1142 [1] : vector<16x4096xi32> to vector<16xi32>
    %broadcast_in_dim3A_1144 = vector.shape_cast %reduce_min3A_1143 : vector<16xi32> to vector<16x1xi32>
    %eq3A_1145 = vector.broadcast %broadcast_in_dim3A_1144 : vector<16x1xi32> to vector<16x4096xi32>
    %eq3A_1146 = arith.cmpi eq, %add3A_1111, %eq3A_1145 : vector<16x4096xi32>
    %jit3A_1147 = arith.constant -3.000000e+38 : f32
    %broadcast_in_dim3A_1148 = vector.broadcast %jit3A_1147 : f32 to vector<16x4096xf32>
    %select_n3A_1149 = arith.select %eq3A_1146, %broadcast_in_dim3A_1148, %select_n3A_1133 : vector<16x4096xi1>, vector<16x4096xf32>
    %reduce_max3A_1150 = arith.constant dense<0xFF800000> : vector<16xf32>
    %reduce_max3A_1151 = vector.multi_reduction <maximumf>, %select_n3A_1149, %reduce_max3A_1150 [1] : vector<16x4096xf32> to vector<16xf32>
    %broadcast_in_dim3A_1152 = vector.shape_cast %reduce_max3A_1151 : vector<16xf32> to vector<16x1xf32>
    %eq3A_1153 = vector.broadcast %broadcast_in_dim3A_1152 : vector<16x1xf32> to vector<16x4096xf32>
    %eq3A_1154 = arith.cmpf oeq, %select_n3A_1149, %eq3A_1153 : vector<16x4096xf32>
    %jit3A_1155 = arith.constant 2147483647 : i32
    %broadcast_in_dim3A_1156 = vector.broadcast %jit3A_1155 : i32 to vector<16x4096xi32>
    %select_n3A_1157 = arith.select %eq3A_1154, %add3A_1111, %broadcast_in_dim3A_1156 : vector<16x4096xi1>, vector<16x4096xi32>
    %reduce_min3A_1158 = arith.constant dense<2147483647> : vector<16xi32>
    %reduce_min3A_1159 = vector.multi_reduction <minsi>, %select_n3A_1157, %reduce_min3A_1158 [1] : vector<16x4096xi32> to vector<16xi32>
    %broadcast_in_dim3A_1160 = vector.shape_cast %reduce_min3A_1159 : vector<16xi32> to vector<16x1xi32>
    %eq3A_1161 = vector.broadcast %broadcast_in_dim3A_1160 : vector<16x1xi32> to vector<16x4096xi32>
    %eq3A_1162 = arith.cmpi eq, %add3A_1111, %eq3A_1161 : vector<16x4096xi32>
    %jit3A_1163 = arith.constant -3.000000e+38 : f32
    %broadcast_in_dim3A_1164 = vector.broadcast %jit3A_1163 : f32 to vector<16x4096xf32>
    %select_n3A_1165 = arith.select %eq3A_1162, %broadcast_in_dim3A_1164, %select_n3A_1149 : vector<16x4096xi1>, vector<16x4096xf32>
    %reduce_max3A_1166 = arith.constant dense<0xFF800000> : vector<16xf32>
    %reduce_max3A_1167 = vector.multi_reduction <maximumf>, %select_n3A_1165, %reduce_max3A_1166 [1] : vector<16x4096xf32> to vector<16xf32>
    %broadcast_in_dim3A_1168 = vector.shape_cast %reduce_max3A_1167 : vector<16xf32> to vector<16x1xf32>
    %eq3A_1169 = vector.broadcast %broadcast_in_dim3A_1168 : vector<16x1xf32> to vector<16x4096xf32>
    %eq3A_1170 = arith.cmpf oeq, %select_n3A_1165, %eq3A_1169 : vector<16x4096xf32>
    %jit3A_1171 = arith.constant 2147483647 : i32
    %broadcast_in_dim3A_1172 = vector.broadcast %jit3A_1171 : i32 to vector<16x4096xi32>
    %select_n3A_1173 = arith.select %eq3A_1170, %add3A_1111, %broadcast_in_dim3A_1172 : vector<16x4096xi1>, vector<16x4096xi32>
    %reduce_min3A_1174 = arith.constant dense<2147483647> : vector<16xi32>
    %reduce_min3A_1175 = vector.multi_reduction <minsi>, %select_n3A_1173, %reduce_min3A_1174 [1] : vector<16x4096xi32> to vector<16xi32>
    %broadcast_in_dim3A_1176 = vector.shape_cast %reduce_min3A_1175 : vector<16xi32> to vector<16x1xi32>
    %eq3A_1177 = vector.broadcast %broadcast_in_dim3A_1176 : vector<16x1xi32> to vector<16x4096xi32>
    %eq3A_1178 = arith.cmpi eq, %add3A_1111, %eq3A_1177 : vector<16x4096xi32>
    %jit3A_1179 = arith.constant -3.000000e+38 : f32
    %broadcast_in_dim3A_1180 = vector.broadcast %jit3A_1179 : f32 to vector<16x4096xf32>
    %select_n3A_1181 = arith.select %eq3A_1178, %broadcast_in_dim3A_1180, %select_n3A_1165 : vector<16x4096xi1>, vector<16x4096xf32>
    %reduce_max3A_1182 = arith.constant dense<0xFF800000> : vector<16xf32>
    %reduce_max3A_1183 = vector.multi_reduction <maximumf>, %select_n3A_1181, %reduce_max3A_1182 [1] : vector<16x4096xf32> to vector<16xf32>
    %broadcast_in_dim3A_1184 = vector.shape_cast %reduce_max3A_1183 : vector<16xf32> to vector<16x1xf32>
    %eq3A_1185 = vector.broadcast %broadcast_in_dim3A_1184 : vector<16x1xf32> to vector<16x4096xf32>
    %eq3A_1186 = arith.cmpf oeq, %select_n3A_1181, %eq3A_1185 : vector<16x4096xf32>
    %jit3A_1187 = arith.constant 2147483647 : i32
    %broadcast_in_dim3A_1188 = vector.broadcast %jit3A_1187 : i32 to vector<16x4096xi32>
    %select_n3A_1189 = arith.select %eq3A_1186, %add3A_1111, %broadcast_in_dim3A_1188 : vector<16x4096xi1>, vector<16x4096xi32>
    %reduce_min3A_1190 = arith.constant dense<2147483647> : vector<16xi32>
    %reduce_min3A_1191 = vector.multi_reduction <minsi>, %select_n3A_1189, %reduce_min3A_1190 [1] : vector<16x4096xi32> to vector<16xi32>
    %broadcast_in_dim3A_1192 = vector.shape_cast %reduce_min3A_1191 : vector<16xi32> to vector<16x1xi32>
    %concatenate3A_1193 = tpu.concatenate %broadcast_in_dim3A_1120, %broadcast_in_dim3A_1136, %broadcast_in_dim3A_1152, %broadcast_in_dim3A_1168, %broadcast_in_dim3A_1184 in 1 : vector<16x1xf32>, vector<16x1xf32>, vector<16x1xf32>, vector<16x1xf32>, vector<16x1xf32> -> vector<16x5xf32>
    %concatenate3A_1194 = tpu.concatenate %broadcast_in_dim3A_1128, %broadcast_in_dim3A_1144, %broadcast_in_dim3A_1160, %broadcast_in_dim3A_1176, %broadcast_in_dim3A_1192 in 1 : vector<16x1xi32>, vector<16x1xi32>, vector<16x1xi32>, vector<16x1xi32>, vector<16x1xi32> -> vector<16x5xi32>
    %slice3A_1195 = vector.extract_strided_slice %sub3A_14 {offsets = [0, 53248], sizes = [16, 4096], strides = [1, 1]} : vector<16x131072xf32> to vector<16x4096xf32>
    %iota3A_1196 = tpu.iota {dimensions = array<i32: 1>} : vector<16x4096xi32>
    %mul3A_1197 = arith.constant 131072 : i32
    %mul3A_1198 = arith.muli %arg0, %mul3A_1197 : i32
    %add3A_1199 = arith.constant 53248 : i32
    %add3A_1200 = arith.addi %mul3A_1198, %add3A_1199 : i32
    %add3A_1201 = vector.broadcast %add3A_1200 : i32 to vector<16x4096xi32>
    %add3A_1202 = arith.addi %iota3A_1196, %add3A_1201 : vector<16x4096xi32>
    %lt3A_1203 = arith.constant 1000000 : i32
    %lt3A_1204 = vector.broadcast %lt3A_1203 : i32 to vector<16x4096xi32>
    %lt3A_1205 = arith.cmpi slt, %add3A_1202, %lt3A_1204 : vector<16x4096xi32>
    %jit3A_1206 = arith.constant -3.000000e+38 : f32
    %broadcast_in_dim3A_1207 = vector.broadcast %jit3A_1206 : f32 to vector<16x4096xf32>
    %select_n3A_1208 = arith.select %lt3A_1205, %slice3A_1195, %broadcast_in_dim3A_1207 : vector<16x4096xi1>, vector<16x4096xf32>
    %reduce_max3A_1209 = arith.constant dense<0xFF800000> : vector<16xf32>
    %reduce_max3A_1210 = vector.multi_reduction <maximumf>, %select_n3A_1208, %reduce_max3A_1209 [1] : vector<16x4096xf32> to vector<16xf32>
    %broadcast_in_dim3A_1211 = vector.shape_cast %reduce_max3A_1210 : vector<16xf32> to vector<16x1xf32>
    %eq3A_1212 = vector.broadcast %broadcast_in_dim3A_1211 : vector<16x1xf32> to vector<16x4096xf32>
    %eq3A_1213 = arith.cmpf oeq, %select_n3A_1208, %eq3A_1212 : vector<16x4096xf32>
    %jit3A_1214 = arith.constant 2147483647 : i32
    %broadcast_in_dim3A_1215 = vector.broadcast %jit3A_1214 : i32 to vector<16x4096xi32>
    %select_n3A_1216 = arith.select %eq3A_1213, %add3A_1202, %broadcast_in_dim3A_1215 : vector<16x4096xi1>, vector<16x4096xi32>
    %reduce_min3A_1217 = arith.constant dense<2147483647> : vector<16xi32>
    %reduce_min3A_1218 = vector.multi_reduction <minsi>, %select_n3A_1216, %reduce_min3A_1217 [1] : vector<16x4096xi32> to vector<16xi32>
    %broadcast_in_dim3A_1219 = vector.shape_cast %reduce_min3A_1218 : vector<16xi32> to vector<16x1xi32>
    %eq3A_1220 = vector.broadcast %broadcast_in_dim3A_1219 : vector<16x1xi32> to vector<16x4096xi32>
    %eq3A_1221 = arith.cmpi eq, %add3A_1202, %eq3A_1220 : vector<16x4096xi32>
    %jit3A_1222 = arith.constant -3.000000e+38 : f32
    %broadcast_in_dim3A_1223 = vector.broadcast %jit3A_1222 : f32 to vector<16x4096xf32>
    %select_n3A_1224 = arith.select %eq3A_1221, %broadcast_in_dim3A_1223, %select_n3A_1208 : vector<16x4096xi1>, vector<16x4096xf32>
    %reduce_max3A_1225 = arith.constant dense<0xFF800000> : vector<16xf32>
    %reduce_max3A_1226 = vector.multi_reduction <maximumf>, %select_n3A_1224, %reduce_max3A_1225 [1] : vector<16x4096xf32> to vector<16xf32>
    %broadcast_in_dim3A_1227 = vector.shape_cast %reduce_max3A_1226 : vector<16xf32> to vector<16x1xf32>
    %eq3A_1228 = vector.broadcast %broadcast_in_dim3A_1227 : vector<16x1xf32> to vector<16x4096xf32>
    %eq3A_1229 = arith.cmpf oeq, %select_n3A_1224, %eq3A_1228 : vector<16x4096xf32>
    %jit3A_1230 = arith.constant 2147483647 : i32
    %broadcast_in_dim3A_1231 = vector.broadcast %jit3A_1230 : i32 to vector<16x4096xi32>
    %select_n3A_1232 = arith.select %eq3A_1229, %add3A_1202, %broadcast_in_dim3A_1231 : vector<16x4096xi1>, vector<16x4096xi32>
    %reduce_min3A_1233 = arith.constant dense<2147483647> : vector<16xi32>
    %reduce_min3A_1234 = vector.multi_reduction <minsi>, %select_n3A_1232, %reduce_min3A_1233 [1] : vector<16x4096xi32> to vector<16xi32>
    %broadcast_in_dim3A_1235 = vector.shape_cast %reduce_min3A_1234 : vector<16xi32> to vector<16x1xi32>
    %eq3A_1236 = vector.broadcast %broadcast_in_dim3A_1235 : vector<16x1xi32> to vector<16x4096xi32>
    %eq3A_1237 = arith.cmpi eq, %add3A_1202, %eq3A_1236 : vector<16x4096xi32>
    %jit3A_1238 = arith.constant -3.000000e+38 : f32
    %broadcast_in_dim3A_1239 = vector.broadcast %jit3A_1238 : f32 to vector<16x4096xf32>
    %select_n3A_1240 = arith.select %eq3A_1237, %broadcast_in_dim3A_1239, %select_n3A_1224 : vector<16x4096xi1>, vector<16x4096xf32>
    %reduce_max3A_1241 = arith.constant dense<0xFF800000> : vector<16xf32>
    %reduce_max3A_1242 = vector.multi_reduction <maximumf>, %select_n3A_1240, %reduce_max3A_1241 [1] : vector<16x4096xf32> to vector<16xf32>
    %broadcast_in_dim3A_1243 = vector.shape_cast %reduce_max3A_1242 : vector<16xf32> to vector<16x1xf32>
    %eq3A_1244 = vector.broadcast %broadcast_in_dim3A_1243 : vector<16x1xf32> to vector<16x4096xf32>
    %eq3A_1245 = arith.cmpf oeq, %select_n3A_1240, %eq3A_1244 : vector<16x4096xf32>
    %jit3A_1246 = arith.constant 2147483647 : i32
    %broadcast_in_dim3A_1247 = vector.broadcast %jit3A_1246 : i32 to vector<16x4096xi32>
    %select_n3A_1248 = arith.select %eq3A_1245, %add3A_1202, %broadcast_in_dim3A_1247 : vector<16x4096xi1>, vector<16x4096xi32>
    %reduce_min3A_1249 = arith.constant dense<2147483647> : vector<16xi32>
    %reduce_min3A_1250 = vector.multi_reduction <minsi>, %select_n3A_1248, %reduce_min3A_1249 [1] : vector<16x4096xi32> to vector<16xi32>
    %broadcast_in_dim3A_1251 = vector.shape_cast %reduce_min3A_1250 : vector<16xi32> to vector<16x1xi32>
    %eq3A_1252 = vector.broadcast %broadcast_in_dim3A_1251 : vector<16x1xi32> to vector<16x4096xi32>
    %eq3A_1253 = arith.cmpi eq, %add3A_1202, %eq3A_1252 : vector<16x4096xi32>
    %jit3A_1254 = arith.constant -3.000000e+38 : f32
    %broadcast_in_dim3A_1255 = vector.broadcast %jit3A_1254 : f32 to vector<16x4096xf32>
    %select_n3A_1256 = arith.select %eq3A_1253, %broadcast_in_dim3A_1255, %select_n3A_1240 : vector<16x4096xi1>, vector<16x4096xf32>
    %reduce_max3A_1257 = arith.constant dense<0xFF800000> : vector<16xf32>
    %reduce_max3A_1258 = vector.multi_reduction <maximumf>, %select_n3A_1256, %reduce_max3A_1257 [1] : vector<16x4096xf32> to vector<16xf32>
    %broadcast_in_dim3A_1259 = vector.shape_cast %reduce_max3A_1258 : vector<16xf32> to vector<16x1xf32>
    %eq3A_1260 = vector.broadcast %broadcast_in_dim3A_1259 : vector<16x1xf32> to vector<16x4096xf32>
    %eq3A_1261 = arith.cmpf oeq, %select_n3A_1256, %eq3A_1260 : vector<16x4096xf32>
    %jit3A_1262 = arith.constant 2147483647 : i32
    %broadcast_in_dim3A_1263 = vector.broadcast %jit3A_1262 : i32 to vector<16x4096xi32>
    %select_n3A_1264 = arith.select %eq3A_1261, %add3A_1202, %broadcast_in_dim3A_1263 : vector<16x4096xi1>, vector<16x4096xi32>
    %reduce_min3A_1265 = arith.constant dense<2147483647> : vector<16xi32>
    %reduce_min3A_1266 = vector.multi_reduction <minsi>, %select_n3A_1264, %reduce_min3A_1265 [1] : vector<16x4096xi32> to vector<16xi32>
    %broadcast_in_dim3A_1267 = vector.shape_cast %reduce_min3A_1266 : vector<16xi32> to vector<16x1xi32>
    %eq3A_1268 = vector.broadcast %broadcast_in_dim3A_1267 : vector<16x1xi32> to vector<16x4096xi32>
    %eq3A_1269 = arith.cmpi eq, %add3A_1202, %eq3A_1268 : vector<16x4096xi32>
    %jit3A_1270 = arith.constant -3.000000e+38 : f32
    %broadcast_in_dim3A_1271 = vector.broadcast %jit3A_1270 : f32 to vector<16x4096xf32>
    %select_n3A_1272 = arith.select %eq3A_1269, %broadcast_in_dim3A_1271, %select_n3A_1256 : vector<16x4096xi1>, vector<16x4096xf32>
    %reduce_max3A_1273 = arith.constant dense<0xFF800000> : vector<16xf32>
    %reduce_max3A_1274 = vector.multi_reduction <maximumf>, %select_n3A_1272, %reduce_max3A_1273 [1] : vector<16x4096xf32> to vector<16xf32>
    %broadcast_in_dim3A_1275 = vector.shape_cast %reduce_max3A_1274 : vector<16xf32> to vector<16x1xf32>
    %eq3A_1276 = vector.broadcast %broadcast_in_dim3A_1275 : vector<16x1xf32> to vector<16x4096xf32>
    %eq3A_1277 = arith.cmpf oeq, %select_n3A_1272, %eq3A_1276 : vector<16x4096xf32>
    %jit3A_1278 = arith.constant 2147483647 : i32
    %broadcast_in_dim3A_1279 = vector.broadcast %jit3A_1278 : i32 to vector<16x4096xi32>
    %select_n3A_1280 = arith.select %eq3A_1277, %add3A_1202, %broadcast_in_dim3A_1279 : vector<16x4096xi1>, vector<16x4096xi32>
    %reduce_min3A_1281 = arith.constant dense<2147483647> : vector<16xi32>
    %reduce_min3A_1282 = vector.multi_reduction <minsi>, %select_n3A_1280, %reduce_min3A_1281 [1] : vector<16x4096xi32> to vector<16xi32>
    %broadcast_in_dim3A_1283 = vector.shape_cast %reduce_min3A_1282 : vector<16xi32> to vector<16x1xi32>
    %concatenate3A_1284 = tpu.concatenate %broadcast_in_dim3A_1211, %broadcast_in_dim3A_1227, %broadcast_in_dim3A_1243, %broadcast_in_dim3A_1259, %broadcast_in_dim3A_1275 in 1 : vector<16x1xf32>, vector<16x1xf32>, vector<16x1xf32>, vector<16x1xf32>, vector<16x1xf32> -> vector<16x5xf32>
    %concatenate3A_1285 = tpu.concatenate %broadcast_in_dim3A_1219, %broadcast_in_dim3A_1235, %broadcast_in_dim3A_1251, %broadcast_in_dim3A_1267, %broadcast_in_dim3A_1283 in 1 : vector<16x1xi32>, vector<16x1xi32>, vector<16x1xi32>, vector<16x1xi32>, vector<16x1xi32> -> vector<16x5xi32>
    %slice3A_1286 = vector.extract_strided_slice %sub3A_14 {offsets = [0, 57344], sizes = [16, 4096], strides = [1, 1]} : vector<16x131072xf32> to vector<16x4096xf32>
    %iota3A_1287 = tpu.iota {dimensions = array<i32: 1>} : vector<16x4096xi32>
    %mul3A_1288 = arith.constant 131072 : i32
    %mul3A_1289 = arith.muli %arg0, %mul3A_1288 : i32
    %add3A_1290 = arith.constant 57344 : i32
    %add3A_1291 = arith.addi %mul3A_1289, %add3A_1290 : i32
    %add3A_1292 = vector.broadcast %add3A_1291 : i32 to vector<16x4096xi32>
    %add3A_1293 = arith.addi %iota3A_1287, %add3A_1292 : vector<16x4096xi32>
    %lt3A_1294 = arith.constant 1000000 : i32
    %lt3A_1295 = vector.broadcast %lt3A_1294 : i32 to vector<16x4096xi32>
    %lt3A_1296 = arith.cmpi slt, %add3A_1293, %lt3A_1295 : vector<16x4096xi32>
    %jit3A_1297 = arith.constant -3.000000e+38 : f32
    %broadcast_in_dim3A_1298 = vector.broadcast %jit3A_1297 : f32 to vector<16x4096xf32>
    %select_n3A_1299 = arith.select %lt3A_1296, %slice3A_1286, %broadcast_in_dim3A_1298 : vector<16x4096xi1>, vector<16x4096xf32>
    %reduce_max3A_1300 = arith.constant dense<0xFF800000> : vector<16xf32>
    %reduce_max3A_1301 = vector.multi_reduction <maximumf>, %select_n3A_1299, %reduce_max3A_1300 [1] : vector<16x4096xf32> to vector<16xf32>
    %broadcast_in_dim3A_1302 = vector.shape_cast %reduce_max3A_1301 : vector<16xf32> to vector<16x1xf32>
    %eq3A_1303 = vector.broadcast %broadcast_in_dim3A_1302 : vector<16x1xf32> to vector<16x4096xf32>
    %eq3A_1304 = arith.cmpf oeq, %select_n3A_1299, %eq3A_1303 : vector<16x4096xf32>
    %jit3A_1305 = arith.constant 2147483647 : i32
    %broadcast_in_dim3A_1306 = vector.broadcast %jit3A_1305 : i32 to vector<16x4096xi32>
    %select_n3A_1307 = arith.select %eq3A_1304, %add3A_1293, %broadcast_in_dim3A_1306 : vector<16x4096xi1>, vector<16x4096xi32>
    %reduce_min3A_1308 = arith.constant dense<2147483647> : vector<16xi32>
    %reduce_min3A_1309 = vector.multi_reduction <minsi>, %select_n3A_1307, %reduce_min3A_1308 [1] : vector<16x4096xi32> to vector<16xi32>
    %broadcast_in_dim3A_1310 = vector.shape_cast %reduce_min3A_1309 : vector<16xi32> to vector<16x1xi32>
    %eq3A_1311 = vector.broadcast %broadcast_in_dim3A_1310 : vector<16x1xi32> to vector<16x4096xi32>
    %eq3A_1312 = arith.cmpi eq, %add3A_1293, %eq3A_1311 : vector<16x4096xi32>
    %jit3A_1313 = arith.constant -3.000000e+38 : f32
    %broadcast_in_dim3A_1314 = vector.broadcast %jit3A_1313 : f32 to vector<16x4096xf32>
    %select_n3A_1315 = arith.select %eq3A_1312, %broadcast_in_dim3A_1314, %select_n3A_1299 : vector<16x4096xi1>, vector<16x4096xf32>
    %reduce_max3A_1316 = arith.constant dense<0xFF800000> : vector<16xf32>
    %reduce_max3A_1317 = vector.multi_reduction <maximumf>, %select_n3A_1315, %reduce_max3A_1316 [1] : vector<16x4096xf32> to vector<16xf32>
    %broadcast_in_dim3A_1318 = vector.shape_cast %reduce_max3A_1317 : vector<16xf32> to vector<16x1xf32>
    %eq3A_1319 = vector.broadcast %broadcast_in_dim3A_1318 : vector<16x1xf32> to vector<16x4096xf32>
    %eq3A_1320 = arith.cmpf oeq, %select_n3A_1315, %eq3A_1319 : vector<16x4096xf32>
    %jit3A_1321 = arith.constant 2147483647 : i32
    %broadcast_in_dim3A_1322 = vector.broadcast %jit3A_1321 : i32 to vector<16x4096xi32>
    %select_n3A_1323 = arith.select %eq3A_1320, %add3A_1293, %broadcast_in_dim3A_1322 : vector<16x4096xi1>, vector<16x4096xi32>
    %reduce_min3A_1324 = arith.constant dense<2147483647> : vector<16xi32>
    %reduce_min3A_1325 = vector.multi_reduction <minsi>, %select_n3A_1323, %reduce_min3A_1324 [1] : vector<16x4096xi32> to vector<16xi32>
    %broadcast_in_dim3A_1326 = vector.shape_cast %reduce_min3A_1325 : vector<16xi32> to vector<16x1xi32>
    %eq3A_1327 = vector.broadcast %broadcast_in_dim3A_1326 : vector<16x1xi32> to vector<16x4096xi32>
    %eq3A_1328 = arith.cmpi eq, %add3A_1293, %eq3A_1327 : vector<16x4096xi32>
    %jit3A_1329 = arith.constant -3.000000e+38 : f32
    %broadcast_in_dim3A_1330 = vector.broadcast %jit3A_1329 : f32 to vector<16x4096xf32>
    %select_n3A_1331 = arith.select %eq3A_1328, %broadcast_in_dim3A_1330, %select_n3A_1315 : vector<16x4096xi1>, vector<16x4096xf32>
    %reduce_max3A_1332 = arith.constant dense<0xFF800000> : vector<16xf32>
    %reduce_max3A_1333 = vector.multi_reduction <maximumf>, %select_n3A_1331, %reduce_max3A_1332 [1] : vector<16x4096xf32> to vector<16xf32>
    %broadcast_in_dim3A_1334 = vector.shape_cast %reduce_max3A_1333 : vector<16xf32> to vector<16x1xf32>
    %eq3A_1335 = vector.broadcast %broadcast_in_dim3A_1334 : vector<16x1xf32> to vector<16x4096xf32>
    %eq3A_1336 = arith.cmpf oeq, %select_n3A_1331, %eq3A_1335 : vector<16x4096xf32>
    %jit3A_1337 = arith.constant 2147483647 : i32
    %broadcast_in_dim3A_1338 = vector.broadcast %jit3A_1337 : i32 to vector<16x4096xi32>
    %select_n3A_1339 = arith.select %eq3A_1336, %add3A_1293, %broadcast_in_dim3A_1338 : vector<16x4096xi1>, vector<16x4096xi32>
    %reduce_min3A_1340 = arith.constant dense<2147483647> : vector<16xi32>
    %reduce_min3A_1341 = vector.multi_reduction <minsi>, %select_n3A_1339, %reduce_min3A_1340 [1] : vector<16x4096xi32> to vector<16xi32>
    %broadcast_in_dim3A_1342 = vector.shape_cast %reduce_min3A_1341 : vector<16xi32> to vector<16x1xi32>
    %eq3A_1343 = vector.broadcast %broadcast_in_dim3A_1342 : vector<16x1xi32> to vector<16x4096xi32>
    %eq3A_1344 = arith.cmpi eq, %add3A_1293, %eq3A_1343 : vector<16x4096xi32>
    %jit3A_1345 = arith.constant -3.000000e+38 : f32
    %broadcast_in_dim3A_1346 = vector.broadcast %jit3A_1345 : f32 to vector<16x4096xf32>
    %select_n3A_1347 = arith.select %eq3A_1344, %broadcast_in_dim3A_1346, %select_n3A_1331 : vector<16x4096xi1>, vector<16x4096xf32>
    %reduce_max3A_1348 = arith.constant dense<0xFF800000> : vector<16xf32>
    %reduce_max3A_1349 = vector.multi_reduction <maximumf>, %select_n3A_1347, %reduce_max3A_1348 [1] : vector<16x4096xf32> to vector<16xf32>
    %broadcast_in_dim3A_1350 = vector.shape_cast %reduce_max3A_1349 : vector<16xf32> to vector<16x1xf32>
    %eq3A_1351 = vector.broadcast %broadcast_in_dim3A_1350 : vector<16x1xf32> to vector<16x4096xf32>
    %eq3A_1352 = arith.cmpf oeq, %select_n3A_1347, %eq3A_1351 : vector<16x4096xf32>
    %jit3A_1353 = arith.constant 2147483647 : i32
    %broadcast_in_dim3A_1354 = vector.broadcast %jit3A_1353 : i32 to vector<16x4096xi32>
    %select_n3A_1355 = arith.select %eq3A_1352, %add3A_1293, %broadcast_in_dim3A_1354 : vector<16x4096xi1>, vector<16x4096xi32>
    %reduce_min3A_1356 = arith.constant dense<2147483647> : vector<16xi32>
    %reduce_min3A_1357 = vector.multi_reduction <minsi>, %select_n3A_1355, %reduce_min3A_1356 [1] : vector<16x4096xi32> to vector<16xi32>
    %broadcast_in_dim3A_1358 = vector.shape_cast %reduce_min3A_1357 : vector<16xi32> to vector<16x1xi32>
    %eq3A_1359 = vector.broadcast %broadcast_in_dim3A_1358 : vector<16x1xi32> to vector<16x4096xi32>
    %eq3A_1360 = arith.cmpi eq, %add3A_1293, %eq3A_1359 : vector<16x4096xi32>
    %jit3A_1361 = arith.constant -3.000000e+38 : f32
    %broadcast_in_dim3A_1362 = vector.broadcast %jit3A_1361 : f32 to vector<16x4096xf32>
    %select_n3A_1363 = arith.select %eq3A_1360, %broadcast_in_dim3A_1362, %select_n3A_1347 : vector<16x4096xi1>, vector<16x4096xf32>
    %reduce_max3A_1364 = arith.constant dense<0xFF800000> : vector<16xf32>
    %reduce_max3A_1365 = vector.multi_reduction <maximumf>, %select_n3A_1363, %reduce_max3A_1364 [1] : vector<16x4096xf32> to vector<16xf32>
    %broadcast_in_dim3A_1366 = vector.shape_cast %reduce_max3A_1365 : vector<16xf32> to vector<16x1xf32>
    %eq3A_1367 = vector.broadcast %broadcast_in_dim3A_1366 : vector<16x1xf32> to vector<16x4096xf32>
    %eq3A_1368 = arith.cmpf oeq, %select_n3A_1363, %eq3A_1367 : vector<16x4096xf32>
    %jit3A_1369 = arith.constant 2147483647 : i32
    %broadcast_in_dim3A_1370 = vector.broadcast %jit3A_1369 : i32 to vector<16x4096xi32>
    %select_n3A_1371 = arith.select %eq3A_1368, %add3A_1293, %broadcast_in_dim3A_1370 : vector<16x4096xi1>, vector<16x4096xi32>
    %reduce_min3A_1372 = arith.constant dense<2147483647> : vector<16xi32>
    %reduce_min3A_1373 = vector.multi_reduction <minsi>, %select_n3A_1371, %reduce_min3A_1372 [1] : vector<16x4096xi32> to vector<16xi32>
    %broadcast_in_dim3A_1374 = vector.shape_cast %reduce_min3A_1373 : vector<16xi32> to vector<16x1xi32>
    %concatenate3A_1375 = tpu.concatenate %broadcast_in_dim3A_1302, %broadcast_in_dim3A_1318, %broadcast_in_dim3A_1334, %broadcast_in_dim3A_1350, %broadcast_in_dim3A_1366 in 1 : vector<16x1xf32>, vector<16x1xf32>, vector<16x1xf32>, vector<16x1xf32>, vector<16x1xf32> -> vector<16x5xf32>
    %concatenate3A_1376 = tpu.concatenate %broadcast_in_dim3A_1310, %broadcast_in_dim3A_1326, %broadcast_in_dim3A_1342, %broadcast_in_dim3A_1358, %broadcast_in_dim3A_1374 in 1 : vector<16x1xi32>, vector<16x1xi32>, vector<16x1xi32>, vector<16x1xi32>, vector<16x1xi32> -> vector<16x5xi32>
    %slice3A_1377 = vector.extract_strided_slice %sub3A_14 {offsets = [0, 61440], sizes = [16, 4096], strides = [1, 1]} : vector<16x131072xf32> to vector<16x4096xf32>
    %iota3A_1378 = tpu.iota {dimensions = array<i32: 1>} : vector<16x4096xi32>
    %mul3A_1379 = arith.constant 131072 : i32
    %mul3A_1380 = arith.muli %arg0, %mul3A_1379 : i32
    %add3A_1381 = arith.constant 61440 : i32
    %add3A_1382 = arith.addi %mul3A_1380, %add3A_1381 : i32
    %add3A_1383 = vector.broadcast %add3A_1382 : i32 to vector<16x4096xi32>
    %add3A_1384 = arith.addi %iota3A_1378, %add3A_1383 : vector<16x4096xi32>
    %lt3A_1385 = arith.constant 1000000 : i32
    %lt3A_1386 = vector.broadcast %lt3A_1385 : i32 to vector<16x4096xi32>
    %lt3A_1387 = arith.cmpi slt, %add3A_1384, %lt3A_1386 : vector<16x4096xi32>
    %jit3A_1388 = arith.constant -3.000000e+38 : f32
    %broadcast_in_dim3A_1389 = vector.broadcast %jit3A_1388 : f32 to vector<16x4096xf32>
    %select_n3A_1390 = arith.select %lt3A_1387, %slice3A_1377, %broadcast_in_dim3A_1389 : vector<16x4096xi1>, vector<16x4096xf32>
    %reduce_max3A_1391 = arith.constant dense<0xFF800000> : vector<16xf32>
    %reduce_max3A_1392 = vector.multi_reduction <maximumf>, %select_n3A_1390, %reduce_max3A_1391 [1] : vector<16x4096xf32> to vector<16xf32>
    %broadcast_in_dim3A_1393 = vector.shape_cast %reduce_max3A_1392 : vector<16xf32> to vector<16x1xf32>
    %eq3A_1394 = vector.broadcast %broadcast_in_dim3A_1393 : vector<16x1xf32> to vector<16x4096xf32>
    %eq3A_1395 = arith.cmpf oeq, %select_n3A_1390, %eq3A_1394 : vector<16x4096xf32>
    %jit3A_1396 = arith.constant 2147483647 : i32
    %broadcast_in_dim3A_1397 = vector.broadcast %jit3A_1396 : i32 to vector<16x4096xi32>
    %select_n3A_1398 = arith.select %eq3A_1395, %add3A_1384, %broadcast_in_dim3A_1397 : vector<16x4096xi1>, vector<16x4096xi32>
    %reduce_min3A_1399 = arith.constant dense<2147483647> : vector<16xi32>
    %reduce_min3A_1400 = vector.multi_reduction <minsi>, %select_n3A_1398, %reduce_min3A_1399 [1] : vector<16x4096xi32> to vector<16xi32>
    %broadcast_in_dim3A_1401 = vector.shape_cast %reduce_min3A_1400 : vector<16xi32> to vector<16x1xi32>
    %eq3A_1402 = vector.broadcast %broadcast_in_dim3A_1401 : vector<16x1xi32> to vector<16x4096xi32>
    %eq3A_1403 = arith.cmpi eq, %add3A_1384, %eq3A_1402 : vector<16x4096xi32>
    %jit3A_1404 = arith.constant -3.000000e+38 : f32
    %broadcast_in_dim3A_1405 = vector.broadcast %jit3A_1404 : f32 to vector<16x4096xf32>
    %select_n3A_1406 = arith.select %eq3A_1403, %broadcast_in_dim3A_1405, %select_n3A_1390 : vector<16x4096xi1>, vector<16x4096xf32>
    %reduce_max3A_1407 = arith.constant dense<0xFF800000> : vector<16xf32>
    %reduce_max3A_1408 = vector.multi_reduction <maximumf>, %select_n3A_1406, %reduce_max3A_1407 [1] : vector<16x4096xf32> to vector<16xf32>
    %broadcast_in_dim3A_1409 = vector.shape_cast %reduce_max3A_1408 : vector<16xf32> to vector<16x1xf32>
    %eq3A_1410 = vector.broadcast %broadcast_in_dim3A_1409 : vector<16x1xf32> to vector<16x4096xf32>
    %eq3A_1411 = arith.cmpf oeq, %select_n3A_1406, %eq3A_1410 : vector<16x4096xf32>
    %jit3A_1412 = arith.constant 2147483647 : i32
    %broadcast_in_dim3A_1413 = vector.broadcast %jit3A_1412 : i32 to vector<16x4096xi32>
    %select_n3A_1414 = arith.select %eq3A_1411, %add3A_1384, %broadcast_in_dim3A_1413 : vector<16x4096xi1>, vector<16x4096xi32>
    %reduce_min3A_1415 = arith.constant dense<2147483647> : vector<16xi32>
    %reduce_min3A_1416 = vector.multi_reduction <minsi>, %select_n3A_1414, %reduce_min3A_1415 [1] : vector<16x4096xi32> to vector<16xi32>
    %broadcast_in_dim3A_1417 = vector.shape_cast %reduce_min3A_1416 : vector<16xi32> to vector<16x1xi32>
    %eq3A_1418 = vector.broadcast %broadcast_in_dim3A_1417 : vector<16x1xi32> to vector<16x4096xi32>
    %eq3A_1419 = arith.cmpi eq, %add3A_1384, %eq3A_1418 : vector<16x4096xi32>
    %jit3A_1420 = arith.constant -3.000000e+38 : f32
    %broadcast_in_dim3A_1421 = vector.broadcast %jit3A_1420 : f32 to vector<16x4096xf32>
    %select_n3A_1422 = arith.select %eq3A_1419, %broadcast_in_dim3A_1421, %select_n3A_1406 : vector<16x4096xi1>, vector<16x4096xf32>
    %reduce_max3A_1423 = arith.constant dense<0xFF800000> : vector<16xf32>
    %reduce_max3A_1424 = vector.multi_reduction <maximumf>, %select_n3A_1422, %reduce_max3A_1423 [1] : vector<16x4096xf32> to vector<16xf32>
    %broadcast_in_dim3A_1425 = vector.shape_cast %reduce_max3A_1424 : vector<16xf32> to vector<16x1xf32>
    %eq3A_1426 = vector.broadcast %broadcast_in_dim3A_1425 : vector<16x1xf32> to vector<16x4096xf32>
    %eq3A_1427 = arith.cmpf oeq, %select_n3A_1422, %eq3A_1426 : vector<16x4096xf32>
    %jit3A_1428 = arith.constant 2147483647 : i32
    %broadcast_in_dim3A_1429 = vector.broadcast %jit3A_1428 : i32 to vector<16x4096xi32>
    %select_n3A_1430 = arith.select %eq3A_1427, %add3A_1384, %broadcast_in_dim3A_1429 : vector<16x4096xi1>, vector<16x4096xi32>
    %reduce_min3A_1431 = arith.constant dense<2147483647> : vector<16xi32>
    %reduce_min3A_1432 = vector.multi_reduction <minsi>, %select_n3A_1430, %reduce_min3A_1431 [1] : vector<16x4096xi32> to vector<16xi32>
    %broadcast_in_dim3A_1433 = vector.shape_cast %reduce_min3A_1432 : vector<16xi32> to vector<16x1xi32>
    %eq3A_1434 = vector.broadcast %broadcast_in_dim3A_1433 : vector<16x1xi32> to vector<16x4096xi32>
    %eq3A_1435 = arith.cmpi eq, %add3A_1384, %eq3A_1434 : vector<16x4096xi32>
    %jit3A_1436 = arith.constant -3.000000e+38 : f32
    %broadcast_in_dim3A_1437 = vector.broadcast %jit3A_1436 : f32 to vector<16x4096xf32>
    %select_n3A_1438 = arith.select %eq3A_1435, %broadcast_in_dim3A_1437, %select_n3A_1422 : vector<16x4096xi1>, vector<16x4096xf32>
    %reduce_max3A_1439 = arith.constant dense<0xFF800000> : vector<16xf32>
    %reduce_max3A_1440 = vector.multi_reduction <maximumf>, %select_n3A_1438, %reduce_max3A_1439 [1] : vector<16x4096xf32> to vector<16xf32>
    %broadcast_in_dim3A_1441 = vector.shape_cast %reduce_max3A_1440 : vector<16xf32> to vector<16x1xf32>
    %eq3A_1442 = vector.broadcast %broadcast_in_dim3A_1441 : vector<16x1xf32> to vector<16x4096xf32>
    %eq3A_1443 = arith.cmpf oeq, %select_n3A_1438, %eq3A_1442 : vector<16x4096xf32>
    %jit3A_1444 = arith.constant 2147483647 : i32
    %broadcast_in_dim3A_1445 = vector.broadcast %jit3A_1444 : i32 to vector<16x4096xi32>
    %select_n3A_1446 = arith.select %eq3A_1443, %add3A_1384, %broadcast_in_dim3A_1445 : vector<16x4096xi1>, vector<16x4096xi32>
    %reduce_min3A_1447 = arith.constant dense<2147483647> : vector<16xi32>
    %reduce_min3A_1448 = vector.multi_reduction <minsi>, %select_n3A_1446, %reduce_min3A_1447 [1] : vector<16x4096xi32> to vector<16xi32>
    %broadcast_in_dim3A_1449 = vector.shape_cast %reduce_min3A_1448 : vector<16xi32> to vector<16x1xi32>
    %eq3A_1450 = vector.broadcast %broadcast_in_dim3A_1449 : vector<16x1xi32> to vector<16x4096xi32>
    %eq3A_1451 = arith.cmpi eq, %add3A_1384, %eq3A_1450 : vector<16x4096xi32>
    %jit3A_1452 = arith.constant -3.000000e+38 : f32
    %broadcast_in_dim3A_1453 = vector.broadcast %jit3A_1452 : f32 to vector<16x4096xf32>
    %select_n3A_1454 = arith.select %eq3A_1451, %broadcast_in_dim3A_1453, %select_n3A_1438 : vector<16x4096xi1>, vector<16x4096xf32>
    %reduce_max3A_1455 = arith.constant dense<0xFF800000> : vector<16xf32>
    %reduce_max3A_1456 = vector.multi_reduction <maximumf>, %select_n3A_1454, %reduce_max3A_1455 [1] : vector<16x4096xf32> to vector<16xf32>
    %broadcast_in_dim3A_1457 = vector.shape_cast %reduce_max3A_1456 : vector<16xf32> to vector<16x1xf32>
    %eq3A_1458 = vector.broadcast %broadcast_in_dim3A_1457 : vector<16x1xf32> to vector<16x4096xf32>
    %eq3A_1459 = arith.cmpf oeq, %select_n3A_1454, %eq3A_1458 : vector<16x4096xf32>
    %jit3A_1460 = arith.constant 2147483647 : i32
    %broadcast_in_dim3A_1461 = vector.broadcast %jit3A_1460 : i32 to vector<16x4096xi32>
    %select_n3A_1462 = arith.select %eq3A_1459, %add3A_1384, %broadcast_in_dim3A_1461 : vector<16x4096xi1>, vector<16x4096xi32>
    %reduce_min3A_1463 = arith.constant dense<2147483647> : vector<16xi32>
    %reduce_min3A_1464 = vector.multi_reduction <minsi>, %select_n3A_1462, %reduce_min3A_1463 [1] : vector<16x4096xi32> to vector<16xi32>
    %broadcast_in_dim3A_1465 = vector.shape_cast %reduce_min3A_1464 : vector<16xi32> to vector<16x1xi32>
    %concatenate3A_1466 = tpu.concatenate %broadcast_in_dim3A_1393, %broadcast_in_dim3A_1409, %broadcast_in_dim3A_1425, %broadcast_in_dim3A_1441, %broadcast_in_dim3A_1457 in 1 : vector<16x1xf32>, vector<16x1xf32>, vector<16x1xf32>, vector<16x1xf32>, vector<16x1xf32> -> vector<16x5xf32>
    %concatenate3A_1467 = tpu.concatenate %broadcast_in_dim3A_1401, %broadcast_in_dim3A_1417, %broadcast_in_dim3A_1433, %broadcast_in_dim3A_1449, %broadcast_in_dim3A_1465 in 1 : vector<16x1xi32>, vector<16x1xi32>, vector<16x1xi32>, vector<16x1xi32>, vector<16x1xi32> -> vector<16x5xi32>
    %slice3A_1468 = vector.extract_strided_slice %sub3A_14 {offsets = [0, 65536], sizes = [16, 4096], strides = [1, 1]} : vector<16x131072xf32> to vector<16x4096xf32>
    %iota3A_1469 = tpu.iota {dimensions = array<i32: 1>} : vector<16x4096xi32>
    %mul3A_1470 = arith.constant 131072 : i32
    %mul3A_1471 = arith.muli %arg0, %mul3A_1470 : i32
    %add3A_1472 = arith.constant 65536 : i32
    %add3A_1473 = arith.addi %mul3A_1471, %add3A_1472 : i32
    %add3A_1474 = vector.broadcast %add3A_1473 : i32 to vector<16x4096xi32>
    %add3A_1475 = arith.addi %iota3A_1469, %add3A_1474 : vector<16x4096xi32>
    %lt3A_1476 = arith.constant 1000000 : i32
    %lt3A_1477 = vector.broadcast %lt3A_1476 : i32 to vector<16x4096xi32>
    %lt3A_1478 = arith.cmpi slt, %add3A_1475, %lt3A_1477 : vector<16x4096xi32>
    %jit3A_1479 = arith.constant -3.000000e+38 : f32
    %broadcast_in_dim3A_1480 = vector.broadcast %jit3A_1479 : f32 to vector<16x4096xf32>
    %select_n3A_1481 = arith.select %lt3A_1478, %slice3A_1468, %broadcast_in_dim3A_1480 : vector<16x4096xi1>, vector<16x4096xf32>
    %reduce_max3A_1482 = arith.constant dense<0xFF800000> : vector<16xf32>
    %reduce_max3A_1483 = vector.multi_reduction <maximumf>, %select_n3A_1481, %reduce_max3A_1482 [1] : vector<16x4096xf32> to vector<16xf32>
    %broadcast_in_dim3A_1484 = vector.shape_cast %reduce_max3A_1483 : vector<16xf32> to vector<16x1xf32>
    %eq3A_1485 = vector.broadcast %broadcast_in_dim3A_1484 : vector<16x1xf32> to vector<16x4096xf32>
    %eq3A_1486 = arith.cmpf oeq, %select_n3A_1481, %eq3A_1485 : vector<16x4096xf32>
    %jit3A_1487 = arith.constant 2147483647 : i32
    %broadcast_in_dim3A_1488 = vector.broadcast %jit3A_1487 : i32 to vector<16x4096xi32>
    %select_n3A_1489 = arith.select %eq3A_1486, %add3A_1475, %broadcast_in_dim3A_1488 : vector<16x4096xi1>, vector<16x4096xi32>
    %reduce_min3A_1490 = arith.constant dense<2147483647> : vector<16xi32>
    %reduce_min3A_1491 = vector.multi_reduction <minsi>, %select_n3A_1489, %reduce_min3A_1490 [1] : vector<16x4096xi32> to vector<16xi32>
    %broadcast_in_dim3A_1492 = vector.shape_cast %reduce_min3A_1491 : vector<16xi32> to vector<16x1xi32>
    %eq3A_1493 = vector.broadcast %broadcast_in_dim3A_1492 : vector<16x1xi32> to vector<16x4096xi32>
    %eq3A_1494 = arith.cmpi eq, %add3A_1475, %eq3A_1493 : vector<16x4096xi32>
    %jit3A_1495 = arith.constant -3.000000e+38 : f32
    %broadcast_in_dim3A_1496 = vector.broadcast %jit3A_1495 : f32 to vector<16x4096xf32>
    %select_n3A_1497 = arith.select %eq3A_1494, %broadcast_in_dim3A_1496, %select_n3A_1481 : vector<16x4096xi1>, vector<16x4096xf32>
    %reduce_max3A_1498 = arith.constant dense<0xFF800000> : vector<16xf32>
    %reduce_max3A_1499 = vector.multi_reduction <maximumf>, %select_n3A_1497, %reduce_max3A_1498 [1] : vector<16x4096xf32> to vector<16xf32>
    %broadcast_in_dim3A_1500 = vector.shape_cast %reduce_max3A_1499 : vector<16xf32> to vector<16x1xf32>
    %eq3A_1501 = vector.broadcast %broadcast_in_dim3A_1500 : vector<16x1xf32> to vector<16x4096xf32>
    %eq3A_1502 = arith.cmpf oeq, %select_n3A_1497, %eq3A_1501 : vector<16x4096xf32>
    %jit3A_1503 = arith.constant 2147483647 : i32
    %broadcast_in_dim3A_1504 = vector.broadcast %jit3A_1503 : i32 to vector<16x4096xi32>
    %select_n3A_1505 = arith.select %eq3A_1502, %add3A_1475, %broadcast_in_dim3A_1504 : vector<16x4096xi1>, vector<16x4096xi32>
    %reduce_min3A_1506 = arith.constant dense<2147483647> : vector<16xi32>
    %reduce_min3A_1507 = vector.multi_reduction <minsi>, %select_n3A_1505, %reduce_min3A_1506 [1] : vector<16x4096xi32> to vector<16xi32>
    %broadcast_in_dim3A_1508 = vector.shape_cast %reduce_min3A_1507 : vector<16xi32> to vector<16x1xi32>
    %eq3A_1509 = vector.broadcast %broadcast_in_dim3A_1508 : vector<16x1xi32> to vector<16x4096xi32>
    %eq3A_1510 = arith.cmpi eq, %add3A_1475, %eq3A_1509 : vector<16x4096xi32>
    %jit3A_1511 = arith.constant -3.000000e+38 : f32
    %broadcast_in_dim3A_1512 = vector.broadcast %jit3A_1511 : f32 to vector<16x4096xf32>
    %select_n3A_1513 = arith.select %eq3A_1510, %broadcast_in_dim3A_1512, %select_n3A_1497 : vector<16x4096xi1>, vector<16x4096xf32>
    %reduce_max3A_1514 = arith.constant dense<0xFF800000> : vector<16xf32>
    %reduce_max3A_1515 = vector.multi_reduction <maximumf>, %select_n3A_1513, %reduce_max3A_1514 [1] : vector<16x4096xf32> to vector<16xf32>
    %broadcast_in_dim3A_1516 = vector.shape_cast %reduce_max3A_1515 : vector<16xf32> to vector<16x1xf32>
    %eq3A_1517 = vector.broadcast %broadcast_in_dim3A_1516 : vector<16x1xf32> to vector<16x4096xf32>
    %eq3A_1518 = arith.cmpf oeq, %select_n3A_1513, %eq3A_1517 : vector<16x4096xf32>
    %jit3A_1519 = arith.constant 2147483647 : i32
    %broadcast_in_dim3A_1520 = vector.broadcast %jit3A_1519 : i32 to vector<16x4096xi32>
    %select_n3A_1521 = arith.select %eq3A_1518, %add3A_1475, %broadcast_in_dim3A_1520 : vector<16x4096xi1>, vector<16x4096xi32>
    %reduce_min3A_1522 = arith.constant dense<2147483647> : vector<16xi32>
    %reduce_min3A_1523 = vector.multi_reduction <minsi>, %select_n3A_1521, %reduce_min3A_1522 [1] : vector<16x4096xi32> to vector<16xi32>
    %broadcast_in_dim3A_1524 = vector.shape_cast %reduce_min3A_1523 : vector<16xi32> to vector<16x1xi32>
    %eq3A_1525 = vector.broadcast %broadcast_in_dim3A_1524 : vector<16x1xi32> to vector<16x4096xi32>
    %eq3A_1526 = arith.cmpi eq, %add3A_1475, %eq3A_1525 : vector<16x4096xi32>
    %jit3A_1527 = arith.constant -3.000000e+38 : f32
    %broadcast_in_dim3A_1528 = vector.broadcast %jit3A_1527 : f32 to vector<16x4096xf32>
    %select_n3A_1529 = arith.select %eq3A_1526, %broadcast_in_dim3A_1528, %select_n3A_1513 : vector<16x4096xi1>, vector<16x4096xf32>
    %reduce_max3A_1530 = arith.constant dense<0xFF800000> : vector<16xf32>
    %reduce_max3A_1531 = vector.multi_reduction <maximumf>, %select_n3A_1529, %reduce_max3A_1530 [1] : vector<16x4096xf32> to vector<16xf32>
    %broadcast_in_dim3A_1532 = vector.shape_cast %reduce_max3A_1531 : vector<16xf32> to vector<16x1xf32>
    %eq3A_1533 = vector.broadcast %broadcast_in_dim3A_1532 : vector<16x1xf32> to vector<16x4096xf32>
    %eq3A_1534 = arith.cmpf oeq, %select_n3A_1529, %eq3A_1533 : vector<16x4096xf32>
    %jit3A_1535 = arith.constant 2147483647 : i32
    %broadcast_in_dim3A_1536 = vector.broadcast %jit3A_1535 : i32 to vector<16x4096xi32>
    %select_n3A_1537 = arith.select %eq3A_1534, %add3A_1475, %broadcast_in_dim3A_1536 : vector<16x4096xi1>, vector<16x4096xi32>
    %reduce_min3A_1538 = arith.constant dense<2147483647> : vector<16xi32>
    %reduce_min3A_1539 = vector.multi_reduction <minsi>, %select_n3A_1537, %reduce_min3A_1538 [1] : vector<16x4096xi32> to vector<16xi32>
    %broadcast_in_dim3A_1540 = vector.shape_cast %reduce_min3A_1539 : vector<16xi32> to vector<16x1xi32>
    %eq3A_1541 = vector.broadcast %broadcast_in_dim3A_1540 : vector<16x1xi32> to vector<16x4096xi32>
    %eq3A_1542 = arith.cmpi eq, %add3A_1475, %eq3A_1541 : vector<16x4096xi32>
    %jit3A_1543 = arith.constant -3.000000e+38 : f32
    %broadcast_in_dim3A_1544 = vector.broadcast %jit3A_1543 : f32 to vector<16x4096xf32>
    %select_n3A_1545 = arith.select %eq3A_1542, %broadcast_in_dim3A_1544, %select_n3A_1529 : vector<16x4096xi1>, vector<16x4096xf32>
    %reduce_max3A_1546 = arith.constant dense<0xFF800000> : vector<16xf32>
    %reduce_max3A_1547 = vector.multi_reduction <maximumf>, %select_n3A_1545, %reduce_max3A_1546 [1] : vector<16x4096xf32> to vector<16xf32>
    %broadcast_in_dim3A_1548 = vector.shape_cast %reduce_max3A_1547 : vector<16xf32> to vector<16x1xf32>
    %eq3A_1549 = vector.broadcast %broadcast_in_dim3A_1548 : vector<16x1xf32> to vector<16x4096xf32>
    %eq3A_1550 = arith.cmpf oeq, %select_n3A_1545, %eq3A_1549 : vector<16x4096xf32>
    %jit3A_1551 = arith.constant 2147483647 : i32
    %broadcast_in_dim3A_1552 = vector.broadcast %jit3A_1551 : i32 to vector<16x4096xi32>
    %select_n3A_1553 = arith.select %eq3A_1550, %add3A_1475, %broadcast_in_dim3A_1552 : vector<16x4096xi1>, vector<16x4096xi32>
    %reduce_min3A_1554 = arith.constant dense<2147483647> : vector<16xi32>
    %reduce_min3A_1555 = vector.multi_reduction <minsi>, %select_n3A_1553, %reduce_min3A_1554 [1] : vector<16x4096xi32> to vector<16xi32>
    %broadcast_in_dim3A_1556 = vector.shape_cast %reduce_min3A_1555 : vector<16xi32> to vector<16x1xi32>
    %concatenate3A_1557 = tpu.concatenate %broadcast_in_dim3A_1484, %broadcast_in_dim3A_1500, %broadcast_in_dim3A_1516, %broadcast_in_dim3A_1532, %broadcast_in_dim3A_1548 in 1 : vector<16x1xf32>, vector<16x1xf32>, vector<16x1xf32>, vector<16x1xf32>, vector<16x1xf32> -> vector<16x5xf32>
    %concatenate3A_1558 = tpu.concatenate %broadcast_in_dim3A_1492, %broadcast_in_dim3A_1508, %broadcast_in_dim3A_1524, %broadcast_in_dim3A_1540, %broadcast_in_dim3A_1556 in 1 : vector<16x1xi32>, vector<16x1xi32>, vector<16x1xi32>, vector<16x1xi32>, vector<16x1xi32> -> vector<16x5xi32>
    %slice3A_1559 = vector.extract_strided_slice %sub3A_14 {offsets = [0, 69632], sizes = [16, 4096], strides = [1, 1]} : vector<16x131072xf32> to vector<16x4096xf32>
    %iota3A_1560 = tpu.iota {dimensions = array<i32: 1>} : vector<16x4096xi32>
    %mul3A_1561 = arith.constant 131072 : i32
    %mul3A_1562 = arith.muli %arg0, %mul3A_1561 : i32
    %add3A_1563 = arith.constant 69632 : i32
    %add3A_1564 = arith.addi %mul3A_1562, %add3A_1563 : i32
    %add3A_1565 = vector.broadcast %add3A_1564 : i32 to vector<16x4096xi32>
    %add3A_1566 = arith.addi %iota3A_1560, %add3A_1565 : vector<16x4096xi32>
    %lt3A_1567 = arith.constant 1000000 : i32
    %lt3A_1568 = vector.broadcast %lt3A_1567 : i32 to vector<16x4096xi32>
    %lt3A_1569 = arith.cmpi slt, %add3A_1566, %lt3A_1568 : vector<16x4096xi32>
    %jit3A_1570 = arith.constant -3.000000e+38 : f32
    %broadcast_in_dim3A_1571 = vector.broadcast %jit3A_1570 : f32 to vector<16x4096xf32>
    %select_n3A_1572 = arith.select %lt3A_1569, %slice3A_1559, %broadcast_in_dim3A_1571 : vector<16x4096xi1>, vector<16x4096xf32>
    %reduce_max3A_1573 = arith.constant dense<0xFF800000> : vector<16xf32>
    %reduce_max3A_1574 = vector.multi_reduction <maximumf>, %select_n3A_1572, %reduce_max3A_1573 [1] : vector<16x4096xf32> to vector<16xf32>
    %broadcast_in_dim3A_1575 = vector.shape_cast %reduce_max3A_1574 : vector<16xf32> to vector<16x1xf32>
    %eq3A_1576 = vector.broadcast %broadcast_in_dim3A_1575 : vector<16x1xf32> to vector<16x4096xf32>
    %eq3A_1577 = arith.cmpf oeq, %select_n3A_1572, %eq3A_1576 : vector<16x4096xf32>
    %jit3A_1578 = arith.constant 2147483647 : i32
    %broadcast_in_dim3A_1579 = vector.broadcast %jit3A_1578 : i32 to vector<16x4096xi32>
    %select_n3A_1580 = arith.select %eq3A_1577, %add3A_1566, %broadcast_in_dim3A_1579 : vector<16x4096xi1>, vector<16x4096xi32>
    %reduce_min3A_1581 = arith.constant dense<2147483647> : vector<16xi32>
    %reduce_min3A_1582 = vector.multi_reduction <minsi>, %select_n3A_1580, %reduce_min3A_1581 [1] : vector<16x4096xi32> to vector<16xi32>
    %broadcast_in_dim3A_1583 = vector.shape_cast %reduce_min3A_1582 : vector<16xi32> to vector<16x1xi32>
    %eq3A_1584 = vector.broadcast %broadcast_in_dim3A_1583 : vector<16x1xi32> to vector<16x4096xi32>
    %eq3A_1585 = arith.cmpi eq, %add3A_1566, %eq3A_1584 : vector<16x4096xi32>
    %jit3A_1586 = arith.constant -3.000000e+38 : f32
    %broadcast_in_dim3A_1587 = vector.broadcast %jit3A_1586 : f32 to vector<16x4096xf32>
    %select_n3A_1588 = arith.select %eq3A_1585, %broadcast_in_dim3A_1587, %select_n3A_1572 : vector<16x4096xi1>, vector<16x4096xf32>
    %reduce_max3A_1589 = arith.constant dense<0xFF800000> : vector<16xf32>
    %reduce_max3A_1590 = vector.multi_reduction <maximumf>, %select_n3A_1588, %reduce_max3A_1589 [1] : vector<16x4096xf32> to vector<16xf32>
    %broadcast_in_dim3A_1591 = vector.shape_cast %reduce_max3A_1590 : vector<16xf32> to vector<16x1xf32>
    %eq3A_1592 = vector.broadcast %broadcast_in_dim3A_1591 : vector<16x1xf32> to vector<16x4096xf32>
    %eq3A_1593 = arith.cmpf oeq, %select_n3A_1588, %eq3A_1592 : vector<16x4096xf32>
    %jit3A_1594 = arith.constant 2147483647 : i32
    %broadcast_in_dim3A_1595 = vector.broadcast %jit3A_1594 : i32 to vector<16x4096xi32>
    %select_n3A_1596 = arith.select %eq3A_1593, %add3A_1566, %broadcast_in_dim3A_1595 : vector<16x4096xi1>, vector<16x4096xi32>
    %reduce_min3A_1597 = arith.constant dense<2147483647> : vector<16xi32>
    %reduce_min3A_1598 = vector.multi_reduction <minsi>, %select_n3A_1596, %reduce_min3A_1597 [1] : vector<16x4096xi32> to vector<16xi32>
    %broadcast_in_dim3A_1599 = vector.shape_cast %reduce_min3A_1598 : vector<16xi32> to vector<16x1xi32>
    %eq3A_1600 = vector.broadcast %broadcast_in_dim3A_1599 : vector<16x1xi32> to vector<16x4096xi32>
    %eq3A_1601 = arith.cmpi eq, %add3A_1566, %eq3A_1600 : vector<16x4096xi32>
    %jit3A_1602 = arith.constant -3.000000e+38 : f32
    %broadcast_in_dim3A_1603 = vector.broadcast %jit3A_1602 : f32 to vector<16x4096xf32>
    %select_n3A_1604 = arith.select %eq3A_1601, %broadcast_in_dim3A_1603, %select_n3A_1588 : vector<16x4096xi1>, vector<16x4096xf32>
    %reduce_max3A_1605 = arith.constant dense<0xFF800000> : vector<16xf32>
    %reduce_max3A_1606 = vector.multi_reduction <maximumf>, %select_n3A_1604, %reduce_max3A_1605 [1] : vector<16x4096xf32> to vector<16xf32>
    %broadcast_in_dim3A_1607 = vector.shape_cast %reduce_max3A_1606 : vector<16xf32> to vector<16x1xf32>
    %eq3A_1608 = vector.broadcast %broadcast_in_dim3A_1607 : vector<16x1xf32> to vector<16x4096xf32>
    %eq3A_1609 = arith.cmpf oeq, %select_n3A_1604, %eq3A_1608 : vector<16x4096xf32>
    %jit3A_1610 = arith.constant 2147483647 : i32
    %broadcast_in_dim3A_1611 = vector.broadcast %jit3A_1610 : i32 to vector<16x4096xi32>
    %select_n3A_1612 = arith.select %eq3A_1609, %add3A_1566, %broadcast_in_dim3A_1611 : vector<16x4096xi1>, vector<16x4096xi32>
    %reduce_min3A_1613 = arith.constant dense<2147483647> : vector<16xi32>
    %reduce_min3A_1614 = vector.multi_reduction <minsi>, %select_n3A_1612, %reduce_min3A_1613 [1] : vector<16x4096xi32> to vector<16xi32>
    %broadcast_in_dim3A_1615 = vector.shape_cast %reduce_min3A_1614 : vector<16xi32> to vector<16x1xi32>
    %eq3A_1616 = vector.broadcast %broadcast_in_dim3A_1615 : vector<16x1xi32> to vector<16x4096xi32>
    %eq3A_1617 = arith.cmpi eq, %add3A_1566, %eq3A_1616 : vector<16x4096xi32>
    %jit3A_1618 = arith.constant -3.000000e+38 : f32
    %broadcast_in_dim3A_1619 = vector.broadcast %jit3A_1618 : f32 to vector<16x4096xf32>
    %select_n3A_1620 = arith.select %eq3A_1617, %broadcast_in_dim3A_1619, %select_n3A_1604 : vector<16x4096xi1>, vector<16x4096xf32>
    %reduce_max3A_1621 = arith.constant dense<0xFF800000> : vector<16xf32>
    %reduce_max3A_1622 = vector.multi_reduction <maximumf>, %select_n3A_1620, %reduce_max3A_1621 [1] : vector<16x4096xf32> to vector<16xf32>
    %broadcast_in_dim3A_1623 = vector.shape_cast %reduce_max3A_1622 : vector<16xf32> to vector<16x1xf32>
    %eq3A_1624 = vector.broadcast %broadcast_in_dim3A_1623 : vector<16x1xf32> to vector<16x4096xf32>
    %eq3A_1625 = arith.cmpf oeq, %select_n3A_1620, %eq3A_1624 : vector<16x4096xf32>
    %jit3A_1626 = arith.constant 2147483647 : i32
    %broadcast_in_dim3A_1627 = vector.broadcast %jit3A_1626 : i32 to vector<16x4096xi32>
    %select_n3A_1628 = arith.select %eq3A_1625, %add3A_1566, %broadcast_in_dim3A_1627 : vector<16x4096xi1>, vector<16x4096xi32>
    %reduce_min3A_1629 = arith.constant dense<2147483647> : vector<16xi32>
    %reduce_min3A_1630 = vector.multi_reduction <minsi>, %select_n3A_1628, %reduce_min3A_1629 [1] : vector<16x4096xi32> to vector<16xi32>
    %broadcast_in_dim3A_1631 = vector.shape_cast %reduce_min3A_1630 : vector<16xi32> to vector<16x1xi32>
    %eq3A_1632 = vector.broadcast %broadcast_in_dim3A_1631 : vector<16x1xi32> to vector<16x4096xi32>
    %eq3A_1633 = arith.cmpi eq, %add3A_1566, %eq3A_1632 : vector<16x4096xi32>
    %jit3A_1634 = arith.constant -3.000000e+38 : f32
    %broadcast_in_dim3A_1635 = vector.broadcast %jit3A_1634 : f32 to vector<16x4096xf32>
    %select_n3A_1636 = arith.select %eq3A_1633, %broadcast_in_dim3A_1635, %select_n3A_1620 : vector<16x4096xi1>, vector<16x4096xf32>
    %reduce_max3A_1637 = arith.constant dense<0xFF800000> : vector<16xf32>
    %reduce_max3A_1638 = vector.multi_reduction <maximumf>, %select_n3A_1636, %reduce_max3A_1637 [1] : vector<16x4096xf32> to vector<16xf32>
    %broadcast_in_dim3A_1639 = vector.shape_cast %reduce_max3A_1638 : vector<16xf32> to vector<16x1xf32>
    %eq3A_1640 = vector.broadcast %broadcast_in_dim3A_1639 : vector<16x1xf32> to vector<16x4096xf32>
    %eq3A_1641 = arith.cmpf oeq, %select_n3A_1636, %eq3A_1640 : vector<16x4096xf32>
    %jit3A_1642 = arith.constant 2147483647 : i32
    %broadcast_in_dim3A_1643 = vector.broadcast %jit3A_1642 : i32 to vector<16x4096xi32>
    %select_n3A_1644 = arith.select %eq3A_1641, %add3A_1566, %broadcast_in_dim3A_1643 : vector<16x4096xi1>, vector<16x4096xi32>
    %reduce_min3A_1645 = arith.constant dense<2147483647> : vector<16xi32>
    %reduce_min3A_1646 = vector.multi_reduction <minsi>, %select_n3A_1644, %reduce_min3A_1645 [1] : vector<16x4096xi32> to vector<16xi32>
    %broadcast_in_dim3A_1647 = vector.shape_cast %reduce_min3A_1646 : vector<16xi32> to vector<16x1xi32>
    %concatenate3A_1648 = tpu.concatenate %broadcast_in_dim3A_1575, %broadcast_in_dim3A_1591, %broadcast_in_dim3A_1607, %broadcast_in_dim3A_1623, %broadcast_in_dim3A_1639 in 1 : vector<16x1xf32>, vector<16x1xf32>, vector<16x1xf32>, vector<16x1xf32>, vector<16x1xf32> -> vector<16x5xf32>
    %concatenate3A_1649 = tpu.concatenate %broadcast_in_dim3A_1583, %broadcast_in_dim3A_1599, %broadcast_in_dim3A_1615, %broadcast_in_dim3A_1631, %broadcast_in_dim3A_1647 in 1 : vector<16x1xi32>, vector<16x1xi32>, vector<16x1xi32>, vector<16x1xi32>, vector<16x1xi32> -> vector<16x5xi32>
    %slice3A_1650 = vector.extract_strided_slice %sub3A_14 {offsets = [0, 73728], sizes = [16, 4096], strides = [1, 1]} : vector<16x131072xf32> to vector<16x4096xf32>
    %iota3A_1651 = tpu.iota {dimensions = array<i32: 1>} : vector<16x4096xi32>
    %mul3A_1652 = arith.constant 131072 : i32
    %mul3A_1653 = arith.muli %arg0, %mul3A_1652 : i32
    %add3A_1654 = arith.constant 73728 : i32
    %add3A_1655 = arith.addi %mul3A_1653, %add3A_1654 : i32
    %add3A_1656 = vector.broadcast %add3A_1655 : i32 to vector<16x4096xi32>
    %add3A_1657 = arith.addi %iota3A_1651, %add3A_1656 : vector<16x4096xi32>
    %lt3A_1658 = arith.constant 1000000 : i32
    %lt3A_1659 = vector.broadcast %lt3A_1658 : i32 to vector<16x4096xi32>
    %lt3A_1660 = arith.cmpi slt, %add3A_1657, %lt3A_1659 : vector<16x4096xi32>
    %jit3A_1661 = arith.constant -3.000000e+38 : f32
    %broadcast_in_dim3A_1662 = vector.broadcast %jit3A_1661 : f32 to vector<16x4096xf32>
    %select_n3A_1663 = arith.select %lt3A_1660, %slice3A_1650, %broadcast_in_dim3A_1662 : vector<16x4096xi1>, vector<16x4096xf32>
    %reduce_max3A_1664 = arith.constant dense<0xFF800000> : vector<16xf32>
    %reduce_max3A_1665 = vector.multi_reduction <maximumf>, %select_n3A_1663, %reduce_max3A_1664 [1] : vector<16x4096xf32> to vector<16xf32>
    %broadcast_in_dim3A_1666 = vector.shape_cast %reduce_max3A_1665 : vector<16xf32> to vector<16x1xf32>
    %eq3A_1667 = vector.broadcast %broadcast_in_dim3A_1666 : vector<16x1xf32> to vector<16x4096xf32>
    %eq3A_1668 = arith.cmpf oeq, %select_n3A_1663, %eq3A_1667 : vector<16x4096xf32>
    %jit3A_1669 = arith.constant 2147483647 : i32
    %broadcast_in_dim3A_1670 = vector.broadcast %jit3A_1669 : i32 to vector<16x4096xi32>
    %select_n3A_1671 = arith.select %eq3A_1668, %add3A_1657, %broadcast_in_dim3A_1670 : vector<16x4096xi1>, vector<16x4096xi32>
    %reduce_min3A_1672 = arith.constant dense<2147483647> : vector<16xi32>
    %reduce_min3A_1673 = vector.multi_reduction <minsi>, %select_n3A_1671, %reduce_min3A_1672 [1] : vector<16x4096xi32> to vector<16xi32>
    %broadcast_in_dim3A_1674 = vector.shape_cast %reduce_min3A_1673 : vector<16xi32> to vector<16x1xi32>
    %eq3A_1675 = vector.broadcast %broadcast_in_dim3A_1674 : vector<16x1xi32> to vector<16x4096xi32>
    %eq3A_1676 = arith.cmpi eq, %add3A_1657, %eq3A_1675 : vector<16x4096xi32>
    %jit3A_1677 = arith.constant -3.000000e+38 : f32
    %broadcast_in_dim3A_1678 = vector.broadcast %jit3A_1677 : f32 to vector<16x4096xf32>
    %select_n3A_1679 = arith.select %eq3A_1676, %broadcast_in_dim3A_1678, %select_n3A_1663 : vector<16x4096xi1>, vector<16x4096xf32>
    %reduce_max3A_1680 = arith.constant dense<0xFF800000> : vector<16xf32>
    %reduce_max3A_1681 = vector.multi_reduction <maximumf>, %select_n3A_1679, %reduce_max3A_1680 [1] : vector<16x4096xf32> to vector<16xf32>
    %broadcast_in_dim3A_1682 = vector.shape_cast %reduce_max3A_1681 : vector<16xf32> to vector<16x1xf32>
    %eq3A_1683 = vector.broadcast %broadcast_in_dim3A_1682 : vector<16x1xf32> to vector<16x4096xf32>
    %eq3A_1684 = arith.cmpf oeq, %select_n3A_1679, %eq3A_1683 : vector<16x4096xf32>
    %jit3A_1685 = arith.constant 2147483647 : i32
    %broadcast_in_dim3A_1686 = vector.broadcast %jit3A_1685 : i32 to vector<16x4096xi32>
    %select_n3A_1687 = arith.select %eq3A_1684, %add3A_1657, %broadcast_in_dim3A_1686 : vector<16x4096xi1>, vector<16x4096xi32>
    %reduce_min3A_1688 = arith.constant dense<2147483647> : vector<16xi32>
    %reduce_min3A_1689 = vector.multi_reduction <minsi>, %select_n3A_1687, %reduce_min3A_1688 [1] : vector<16x4096xi32> to vector<16xi32>
    %broadcast_in_dim3A_1690 = vector.shape_cast %reduce_min3A_1689 : vector<16xi32> to vector<16x1xi32>
    %eq3A_1691 = vector.broadcast %broadcast_in_dim3A_1690 : vector<16x1xi32> to vector<16x4096xi32>
    %eq3A_1692 = arith.cmpi eq, %add3A_1657, %eq3A_1691 : vector<16x4096xi32>
    %jit3A_1693 = arith.constant -3.000000e+38 : f32
    %broadcast_in_dim3A_1694 = vector.broadcast %jit3A_1693 : f32 to vector<16x4096xf32>
    %select_n3A_1695 = arith.select %eq3A_1692, %broadcast_in_dim3A_1694, %select_n3A_1679 : vector<16x4096xi1>, vector<16x4096xf32>
    %reduce_max3A_1696 = arith.constant dense<0xFF800000> : vector<16xf32>
    %reduce_max3A_1697 = vector.multi_reduction <maximumf>, %select_n3A_1695, %reduce_max3A_1696 [1] : vector<16x4096xf32> to vector<16xf32>
    %broadcast_in_dim3A_1698 = vector.shape_cast %reduce_max3A_1697 : vector<16xf32> to vector<16x1xf32>
    %eq3A_1699 = vector.broadcast %broadcast_in_dim3A_1698 : vector<16x1xf32> to vector<16x4096xf32>
    %eq3A_1700 = arith.cmpf oeq, %select_n3A_1695, %eq3A_1699 : vector<16x4096xf32>
    %jit3A_1701 = arith.constant 2147483647 : i32
    %broadcast_in_dim3A_1702 = vector.broadcast %jit3A_1701 : i32 to vector<16x4096xi32>
    %select_n3A_1703 = arith.select %eq3A_1700, %add3A_1657, %broadcast_in_dim3A_1702 : vector<16x4096xi1>, vector<16x4096xi32>
    %reduce_min3A_1704 = arith.constant dense<2147483647> : vector<16xi32>
    %reduce_min3A_1705 = vector.multi_reduction <minsi>, %select_n3A_1703, %reduce_min3A_1704 [1] : vector<16x4096xi32> to vector<16xi32>
    %broadcast_in_dim3A_1706 = vector.shape_cast %reduce_min3A_1705 : vector<16xi32> to vector<16x1xi32>
    %eq3A_1707 = vector.broadcast %broadcast_in_dim3A_1706 : vector<16x1xi32> to vector<16x4096xi32>
    %eq3A_1708 = arith.cmpi eq, %add3A_1657, %eq3A_1707 : vector<16x4096xi32>
    %jit3A_1709 = arith.constant -3.000000e+38 : f32
    %broadcast_in_dim3A_1710 = vector.broadcast %jit3A_1709 : f32 to vector<16x4096xf32>
    %select_n3A_1711 = arith.select %eq3A_1708, %broadcast_in_dim3A_1710, %select_n3A_1695 : vector<16x4096xi1>, vector<16x4096xf32>
    %reduce_max3A_1712 = arith.constant dense<0xFF800000> : vector<16xf32>
    %reduce_max3A_1713 = vector.multi_reduction <maximumf>, %select_n3A_1711, %reduce_max3A_1712 [1] : vector<16x4096xf32> to vector<16xf32>
    %broadcast_in_dim3A_1714 = vector.shape_cast %reduce_max3A_1713 : vector<16xf32> to vector<16x1xf32>
    %eq3A_1715 = vector.broadcast %broadcast_in_dim3A_1714 : vector<16x1xf32> to vector<16x4096xf32>
    %eq3A_1716 = arith.cmpf oeq, %select_n3A_1711, %eq3A_1715 : vector<16x4096xf32>
    %jit3A_1717 = arith.constant 2147483647 : i32
    %broadcast_in_dim3A_1718 = vector.broadcast %jit3A_1717 : i32 to vector<16x4096xi32>
    %select_n3A_1719 = arith.select %eq3A_1716, %add3A_1657, %broadcast_in_dim3A_1718 : vector<16x4096xi1>, vector<16x4096xi32>
    %reduce_min3A_1720 = arith.constant dense<2147483647> : vector<16xi32>
    %reduce_min3A_1721 = vector.multi_reduction <minsi>, %select_n3A_1719, %reduce_min3A_1720 [1] : vector<16x4096xi32> to vector<16xi32>
    %broadcast_in_dim3A_1722 = vector.shape_cast %reduce_min3A_1721 : vector<16xi32> to vector<16x1xi32>
    %eq3A_1723 = vector.broadcast %broadcast_in_dim3A_1722 : vector<16x1xi32> to vector<16x4096xi32>
    %eq3A_1724 = arith.cmpi eq, %add3A_1657, %eq3A_1723 : vector<16x4096xi32>
    %jit3A_1725 = arith.constant -3.000000e+38 : f32
    %broadcast_in_dim3A_1726 = vector.broadcast %jit3A_1725 : f32 to vector<16x4096xf32>
    %select_n3A_1727 = arith.select %eq3A_1724, %broadcast_in_dim3A_1726, %select_n3A_1711 : vector<16x4096xi1>, vector<16x4096xf32>
    %reduce_max3A_1728 = arith.constant dense<0xFF800000> : vector<16xf32>
    %reduce_max3A_1729 = vector.multi_reduction <maximumf>, %select_n3A_1727, %reduce_max3A_1728 [1] : vector<16x4096xf32> to vector<16xf32>
    %broadcast_in_dim3A_1730 = vector.shape_cast %reduce_max3A_1729 : vector<16xf32> to vector<16x1xf32>
    %eq3A_1731 = vector.broadcast %broadcast_in_dim3A_1730 : vector<16x1xf32> to vector<16x4096xf32>
    %eq3A_1732 = arith.cmpf oeq, %select_n3A_1727, %eq3A_1731 : vector<16x4096xf32>
    %jit3A_1733 = arith.constant 2147483647 : i32
    %broadcast_in_dim3A_1734 = vector.broadcast %jit3A_1733 : i32 to vector<16x4096xi32>
    %select_n3A_1735 = arith.select %eq3A_1732, %add3A_1657, %broadcast_in_dim3A_1734 : vector<16x4096xi1>, vector<16x4096xi32>
    %reduce_min3A_1736 = arith.constant dense<2147483647> : vector<16xi32>
    %reduce_min3A_1737 = vector.multi_reduction <minsi>, %select_n3A_1735, %reduce_min3A_1736 [1] : vector<16x4096xi32> to vector<16xi32>
    %broadcast_in_dim3A_1738 = vector.shape_cast %reduce_min3A_1737 : vector<16xi32> to vector<16x1xi32>
    %concatenate3A_1739 = tpu.concatenate %broadcast_in_dim3A_1666, %broadcast_in_dim3A_1682, %broadcast_in_dim3A_1698, %broadcast_in_dim3A_1714, %broadcast_in_dim3A_1730 in 1 : vector<16x1xf32>, vector<16x1xf32>, vector<16x1xf32>, vector<16x1xf32>, vector<16x1xf32> -> vector<16x5xf32>
    %concatenate3A_1740 = tpu.concatenate %broadcast_in_dim3A_1674, %broadcast_in_dim3A_1690, %broadcast_in_dim3A_1706, %broadcast_in_dim3A_1722, %broadcast_in_dim3A_1738 in 1 : vector<16x1xi32>, vector<16x1xi32>, vector<16x1xi32>, vector<16x1xi32>, vector<16x1xi32> -> vector<16x5xi32>
    %slice3A_1741 = vector.extract_strided_slice %sub3A_14 {offsets = [0, 77824], sizes = [16, 4096], strides = [1, 1]} : vector<16x131072xf32> to vector<16x4096xf32>
    %iota3A_1742 = tpu.iota {dimensions = array<i32: 1>} : vector<16x4096xi32>
    %mul3A_1743 = arith.constant 131072 : i32
    %mul3A_1744 = arith.muli %arg0, %mul3A_1743 : i32
    %add3A_1745 = arith.constant 77824 : i32
    %add3A_1746 = arith.addi %mul3A_1744, %add3A_1745 : i32
    %add3A_1747 = vector.broadcast %add3A_1746 : i32 to vector<16x4096xi32>
    %add3A_1748 = arith.addi %iota3A_1742, %add3A_1747 : vector<16x4096xi32>
    %lt3A_1749 = arith.constant 1000000 : i32
    %lt3A_1750 = vector.broadcast %lt3A_1749 : i32 to vector<16x4096xi32>
    %lt3A_1751 = arith.cmpi slt, %add3A_1748, %lt3A_1750 : vector<16x4096xi32>
    %jit3A_1752 = arith.constant -3.000000e+38 : f32
    %broadcast_in_dim3A_1753 = vector.broadcast %jit3A_1752 : f32 to vector<16x4096xf32>
    %select_n3A_1754 = arith.select %lt3A_1751, %slice3A_1741, %broadcast_in_dim3A_1753 : vector<16x4096xi1>, vector<16x4096xf32>
    %reduce_max3A_1755 = arith.constant dense<0xFF800000> : vector<16xf32>
    %reduce_max3A_1756 = vector.multi_reduction <maximumf>, %select_n3A_1754, %reduce_max3A_1755 [1] : vector<16x4096xf32> to vector<16xf32>
    %broadcast_in_dim3A_1757 = vector.shape_cast %reduce_max3A_1756 : vector<16xf32> to vector<16x1xf32>
    %eq3A_1758 = vector.broadcast %broadcast_in_dim3A_1757 : vector<16x1xf32> to vector<16x4096xf32>
    %eq3A_1759 = arith.cmpf oeq, %select_n3A_1754, %eq3A_1758 : vector<16x4096xf32>
    %jit3A_1760 = arith.constant 2147483647 : i32
    %broadcast_in_dim3A_1761 = vector.broadcast %jit3A_1760 : i32 to vector<16x4096xi32>
    %select_n3A_1762 = arith.select %eq3A_1759, %add3A_1748, %broadcast_in_dim3A_1761 : vector<16x4096xi1>, vector<16x4096xi32>
    %reduce_min3A_1763 = arith.constant dense<2147483647> : vector<16xi32>
    %reduce_min3A_1764 = vector.multi_reduction <minsi>, %select_n3A_1762, %reduce_min3A_1763 [1] : vector<16x4096xi32> to vector<16xi32>
    %broadcast_in_dim3A_1765 = vector.shape_cast %reduce_min3A_1764 : vector<16xi32> to vector<16x1xi32>
    %eq3A_1766 = vector.broadcast %broadcast_in_dim3A_1765 : vector<16x1xi32> to vector<16x4096xi32>
    %eq3A_1767 = arith.cmpi eq, %add3A_1748, %eq3A_1766 : vector<16x4096xi32>
    %jit3A_1768 = arith.constant -3.000000e+38 : f32
    %broadcast_in_dim3A_1769 = vector.broadcast %jit3A_1768 : f32 to vector<16x4096xf32>
    %select_n3A_1770 = arith.select %eq3A_1767, %broadcast_in_dim3A_1769, %select_n3A_1754 : vector<16x4096xi1>, vector<16x4096xf32>
    %reduce_max3A_1771 = arith.constant dense<0xFF800000> : vector<16xf32>
    %reduce_max3A_1772 = vector.multi_reduction <maximumf>, %select_n3A_1770, %reduce_max3A_1771 [1] : vector<16x4096xf32> to vector<16xf32>
    %broadcast_in_dim3A_1773 = vector.shape_cast %reduce_max3A_1772 : vector<16xf32> to vector<16x1xf32>
    %eq3A_1774 = vector.broadcast %broadcast_in_dim3A_1773 : vector<16x1xf32> to vector<16x4096xf32>
    %eq3A_1775 = arith.cmpf oeq, %select_n3A_1770, %eq3A_1774 : vector<16x4096xf32>
    %jit3A_1776 = arith.constant 2147483647 : i32
    %broadcast_in_dim3A_1777 = vector.broadcast %jit3A_1776 : i32 to vector<16x4096xi32>
    %select_n3A_1778 = arith.select %eq3A_1775, %add3A_1748, %broadcast_in_dim3A_1777 : vector<16x4096xi1>, vector<16x4096xi32>
    %reduce_min3A_1779 = arith.constant dense<2147483647> : vector<16xi32>
    %reduce_min3A_1780 = vector.multi_reduction <minsi>, %select_n3A_1778, %reduce_min3A_1779 [1] : vector<16x4096xi32> to vector<16xi32>
    %broadcast_in_dim3A_1781 = vector.shape_cast %reduce_min3A_1780 : vector<16xi32> to vector<16x1xi32>
    %eq3A_1782 = vector.broadcast %broadcast_in_dim3A_1781 : vector<16x1xi32> to vector<16x4096xi32>
    %eq3A_1783 = arith.cmpi eq, %add3A_1748, %eq3A_1782 : vector<16x4096xi32>
    %jit3A_1784 = arith.constant -3.000000e+38 : f32
    %broadcast_in_dim3A_1785 = vector.broadcast %jit3A_1784 : f32 to vector<16x4096xf32>
    %select_n3A_1786 = arith.select %eq3A_1783, %broadcast_in_dim3A_1785, %select_n3A_1770 : vector<16x4096xi1>, vector<16x4096xf32>
    %reduce_max3A_1787 = arith.constant dense<0xFF800000> : vector<16xf32>
    %reduce_max3A_1788 = vector.multi_reduction <maximumf>, %select_n3A_1786, %reduce_max3A_1787 [1] : vector<16x4096xf32> to vector<16xf32>
    %broadcast_in_dim3A_1789 = vector.shape_cast %reduce_max3A_1788 : vector<16xf32> to vector<16x1xf32>
    %eq3A_1790 = vector.broadcast %broadcast_in_dim3A_1789 : vector<16x1xf32> to vector<16x4096xf32>
    %eq3A_1791 = arith.cmpf oeq, %select_n3A_1786, %eq3A_1790 : vector<16x4096xf32>
    %jit3A_1792 = arith.constant 2147483647 : i32
    %broadcast_in_dim3A_1793 = vector.broadcast %jit3A_1792 : i32 to vector<16x4096xi32>
    %select_n3A_1794 = arith.select %eq3A_1791, %add3A_1748, %broadcast_in_dim3A_1793 : vector<16x4096xi1>, vector<16x4096xi32>
    %reduce_min3A_1795 = arith.constant dense<2147483647> : vector<16xi32>
    %reduce_min3A_1796 = vector.multi_reduction <minsi>, %select_n3A_1794, %reduce_min3A_1795 [1] : vector<16x4096xi32> to vector<16xi32>
    %broadcast_in_dim3A_1797 = vector.shape_cast %reduce_min3A_1796 : vector<16xi32> to vector<16x1xi32>
    %eq3A_1798 = vector.broadcast %broadcast_in_dim3A_1797 : vector<16x1xi32> to vector<16x4096xi32>
    %eq3A_1799 = arith.cmpi eq, %add3A_1748, %eq3A_1798 : vector<16x4096xi32>
    %jit3A_1800 = arith.constant -3.000000e+38 : f32
    %broadcast_in_dim3A_1801 = vector.broadcast %jit3A_1800 : f32 to vector<16x4096xf32>
    %select_n3A_1802 = arith.select %eq3A_1799, %broadcast_in_dim3A_1801, %select_n3A_1786 : vector<16x4096xi1>, vector<16x4096xf32>
    %reduce_max3A_1803 = arith.constant dense<0xFF800000> : vector<16xf32>
    %reduce_max3A_1804 = vector.multi_reduction <maximumf>, %select_n3A_1802, %reduce_max3A_1803 [1] : vector<16x4096xf32> to vector<16xf32>
    %broadcast_in_dim3A_1805 = vector.shape_cast %reduce_max3A_1804 : vector<16xf32> to vector<16x1xf32>
    %eq3A_1806 = vector.broadcast %broadcast_in_dim3A_1805 : vector<16x1xf32> to vector<16x4096xf32>
    %eq3A_1807 = arith.cmpf oeq, %select_n3A_1802, %eq3A_1806 : vector<16x4096xf32>
    %jit3A_1808 = arith.constant 2147483647 : i32
    %broadcast_in_dim3A_1809 = vector.broadcast %jit3A_1808 : i32 to vector<16x4096xi32>
    %select_n3A_1810 = arith.select %eq3A_1807, %add3A_1748, %broadcast_in_dim3A_1809 : vector<16x4096xi1>, vector<16x4096xi32>
    %reduce_min3A_1811 = arith.constant dense<2147483647> : vector<16xi32>
    %reduce_min3A_1812 = vector.multi_reduction <minsi>, %select_n3A_1810, %reduce_min3A_1811 [1] : vector<16x4096xi32> to vector<16xi32>
    %broadcast_in_dim3A_1813 = vector.shape_cast %reduce_min3A_1812 : vector<16xi32> to vector<16x1xi32>
    %eq3A_1814 = vector.broadcast %broadcast_in_dim3A_1813 : vector<16x1xi32> to vector<16x4096xi32>
    %eq3A_1815 = arith.cmpi eq, %add3A_1748, %eq3A_1814 : vector<16x4096xi32>
    %jit3A_1816 = arith.constant -3.000000e+38 : f32
    %broadcast_in_dim3A_1817 = vector.broadcast %jit3A_1816 : f32 to vector<16x4096xf32>
    %select_n3A_1818 = arith.select %eq3A_1815, %broadcast_in_dim3A_1817, %select_n3A_1802 : vector<16x4096xi1>, vector<16x4096xf32>
    %reduce_max3A_1819 = arith.constant dense<0xFF800000> : vector<16xf32>
    %reduce_max3A_1820 = vector.multi_reduction <maximumf>, %select_n3A_1818, %reduce_max3A_1819 [1] : vector<16x4096xf32> to vector<16xf32>
    %broadcast_in_dim3A_1821 = vector.shape_cast %reduce_max3A_1820 : vector<16xf32> to vector<16x1xf32>
    %eq3A_1822 = vector.broadcast %broadcast_in_dim3A_1821 : vector<16x1xf32> to vector<16x4096xf32>
    %eq3A_1823 = arith.cmpf oeq, %select_n3A_1818, %eq3A_1822 : vector<16x4096xf32>
    %jit3A_1824 = arith.constant 2147483647 : i32
    %broadcast_in_dim3A_1825 = vector.broadcast %jit3A_1824 : i32 to vector<16x4096xi32>
    %select_n3A_1826 = arith.select %eq3A_1823, %add3A_1748, %broadcast_in_dim3A_1825 : vector<16x4096xi1>, vector<16x4096xi32>
    %reduce_min3A_1827 = arith.constant dense<2147483647> : vector<16xi32>
    %reduce_min3A_1828 = vector.multi_reduction <minsi>, %select_n3A_1826, %reduce_min3A_1827 [1] : vector<16x4096xi32> to vector<16xi32>
    %broadcast_in_dim3A_1829 = vector.shape_cast %reduce_min3A_1828 : vector<16xi32> to vector<16x1xi32>
    %concatenate3A_1830 = tpu.concatenate %broadcast_in_dim3A_1757, %broadcast_in_dim3A_1773, %broadcast_in_dim3A_1789, %broadcast_in_dim3A_1805, %broadcast_in_dim3A_1821 in 1 : vector<16x1xf32>, vector<16x1xf32>, vector<16x1xf32>, vector<16x1xf32>, vector<16x1xf32> -> vector<16x5xf32>
    %concatenate3A_1831 = tpu.concatenate %broadcast_in_dim3A_1765, %broadcast_in_dim3A_1781, %broadcast_in_dim3A_1797, %broadcast_in_dim3A_1813, %broadcast_in_dim3A_1829 in 1 : vector<16x1xi32>, vector<16x1xi32>, vector<16x1xi32>, vector<16x1xi32>, vector<16x1xi32> -> vector<16x5xi32>
    %slice3A_1832 = vector.extract_strided_slice %sub3A_14 {offsets = [0, 81920], sizes = [16, 4096], strides = [1, 1]} : vector<16x131072xf32> to vector<16x4096xf32>
    %iota3A_1833 = tpu.iota {dimensions = array<i32: 1>} : vector<16x4096xi32>
    %mul3A_1834 = arith.constant 131072 : i32
    %mul3A_1835 = arith.muli %arg0, %mul3A_1834 : i32
    %add3A_1836 = arith.constant 81920 : i32
    %add3A_1837 = arith.addi %mul3A_1835, %add3A_1836 : i32
    %add3A_1838 = vector.broadcast %add3A_1837 : i32 to vector<16x4096xi32>
    %add3A_1839 = arith.addi %iota3A_1833, %add3A_1838 : vector<16x4096xi32>
    %lt3A_1840 = arith.constant 1000000 : i32
    %lt3A_1841 = vector.broadcast %lt3A_1840 : i32 to vector<16x4096xi32>
    %lt3A_1842 = arith.cmpi slt, %add3A_1839, %lt3A_1841 : vector<16x4096xi32>
    %jit3A_1843 = arith.constant -3.000000e+38 : f32
    %broadcast_in_dim3A_1844 = vector.broadcast %jit3A_1843 : f32 to vector<16x4096xf32>
    %select_n3A_1845 = arith.select %lt3A_1842, %slice3A_1832, %broadcast_in_dim3A_1844 : vector<16x4096xi1>, vector<16x4096xf32>
    %reduce_max3A_1846 = arith.constant dense<0xFF800000> : vector<16xf32>
    %reduce_max3A_1847 = vector.multi_reduction <maximumf>, %select_n3A_1845, %reduce_max3A_1846 [1] : vector<16x4096xf32> to vector<16xf32>
    %broadcast_in_dim3A_1848 = vector.shape_cast %reduce_max3A_1847 : vector<16xf32> to vector<16x1xf32>
    %eq3A_1849 = vector.broadcast %broadcast_in_dim3A_1848 : vector<16x1xf32> to vector<16x4096xf32>
    %eq3A_1850 = arith.cmpf oeq, %select_n3A_1845, %eq3A_1849 : vector<16x4096xf32>
    %jit3A_1851 = arith.constant 2147483647 : i32
    %broadcast_in_dim3A_1852 = vector.broadcast %jit3A_1851 : i32 to vector<16x4096xi32>
    %select_n3A_1853 = arith.select %eq3A_1850, %add3A_1839, %broadcast_in_dim3A_1852 : vector<16x4096xi1>, vector<16x4096xi32>
    %reduce_min3A_1854 = arith.constant dense<2147483647> : vector<16xi32>
    %reduce_min3A_1855 = vector.multi_reduction <minsi>, %select_n3A_1853, %reduce_min3A_1854 [1] : vector<16x4096xi32> to vector<16xi32>
    %broadcast_in_dim3A_1856 = vector.shape_cast %reduce_min3A_1855 : vector<16xi32> to vector<16x1xi32>
    %eq3A_1857 = vector.broadcast %broadcast_in_dim3A_1856 : vector<16x1xi32> to vector<16x4096xi32>
    %eq3A_1858 = arith.cmpi eq, %add3A_1839, %eq3A_1857 : vector<16x4096xi32>
    %jit3A_1859 = arith.constant -3.000000e+38 : f32
    %broadcast_in_dim3A_1860 = vector.broadcast %jit3A_1859 : f32 to vector<16x4096xf32>
    %select_n3A_1861 = arith.select %eq3A_1858, %broadcast_in_dim3A_1860, %select_n3A_1845 : vector<16x4096xi1>, vector<16x4096xf32>
    %reduce_max3A_1862 = arith.constant dense<0xFF800000> : vector<16xf32>
    %reduce_max3A_1863 = vector.multi_reduction <maximumf>, %select_n3A_1861, %reduce_max3A_1862 [1] : vector<16x4096xf32> to vector<16xf32>
    %broadcast_in_dim3A_1864 = vector.shape_cast %reduce_max3A_1863 : vector<16xf32> to vector<16x1xf32>
    %eq3A_1865 = vector.broadcast %broadcast_in_dim3A_1864 : vector<16x1xf32> to vector<16x4096xf32>
    %eq3A_1866 = arith.cmpf oeq, %select_n3A_1861, %eq3A_1865 : vector<16x4096xf32>
    %jit3A_1867 = arith.constant 2147483647 : i32
    %broadcast_in_dim3A_1868 = vector.broadcast %jit3A_1867 : i32 to vector<16x4096xi32>
    %select_n3A_1869 = arith.select %eq3A_1866, %add3A_1839, %broadcast_in_dim3A_1868 : vector<16x4096xi1>, vector<16x4096xi32>
    %reduce_min3A_1870 = arith.constant dense<2147483647> : vector<16xi32>
    %reduce_min3A_1871 = vector.multi_reduction <minsi>, %select_n3A_1869, %reduce_min3A_1870 [1] : vector<16x4096xi32> to vector<16xi32>
    %broadcast_in_dim3A_1872 = vector.shape_cast %reduce_min3A_1871 : vector<16xi32> to vector<16x1xi32>
    %eq3A_1873 = vector.broadcast %broadcast_in_dim3A_1872 : vector<16x1xi32> to vector<16x4096xi32>
    %eq3A_1874 = arith.cmpi eq, %add3A_1839, %eq3A_1873 : vector<16x4096xi32>
    %jit3A_1875 = arith.constant -3.000000e+38 : f32
    %broadcast_in_dim3A_1876 = vector.broadcast %jit3A_1875 : f32 to vector<16x4096xf32>
    %select_n3A_1877 = arith.select %eq3A_1874, %broadcast_in_dim3A_1876, %select_n3A_1861 : vector<16x4096xi1>, vector<16x4096xf32>
    %reduce_max3A_1878 = arith.constant dense<0xFF800000> : vector<16xf32>
    %reduce_max3A_1879 = vector.multi_reduction <maximumf>, %select_n3A_1877, %reduce_max3A_1878 [1] : vector<16x4096xf32> to vector<16xf32>
    %broadcast_in_dim3A_1880 = vector.shape_cast %reduce_max3A_1879 : vector<16xf32> to vector<16x1xf32>
    %eq3A_1881 = vector.broadcast %broadcast_in_dim3A_1880 : vector<16x1xf32> to vector<16x4096xf32>
    %eq3A_1882 = arith.cmpf oeq, %select_n3A_1877, %eq3A_1881 : vector<16x4096xf32>
    %jit3A_1883 = arith.constant 2147483647 : i32
    %broadcast_in_dim3A_1884 = vector.broadcast %jit3A_1883 : i32 to vector<16x4096xi32>
    %select_n3A_1885 = arith.select %eq3A_1882, %add3A_1839, %broadcast_in_dim3A_1884 : vector<16x4096xi1>, vector<16x4096xi32>
    %reduce_min3A_1886 = arith.constant dense<2147483647> : vector<16xi32>
    %reduce_min3A_1887 = vector.multi_reduction <minsi>, %select_n3A_1885, %reduce_min3A_1886 [1] : vector<16x4096xi32> to vector<16xi32>
    %broadcast_in_dim3A_1888 = vector.shape_cast %reduce_min3A_1887 : vector<16xi32> to vector<16x1xi32>
    %eq3A_1889 = vector.broadcast %broadcast_in_dim3A_1888 : vector<16x1xi32> to vector<16x4096xi32>
    %eq3A_1890 = arith.cmpi eq, %add3A_1839, %eq3A_1889 : vector<16x4096xi32>
    %jit3A_1891 = arith.constant -3.000000e+38 : f32
    %broadcast_in_dim3A_1892 = vector.broadcast %jit3A_1891 : f32 to vector<16x4096xf32>
    %select_n3A_1893 = arith.select %eq3A_1890, %broadcast_in_dim3A_1892, %select_n3A_1877 : vector<16x4096xi1>, vector<16x4096xf32>
    %reduce_max3A_1894 = arith.constant dense<0xFF800000> : vector<16xf32>
    %reduce_max3A_1895 = vector.multi_reduction <maximumf>, %select_n3A_1893, %reduce_max3A_1894 [1] : vector<16x4096xf32> to vector<16xf32>
    %broadcast_in_dim3A_1896 = vector.shape_cast %reduce_max3A_1895 : vector<16xf32> to vector<16x1xf32>
    %eq3A_1897 = vector.broadcast %broadcast_in_dim3A_1896 : vector<16x1xf32> to vector<16x4096xf32>
    %eq3A_1898 = arith.cmpf oeq, %select_n3A_1893, %eq3A_1897 : vector<16x4096xf32>
    %jit3A_1899 = arith.constant 2147483647 : i32
    %broadcast_in_dim3A_1900 = vector.broadcast %jit3A_1899 : i32 to vector<16x4096xi32>
    %select_n3A_1901 = arith.select %eq3A_1898, %add3A_1839, %broadcast_in_dim3A_1900 : vector<16x4096xi1>, vector<16x4096xi32>
    %reduce_min3A_1902 = arith.constant dense<2147483647> : vector<16xi32>
    %reduce_min3A_1903 = vector.multi_reduction <minsi>, %select_n3A_1901, %reduce_min3A_1902 [1] : vector<16x4096xi32> to vector<16xi32>
    %broadcast_in_dim3A_1904 = vector.shape_cast %reduce_min3A_1903 : vector<16xi32> to vector<16x1xi32>
    %eq3A_1905 = vector.broadcast %broadcast_in_dim3A_1904 : vector<16x1xi32> to vector<16x4096xi32>
    %eq3A_1906 = arith.cmpi eq, %add3A_1839, %eq3A_1905 : vector<16x4096xi32>
    %jit3A_1907 = arith.constant -3.000000e+38 : f32
    %broadcast_in_dim3A_1908 = vector.broadcast %jit3A_1907 : f32 to vector<16x4096xf32>
    %select_n3A_1909 = arith.select %eq3A_1906, %broadcast_in_dim3A_1908, %select_n3A_1893 : vector<16x4096xi1>, vector<16x4096xf32>
    %reduce_max3A_1910 = arith.constant dense<0xFF800000> : vector<16xf32>
    %reduce_max3A_1911 = vector.multi_reduction <maximumf>, %select_n3A_1909, %reduce_max3A_1910 [1] : vector<16x4096xf32> to vector<16xf32>
    %broadcast_in_dim3A_1912 = vector.shape_cast %reduce_max3A_1911 : vector<16xf32> to vector<16x1xf32>
    %eq3A_1913 = vector.broadcast %broadcast_in_dim3A_1912 : vector<16x1xf32> to vector<16x4096xf32>
    %eq3A_1914 = arith.cmpf oeq, %select_n3A_1909, %eq3A_1913 : vector<16x4096xf32>
    %jit3A_1915 = arith.constant 2147483647 : i32
    %broadcast_in_dim3A_1916 = vector.broadcast %jit3A_1915 : i32 to vector<16x4096xi32>
    %select_n3A_1917 = arith.select %eq3A_1914, %add3A_1839, %broadcast_in_dim3A_1916 : vector<16x4096xi1>, vector<16x4096xi32>
    %reduce_min3A_1918 = arith.constant dense<2147483647> : vector<16xi32>
    %reduce_min3A_1919 = vector.multi_reduction <minsi>, %select_n3A_1917, %reduce_min3A_1918 [1] : vector<16x4096xi32> to vector<16xi32>
    %broadcast_in_dim3A_1920 = vector.shape_cast %reduce_min3A_1919 : vector<16xi32> to vector<16x1xi32>
    %concatenate3A_1921 = tpu.concatenate %broadcast_in_dim3A_1848, %broadcast_in_dim3A_1864, %broadcast_in_dim3A_1880, %broadcast_in_dim3A_1896, %broadcast_in_dim3A_1912 in 1 : vector<16x1xf32>, vector<16x1xf32>, vector<16x1xf32>, vector<16x1xf32>, vector<16x1xf32> -> vector<16x5xf32>
    %concatenate3A_1922 = tpu.concatenate %broadcast_in_dim3A_1856, %broadcast_in_dim3A_1872, %broadcast_in_dim3A_1888, %broadcast_in_dim3A_1904, %broadcast_in_dim3A_1920 in 1 : vector<16x1xi32>, vector<16x1xi32>, vector<16x1xi32>, vector<16x1xi32>, vector<16x1xi32> -> vector<16x5xi32>
    %slice3A_1923 = vector.extract_strided_slice %sub3A_14 {offsets = [0, 86016], sizes = [16, 4096], strides = [1, 1]} : vector<16x131072xf32> to vector<16x4096xf32>
    %iota3A_1924 = tpu.iota {dimensions = array<i32: 1>} : vector<16x4096xi32>
    %mul3A_1925 = arith.constant 131072 : i32
    %mul3A_1926 = arith.muli %arg0, %mul3A_1925 : i32
    %add3A_1927 = arith.constant 86016 : i32
    %add3A_1928 = arith.addi %mul3A_1926, %add3A_1927 : i32
    %add3A_1929 = vector.broadcast %add3A_1928 : i32 to vector<16x4096xi32>
    %add3A_1930 = arith.addi %iota3A_1924, %add3A_1929 : vector<16x4096xi32>
    %lt3A_1931 = arith.constant 1000000 : i32
    %lt3A_1932 = vector.broadcast %lt3A_1931 : i32 to vector<16x4096xi32>
    %lt3A_1933 = arith.cmpi slt, %add3A_1930, %lt3A_1932 : vector<16x4096xi32>
    %jit3A_1934 = arith.constant -3.000000e+38 : f32
    %broadcast_in_dim3A_1935 = vector.broadcast %jit3A_1934 : f32 to vector<16x4096xf32>
    %select_n3A_1936 = arith.select %lt3A_1933, %slice3A_1923, %broadcast_in_dim3A_1935 : vector<16x4096xi1>, vector<16x4096xf32>
    %reduce_max3A_1937 = arith.constant dense<0xFF800000> : vector<16xf32>
    %reduce_max3A_1938 = vector.multi_reduction <maximumf>, %select_n3A_1936, %reduce_max3A_1937 [1] : vector<16x4096xf32> to vector<16xf32>
    %broadcast_in_dim3A_1939 = vector.shape_cast %reduce_max3A_1938 : vector<16xf32> to vector<16x1xf32>
    %eq3A_1940 = vector.broadcast %broadcast_in_dim3A_1939 : vector<16x1xf32> to vector<16x4096xf32>
    %eq3A_1941 = arith.cmpf oeq, %select_n3A_1936, %eq3A_1940 : vector<16x4096xf32>
    %jit3A_1942 = arith.constant 2147483647 : i32
    %broadcast_in_dim3A_1943 = vector.broadcast %jit3A_1942 : i32 to vector<16x4096xi32>
    %select_n3A_1944 = arith.select %eq3A_1941, %add3A_1930, %broadcast_in_dim3A_1943 : vector<16x4096xi1>, vector<16x4096xi32>
    %reduce_min3A_1945 = arith.constant dense<2147483647> : vector<16xi32>
    %reduce_min3A_1946 = vector.multi_reduction <minsi>, %select_n3A_1944, %reduce_min3A_1945 [1] : vector<16x4096xi32> to vector<16xi32>
    %broadcast_in_dim3A_1947 = vector.shape_cast %reduce_min3A_1946 : vector<16xi32> to vector<16x1xi32>
    %eq3A_1948 = vector.broadcast %broadcast_in_dim3A_1947 : vector<16x1xi32> to vector<16x4096xi32>
    %eq3A_1949 = arith.cmpi eq, %add3A_1930, %eq3A_1948 : vector<16x4096xi32>
    %jit3A_1950 = arith.constant -3.000000e+38 : f32
    %broadcast_in_dim3A_1951 = vector.broadcast %jit3A_1950 : f32 to vector<16x4096xf32>
    %select_n3A_1952 = arith.select %eq3A_1949, %broadcast_in_dim3A_1951, %select_n3A_1936 : vector<16x4096xi1>, vector<16x4096xf32>
    %reduce_max3A_1953 = arith.constant dense<0xFF800000> : vector<16xf32>
    %reduce_max3A_1954 = vector.multi_reduction <maximumf>, %select_n3A_1952, %reduce_max3A_1953 [1] : vector<16x4096xf32> to vector<16xf32>
    %broadcast_in_dim3A_1955 = vector.shape_cast %reduce_max3A_1954 : vector<16xf32> to vector<16x1xf32>
    %eq3A_1956 = vector.broadcast %broadcast_in_dim3A_1955 : vector<16x1xf32> to vector<16x4096xf32>
    %eq3A_1957 = arith.cmpf oeq, %select_n3A_1952, %eq3A_1956 : vector<16x4096xf32>
    %jit3A_1958 = arith.constant 2147483647 : i32
    %broadcast_in_dim3A_1959 = vector.broadcast %jit3A_1958 : i32 to vector<16x4096xi32>
    %select_n3A_1960 = arith.select %eq3A_1957, %add3A_1930, %broadcast_in_dim3A_1959 : vector<16x4096xi1>, vector<16x4096xi32>
    %reduce_min3A_1961 = arith.constant dense<2147483647> : vector<16xi32>
    %reduce_min3A_1962 = vector.multi_reduction <minsi>, %select_n3A_1960, %reduce_min3A_1961 [1] : vector<16x4096xi32> to vector<16xi32>
    %broadcast_in_dim3A_1963 = vector.shape_cast %reduce_min3A_1962 : vector<16xi32> to vector<16x1xi32>
    %eq3A_1964 = vector.broadcast %broadcast_in_dim3A_1963 : vector<16x1xi32> to vector<16x4096xi32>
    %eq3A_1965 = arith.cmpi eq, %add3A_1930, %eq3A_1964 : vector<16x4096xi32>
    %jit3A_1966 = arith.constant -3.000000e+38 : f32
    %broadcast_in_dim3A_1967 = vector.broadcast %jit3A_1966 : f32 to vector<16x4096xf32>
    %select_n3A_1968 = arith.select %eq3A_1965, %broadcast_in_dim3A_1967, %select_n3A_1952 : vector<16x4096xi1>, vector<16x4096xf32>
    %reduce_max3A_1969 = arith.constant dense<0xFF800000> : vector<16xf32>
    %reduce_max3A_1970 = vector.multi_reduction <maximumf>, %select_n3A_1968, %reduce_max3A_1969 [1] : vector<16x4096xf32> to vector<16xf32>
    %broadcast_in_dim3A_1971 = vector.shape_cast %reduce_max3A_1970 : vector<16xf32> to vector<16x1xf32>
    %eq3A_1972 = vector.broadcast %broadcast_in_dim3A_1971 : vector<16x1xf32> to vector<16x4096xf32>
    %eq3A_1973 = arith.cmpf oeq, %select_n3A_1968, %eq3A_1972 : vector<16x4096xf32>
    %jit3A_1974 = arith.constant 2147483647 : i32
    %broadcast_in_dim3A_1975 = vector.broadcast %jit3A_1974 : i32 to vector<16x4096xi32>
    %select_n3A_1976 = arith.select %eq3A_1973, %add3A_1930, %broadcast_in_dim3A_1975 : vector<16x4096xi1>, vector<16x4096xi32>
    %reduce_min3A_1977 = arith.constant dense<2147483647> : vector<16xi32>
    %reduce_min3A_1978 = vector.multi_reduction <minsi>, %select_n3A_1976, %reduce_min3A_1977 [1] : vector<16x4096xi32> to vector<16xi32>
    %broadcast_in_dim3A_1979 = vector.shape_cast %reduce_min3A_1978 : vector<16xi32> to vector<16x1xi32>
    %eq3A_1980 = vector.broadcast %broadcast_in_dim3A_1979 : vector<16x1xi32> to vector<16x4096xi32>
    %eq3A_1981 = arith.cmpi eq, %add3A_1930, %eq3A_1980 : vector<16x4096xi32>
    %jit3A_1982 = arith.constant -3.000000e+38 : f32
    %broadcast_in_dim3A_1983 = vector.broadcast %jit3A_1982 : f32 to vector<16x4096xf32>
    %select_n3A_1984 = arith.select %eq3A_1981, %broadcast_in_dim3A_1983, %select_n3A_1968 : vector<16x4096xi1>, vector<16x4096xf32>
    %reduce_max3A_1985 = arith.constant dense<0xFF800000> : vector<16xf32>
    %reduce_max3A_1986 = vector.multi_reduction <maximumf>, %select_n3A_1984, %reduce_max3A_1985 [1] : vector<16x4096xf32> to vector<16xf32>
    %broadcast_in_dim3A_1987 = vector.shape_cast %reduce_max3A_1986 : vector<16xf32> to vector<16x1xf32>
    %eq3A_1988 = vector.broadcast %broadcast_in_dim3A_1987 : vector<16x1xf32> to vector<16x4096xf32>
    %eq3A_1989 = arith.cmpf oeq, %select_n3A_1984, %eq3A_1988 : vector<16x4096xf32>
    %jit3A_1990 = arith.constant 2147483647 : i32
    %broadcast_in_dim3A_1991 = vector.broadcast %jit3A_1990 : i32 to vector<16x4096xi32>
    %select_n3A_1992 = arith.select %eq3A_1989, %add3A_1930, %broadcast_in_dim3A_1991 : vector<16x4096xi1>, vector<16x4096xi32>
    %reduce_min3A_1993 = arith.constant dense<2147483647> : vector<16xi32>
    %reduce_min3A_1994 = vector.multi_reduction <minsi>, %select_n3A_1992, %reduce_min3A_1993 [1] : vector<16x4096xi32> to vector<16xi32>
    %broadcast_in_dim3A_1995 = vector.shape_cast %reduce_min3A_1994 : vector<16xi32> to vector<16x1xi32>
    %eq3A_1996 = vector.broadcast %broadcast_in_dim3A_1995 : vector<16x1xi32> to vector<16x4096xi32>
    %eq3A_1997 = arith.cmpi eq, %add3A_1930, %eq3A_1996 : vector<16x4096xi32>
    %jit3A_1998 = arith.constant -3.000000e+38 : f32
    %broadcast_in_dim3A_1999 = vector.broadcast %jit3A_1998 : f32 to vector<16x4096xf32>
    %select_n3A_2000 = arith.select %eq3A_1997, %broadcast_in_dim3A_1999, %select_n3A_1984 : vector<16x4096xi1>, vector<16x4096xf32>
    %reduce_max3A_2001 = arith.constant dense<0xFF800000> : vector<16xf32>
    %reduce_max3A_2002 = vector.multi_reduction <maximumf>, %select_n3A_2000, %reduce_max3A_2001 [1] : vector<16x4096xf32> to vector<16xf32>
    %broadcast_in_dim3A_2003 = vector.shape_cast %reduce_max3A_2002 : vector<16xf32> to vector<16x1xf32>
    %eq3A_2004 = vector.broadcast %broadcast_in_dim3A_2003 : vector<16x1xf32> to vector<16x4096xf32>
    %eq3A_2005 = arith.cmpf oeq, %select_n3A_2000, %eq3A_2004 : vector<16x4096xf32>
    %jit3A_2006 = arith.constant 2147483647 : i32
    %broadcast_in_dim3A_2007 = vector.broadcast %jit3A_2006 : i32 to vector<16x4096xi32>
    %select_n3A_2008 = arith.select %eq3A_2005, %add3A_1930, %broadcast_in_dim3A_2007 : vector<16x4096xi1>, vector<16x4096xi32>
    %reduce_min3A_2009 = arith.constant dense<2147483647> : vector<16xi32>
    %reduce_min3A_2010 = vector.multi_reduction <minsi>, %select_n3A_2008, %reduce_min3A_2009 [1] : vector<16x4096xi32> to vector<16xi32>
    %broadcast_in_dim3A_2011 = vector.shape_cast %reduce_min3A_2010 : vector<16xi32> to vector<16x1xi32>
    %concatenate3A_2012 = tpu.concatenate %broadcast_in_dim3A_1939, %broadcast_in_dim3A_1955, %broadcast_in_dim3A_1971, %broadcast_in_dim3A_1987, %broadcast_in_dim3A_2003 in 1 : vector<16x1xf32>, vector<16x1xf32>, vector<16x1xf32>, vector<16x1xf32>, vector<16x1xf32> -> vector<16x5xf32>
    %concatenate3A_2013 = tpu.concatenate %broadcast_in_dim3A_1947, %broadcast_in_dim3A_1963, %broadcast_in_dim3A_1979, %broadcast_in_dim3A_1995, %broadcast_in_dim3A_2011 in 1 : vector<16x1xi32>, vector<16x1xi32>, vector<16x1xi32>, vector<16x1xi32>, vector<16x1xi32> -> vector<16x5xi32>
    %slice3A_2014 = vector.extract_strided_slice %sub3A_14 {offsets = [0, 90112], sizes = [16, 4096], strides = [1, 1]} : vector<16x131072xf32> to vector<16x4096xf32>
    %iota3A_2015 = tpu.iota {dimensions = array<i32: 1>} : vector<16x4096xi32>
    %mul3A_2016 = arith.constant 131072 : i32
    %mul3A_2017 = arith.muli %arg0, %mul3A_2016 : i32
    %add3A_2018 = arith.constant 90112 : i32
    %add3A_2019 = arith.addi %mul3A_2017, %add3A_2018 : i32
    %add3A_2020 = vector.broadcast %add3A_2019 : i32 to vector<16x4096xi32>
    %add3A_2021 = arith.addi %iota3A_2015, %add3A_2020 : vector<16x4096xi32>
    %lt3A_2022 = arith.constant 1000000 : i32
    %lt3A_2023 = vector.broadcast %lt3A_2022 : i32 to vector<16x4096xi32>
    %lt3A_2024 = arith.cmpi slt, %add3A_2021, %lt3A_2023 : vector<16x4096xi32>
    %jit3A_2025 = arith.constant -3.000000e+38 : f32
    %broadcast_in_dim3A_2026 = vector.broadcast %jit3A_2025 : f32 to vector<16x4096xf32>
    %select_n3A_2027 = arith.select %lt3A_2024, %slice3A_2014, %broadcast_in_dim3A_2026 : vector<16x4096xi1>, vector<16x4096xf32>
    %reduce_max3A_2028 = arith.constant dense<0xFF800000> : vector<16xf32>
    %reduce_max3A_2029 = vector.multi_reduction <maximumf>, %select_n3A_2027, %reduce_max3A_2028 [1] : vector<16x4096xf32> to vector<16xf32>
    %broadcast_in_dim3A_2030 = vector.shape_cast %reduce_max3A_2029 : vector<16xf32> to vector<16x1xf32>
    %eq3A_2031 = vector.broadcast %broadcast_in_dim3A_2030 : vector<16x1xf32> to vector<16x4096xf32>
    %eq3A_2032 = arith.cmpf oeq, %select_n3A_2027, %eq3A_2031 : vector<16x4096xf32>
    %jit3A_2033 = arith.constant 2147483647 : i32
    %broadcast_in_dim3A_2034 = vector.broadcast %jit3A_2033 : i32 to vector<16x4096xi32>
    %select_n3A_2035 = arith.select %eq3A_2032, %add3A_2021, %broadcast_in_dim3A_2034 : vector<16x4096xi1>, vector<16x4096xi32>
    %reduce_min3A_2036 = arith.constant dense<2147483647> : vector<16xi32>
    %reduce_min3A_2037 = vector.multi_reduction <minsi>, %select_n3A_2035, %reduce_min3A_2036 [1] : vector<16x4096xi32> to vector<16xi32>
    %broadcast_in_dim3A_2038 = vector.shape_cast %reduce_min3A_2037 : vector<16xi32> to vector<16x1xi32>
    %eq3A_2039 = vector.broadcast %broadcast_in_dim3A_2038 : vector<16x1xi32> to vector<16x4096xi32>
    %eq3A_2040 = arith.cmpi eq, %add3A_2021, %eq3A_2039 : vector<16x4096xi32>
    %jit3A_2041 = arith.constant -3.000000e+38 : f32
    %broadcast_in_dim3A_2042 = vector.broadcast %jit3A_2041 : f32 to vector<16x4096xf32>
    %select_n3A_2043 = arith.select %eq3A_2040, %broadcast_in_dim3A_2042, %select_n3A_2027 : vector<16x4096xi1>, vector<16x4096xf32>
    %reduce_max3A_2044 = arith.constant dense<0xFF800000> : vector<16xf32>
    %reduce_max3A_2045 = vector.multi_reduction <maximumf>, %select_n3A_2043, %reduce_max3A_2044 [1] : vector<16x4096xf32> to vector<16xf32>
    %broadcast_in_dim3A_2046 = vector.shape_cast %reduce_max3A_2045 : vector<16xf32> to vector<16x1xf32>
    %eq3A_2047 = vector.broadcast %broadcast_in_dim3A_2046 : vector<16x1xf32> to vector<16x4096xf32>
    %eq3A_2048 = arith.cmpf oeq, %select_n3A_2043, %eq3A_2047 : vector<16x4096xf32>
    %jit3A_2049 = arith.constant 2147483647 : i32
    %broadcast_in_dim3A_2050 = vector.broadcast %jit3A_2049 : i32 to vector<16x4096xi32>
    %select_n3A_2051 = arith.select %eq3A_2048, %add3A_2021, %broadcast_in_dim3A_2050 : vector<16x4096xi1>, vector<16x4096xi32>
    %reduce_min3A_2052 = arith.constant dense<2147483647> : vector<16xi32>
    %reduce_min3A_2053 = vector.multi_reduction <minsi>, %select_n3A_2051, %reduce_min3A_2052 [1] : vector<16x4096xi32> to vector<16xi32>
    %broadcast_in_dim3A_2054 = vector.shape_cast %reduce_min3A_2053 : vector<16xi32> to vector<16x1xi32>
    %eq3A_2055 = vector.broadcast %broadcast_in_dim3A_2054 : vector<16x1xi32> to vector<16x4096xi32>
    %eq3A_2056 = arith.cmpi eq, %add3A_2021, %eq3A_2055 : vector<16x4096xi32>
    %jit3A_2057 = arith.constant -3.000000e+38 : f32
    %broadcast_in_dim3A_2058 = vector.broadcast %jit3A_2057 : f32 to vector<16x4096xf32>
    %select_n3A_2059 = arith.select %eq3A_2056, %broadcast_in_dim3A_2058, %select_n3A_2043 : vector<16x4096xi1>, vector<16x4096xf32>
    %reduce_max3A_2060 = arith.constant dense<0xFF800000> : vector<16xf32>
    %reduce_max3A_2061 = vector.multi_reduction <maximumf>, %select_n3A_2059, %reduce_max3A_2060 [1] : vector<16x4096xf32> to vector<16xf32>
    %broadcast_in_dim3A_2062 = vector.shape_cast %reduce_max3A_2061 : vector<16xf32> to vector<16x1xf32>
    %eq3A_2063 = vector.broadcast %broadcast_in_dim3A_2062 : vector<16x1xf32> to vector<16x4096xf32>
    %eq3A_2064 = arith.cmpf oeq, %select_n3A_2059, %eq3A_2063 : vector<16x4096xf32>
    %jit3A_2065 = arith.constant 2147483647 : i32
    %broadcast_in_dim3A_2066 = vector.broadcast %jit3A_2065 : i32 to vector<16x4096xi32>
    %select_n3A_2067 = arith.select %eq3A_2064, %add3A_2021, %broadcast_in_dim3A_2066 : vector<16x4096xi1>, vector<16x4096xi32>
    %reduce_min3A_2068 = arith.constant dense<2147483647> : vector<16xi32>
    %reduce_min3A_2069 = vector.multi_reduction <minsi>, %select_n3A_2067, %reduce_min3A_2068 [1] : vector<16x4096xi32> to vector<16xi32>
    %broadcast_in_dim3A_2070 = vector.shape_cast %reduce_min3A_2069 : vector<16xi32> to vector<16x1xi32>
    %eq3A_2071 = vector.broadcast %broadcast_in_dim3A_2070 : vector<16x1xi32> to vector<16x4096xi32>
    %eq3A_2072 = arith.cmpi eq, %add3A_2021, %eq3A_2071 : vector<16x4096xi32>
    %jit3A_2073 = arith.constant -3.000000e+38 : f32
    %broadcast_in_dim3A_2074 = vector.broadcast %jit3A_2073 : f32 to vector<16x4096xf32>
    %select_n3A_2075 = arith.select %eq3A_2072, %broadcast_in_dim3A_2074, %select_n3A_2059 : vector<16x4096xi1>, vector<16x4096xf32>
    %reduce_max3A_2076 = arith.constant dense<0xFF800000> : vector<16xf32>
    %reduce_max3A_2077 = vector.multi_reduction <maximumf>, %select_n3A_2075, %reduce_max3A_2076 [1] : vector<16x4096xf32> to vector<16xf32>
    %broadcast_in_dim3A_2078 = vector.shape_cast %reduce_max3A_2077 : vector<16xf32> to vector<16x1xf32>
    %eq3A_2079 = vector.broadcast %broadcast_in_dim3A_2078 : vector<16x1xf32> to vector<16x4096xf32>
    %eq3A_2080 = arith.cmpf oeq, %select_n3A_2075, %eq3A_2079 : vector<16x4096xf32>
    %jit3A_2081 = arith.constant 2147483647 : i32
    %broadcast_in_dim3A_2082 = vector.broadcast %jit3A_2081 : i32 to vector<16x4096xi32>
    %select_n3A_2083 = arith.select %eq3A_2080, %add3A_2021, %broadcast_in_dim3A_2082 : vector<16x4096xi1>, vector<16x4096xi32>
    %reduce_min3A_2084 = arith.constant dense<2147483647> : vector<16xi32>
    %reduce_min3A_2085 = vector.multi_reduction <minsi>, %select_n3A_2083, %reduce_min3A_2084 [1] : vector<16x4096xi32> to vector<16xi32>
    %broadcast_in_dim3A_2086 = vector.shape_cast %reduce_min3A_2085 : vector<16xi32> to vector<16x1xi32>
    %eq3A_2087 = vector.broadcast %broadcast_in_dim3A_2086 : vector<16x1xi32> to vector<16x4096xi32>
    %eq3A_2088 = arith.cmpi eq, %add3A_2021, %eq3A_2087 : vector<16x4096xi32>
    %jit3A_2089 = arith.constant -3.000000e+38 : f32
    %broadcast_in_dim3A_2090 = vector.broadcast %jit3A_2089 : f32 to vector<16x4096xf32>
    %select_n3A_2091 = arith.select %eq3A_2088, %broadcast_in_dim3A_2090, %select_n3A_2075 : vector<16x4096xi1>, vector<16x4096xf32>
    %reduce_max3A_2092 = arith.constant dense<0xFF800000> : vector<16xf32>
    %reduce_max3A_2093 = vector.multi_reduction <maximumf>, %select_n3A_2091, %reduce_max3A_2092 [1] : vector<16x4096xf32> to vector<16xf32>
    %broadcast_in_dim3A_2094 = vector.shape_cast %reduce_max3A_2093 : vector<16xf32> to vector<16x1xf32>
    %eq3A_2095 = vector.broadcast %broadcast_in_dim3A_2094 : vector<16x1xf32> to vector<16x4096xf32>
    %eq3A_2096 = arith.cmpf oeq, %select_n3A_2091, %eq3A_2095 : vector<16x4096xf32>
    %jit3A_2097 = arith.constant 2147483647 : i32
    %broadcast_in_dim3A_2098 = vector.broadcast %jit3A_2097 : i32 to vector<16x4096xi32>
    %select_n3A_2099 = arith.select %eq3A_2096, %add3A_2021, %broadcast_in_dim3A_2098 : vector<16x4096xi1>, vector<16x4096xi32>
    %reduce_min3A_2100 = arith.constant dense<2147483647> : vector<16xi32>
    %reduce_min3A_2101 = vector.multi_reduction <minsi>, %select_n3A_2099, %reduce_min3A_2100 [1] : vector<16x4096xi32> to vector<16xi32>
    %broadcast_in_dim3A_2102 = vector.shape_cast %reduce_min3A_2101 : vector<16xi32> to vector<16x1xi32>
    %concatenate3A_2103 = tpu.concatenate %broadcast_in_dim3A_2030, %broadcast_in_dim3A_2046, %broadcast_in_dim3A_2062, %broadcast_in_dim3A_2078, %broadcast_in_dim3A_2094 in 1 : vector<16x1xf32>, vector<16x1xf32>, vector<16x1xf32>, vector<16x1xf32>, vector<16x1xf32> -> vector<16x5xf32>
    %concatenate3A_2104 = tpu.concatenate %broadcast_in_dim3A_2038, %broadcast_in_dim3A_2054, %broadcast_in_dim3A_2070, %broadcast_in_dim3A_2086, %broadcast_in_dim3A_2102 in 1 : vector<16x1xi32>, vector<16x1xi32>, vector<16x1xi32>, vector<16x1xi32>, vector<16x1xi32> -> vector<16x5xi32>
    %slice3A_2105 = vector.extract_strided_slice %sub3A_14 {offsets = [0, 94208], sizes = [16, 4096], strides = [1, 1]} : vector<16x131072xf32> to vector<16x4096xf32>
    %iota3A_2106 = tpu.iota {dimensions = array<i32: 1>} : vector<16x4096xi32>
    %mul3A_2107 = arith.constant 131072 : i32
    %mul3A_2108 = arith.muli %arg0, %mul3A_2107 : i32
    %add3A_2109 = arith.constant 94208 : i32
    %add3A_2110 = arith.addi %mul3A_2108, %add3A_2109 : i32
    %add3A_2111 = vector.broadcast %add3A_2110 : i32 to vector<16x4096xi32>
    %add3A_2112 = arith.addi %iota3A_2106, %add3A_2111 : vector<16x4096xi32>
    %lt3A_2113 = arith.constant 1000000 : i32
    %lt3A_2114 = vector.broadcast %lt3A_2113 : i32 to vector<16x4096xi32>
    %lt3A_2115 = arith.cmpi slt, %add3A_2112, %lt3A_2114 : vector<16x4096xi32>
    %jit3A_2116 = arith.constant -3.000000e+38 : f32
    %broadcast_in_dim3A_2117 = vector.broadcast %jit3A_2116 : f32 to vector<16x4096xf32>
    %select_n3A_2118 = arith.select %lt3A_2115, %slice3A_2105, %broadcast_in_dim3A_2117 : vector<16x4096xi1>, vector<16x4096xf32>
    %reduce_max3A_2119 = arith.constant dense<0xFF800000> : vector<16xf32>
    %reduce_max3A_2120 = vector.multi_reduction <maximumf>, %select_n3A_2118, %reduce_max3A_2119 [1] : vector<16x4096xf32> to vector<16xf32>
    %broadcast_in_dim3A_2121 = vector.shape_cast %reduce_max3A_2120 : vector<16xf32> to vector<16x1xf32>
    %eq3A_2122 = vector.broadcast %broadcast_in_dim3A_2121 : vector<16x1xf32> to vector<16x4096xf32>
    %eq3A_2123 = arith.cmpf oeq, %select_n3A_2118, %eq3A_2122 : vector<16x4096xf32>
    %jit3A_2124 = arith.constant 2147483647 : i32
    %broadcast_in_dim3A_2125 = vector.broadcast %jit3A_2124 : i32 to vector<16x4096xi32>
    %select_n3A_2126 = arith.select %eq3A_2123, %add3A_2112, %broadcast_in_dim3A_2125 : vector<16x4096xi1>, vector<16x4096xi32>
    %reduce_min3A_2127 = arith.constant dense<2147483647> : vector<16xi32>
    %reduce_min3A_2128 = vector.multi_reduction <minsi>, %select_n3A_2126, %reduce_min3A_2127 [1] : vector<16x4096xi32> to vector<16xi32>
    %broadcast_in_dim3A_2129 = vector.shape_cast %reduce_min3A_2128 : vector<16xi32> to vector<16x1xi32>
    %eq3A_2130 = vector.broadcast %broadcast_in_dim3A_2129 : vector<16x1xi32> to vector<16x4096xi32>
    %eq3A_2131 = arith.cmpi eq, %add3A_2112, %eq3A_2130 : vector<16x4096xi32>
    %jit3A_2132 = arith.constant -3.000000e+38 : f32
    %broadcast_in_dim3A_2133 = vector.broadcast %jit3A_2132 : f32 to vector<16x4096xf32>
    %select_n3A_2134 = arith.select %eq3A_2131, %broadcast_in_dim3A_2133, %select_n3A_2118 : vector<16x4096xi1>, vector<16x4096xf32>
    %reduce_max3A_2135 = arith.constant dense<0xFF800000> : vector<16xf32>
    %reduce_max3A_2136 = vector.multi_reduction <maximumf>, %select_n3A_2134, %reduce_max3A_2135 [1] : vector<16x4096xf32> to vector<16xf32>
    %broadcast_in_dim3A_2137 = vector.shape_cast %reduce_max3A_2136 : vector<16xf32> to vector<16x1xf32>
    %eq3A_2138 = vector.broadcast %broadcast_in_dim3A_2137 : vector<16x1xf32> to vector<16x4096xf32>
    %eq3A_2139 = arith.cmpf oeq, %select_n3A_2134, %eq3A_2138 : vector<16x4096xf32>
    %jit3A_2140 = arith.constant 2147483647 : i32
    %broadcast_in_dim3A_2141 = vector.broadcast %jit3A_2140 : i32 to vector<16x4096xi32>
    %select_n3A_2142 = arith.select %eq3A_2139, %add3A_2112, %broadcast_in_dim3A_2141 : vector<16x4096xi1>, vector<16x4096xi32>
    %reduce_min3A_2143 = arith.constant dense<2147483647> : vector<16xi32>
    %reduce_min3A_2144 = vector.multi_reduction <minsi>, %select_n3A_2142, %reduce_min3A_2143 [1] : vector<16x4096xi32> to vector<16xi32>
    %broadcast_in_dim3A_2145 = vector.shape_cast %reduce_min3A_2144 : vector<16xi32> to vector<16x1xi32>
    %eq3A_2146 = vector.broadcast %broadcast_in_dim3A_2145 : vector<16x1xi32> to vector<16x4096xi32>
    %eq3A_2147 = arith.cmpi eq, %add3A_2112, %eq3A_2146 : vector<16x4096xi32>
    %jit3A_2148 = arith.constant -3.000000e+38 : f32
    %broadcast_in_dim3A_2149 = vector.broadcast %jit3A_2148 : f32 to vector<16x4096xf32>
    %select_n3A_2150 = arith.select %eq3A_2147, %broadcast_in_dim3A_2149, %select_n3A_2134 : vector<16x4096xi1>, vector<16x4096xf32>
    %reduce_max3A_2151 = arith.constant dense<0xFF800000> : vector<16xf32>
    %reduce_max3A_2152 = vector.multi_reduction <maximumf>, %select_n3A_2150, %reduce_max3A_2151 [1] : vector<16x4096xf32> to vector<16xf32>
    %broadcast_in_dim3A_2153 = vector.shape_cast %reduce_max3A_2152 : vector<16xf32> to vector<16x1xf32>
    %eq3A_2154 = vector.broadcast %broadcast_in_dim3A_2153 : vector<16x1xf32> to vector<16x4096xf32>
    %eq3A_2155 = arith.cmpf oeq, %select_n3A_2150, %eq3A_2154 : vector<16x4096xf32>
    %jit3A_2156 = arith.constant 2147483647 : i32
    %broadcast_in_dim3A_2157 = vector.broadcast %jit3A_2156 : i32 to vector<16x4096xi32>
    %select_n3A_2158 = arith.select %eq3A_2155, %add3A_2112, %broadcast_in_dim3A_2157 : vector<16x4096xi1>, vector<16x4096xi32>
    %reduce_min3A_2159 = arith.constant dense<2147483647> : vector<16xi32>
    %reduce_min3A_2160 = vector.multi_reduction <minsi>, %select_n3A_2158, %reduce_min3A_2159 [1] : vector<16x4096xi32> to vector<16xi32>
    %broadcast_in_dim3A_2161 = vector.shape_cast %reduce_min3A_2160 : vector<16xi32> to vector<16x1xi32>
    %eq3A_2162 = vector.broadcast %broadcast_in_dim3A_2161 : vector<16x1xi32> to vector<16x4096xi32>
    %eq3A_2163 = arith.cmpi eq, %add3A_2112, %eq3A_2162 : vector<16x4096xi32>
    %jit3A_2164 = arith.constant -3.000000e+38 : f32
    %broadcast_in_dim3A_2165 = vector.broadcast %jit3A_2164 : f32 to vector<16x4096xf32>
    %select_n3A_2166 = arith.select %eq3A_2163, %broadcast_in_dim3A_2165, %select_n3A_2150 : vector<16x4096xi1>, vector<16x4096xf32>
    %reduce_max3A_2167 = arith.constant dense<0xFF800000> : vector<16xf32>
    %reduce_max3A_2168 = vector.multi_reduction <maximumf>, %select_n3A_2166, %reduce_max3A_2167 [1] : vector<16x4096xf32> to vector<16xf32>
    %broadcast_in_dim3A_2169 = vector.shape_cast %reduce_max3A_2168 : vector<16xf32> to vector<16x1xf32>
    %eq3A_2170 = vector.broadcast %broadcast_in_dim3A_2169 : vector<16x1xf32> to vector<16x4096xf32>
    %eq3A_2171 = arith.cmpf oeq, %select_n3A_2166, %eq3A_2170 : vector<16x4096xf32>
    %jit3A_2172 = arith.constant 2147483647 : i32
    %broadcast_in_dim3A_2173 = vector.broadcast %jit3A_2172 : i32 to vector<16x4096xi32>
    %select_n3A_2174 = arith.select %eq3A_2171, %add3A_2112, %broadcast_in_dim3A_2173 : vector<16x4096xi1>, vector<16x4096xi32>
    %reduce_min3A_2175 = arith.constant dense<2147483647> : vector<16xi32>
    %reduce_min3A_2176 = vector.multi_reduction <minsi>, %select_n3A_2174, %reduce_min3A_2175 [1] : vector<16x4096xi32> to vector<16xi32>
    %broadcast_in_dim3A_2177 = vector.shape_cast %reduce_min3A_2176 : vector<16xi32> to vector<16x1xi32>
    %eq3A_2178 = vector.broadcast %broadcast_in_dim3A_2177 : vector<16x1xi32> to vector<16x4096xi32>
    %eq3A_2179 = arith.cmpi eq, %add3A_2112, %eq3A_2178 : vector<16x4096xi32>
    %jit3A_2180 = arith.constant -3.000000e+38 : f32
    %broadcast_in_dim3A_2181 = vector.broadcast %jit3A_2180 : f32 to vector<16x4096xf32>
    %select_n3A_2182 = arith.select %eq3A_2179, %broadcast_in_dim3A_2181, %select_n3A_2166 : vector<16x4096xi1>, vector<16x4096xf32>
    %reduce_max3A_2183 = arith.constant dense<0xFF800000> : vector<16xf32>
    %reduce_max3A_2184 = vector.multi_reduction <maximumf>, %select_n3A_2182, %reduce_max3A_2183 [1] : vector<16x4096xf32> to vector<16xf32>
    %broadcast_in_dim3A_2185 = vector.shape_cast %reduce_max3A_2184 : vector<16xf32> to vector<16x1xf32>
    %eq3A_2186 = vector.broadcast %broadcast_in_dim3A_2185 : vector<16x1xf32> to vector<16x4096xf32>
    %eq3A_2187 = arith.cmpf oeq, %select_n3A_2182, %eq3A_2186 : vector<16x4096xf32>
    %jit3A_2188 = arith.constant 2147483647 : i32
    %broadcast_in_dim3A_2189 = vector.broadcast %jit3A_2188 : i32 to vector<16x4096xi32>
    %select_n3A_2190 = arith.select %eq3A_2187, %add3A_2112, %broadcast_in_dim3A_2189 : vector<16x4096xi1>, vector<16x4096xi32>
    %reduce_min3A_2191 = arith.constant dense<2147483647> : vector<16xi32>
    %reduce_min3A_2192 = vector.multi_reduction <minsi>, %select_n3A_2190, %reduce_min3A_2191 [1] : vector<16x4096xi32> to vector<16xi32>
    %broadcast_in_dim3A_2193 = vector.shape_cast %reduce_min3A_2192 : vector<16xi32> to vector<16x1xi32>
    %concatenate3A_2194 = tpu.concatenate %broadcast_in_dim3A_2121, %broadcast_in_dim3A_2137, %broadcast_in_dim3A_2153, %broadcast_in_dim3A_2169, %broadcast_in_dim3A_2185 in 1 : vector<16x1xf32>, vector<16x1xf32>, vector<16x1xf32>, vector<16x1xf32>, vector<16x1xf32> -> vector<16x5xf32>
    %concatenate3A_2195 = tpu.concatenate %broadcast_in_dim3A_2129, %broadcast_in_dim3A_2145, %broadcast_in_dim3A_2161, %broadcast_in_dim3A_2177, %broadcast_in_dim3A_2193 in 1 : vector<16x1xi32>, vector<16x1xi32>, vector<16x1xi32>, vector<16x1xi32>, vector<16x1xi32> -> vector<16x5xi32>
    %slice3A_2196 = vector.extract_strided_slice %sub3A_14 {offsets = [0, 98304], sizes = [16, 4096], strides = [1, 1]} : vector<16x131072xf32> to vector<16x4096xf32>
    %iota3A_2197 = tpu.iota {dimensions = array<i32: 1>} : vector<16x4096xi32>
    %mul3A_2198 = arith.constant 131072 : i32
    %mul3A_2199 = arith.muli %arg0, %mul3A_2198 : i32
    %add3A_2200 = arith.constant 98304 : i32
    %add3A_2201 = arith.addi %mul3A_2199, %add3A_2200 : i32
    %add3A_2202 = vector.broadcast %add3A_2201 : i32 to vector<16x4096xi32>
    %add3A_2203 = arith.addi %iota3A_2197, %add3A_2202 : vector<16x4096xi32>
    %lt3A_2204 = arith.constant 1000000 : i32
    %lt3A_2205 = vector.broadcast %lt3A_2204 : i32 to vector<16x4096xi32>
    %lt3A_2206 = arith.cmpi slt, %add3A_2203, %lt3A_2205 : vector<16x4096xi32>
    %jit3A_2207 = arith.constant -3.000000e+38 : f32
    %broadcast_in_dim3A_2208 = vector.broadcast %jit3A_2207 : f32 to vector<16x4096xf32>
    %select_n3A_2209 = arith.select %lt3A_2206, %slice3A_2196, %broadcast_in_dim3A_2208 : vector<16x4096xi1>, vector<16x4096xf32>
    %reduce_max3A_2210 = arith.constant dense<0xFF800000> : vector<16xf32>
    %reduce_max3A_2211 = vector.multi_reduction <maximumf>, %select_n3A_2209, %reduce_max3A_2210 [1] : vector<16x4096xf32> to vector<16xf32>
    %broadcast_in_dim3A_2212 = vector.shape_cast %reduce_max3A_2211 : vector<16xf32> to vector<16x1xf32>
    %eq3A_2213 = vector.broadcast %broadcast_in_dim3A_2212 : vector<16x1xf32> to vector<16x4096xf32>
    %eq3A_2214 = arith.cmpf oeq, %select_n3A_2209, %eq3A_2213 : vector<16x4096xf32>
    %jit3A_2215 = arith.constant 2147483647 : i32
    %broadcast_in_dim3A_2216 = vector.broadcast %jit3A_2215 : i32 to vector<16x4096xi32>
    %select_n3A_2217 = arith.select %eq3A_2214, %add3A_2203, %broadcast_in_dim3A_2216 : vector<16x4096xi1>, vector<16x4096xi32>
    %reduce_min3A_2218 = arith.constant dense<2147483647> : vector<16xi32>
    %reduce_min3A_2219 = vector.multi_reduction <minsi>, %select_n3A_2217, %reduce_min3A_2218 [1] : vector<16x4096xi32> to vector<16xi32>
    %broadcast_in_dim3A_2220 = vector.shape_cast %reduce_min3A_2219 : vector<16xi32> to vector<16x1xi32>
    %eq3A_2221 = vector.broadcast %broadcast_in_dim3A_2220 : vector<16x1xi32> to vector<16x4096xi32>
    %eq3A_2222 = arith.cmpi eq, %add3A_2203, %eq3A_2221 : vector<16x4096xi32>
    %jit3A_2223 = arith.constant -3.000000e+38 : f32
    %broadcast_in_dim3A_2224 = vector.broadcast %jit3A_2223 : f32 to vector<16x4096xf32>
    %select_n3A_2225 = arith.select %eq3A_2222, %broadcast_in_dim3A_2224, %select_n3A_2209 : vector<16x4096xi1>, vector<16x4096xf32>
    %reduce_max3A_2226 = arith.constant dense<0xFF800000> : vector<16xf32>
    %reduce_max3A_2227 = vector.multi_reduction <maximumf>, %select_n3A_2225, %reduce_max3A_2226 [1] : vector<16x4096xf32> to vector<16xf32>
    %broadcast_in_dim3A_2228 = vector.shape_cast %reduce_max3A_2227 : vector<16xf32> to vector<16x1xf32>
    %eq3A_2229 = vector.broadcast %broadcast_in_dim3A_2228 : vector<16x1xf32> to vector<16x4096xf32>
    %eq3A_2230 = arith.cmpf oeq, %select_n3A_2225, %eq3A_2229 : vector<16x4096xf32>
    %jit3A_2231 = arith.constant 2147483647 : i32
    %broadcast_in_dim3A_2232 = vector.broadcast %jit3A_2231 : i32 to vector<16x4096xi32>
    %select_n3A_2233 = arith.select %eq3A_2230, %add3A_2203, %broadcast_in_dim3A_2232 : vector<16x4096xi1>, vector<16x4096xi32>
    %reduce_min3A_2234 = arith.constant dense<2147483647> : vector<16xi32>
    %reduce_min3A_2235 = vector.multi_reduction <minsi>, %select_n3A_2233, %reduce_min3A_2234 [1] : vector<16x4096xi32> to vector<16xi32>
    %broadcast_in_dim3A_2236 = vector.shape_cast %reduce_min3A_2235 : vector<16xi32> to vector<16x1xi32>
    %eq3A_2237 = vector.broadcast %broadcast_in_dim3A_2236 : vector<16x1xi32> to vector<16x4096xi32>
    %eq3A_2238 = arith.cmpi eq, %add3A_2203, %eq3A_2237 : vector<16x4096xi32>
    %jit3A_2239 = arith.constant -3.000000e+38 : f32
    %broadcast_in_dim3A_2240 = vector.broadcast %jit3A_2239 : f32 to vector<16x4096xf32>
    %select_n3A_2241 = arith.select %eq3A_2238, %broadcast_in_dim3A_2240, %select_n3A_2225 : vector<16x4096xi1>, vector<16x4096xf32>
    %reduce_max3A_2242 = arith.constant dense<0xFF800000> : vector<16xf32>
    %reduce_max3A_2243 = vector.multi_reduction <maximumf>, %select_n3A_2241, %reduce_max3A_2242 [1] : vector<16x4096xf32> to vector<16xf32>
    %broadcast_in_dim3A_2244 = vector.shape_cast %reduce_max3A_2243 : vector<16xf32> to vector<16x1xf32>
    %eq3A_2245 = vector.broadcast %broadcast_in_dim3A_2244 : vector<16x1xf32> to vector<16x4096xf32>
    %eq3A_2246 = arith.cmpf oeq, %select_n3A_2241, %eq3A_2245 : vector<16x4096xf32>
    %jit3A_2247 = arith.constant 2147483647 : i32
    %broadcast_in_dim3A_2248 = vector.broadcast %jit3A_2247 : i32 to vector<16x4096xi32>
    %select_n3A_2249 = arith.select %eq3A_2246, %add3A_2203, %broadcast_in_dim3A_2248 : vector<16x4096xi1>, vector<16x4096xi32>
    %reduce_min3A_2250 = arith.constant dense<2147483647> : vector<16xi32>
    %reduce_min3A_2251 = vector.multi_reduction <minsi>, %select_n3A_2249, %reduce_min3A_2250 [1] : vector<16x4096xi32> to vector<16xi32>
    %broadcast_in_dim3A_2252 = vector.shape_cast %reduce_min3A_2251 : vector<16xi32> to vector<16x1xi32>
    %eq3A_2253 = vector.broadcast %broadcast_in_dim3A_2252 : vector<16x1xi32> to vector<16x4096xi32>
    %eq3A_2254 = arith.cmpi eq, %add3A_2203, %eq3A_2253 : vector<16x4096xi32>
    %jit3A_2255 = arith.constant -3.000000e+38 : f32
    %broadcast_in_dim3A_2256 = vector.broadcast %jit3A_2255 : f32 to vector<16x4096xf32>
    %select_n3A_2257 = arith.select %eq3A_2254, %broadcast_in_dim3A_2256, %select_n3A_2241 : vector<16x4096xi1>, vector<16x4096xf32>
    %reduce_max3A_2258 = arith.constant dense<0xFF800000> : vector<16xf32>
    %reduce_max3A_2259 = vector.multi_reduction <maximumf>, %select_n3A_2257, %reduce_max3A_2258 [1] : vector<16x4096xf32> to vector<16xf32>
    %broadcast_in_dim3A_2260 = vector.shape_cast %reduce_max3A_2259 : vector<16xf32> to vector<16x1xf32>
    %eq3A_2261 = vector.broadcast %broadcast_in_dim3A_2260 : vector<16x1xf32> to vector<16x4096xf32>
    %eq3A_2262 = arith.cmpf oeq, %select_n3A_2257, %eq3A_2261 : vector<16x4096xf32>
    %jit3A_2263 = arith.constant 2147483647 : i32
    %broadcast_in_dim3A_2264 = vector.broadcast %jit3A_2263 : i32 to vector<16x4096xi32>
    %select_n3A_2265 = arith.select %eq3A_2262, %add3A_2203, %broadcast_in_dim3A_2264 : vector<16x4096xi1>, vector<16x4096xi32>
    %reduce_min3A_2266 = arith.constant dense<2147483647> : vector<16xi32>
    %reduce_min3A_2267 = vector.multi_reduction <minsi>, %select_n3A_2265, %reduce_min3A_2266 [1] : vector<16x4096xi32> to vector<16xi32>
    %broadcast_in_dim3A_2268 = vector.shape_cast %reduce_min3A_2267 : vector<16xi32> to vector<16x1xi32>
    %eq3A_2269 = vector.broadcast %broadcast_in_dim3A_2268 : vector<16x1xi32> to vector<16x4096xi32>
    %eq3A_2270 = arith.cmpi eq, %add3A_2203, %eq3A_2269 : vector<16x4096xi32>
    %jit3A_2271 = arith.constant -3.000000e+38 : f32
    %broadcast_in_dim3A_2272 = vector.broadcast %jit3A_2271 : f32 to vector<16x4096xf32>
    %select_n3A_2273 = arith.select %eq3A_2270, %broadcast_in_dim3A_2272, %select_n3A_2257 : vector<16x4096xi1>, vector<16x4096xf32>
    %reduce_max3A_2274 = arith.constant dense<0xFF800000> : vector<16xf32>
    %reduce_max3A_2275 = vector.multi_reduction <maximumf>, %select_n3A_2273, %reduce_max3A_2274 [1] : vector<16x4096xf32> to vector<16xf32>
    %broadcast_in_dim3A_2276 = vector.shape_cast %reduce_max3A_2275 : vector<16xf32> to vector<16x1xf32>
    %eq3A_2277 = vector.broadcast %broadcast_in_dim3A_2276 : vector<16x1xf32> to vector<16x4096xf32>
    %eq3A_2278 = arith.cmpf oeq, %select_n3A_2273, %eq3A_2277 : vector<16x4096xf32>
    %jit3A_2279 = arith.constant 2147483647 : i32
    %broadcast_in_dim3A_2280 = vector.broadcast %jit3A_2279 : i32 to vector<16x4096xi32>
    %select_n3A_2281 = arith.select %eq3A_2278, %add3A_2203, %broadcast_in_dim3A_2280 : vector<16x4096xi1>, vector<16x4096xi32>
    %reduce_min3A_2282 = arith.constant dense<2147483647> : vector<16xi32>
    %reduce_min3A_2283 = vector.multi_reduction <minsi>, %select_n3A_2281, %reduce_min3A_2282 [1] : vector<16x4096xi32> to vector<16xi32>
    %broadcast_in_dim3A_2284 = vector.shape_cast %reduce_min3A_2283 : vector<16xi32> to vector<16x1xi32>
    %concatenate3A_2285 = tpu.concatenate %broadcast_in_dim3A_2212, %broadcast_in_dim3A_2228, %broadcast_in_dim3A_2244, %broadcast_in_dim3A_2260, %broadcast_in_dim3A_2276 in 1 : vector<16x1xf32>, vector<16x1xf32>, vector<16x1xf32>, vector<16x1xf32>, vector<16x1xf32> -> vector<16x5xf32>
    %concatenate3A_2286 = tpu.concatenate %broadcast_in_dim3A_2220, %broadcast_in_dim3A_2236, %broadcast_in_dim3A_2252, %broadcast_in_dim3A_2268, %broadcast_in_dim3A_2284 in 1 : vector<16x1xi32>, vector<16x1xi32>, vector<16x1xi32>, vector<16x1xi32>, vector<16x1xi32> -> vector<16x5xi32>
    %slice3A_2287 = vector.extract_strided_slice %sub3A_14 {offsets = [0, 102400], sizes = [16, 4096], strides = [1, 1]} : vector<16x131072xf32> to vector<16x4096xf32>
    %iota3A_2288 = tpu.iota {dimensions = array<i32: 1>} : vector<16x4096xi32>
    %mul3A_2289 = arith.constant 131072 : i32
    %mul3A_2290 = arith.muli %arg0, %mul3A_2289 : i32
    %add3A_2291 = arith.constant 102400 : i32
    %add3A_2292 = arith.addi %mul3A_2290, %add3A_2291 : i32
    %add3A_2293 = vector.broadcast %add3A_2292 : i32 to vector<16x4096xi32>
    %add3A_2294 = arith.addi %iota3A_2288, %add3A_2293 : vector<16x4096xi32>
    %lt3A_2295 = arith.constant 1000000 : i32
    %lt3A_2296 = vector.broadcast %lt3A_2295 : i32 to vector<16x4096xi32>
    %lt3A_2297 = arith.cmpi slt, %add3A_2294, %lt3A_2296 : vector<16x4096xi32>
    %jit3A_2298 = arith.constant -3.000000e+38 : f32
    %broadcast_in_dim3A_2299 = vector.broadcast %jit3A_2298 : f32 to vector<16x4096xf32>
    %select_n3A_2300 = arith.select %lt3A_2297, %slice3A_2287, %broadcast_in_dim3A_2299 : vector<16x4096xi1>, vector<16x4096xf32>
    %reduce_max3A_2301 = arith.constant dense<0xFF800000> : vector<16xf32>
    %reduce_max3A_2302 = vector.multi_reduction <maximumf>, %select_n3A_2300, %reduce_max3A_2301 [1] : vector<16x4096xf32> to vector<16xf32>
    %broadcast_in_dim3A_2303 = vector.shape_cast %reduce_max3A_2302 : vector<16xf32> to vector<16x1xf32>
    %eq3A_2304 = vector.broadcast %broadcast_in_dim3A_2303 : vector<16x1xf32> to vector<16x4096xf32>
    %eq3A_2305 = arith.cmpf oeq, %select_n3A_2300, %eq3A_2304 : vector<16x4096xf32>
    %jit3A_2306 = arith.constant 2147483647 : i32
    %broadcast_in_dim3A_2307 = vector.broadcast %jit3A_2306 : i32 to vector<16x4096xi32>
    %select_n3A_2308 = arith.select %eq3A_2305, %add3A_2294, %broadcast_in_dim3A_2307 : vector<16x4096xi1>, vector<16x4096xi32>
    %reduce_min3A_2309 = arith.constant dense<2147483647> : vector<16xi32>
    %reduce_min3A_2310 = vector.multi_reduction <minsi>, %select_n3A_2308, %reduce_min3A_2309 [1] : vector<16x4096xi32> to vector<16xi32>
    %broadcast_in_dim3A_2311 = vector.shape_cast %reduce_min3A_2310 : vector<16xi32> to vector<16x1xi32>
    %eq3A_2312 = vector.broadcast %broadcast_in_dim3A_2311 : vector<16x1xi32> to vector<16x4096xi32>
    %eq3A_2313 = arith.cmpi eq, %add3A_2294, %eq3A_2312 : vector<16x4096xi32>
    %jit3A_2314 = arith.constant -3.000000e+38 : f32
    %broadcast_in_dim3A_2315 = vector.broadcast %jit3A_2314 : f32 to vector<16x4096xf32>
    %select_n3A_2316 = arith.select %eq3A_2313, %broadcast_in_dim3A_2315, %select_n3A_2300 : vector<16x4096xi1>, vector<16x4096xf32>
    %reduce_max3A_2317 = arith.constant dense<0xFF800000> : vector<16xf32>
    %reduce_max3A_2318 = vector.multi_reduction <maximumf>, %select_n3A_2316, %reduce_max3A_2317 [1] : vector<16x4096xf32> to vector<16xf32>
    %broadcast_in_dim3A_2319 = vector.shape_cast %reduce_max3A_2318 : vector<16xf32> to vector<16x1xf32>
    %eq3A_2320 = vector.broadcast %broadcast_in_dim3A_2319 : vector<16x1xf32> to vector<16x4096xf32>
    %eq3A_2321 = arith.cmpf oeq, %select_n3A_2316, %eq3A_2320 : vector<16x4096xf32>
    %jit3A_2322 = arith.constant 2147483647 : i32
    %broadcast_in_dim3A_2323 = vector.broadcast %jit3A_2322 : i32 to vector<16x4096xi32>
    %select_n3A_2324 = arith.select %eq3A_2321, %add3A_2294, %broadcast_in_dim3A_2323 : vector<16x4096xi1>, vector<16x4096xi32>
    %reduce_min3A_2325 = arith.constant dense<2147483647> : vector<16xi32>
    %reduce_min3A_2326 = vector.multi_reduction <minsi>, %select_n3A_2324, %reduce_min3A_2325 [1] : vector<16x4096xi32> to vector<16xi32>
    %broadcast_in_dim3A_2327 = vector.shape_cast %reduce_min3A_2326 : vector<16xi32> to vector<16x1xi32>
    %eq3A_2328 = vector.broadcast %broadcast_in_dim3A_2327 : vector<16x1xi32> to vector<16x4096xi32>
    %eq3A_2329 = arith.cmpi eq, %add3A_2294, %eq3A_2328 : vector<16x4096xi32>
    %jit3A_2330 = arith.constant -3.000000e+38 : f32
    %broadcast_in_dim3A_2331 = vector.broadcast %jit3A_2330 : f32 to vector<16x4096xf32>
    %select_n3A_2332 = arith.select %eq3A_2329, %broadcast_in_dim3A_2331, %select_n3A_2316 : vector<16x4096xi1>, vector<16x4096xf32>
    %reduce_max3A_2333 = arith.constant dense<0xFF800000> : vector<16xf32>
    %reduce_max3A_2334 = vector.multi_reduction <maximumf>, %select_n3A_2332, %reduce_max3A_2333 [1] : vector<16x4096xf32> to vector<16xf32>
    %broadcast_in_dim3A_2335 = vector.shape_cast %reduce_max3A_2334 : vector<16xf32> to vector<16x1xf32>
    %eq3A_2336 = vector.broadcast %broadcast_in_dim3A_2335 : vector<16x1xf32> to vector<16x4096xf32>
    %eq3A_2337 = arith.cmpf oeq, %select_n3A_2332, %eq3A_2336 : vector<16x4096xf32>
    %jit3A_2338 = arith.constant 2147483647 : i32
    %broadcast_in_dim3A_2339 = vector.broadcast %jit3A_2338 : i32 to vector<16x4096xi32>
    %select_n3A_2340 = arith.select %eq3A_2337, %add3A_2294, %broadcast_in_dim3A_2339 : vector<16x4096xi1>, vector<16x4096xi32>
    %reduce_min3A_2341 = arith.constant dense<2147483647> : vector<16xi32>
    %reduce_min3A_2342 = vector.multi_reduction <minsi>, %select_n3A_2340, %reduce_min3A_2341 [1] : vector<16x4096xi32> to vector<16xi32>
    %broadcast_in_dim3A_2343 = vector.shape_cast %reduce_min3A_2342 : vector<16xi32> to vector<16x1xi32>
    %eq3A_2344 = vector.broadcast %broadcast_in_dim3A_2343 : vector<16x1xi32> to vector<16x4096xi32>
    %eq3A_2345 = arith.cmpi eq, %add3A_2294, %eq3A_2344 : vector<16x4096xi32>
    %jit3A_2346 = arith.constant -3.000000e+38 : f32
    %broadcast_in_dim3A_2347 = vector.broadcast %jit3A_2346 : f32 to vector<16x4096xf32>
    %select_n3A_2348 = arith.select %eq3A_2345, %broadcast_in_dim3A_2347, %select_n3A_2332 : vector<16x4096xi1>, vector<16x4096xf32>
    %reduce_max3A_2349 = arith.constant dense<0xFF800000> : vector<16xf32>
    %reduce_max3A_2350 = vector.multi_reduction <maximumf>, %select_n3A_2348, %reduce_max3A_2349 [1] : vector<16x4096xf32> to vector<16xf32>
    %broadcast_in_dim3A_2351 = vector.shape_cast %reduce_max3A_2350 : vector<16xf32> to vector<16x1xf32>
    %eq3A_2352 = vector.broadcast %broadcast_in_dim3A_2351 : vector<16x1xf32> to vector<16x4096xf32>
    %eq3A_2353 = arith.cmpf oeq, %select_n3A_2348, %eq3A_2352 : vector<16x4096xf32>
    %jit3A_2354 = arith.constant 2147483647 : i32
    %broadcast_in_dim3A_2355 = vector.broadcast %jit3A_2354 : i32 to vector<16x4096xi32>
    %select_n3A_2356 = arith.select %eq3A_2353, %add3A_2294, %broadcast_in_dim3A_2355 : vector<16x4096xi1>, vector<16x4096xi32>
    %reduce_min3A_2357 = arith.constant dense<2147483647> : vector<16xi32>
    %reduce_min3A_2358 = vector.multi_reduction <minsi>, %select_n3A_2356, %reduce_min3A_2357 [1] : vector<16x4096xi32> to vector<16xi32>
    %broadcast_in_dim3A_2359 = vector.shape_cast %reduce_min3A_2358 : vector<16xi32> to vector<16x1xi32>
    %eq3A_2360 = vector.broadcast %broadcast_in_dim3A_2359 : vector<16x1xi32> to vector<16x4096xi32>
    %eq3A_2361 = arith.cmpi eq, %add3A_2294, %eq3A_2360 : vector<16x4096xi32>
    %jit3A_2362 = arith.constant -3.000000e+38 : f32
    %broadcast_in_dim3A_2363 = vector.broadcast %jit3A_2362 : f32 to vector<16x4096xf32>
    %select_n3A_2364 = arith.select %eq3A_2361, %broadcast_in_dim3A_2363, %select_n3A_2348 : vector<16x4096xi1>, vector<16x4096xf32>
    %reduce_max3A_2365 = arith.constant dense<0xFF800000> : vector<16xf32>
    %reduce_max3A_2366 = vector.multi_reduction <maximumf>, %select_n3A_2364, %reduce_max3A_2365 [1] : vector<16x4096xf32> to vector<16xf32>
    %broadcast_in_dim3A_2367 = vector.shape_cast %reduce_max3A_2366 : vector<16xf32> to vector<16x1xf32>
    %eq3A_2368 = vector.broadcast %broadcast_in_dim3A_2367 : vector<16x1xf32> to vector<16x4096xf32>
    %eq3A_2369 = arith.cmpf oeq, %select_n3A_2364, %eq3A_2368 : vector<16x4096xf32>
    %jit3A_2370 = arith.constant 2147483647 : i32
    %broadcast_in_dim3A_2371 = vector.broadcast %jit3A_2370 : i32 to vector<16x4096xi32>
    %select_n3A_2372 = arith.select %eq3A_2369, %add3A_2294, %broadcast_in_dim3A_2371 : vector<16x4096xi1>, vector<16x4096xi32>
    %reduce_min3A_2373 = arith.constant dense<2147483647> : vector<16xi32>
    %reduce_min3A_2374 = vector.multi_reduction <minsi>, %select_n3A_2372, %reduce_min3A_2373 [1] : vector<16x4096xi32> to vector<16xi32>
    %broadcast_in_dim3A_2375 = vector.shape_cast %reduce_min3A_2374 : vector<16xi32> to vector<16x1xi32>
    %concatenate3A_2376 = tpu.concatenate %broadcast_in_dim3A_2303, %broadcast_in_dim3A_2319, %broadcast_in_dim3A_2335, %broadcast_in_dim3A_2351, %broadcast_in_dim3A_2367 in 1 : vector<16x1xf32>, vector<16x1xf32>, vector<16x1xf32>, vector<16x1xf32>, vector<16x1xf32> -> vector<16x5xf32>
    %concatenate3A_2377 = tpu.concatenate %broadcast_in_dim3A_2311, %broadcast_in_dim3A_2327, %broadcast_in_dim3A_2343, %broadcast_in_dim3A_2359, %broadcast_in_dim3A_2375 in 1 : vector<16x1xi32>, vector<16x1xi32>, vector<16x1xi32>, vector<16x1xi32>, vector<16x1xi32> -> vector<16x5xi32>
    %slice3A_2378 = vector.extract_strided_slice %sub3A_14 {offsets = [0, 106496], sizes = [16, 4096], strides = [1, 1]} : vector<16x131072xf32> to vector<16x4096xf32>
    %iota3A_2379 = tpu.iota {dimensions = array<i32: 1>} : vector<16x4096xi32>
    %mul3A_2380 = arith.constant 131072 : i32
    %mul3A_2381 = arith.muli %arg0, %mul3A_2380 : i32
    %add3A_2382 = arith.constant 106496 : i32
    %add3A_2383 = arith.addi %mul3A_2381, %add3A_2382 : i32
    %add3A_2384 = vector.broadcast %add3A_2383 : i32 to vector<16x4096xi32>
    %add3A_2385 = arith.addi %iota3A_2379, %add3A_2384 : vector<16x4096xi32>
    %lt3A_2386 = arith.constant 1000000 : i32
    %lt3A_2387 = vector.broadcast %lt3A_2386 : i32 to vector<16x4096xi32>
    %lt3A_2388 = arith.cmpi slt, %add3A_2385, %lt3A_2387 : vector<16x4096xi32>
    %jit3A_2389 = arith.constant -3.000000e+38 : f32
    %broadcast_in_dim3A_2390 = vector.broadcast %jit3A_2389 : f32 to vector<16x4096xf32>
    %select_n3A_2391 = arith.select %lt3A_2388, %slice3A_2378, %broadcast_in_dim3A_2390 : vector<16x4096xi1>, vector<16x4096xf32>
    %reduce_max3A_2392 = arith.constant dense<0xFF800000> : vector<16xf32>
    %reduce_max3A_2393 = vector.multi_reduction <maximumf>, %select_n3A_2391, %reduce_max3A_2392 [1] : vector<16x4096xf32> to vector<16xf32>
    %broadcast_in_dim3A_2394 = vector.shape_cast %reduce_max3A_2393 : vector<16xf32> to vector<16x1xf32>
    %eq3A_2395 = vector.broadcast %broadcast_in_dim3A_2394 : vector<16x1xf32> to vector<16x4096xf32>
    %eq3A_2396 = arith.cmpf oeq, %select_n3A_2391, %eq3A_2395 : vector<16x4096xf32>
    %jit3A_2397 = arith.constant 2147483647 : i32
    %broadcast_in_dim3A_2398 = vector.broadcast %jit3A_2397 : i32 to vector<16x4096xi32>
    %select_n3A_2399 = arith.select %eq3A_2396, %add3A_2385, %broadcast_in_dim3A_2398 : vector<16x4096xi1>, vector<16x4096xi32>
    %reduce_min3A_2400 = arith.constant dense<2147483647> : vector<16xi32>
    %reduce_min3A_2401 = vector.multi_reduction <minsi>, %select_n3A_2399, %reduce_min3A_2400 [1] : vector<16x4096xi32> to vector<16xi32>
    %broadcast_in_dim3A_2402 = vector.shape_cast %reduce_min3A_2401 : vector<16xi32> to vector<16x1xi32>
    %eq3A_2403 = vector.broadcast %broadcast_in_dim3A_2402 : vector<16x1xi32> to vector<16x4096xi32>
    %eq3A_2404 = arith.cmpi eq, %add3A_2385, %eq3A_2403 : vector<16x4096xi32>
    %jit3A_2405 = arith.constant -3.000000e+38 : f32
    %broadcast_in_dim3A_2406 = vector.broadcast %jit3A_2405 : f32 to vector<16x4096xf32>
    %select_n3A_2407 = arith.select %eq3A_2404, %broadcast_in_dim3A_2406, %select_n3A_2391 : vector<16x4096xi1>, vector<16x4096xf32>
    %reduce_max3A_2408 = arith.constant dense<0xFF800000> : vector<16xf32>
    %reduce_max3A_2409 = vector.multi_reduction <maximumf>, %select_n3A_2407, %reduce_max3A_2408 [1] : vector<16x4096xf32> to vector<16xf32>
    %broadcast_in_dim3A_2410 = vector.shape_cast %reduce_max3A_2409 : vector<16xf32> to vector<16x1xf32>
    %eq3A_2411 = vector.broadcast %broadcast_in_dim3A_2410 : vector<16x1xf32> to vector<16x4096xf32>
    %eq3A_2412 = arith.cmpf oeq, %select_n3A_2407, %eq3A_2411 : vector<16x4096xf32>
    %jit3A_2413 = arith.constant 2147483647 : i32
    %broadcast_in_dim3A_2414 = vector.broadcast %jit3A_2413 : i32 to vector<16x4096xi32>
    %select_n3A_2415 = arith.select %eq3A_2412, %add3A_2385, %broadcast_in_dim3A_2414 : vector<16x4096xi1>, vector<16x4096xi32>
    %reduce_min3A_2416 = arith.constant dense<2147483647> : vector<16xi32>
    %reduce_min3A_2417 = vector.multi_reduction <minsi>, %select_n3A_2415, %reduce_min3A_2416 [1] : vector<16x4096xi32> to vector<16xi32>
    %broadcast_in_dim3A_2418 = vector.shape_cast %reduce_min3A_2417 : vector<16xi32> to vector<16x1xi32>
    %eq3A_2419 = vector.broadcast %broadcast_in_dim3A_2418 : vector<16x1xi32> to vector<16x4096xi32>
    %eq3A_2420 = arith.cmpi eq, %add3A_2385, %eq3A_2419 : vector<16x4096xi32>
    %jit3A_2421 = arith.constant -3.000000e+38 : f32
    %broadcast_in_dim3A_2422 = vector.broadcast %jit3A_2421 : f32 to vector<16x4096xf32>
    %select_n3A_2423 = arith.select %eq3A_2420, %broadcast_in_dim3A_2422, %select_n3A_2407 : vector<16x4096xi1>, vector<16x4096xf32>
    %reduce_max3A_2424 = arith.constant dense<0xFF800000> : vector<16xf32>
    %reduce_max3A_2425 = vector.multi_reduction <maximumf>, %select_n3A_2423, %reduce_max3A_2424 [1] : vector<16x4096xf32> to vector<16xf32>
    %broadcast_in_dim3A_2426 = vector.shape_cast %reduce_max3A_2425 : vector<16xf32> to vector<16x1xf32>
    %eq3A_2427 = vector.broadcast %broadcast_in_dim3A_2426 : vector<16x1xf32> to vector<16x4096xf32>
    %eq3A_2428 = arith.cmpf oeq, %select_n3A_2423, %eq3A_2427 : vector<16x4096xf32>
    %jit3A_2429 = arith.constant 2147483647 : i32
    %broadcast_in_dim3A_2430 = vector.broadcast %jit3A_2429 : i32 to vector<16x4096xi32>
    %select_n3A_2431 = arith.select %eq3A_2428, %add3A_2385, %broadcast_in_dim3A_2430 : vector<16x4096xi1>, vector<16x4096xi32>
    %reduce_min3A_2432 = arith.constant dense<2147483647> : vector<16xi32>
    %reduce_min3A_2433 = vector.multi_reduction <minsi>, %select_n3A_2431, %reduce_min3A_2432 [1] : vector<16x4096xi32> to vector<16xi32>
    %broadcast_in_dim3A_2434 = vector.shape_cast %reduce_min3A_2433 : vector<16xi32> to vector<16x1xi32>
    %eq3A_2435 = vector.broadcast %broadcast_in_dim3A_2434 : vector<16x1xi32> to vector<16x4096xi32>
    %eq3A_2436 = arith.cmpi eq, %add3A_2385, %eq3A_2435 : vector<16x4096xi32>
    %jit3A_2437 = arith.constant -3.000000e+38 : f32
    %broadcast_in_dim3A_2438 = vector.broadcast %jit3A_2437 : f32 to vector<16x4096xf32>
    %select_n3A_2439 = arith.select %eq3A_2436, %broadcast_in_dim3A_2438, %select_n3A_2423 : vector<16x4096xi1>, vector<16x4096xf32>
    %reduce_max3A_2440 = arith.constant dense<0xFF800000> : vector<16xf32>
    %reduce_max3A_2441 = vector.multi_reduction <maximumf>, %select_n3A_2439, %reduce_max3A_2440 [1] : vector<16x4096xf32> to vector<16xf32>
    %broadcast_in_dim3A_2442 = vector.shape_cast %reduce_max3A_2441 : vector<16xf32> to vector<16x1xf32>
    %eq3A_2443 = vector.broadcast %broadcast_in_dim3A_2442 : vector<16x1xf32> to vector<16x4096xf32>
    %eq3A_2444 = arith.cmpf oeq, %select_n3A_2439, %eq3A_2443 : vector<16x4096xf32>
    %jit3A_2445 = arith.constant 2147483647 : i32
    %broadcast_in_dim3A_2446 = vector.broadcast %jit3A_2445 : i32 to vector<16x4096xi32>
    %select_n3A_2447 = arith.select %eq3A_2444, %add3A_2385, %broadcast_in_dim3A_2446 : vector<16x4096xi1>, vector<16x4096xi32>
    %reduce_min3A_2448 = arith.constant dense<2147483647> : vector<16xi32>
    %reduce_min3A_2449 = vector.multi_reduction <minsi>, %select_n3A_2447, %reduce_min3A_2448 [1] : vector<16x4096xi32> to vector<16xi32>
    %broadcast_in_dim3A_2450 = vector.shape_cast %reduce_min3A_2449 : vector<16xi32> to vector<16x1xi32>
    %eq3A_2451 = vector.broadcast %broadcast_in_dim3A_2450 : vector<16x1xi32> to vector<16x4096xi32>
    %eq3A_2452 = arith.cmpi eq, %add3A_2385, %eq3A_2451 : vector<16x4096xi32>
    %jit3A_2453 = arith.constant -3.000000e+38 : f32
    %broadcast_in_dim3A_2454 = vector.broadcast %jit3A_2453 : f32 to vector<16x4096xf32>
    %select_n3A_2455 = arith.select %eq3A_2452, %broadcast_in_dim3A_2454, %select_n3A_2439 : vector<16x4096xi1>, vector<16x4096xf32>
    %reduce_max3A_2456 = arith.constant dense<0xFF800000> : vector<16xf32>
    %reduce_max3A_2457 = vector.multi_reduction <maximumf>, %select_n3A_2455, %reduce_max3A_2456 [1] : vector<16x4096xf32> to vector<16xf32>
    %broadcast_in_dim3A_2458 = vector.shape_cast %reduce_max3A_2457 : vector<16xf32> to vector<16x1xf32>
    %eq3A_2459 = vector.broadcast %broadcast_in_dim3A_2458 : vector<16x1xf32> to vector<16x4096xf32>
    %eq3A_2460 = arith.cmpf oeq, %select_n3A_2455, %eq3A_2459 : vector<16x4096xf32>
    %jit3A_2461 = arith.constant 2147483647 : i32
    %broadcast_in_dim3A_2462 = vector.broadcast %jit3A_2461 : i32 to vector<16x4096xi32>
    %select_n3A_2463 = arith.select %eq3A_2460, %add3A_2385, %broadcast_in_dim3A_2462 : vector<16x4096xi1>, vector<16x4096xi32>
    %reduce_min3A_2464 = arith.constant dense<2147483647> : vector<16xi32>
    %reduce_min3A_2465 = vector.multi_reduction <minsi>, %select_n3A_2463, %reduce_min3A_2464 [1] : vector<16x4096xi32> to vector<16xi32>
    %broadcast_in_dim3A_2466 = vector.shape_cast %reduce_min3A_2465 : vector<16xi32> to vector<16x1xi32>
    %concatenate3A_2467 = tpu.concatenate %broadcast_in_dim3A_2394, %broadcast_in_dim3A_2410, %broadcast_in_dim3A_2426, %broadcast_in_dim3A_2442, %broadcast_in_dim3A_2458 in 1 : vector<16x1xf32>, vector<16x1xf32>, vector<16x1xf32>, vector<16x1xf32>, vector<16x1xf32> -> vector<16x5xf32>
    %concatenate3A_2468 = tpu.concatenate %broadcast_in_dim3A_2402, %broadcast_in_dim3A_2418, %broadcast_in_dim3A_2434, %broadcast_in_dim3A_2450, %broadcast_in_dim3A_2466 in 1 : vector<16x1xi32>, vector<16x1xi32>, vector<16x1xi32>, vector<16x1xi32>, vector<16x1xi32> -> vector<16x5xi32>
    %slice3A_2469 = vector.extract_strided_slice %sub3A_14 {offsets = [0, 110592], sizes = [16, 4096], strides = [1, 1]} : vector<16x131072xf32> to vector<16x4096xf32>
    %iota3A_2470 = tpu.iota {dimensions = array<i32: 1>} : vector<16x4096xi32>
    %mul3A_2471 = arith.constant 131072 : i32
    %mul3A_2472 = arith.muli %arg0, %mul3A_2471 : i32
    %add3A_2473 = arith.constant 110592 : i32
    %add3A_2474 = arith.addi %mul3A_2472, %add3A_2473 : i32
    %add3A_2475 = vector.broadcast %add3A_2474 : i32 to vector<16x4096xi32>
    %add3A_2476 = arith.addi %iota3A_2470, %add3A_2475 : vector<16x4096xi32>
    %lt3A_2477 = arith.constant 1000000 : i32
    %lt3A_2478 = vector.broadcast %lt3A_2477 : i32 to vector<16x4096xi32>
    %lt3A_2479 = arith.cmpi slt, %add3A_2476, %lt3A_2478 : vector<16x4096xi32>
    %jit3A_2480 = arith.constant -3.000000e+38 : f32
    %broadcast_in_dim3A_2481 = vector.broadcast %jit3A_2480 : f32 to vector<16x4096xf32>
    %select_n3A_2482 = arith.select %lt3A_2479, %slice3A_2469, %broadcast_in_dim3A_2481 : vector<16x4096xi1>, vector<16x4096xf32>
    %reduce_max3A_2483 = arith.constant dense<0xFF800000> : vector<16xf32>
    %reduce_max3A_2484 = vector.multi_reduction <maximumf>, %select_n3A_2482, %reduce_max3A_2483 [1] : vector<16x4096xf32> to vector<16xf32>
    %broadcast_in_dim3A_2485 = vector.shape_cast %reduce_max3A_2484 : vector<16xf32> to vector<16x1xf32>
    %eq3A_2486 = vector.broadcast %broadcast_in_dim3A_2485 : vector<16x1xf32> to vector<16x4096xf32>
    %eq3A_2487 = arith.cmpf oeq, %select_n3A_2482, %eq3A_2486 : vector<16x4096xf32>
    %jit3A_2488 = arith.constant 2147483647 : i32
    %broadcast_in_dim3A_2489 = vector.broadcast %jit3A_2488 : i32 to vector<16x4096xi32>
    %select_n3A_2490 = arith.select %eq3A_2487, %add3A_2476, %broadcast_in_dim3A_2489 : vector<16x4096xi1>, vector<16x4096xi32>
    %reduce_min3A_2491 = arith.constant dense<2147483647> : vector<16xi32>
    %reduce_min3A_2492 = vector.multi_reduction <minsi>, %select_n3A_2490, %reduce_min3A_2491 [1] : vector<16x4096xi32> to vector<16xi32>
    %broadcast_in_dim3A_2493 = vector.shape_cast %reduce_min3A_2492 : vector<16xi32> to vector<16x1xi32>
    %eq3A_2494 = vector.broadcast %broadcast_in_dim3A_2493 : vector<16x1xi32> to vector<16x4096xi32>
    %eq3A_2495 = arith.cmpi eq, %add3A_2476, %eq3A_2494 : vector<16x4096xi32>
    %jit3A_2496 = arith.constant -3.000000e+38 : f32
    %broadcast_in_dim3A_2497 = vector.broadcast %jit3A_2496 : f32 to vector<16x4096xf32>
    %select_n3A_2498 = arith.select %eq3A_2495, %broadcast_in_dim3A_2497, %select_n3A_2482 : vector<16x4096xi1>, vector<16x4096xf32>
    %reduce_max3A_2499 = arith.constant dense<0xFF800000> : vector<16xf32>
    %reduce_max3A_2500 = vector.multi_reduction <maximumf>, %select_n3A_2498, %reduce_max3A_2499 [1] : vector<16x4096xf32> to vector<16xf32>
    %broadcast_in_dim3A_2501 = vector.shape_cast %reduce_max3A_2500 : vector<16xf32> to vector<16x1xf32>
    %eq3A_2502 = vector.broadcast %broadcast_in_dim3A_2501 : vector<16x1xf32> to vector<16x4096xf32>
    %eq3A_2503 = arith.cmpf oeq, %select_n3A_2498, %eq3A_2502 : vector<16x4096xf32>
    %jit3A_2504 = arith.constant 2147483647 : i32
    %broadcast_in_dim3A_2505 = vector.broadcast %jit3A_2504 : i32 to vector<16x4096xi32>
    %select_n3A_2506 = arith.select %eq3A_2503, %add3A_2476, %broadcast_in_dim3A_2505 : vector<16x4096xi1>, vector<16x4096xi32>
    %reduce_min3A_2507 = arith.constant dense<2147483647> : vector<16xi32>
    %reduce_min3A_2508 = vector.multi_reduction <minsi>, %select_n3A_2506, %reduce_min3A_2507 [1] : vector<16x4096xi32> to vector<16xi32>
    %broadcast_in_dim3A_2509 = vector.shape_cast %reduce_min3A_2508 : vector<16xi32> to vector<16x1xi32>
    %eq3A_2510 = vector.broadcast %broadcast_in_dim3A_2509 : vector<16x1xi32> to vector<16x4096xi32>
    %eq3A_2511 = arith.cmpi eq, %add3A_2476, %eq3A_2510 : vector<16x4096xi32>
    %jit3A_2512 = arith.constant -3.000000e+38 : f32
    %broadcast_in_dim3A_2513 = vector.broadcast %jit3A_2512 : f32 to vector<16x4096xf32>
    %select_n3A_2514 = arith.select %eq3A_2511, %broadcast_in_dim3A_2513, %select_n3A_2498 : vector<16x4096xi1>, vector<16x4096xf32>
    %reduce_max3A_2515 = arith.constant dense<0xFF800000> : vector<16xf32>
    %reduce_max3A_2516 = vector.multi_reduction <maximumf>, %select_n3A_2514, %reduce_max3A_2515 [1] : vector<16x4096xf32> to vector<16xf32>
    %broadcast_in_dim3A_2517 = vector.shape_cast %reduce_max3A_2516 : vector<16xf32> to vector<16x1xf32>
    %eq3A_2518 = vector.broadcast %broadcast_in_dim3A_2517 : vector<16x1xf32> to vector<16x4096xf32>
    %eq3A_2519 = arith.cmpf oeq, %select_n3A_2514, %eq3A_2518 : vector<16x4096xf32>
    %jit3A_2520 = arith.constant 2147483647 : i32
    %broadcast_in_dim3A_2521 = vector.broadcast %jit3A_2520 : i32 to vector<16x4096xi32>
    %select_n3A_2522 = arith.select %eq3A_2519, %add3A_2476, %broadcast_in_dim3A_2521 : vector<16x4096xi1>, vector<16x4096xi32>
    %reduce_min3A_2523 = arith.constant dense<2147483647> : vector<16xi32>
    %reduce_min3A_2524 = vector.multi_reduction <minsi>, %select_n3A_2522, %reduce_min3A_2523 [1] : vector<16x4096xi32> to vector<16xi32>
    %broadcast_in_dim3A_2525 = vector.shape_cast %reduce_min3A_2524 : vector<16xi32> to vector<16x1xi32>
    %eq3A_2526 = vector.broadcast %broadcast_in_dim3A_2525 : vector<16x1xi32> to vector<16x4096xi32>
    %eq3A_2527 = arith.cmpi eq, %add3A_2476, %eq3A_2526 : vector<16x4096xi32>
    %jit3A_2528 = arith.constant -3.000000e+38 : f32
    %broadcast_in_dim3A_2529 = vector.broadcast %jit3A_2528 : f32 to vector<16x4096xf32>
    %select_n3A_2530 = arith.select %eq3A_2527, %broadcast_in_dim3A_2529, %select_n3A_2514 : vector<16x4096xi1>, vector<16x4096xf32>
    %reduce_max3A_2531 = arith.constant dense<0xFF800000> : vector<16xf32>
    %reduce_max3A_2532 = vector.multi_reduction <maximumf>, %select_n3A_2530, %reduce_max3A_2531 [1] : vector<16x4096xf32> to vector<16xf32>
    %broadcast_in_dim3A_2533 = vector.shape_cast %reduce_max3A_2532 : vector<16xf32> to vector<16x1xf32>
    %eq3A_2534 = vector.broadcast %broadcast_in_dim3A_2533 : vector<16x1xf32> to vector<16x4096xf32>
    %eq3A_2535 = arith.cmpf oeq, %select_n3A_2530, %eq3A_2534 : vector<16x4096xf32>
    %jit3A_2536 = arith.constant 2147483647 : i32
    %broadcast_in_dim3A_2537 = vector.broadcast %jit3A_2536 : i32 to vector<16x4096xi32>
    %select_n3A_2538 = arith.select %eq3A_2535, %add3A_2476, %broadcast_in_dim3A_2537 : vector<16x4096xi1>, vector<16x4096xi32>
    %reduce_min3A_2539 = arith.constant dense<2147483647> : vector<16xi32>
    %reduce_min3A_2540 = vector.multi_reduction <minsi>, %select_n3A_2538, %reduce_min3A_2539 [1] : vector<16x4096xi32> to vector<16xi32>
    %broadcast_in_dim3A_2541 = vector.shape_cast %reduce_min3A_2540 : vector<16xi32> to vector<16x1xi32>
    %eq3A_2542 = vector.broadcast %broadcast_in_dim3A_2541 : vector<16x1xi32> to vector<16x4096xi32>
    %eq3A_2543 = arith.cmpi eq, %add3A_2476, %eq3A_2542 : vector<16x4096xi32>
    %jit3A_2544 = arith.constant -3.000000e+38 : f32
    %broadcast_in_dim3A_2545 = vector.broadcast %jit3A_2544 : f32 to vector<16x4096xf32>
    %select_n3A_2546 = arith.select %eq3A_2543, %broadcast_in_dim3A_2545, %select_n3A_2530 : vector<16x4096xi1>, vector<16x4096xf32>
    %reduce_max3A_2547 = arith.constant dense<0xFF800000> : vector<16xf32>
    %reduce_max3A_2548 = vector.multi_reduction <maximumf>, %select_n3A_2546, %reduce_max3A_2547 [1] : vector<16x4096xf32> to vector<16xf32>
    %broadcast_in_dim3A_2549 = vector.shape_cast %reduce_max3A_2548 : vector<16xf32> to vector<16x1xf32>
    %eq3A_2550 = vector.broadcast %broadcast_in_dim3A_2549 : vector<16x1xf32> to vector<16x4096xf32>
    %eq3A_2551 = arith.cmpf oeq, %select_n3A_2546, %eq3A_2550 : vector<16x4096xf32>
    %jit3A_2552 = arith.constant 2147483647 : i32
    %broadcast_in_dim3A_2553 = vector.broadcast %jit3A_2552 : i32 to vector<16x4096xi32>
    %select_n3A_2554 = arith.select %eq3A_2551, %add3A_2476, %broadcast_in_dim3A_2553 : vector<16x4096xi1>, vector<16x4096xi32>
    %reduce_min3A_2555 = arith.constant dense<2147483647> : vector<16xi32>
    %reduce_min3A_2556 = vector.multi_reduction <minsi>, %select_n3A_2554, %reduce_min3A_2555 [1] : vector<16x4096xi32> to vector<16xi32>
    %broadcast_in_dim3A_2557 = vector.shape_cast %reduce_min3A_2556 : vector<16xi32> to vector<16x1xi32>
    %concatenate3A_2558 = tpu.concatenate %broadcast_in_dim3A_2485, %broadcast_in_dim3A_2501, %broadcast_in_dim3A_2517, %broadcast_in_dim3A_2533, %broadcast_in_dim3A_2549 in 1 : vector<16x1xf32>, vector<16x1xf32>, vector<16x1xf32>, vector<16x1xf32>, vector<16x1xf32> -> vector<16x5xf32>
    %concatenate3A_2559 = tpu.concatenate %broadcast_in_dim3A_2493, %broadcast_in_dim3A_2509, %broadcast_in_dim3A_2525, %broadcast_in_dim3A_2541, %broadcast_in_dim3A_2557 in 1 : vector<16x1xi32>, vector<16x1xi32>, vector<16x1xi32>, vector<16x1xi32>, vector<16x1xi32> -> vector<16x5xi32>
    %slice3A_2560 = vector.extract_strided_slice %sub3A_14 {offsets = [0, 114688], sizes = [16, 4096], strides = [1, 1]} : vector<16x131072xf32> to vector<16x4096xf32>
    %iota3A_2561 = tpu.iota {dimensions = array<i32: 1>} : vector<16x4096xi32>
    %mul3A_2562 = arith.constant 131072 : i32
    %mul3A_2563 = arith.muli %arg0, %mul3A_2562 : i32
    %add3A_2564 = arith.constant 114688 : i32
    %add3A_2565 = arith.addi %mul3A_2563, %add3A_2564 : i32
    %add3A_2566 = vector.broadcast %add3A_2565 : i32 to vector<16x4096xi32>
    %add3A_2567 = arith.addi %iota3A_2561, %add3A_2566 : vector<16x4096xi32>
    %lt3A_2568 = arith.constant 1000000 : i32
    %lt3A_2569 = vector.broadcast %lt3A_2568 : i32 to vector<16x4096xi32>
    %lt3A_2570 = arith.cmpi slt, %add3A_2567, %lt3A_2569 : vector<16x4096xi32>
    %jit3A_2571 = arith.constant -3.000000e+38 : f32
    %broadcast_in_dim3A_2572 = vector.broadcast %jit3A_2571 : f32 to vector<16x4096xf32>
    %select_n3A_2573 = arith.select %lt3A_2570, %slice3A_2560, %broadcast_in_dim3A_2572 : vector<16x4096xi1>, vector<16x4096xf32>
    %reduce_max3A_2574 = arith.constant dense<0xFF800000> : vector<16xf32>
    %reduce_max3A_2575 = vector.multi_reduction <maximumf>, %select_n3A_2573, %reduce_max3A_2574 [1] : vector<16x4096xf32> to vector<16xf32>
    %broadcast_in_dim3A_2576 = vector.shape_cast %reduce_max3A_2575 : vector<16xf32> to vector<16x1xf32>
    %eq3A_2577 = vector.broadcast %broadcast_in_dim3A_2576 : vector<16x1xf32> to vector<16x4096xf32>
    %eq3A_2578 = arith.cmpf oeq, %select_n3A_2573, %eq3A_2577 : vector<16x4096xf32>
    %jit3A_2579 = arith.constant 2147483647 : i32
    %broadcast_in_dim3A_2580 = vector.broadcast %jit3A_2579 : i32 to vector<16x4096xi32>
    %select_n3A_2581 = arith.select %eq3A_2578, %add3A_2567, %broadcast_in_dim3A_2580 : vector<16x4096xi1>, vector<16x4096xi32>
    %reduce_min3A_2582 = arith.constant dense<2147483647> : vector<16xi32>
    %reduce_min3A_2583 = vector.multi_reduction <minsi>, %select_n3A_2581, %reduce_min3A_2582 [1] : vector<16x4096xi32> to vector<16xi32>
    %broadcast_in_dim3A_2584 = vector.shape_cast %reduce_min3A_2583 : vector<16xi32> to vector<16x1xi32>
    %eq3A_2585 = vector.broadcast %broadcast_in_dim3A_2584 : vector<16x1xi32> to vector<16x4096xi32>
    %eq3A_2586 = arith.cmpi eq, %add3A_2567, %eq3A_2585 : vector<16x4096xi32>
    %jit3A_2587 = arith.constant -3.000000e+38 : f32
    %broadcast_in_dim3A_2588 = vector.broadcast %jit3A_2587 : f32 to vector<16x4096xf32>
    %select_n3A_2589 = arith.select %eq3A_2586, %broadcast_in_dim3A_2588, %select_n3A_2573 : vector<16x4096xi1>, vector<16x4096xf32>
    %reduce_max3A_2590 = arith.constant dense<0xFF800000> : vector<16xf32>
    %reduce_max3A_2591 = vector.multi_reduction <maximumf>, %select_n3A_2589, %reduce_max3A_2590 [1] : vector<16x4096xf32> to vector<16xf32>
    %broadcast_in_dim3A_2592 = vector.shape_cast %reduce_max3A_2591 : vector<16xf32> to vector<16x1xf32>
    %eq3A_2593 = vector.broadcast %broadcast_in_dim3A_2592 : vector<16x1xf32> to vector<16x4096xf32>
    %eq3A_2594 = arith.cmpf oeq, %select_n3A_2589, %eq3A_2593 : vector<16x4096xf32>
    %jit3A_2595 = arith.constant 2147483647 : i32
    %broadcast_in_dim3A_2596 = vector.broadcast %jit3A_2595 : i32 to vector<16x4096xi32>
    %select_n3A_2597 = arith.select %eq3A_2594, %add3A_2567, %broadcast_in_dim3A_2596 : vector<16x4096xi1>, vector<16x4096xi32>
    %reduce_min3A_2598 = arith.constant dense<2147483647> : vector<16xi32>
    %reduce_min3A_2599 = vector.multi_reduction <minsi>, %select_n3A_2597, %reduce_min3A_2598 [1] : vector<16x4096xi32> to vector<16xi32>
    %broadcast_in_dim3A_2600 = vector.shape_cast %reduce_min3A_2599 : vector<16xi32> to vector<16x1xi32>
    %eq3A_2601 = vector.broadcast %broadcast_in_dim3A_2600 : vector<16x1xi32> to vector<16x4096xi32>
    %eq3A_2602 = arith.cmpi eq, %add3A_2567, %eq3A_2601 : vector<16x4096xi32>
    %jit3A_2603 = arith.constant -3.000000e+38 : f32
    %broadcast_in_dim3A_2604 = vector.broadcast %jit3A_2603 : f32 to vector<16x4096xf32>
    %select_n3A_2605 = arith.select %eq3A_2602, %broadcast_in_dim3A_2604, %select_n3A_2589 : vector<16x4096xi1>, vector<16x4096xf32>
    %reduce_max3A_2606 = arith.constant dense<0xFF800000> : vector<16xf32>
    %reduce_max3A_2607 = vector.multi_reduction <maximumf>, %select_n3A_2605, %reduce_max3A_2606 [1] : vector<16x4096xf32> to vector<16xf32>
    %broadcast_in_dim3A_2608 = vector.shape_cast %reduce_max3A_2607 : vector<16xf32> to vector<16x1xf32>
    %eq3A_2609 = vector.broadcast %broadcast_in_dim3A_2608 : vector<16x1xf32> to vector<16x4096xf32>
    %eq3A_2610 = arith.cmpf oeq, %select_n3A_2605, %eq3A_2609 : vector<16x4096xf32>
    %jit3A_2611 = arith.constant 2147483647 : i32
    %broadcast_in_dim3A_2612 = vector.broadcast %jit3A_2611 : i32 to vector<16x4096xi32>
    %select_n3A_2613 = arith.select %eq3A_2610, %add3A_2567, %broadcast_in_dim3A_2612 : vector<16x4096xi1>, vector<16x4096xi32>
    %reduce_min3A_2614 = arith.constant dense<2147483647> : vector<16xi32>
    %reduce_min3A_2615 = vector.multi_reduction <minsi>, %select_n3A_2613, %reduce_min3A_2614 [1] : vector<16x4096xi32> to vector<16xi32>
    %broadcast_in_dim3A_2616 = vector.shape_cast %reduce_min3A_2615 : vector<16xi32> to vector<16x1xi32>
    %eq3A_2617 = vector.broadcast %broadcast_in_dim3A_2616 : vector<16x1xi32> to vector<16x4096xi32>
    %eq3A_2618 = arith.cmpi eq, %add3A_2567, %eq3A_2617 : vector<16x4096xi32>
    %jit3A_2619 = arith.constant -3.000000e+38 : f32
    %broadcast_in_dim3A_2620 = vector.broadcast %jit3A_2619 : f32 to vector<16x4096xf32>
    %select_n3A_2621 = arith.select %eq3A_2618, %broadcast_in_dim3A_2620, %select_n3A_2605 : vector<16x4096xi1>, vector<16x4096xf32>
    %reduce_max3A_2622 = arith.constant dense<0xFF800000> : vector<16xf32>
    %reduce_max3A_2623 = vector.multi_reduction <maximumf>, %select_n3A_2621, %reduce_max3A_2622 [1] : vector<16x4096xf32> to vector<16xf32>
    %broadcast_in_dim3A_2624 = vector.shape_cast %reduce_max3A_2623 : vector<16xf32> to vector<16x1xf32>
    %eq3A_2625 = vector.broadcast %broadcast_in_dim3A_2624 : vector<16x1xf32> to vector<16x4096xf32>
    %eq3A_2626 = arith.cmpf oeq, %select_n3A_2621, %eq3A_2625 : vector<16x4096xf32>
    %jit3A_2627 = arith.constant 2147483647 : i32
    %broadcast_in_dim3A_2628 = vector.broadcast %jit3A_2627 : i32 to vector<16x4096xi32>
    %select_n3A_2629 = arith.select %eq3A_2626, %add3A_2567, %broadcast_in_dim3A_2628 : vector<16x4096xi1>, vector<16x4096xi32>
    %reduce_min3A_2630 = arith.constant dense<2147483647> : vector<16xi32>
    %reduce_min3A_2631 = vector.multi_reduction <minsi>, %select_n3A_2629, %reduce_min3A_2630 [1] : vector<16x4096xi32> to vector<16xi32>
    %broadcast_in_dim3A_2632 = vector.shape_cast %reduce_min3A_2631 : vector<16xi32> to vector<16x1xi32>
    %eq3A_2633 = vector.broadcast %broadcast_in_dim3A_2632 : vector<16x1xi32> to vector<16x4096xi32>
    %eq3A_2634 = arith.cmpi eq, %add3A_2567, %eq3A_2633 : vector<16x4096xi32>
    %jit3A_2635 = arith.constant -3.000000e+38 : f32
    %broadcast_in_dim3A_2636 = vector.broadcast %jit3A_2635 : f32 to vector<16x4096xf32>
    %select_n3A_2637 = arith.select %eq3A_2634, %broadcast_in_dim3A_2636, %select_n3A_2621 : vector<16x4096xi1>, vector<16x4096xf32>
    %reduce_max3A_2638 = arith.constant dense<0xFF800000> : vector<16xf32>
    %reduce_max3A_2639 = vector.multi_reduction <maximumf>, %select_n3A_2637, %reduce_max3A_2638 [1] : vector<16x4096xf32> to vector<16xf32>
    %broadcast_in_dim3A_2640 = vector.shape_cast %reduce_max3A_2639 : vector<16xf32> to vector<16x1xf32>
    %eq3A_2641 = vector.broadcast %broadcast_in_dim3A_2640 : vector<16x1xf32> to vector<16x4096xf32>
    %eq3A_2642 = arith.cmpf oeq, %select_n3A_2637, %eq3A_2641 : vector<16x4096xf32>
    %jit3A_2643 = arith.constant 2147483647 : i32
    %broadcast_in_dim3A_2644 = vector.broadcast %jit3A_2643 : i32 to vector<16x4096xi32>
    %select_n3A_2645 = arith.select %eq3A_2642, %add3A_2567, %broadcast_in_dim3A_2644 : vector<16x4096xi1>, vector<16x4096xi32>
    %reduce_min3A_2646 = arith.constant dense<2147483647> : vector<16xi32>
    %reduce_min3A_2647 = vector.multi_reduction <minsi>, %select_n3A_2645, %reduce_min3A_2646 [1] : vector<16x4096xi32> to vector<16xi32>
    %broadcast_in_dim3A_2648 = vector.shape_cast %reduce_min3A_2647 : vector<16xi32> to vector<16x1xi32>
    %concatenate3A_2649 = tpu.concatenate %broadcast_in_dim3A_2576, %broadcast_in_dim3A_2592, %broadcast_in_dim3A_2608, %broadcast_in_dim3A_2624, %broadcast_in_dim3A_2640 in 1 : vector<16x1xf32>, vector<16x1xf32>, vector<16x1xf32>, vector<16x1xf32>, vector<16x1xf32> -> vector<16x5xf32>
    %concatenate3A_2650 = tpu.concatenate %broadcast_in_dim3A_2584, %broadcast_in_dim3A_2600, %broadcast_in_dim3A_2616, %broadcast_in_dim3A_2632, %broadcast_in_dim3A_2648 in 1 : vector<16x1xi32>, vector<16x1xi32>, vector<16x1xi32>, vector<16x1xi32>, vector<16x1xi32> -> vector<16x5xi32>
    %slice3A_2651 = vector.extract_strided_slice %sub3A_14 {offsets = [0, 118784], sizes = [16, 4096], strides = [1, 1]} : vector<16x131072xf32> to vector<16x4096xf32>
    %iota3A_2652 = tpu.iota {dimensions = array<i32: 1>} : vector<16x4096xi32>
    %mul3A_2653 = arith.constant 131072 : i32
    %mul3A_2654 = arith.muli %arg0, %mul3A_2653 : i32
    %add3A_2655 = arith.constant 118784 : i32
    %add3A_2656 = arith.addi %mul3A_2654, %add3A_2655 : i32
    %add3A_2657 = vector.broadcast %add3A_2656 : i32 to vector<16x4096xi32>
    %add3A_2658 = arith.addi %iota3A_2652, %add3A_2657 : vector<16x4096xi32>
    %lt3A_2659 = arith.constant 1000000 : i32
    %lt3A_2660 = vector.broadcast %lt3A_2659 : i32 to vector<16x4096xi32>
    %lt3A_2661 = arith.cmpi slt, %add3A_2658, %lt3A_2660 : vector<16x4096xi32>
    %jit3A_2662 = arith.constant -3.000000e+38 : f32
    %broadcast_in_dim3A_2663 = vector.broadcast %jit3A_2662 : f32 to vector<16x4096xf32>
    %select_n3A_2664 = arith.select %lt3A_2661, %slice3A_2651, %broadcast_in_dim3A_2663 : vector<16x4096xi1>, vector<16x4096xf32>
    %reduce_max3A_2665 = arith.constant dense<0xFF800000> : vector<16xf32>
    %reduce_max3A_2666 = vector.multi_reduction <maximumf>, %select_n3A_2664, %reduce_max3A_2665 [1] : vector<16x4096xf32> to vector<16xf32>
    %broadcast_in_dim3A_2667 = vector.shape_cast %reduce_max3A_2666 : vector<16xf32> to vector<16x1xf32>
    %eq3A_2668 = vector.broadcast %broadcast_in_dim3A_2667 : vector<16x1xf32> to vector<16x4096xf32>
    %eq3A_2669 = arith.cmpf oeq, %select_n3A_2664, %eq3A_2668 : vector<16x4096xf32>
    %jit3A_2670 = arith.constant 2147483647 : i32
    %broadcast_in_dim3A_2671 = vector.broadcast %jit3A_2670 : i32 to vector<16x4096xi32>
    %select_n3A_2672 = arith.select %eq3A_2669, %add3A_2658, %broadcast_in_dim3A_2671 : vector<16x4096xi1>, vector<16x4096xi32>
    %reduce_min3A_2673 = arith.constant dense<2147483647> : vector<16xi32>
    %reduce_min3A_2674 = vector.multi_reduction <minsi>, %select_n3A_2672, %reduce_min3A_2673 [1] : vector<16x4096xi32> to vector<16xi32>
    %broadcast_in_dim3A_2675 = vector.shape_cast %reduce_min3A_2674 : vector<16xi32> to vector<16x1xi32>
    %eq3A_2676 = vector.broadcast %broadcast_in_dim3A_2675 : vector<16x1xi32> to vector<16x4096xi32>
    %eq3A_2677 = arith.cmpi eq, %add3A_2658, %eq3A_2676 : vector<16x4096xi32>
    %jit3A_2678 = arith.constant -3.000000e+38 : f32
    %broadcast_in_dim3A_2679 = vector.broadcast %jit3A_2678 : f32 to vector<16x4096xf32>
    %select_n3A_2680 = arith.select %eq3A_2677, %broadcast_in_dim3A_2679, %select_n3A_2664 : vector<16x4096xi1>, vector<16x4096xf32>
    %reduce_max3A_2681 = arith.constant dense<0xFF800000> : vector<16xf32>
    %reduce_max3A_2682 = vector.multi_reduction <maximumf>, %select_n3A_2680, %reduce_max3A_2681 [1] : vector<16x4096xf32> to vector<16xf32>
    %broadcast_in_dim3A_2683 = vector.shape_cast %reduce_max3A_2682 : vector<16xf32> to vector<16x1xf32>
    %eq3A_2684 = vector.broadcast %broadcast_in_dim3A_2683 : vector<16x1xf32> to vector<16x4096xf32>
    %eq3A_2685 = arith.cmpf oeq, %select_n3A_2680, %eq3A_2684 : vector<16x4096xf32>
    %jit3A_2686 = arith.constant 2147483647 : i32
    %broadcast_in_dim3A_2687 = vector.broadcast %jit3A_2686 : i32 to vector<16x4096xi32>
    %select_n3A_2688 = arith.select %eq3A_2685, %add3A_2658, %broadcast_in_dim3A_2687 : vector<16x4096xi1>, vector<16x4096xi32>
    %reduce_min3A_2689 = arith.constant dense<2147483647> : vector<16xi32>
    %reduce_min3A_2690 = vector.multi_reduction <minsi>, %select_n3A_2688, %reduce_min3A_2689 [1] : vector<16x4096xi32> to vector<16xi32>
    %broadcast_in_dim3A_2691 = vector.shape_cast %reduce_min3A_2690 : vector<16xi32> to vector<16x1xi32>
    %eq3A_2692 = vector.broadcast %broadcast_in_dim3A_2691 : vector<16x1xi32> to vector<16x4096xi32>
    %eq3A_2693 = arith.cmpi eq, %add3A_2658, %eq3A_2692 : vector<16x4096xi32>
    %jit3A_2694 = arith.constant -3.000000e+38 : f32
    %broadcast_in_dim3A_2695 = vector.broadcast %jit3A_2694 : f32 to vector<16x4096xf32>
    %select_n3A_2696 = arith.select %eq3A_2693, %broadcast_in_dim3A_2695, %select_n3A_2680 : vector<16x4096xi1>, vector<16x4096xf32>
    %reduce_max3A_2697 = arith.constant dense<0xFF800000> : vector<16xf32>
    %reduce_max3A_2698 = vector.multi_reduction <maximumf>, %select_n3A_2696, %reduce_max3A_2697 [1] : vector<16x4096xf32> to vector<16xf32>
    %broadcast_in_dim3A_2699 = vector.shape_cast %reduce_max3A_2698 : vector<16xf32> to vector<16x1xf32>
    %eq3A_2700 = vector.broadcast %broadcast_in_dim3A_2699 : vector<16x1xf32> to vector<16x4096xf32>
    %eq3A_2701 = arith.cmpf oeq, %select_n3A_2696, %eq3A_2700 : vector<16x4096xf32>
    %jit3A_2702 = arith.constant 2147483647 : i32
    %broadcast_in_dim3A_2703 = vector.broadcast %jit3A_2702 : i32 to vector<16x4096xi32>
    %select_n3A_2704 = arith.select %eq3A_2701, %add3A_2658, %broadcast_in_dim3A_2703 : vector<16x4096xi1>, vector<16x4096xi32>
    %reduce_min3A_2705 = arith.constant dense<2147483647> : vector<16xi32>
    %reduce_min3A_2706 = vector.multi_reduction <minsi>, %select_n3A_2704, %reduce_min3A_2705 [1] : vector<16x4096xi32> to vector<16xi32>
    %broadcast_in_dim3A_2707 = vector.shape_cast %reduce_min3A_2706 : vector<16xi32> to vector<16x1xi32>
    %eq3A_2708 = vector.broadcast %broadcast_in_dim3A_2707 : vector<16x1xi32> to vector<16x4096xi32>
    %eq3A_2709 = arith.cmpi eq, %add3A_2658, %eq3A_2708 : vector<16x4096xi32>
    %jit3A_2710 = arith.constant -3.000000e+38 : f32
    %broadcast_in_dim3A_2711 = vector.broadcast %jit3A_2710 : f32 to vector<16x4096xf32>
    %select_n3A_2712 = arith.select %eq3A_2709, %broadcast_in_dim3A_2711, %select_n3A_2696 : vector<16x4096xi1>, vector<16x4096xf32>
    %reduce_max3A_2713 = arith.constant dense<0xFF800000> : vector<16xf32>
    %reduce_max3A_2714 = vector.multi_reduction <maximumf>, %select_n3A_2712, %reduce_max3A_2713 [1] : vector<16x4096xf32> to vector<16xf32>
    %broadcast_in_dim3A_2715 = vector.shape_cast %reduce_max3A_2714 : vector<16xf32> to vector<16x1xf32>
    %eq3A_2716 = vector.broadcast %broadcast_in_dim3A_2715 : vector<16x1xf32> to vector<16x4096xf32>
    %eq3A_2717 = arith.cmpf oeq, %select_n3A_2712, %eq3A_2716 : vector<16x4096xf32>
    %jit3A_2718 = arith.constant 2147483647 : i32
    %broadcast_in_dim3A_2719 = vector.broadcast %jit3A_2718 : i32 to vector<16x4096xi32>
    %select_n3A_2720 = arith.select %eq3A_2717, %add3A_2658, %broadcast_in_dim3A_2719 : vector<16x4096xi1>, vector<16x4096xi32>
    %reduce_min3A_2721 = arith.constant dense<2147483647> : vector<16xi32>
    %reduce_min3A_2722 = vector.multi_reduction <minsi>, %select_n3A_2720, %reduce_min3A_2721 [1] : vector<16x4096xi32> to vector<16xi32>
    %broadcast_in_dim3A_2723 = vector.shape_cast %reduce_min3A_2722 : vector<16xi32> to vector<16x1xi32>
    %eq3A_2724 = vector.broadcast %broadcast_in_dim3A_2723 : vector<16x1xi32> to vector<16x4096xi32>
    %eq3A_2725 = arith.cmpi eq, %add3A_2658, %eq3A_2724 : vector<16x4096xi32>
    %jit3A_2726 = arith.constant -3.000000e+38 : f32
    %broadcast_in_dim3A_2727 = vector.broadcast %jit3A_2726 : f32 to vector<16x4096xf32>
    %select_n3A_2728 = arith.select %eq3A_2725, %broadcast_in_dim3A_2727, %select_n3A_2712 : vector<16x4096xi1>, vector<16x4096xf32>
    %reduce_max3A_2729 = arith.constant dense<0xFF800000> : vector<16xf32>
    %reduce_max3A_2730 = vector.multi_reduction <maximumf>, %select_n3A_2728, %reduce_max3A_2729 [1] : vector<16x4096xf32> to vector<16xf32>
    %broadcast_in_dim3A_2731 = vector.shape_cast %reduce_max3A_2730 : vector<16xf32> to vector<16x1xf32>
    %eq3A_2732 = vector.broadcast %broadcast_in_dim3A_2731 : vector<16x1xf32> to vector<16x4096xf32>
    %eq3A_2733 = arith.cmpf oeq, %select_n3A_2728, %eq3A_2732 : vector<16x4096xf32>
    %jit3A_2734 = arith.constant 2147483647 : i32
    %broadcast_in_dim3A_2735 = vector.broadcast %jit3A_2734 : i32 to vector<16x4096xi32>
    %select_n3A_2736 = arith.select %eq3A_2733, %add3A_2658, %broadcast_in_dim3A_2735 : vector<16x4096xi1>, vector<16x4096xi32>
    %reduce_min3A_2737 = arith.constant dense<2147483647> : vector<16xi32>
    %reduce_min3A_2738 = vector.multi_reduction <minsi>, %select_n3A_2736, %reduce_min3A_2737 [1] : vector<16x4096xi32> to vector<16xi32>
    %broadcast_in_dim3A_2739 = vector.shape_cast %reduce_min3A_2738 : vector<16xi32> to vector<16x1xi32>
    %concatenate3A_2740 = tpu.concatenate %broadcast_in_dim3A_2667, %broadcast_in_dim3A_2683, %broadcast_in_dim3A_2699, %broadcast_in_dim3A_2715, %broadcast_in_dim3A_2731 in 1 : vector<16x1xf32>, vector<16x1xf32>, vector<16x1xf32>, vector<16x1xf32>, vector<16x1xf32> -> vector<16x5xf32>
    %concatenate3A_2741 = tpu.concatenate %broadcast_in_dim3A_2675, %broadcast_in_dim3A_2691, %broadcast_in_dim3A_2707, %broadcast_in_dim3A_2723, %broadcast_in_dim3A_2739 in 1 : vector<16x1xi32>, vector<16x1xi32>, vector<16x1xi32>, vector<16x1xi32>, vector<16x1xi32> -> vector<16x5xi32>
    %slice3A_2742 = vector.extract_strided_slice %sub3A_14 {offsets = [0, 122880], sizes = [16, 4096], strides = [1, 1]} : vector<16x131072xf32> to vector<16x4096xf32>
    %iota3A_2743 = tpu.iota {dimensions = array<i32: 1>} : vector<16x4096xi32>
    %mul3A_2744 = arith.constant 131072 : i32
    %mul3A_2745 = arith.muli %arg0, %mul3A_2744 : i32
    %add3A_2746 = arith.constant 122880 : i32
    %add3A_2747 = arith.addi %mul3A_2745, %add3A_2746 : i32
    %add3A_2748 = vector.broadcast %add3A_2747 : i32 to vector<16x4096xi32>
    %add3A_2749 = arith.addi %iota3A_2743, %add3A_2748 : vector<16x4096xi32>
    %lt3A_2750 = arith.constant 1000000 : i32
    %lt3A_2751 = vector.broadcast %lt3A_2750 : i32 to vector<16x4096xi32>
    %lt3A_2752 = arith.cmpi slt, %add3A_2749, %lt3A_2751 : vector<16x4096xi32>
    %jit3A_2753 = arith.constant -3.000000e+38 : f32
    %broadcast_in_dim3A_2754 = vector.broadcast %jit3A_2753 : f32 to vector<16x4096xf32>
    %select_n3A_2755 = arith.select %lt3A_2752, %slice3A_2742, %broadcast_in_dim3A_2754 : vector<16x4096xi1>, vector<16x4096xf32>
    %reduce_max3A_2756 = arith.constant dense<0xFF800000> : vector<16xf32>
    %reduce_max3A_2757 = vector.multi_reduction <maximumf>, %select_n3A_2755, %reduce_max3A_2756 [1] : vector<16x4096xf32> to vector<16xf32>
    %broadcast_in_dim3A_2758 = vector.shape_cast %reduce_max3A_2757 : vector<16xf32> to vector<16x1xf32>
    %eq3A_2759 = vector.broadcast %broadcast_in_dim3A_2758 : vector<16x1xf32> to vector<16x4096xf32>
    %eq3A_2760 = arith.cmpf oeq, %select_n3A_2755, %eq3A_2759 : vector<16x4096xf32>
    %jit3A_2761 = arith.constant 2147483647 : i32
    %broadcast_in_dim3A_2762 = vector.broadcast %jit3A_2761 : i32 to vector<16x4096xi32>
    %select_n3A_2763 = arith.select %eq3A_2760, %add3A_2749, %broadcast_in_dim3A_2762 : vector<16x4096xi1>, vector<16x4096xi32>
    %reduce_min3A_2764 = arith.constant dense<2147483647> : vector<16xi32>
    %reduce_min3A_2765 = vector.multi_reduction <minsi>, %select_n3A_2763, %reduce_min3A_2764 [1] : vector<16x4096xi32> to vector<16xi32>
    %broadcast_in_dim3A_2766 = vector.shape_cast %reduce_min3A_2765 : vector<16xi32> to vector<16x1xi32>
    %eq3A_2767 = vector.broadcast %broadcast_in_dim3A_2766 : vector<16x1xi32> to vector<16x4096xi32>
    %eq3A_2768 = arith.cmpi eq, %add3A_2749, %eq3A_2767 : vector<16x4096xi32>
    %jit3A_2769 = arith.constant -3.000000e+38 : f32
    %broadcast_in_dim3A_2770 = vector.broadcast %jit3A_2769 : f32 to vector<16x4096xf32>
    %select_n3A_2771 = arith.select %eq3A_2768, %broadcast_in_dim3A_2770, %select_n3A_2755 : vector<16x4096xi1>, vector<16x4096xf32>
    %reduce_max3A_2772 = arith.constant dense<0xFF800000> : vector<16xf32>
    %reduce_max3A_2773 = vector.multi_reduction <maximumf>, %select_n3A_2771, %reduce_max3A_2772 [1] : vector<16x4096xf32> to vector<16xf32>
    %broadcast_in_dim3A_2774 = vector.shape_cast %reduce_max3A_2773 : vector<16xf32> to vector<16x1xf32>
    %eq3A_2775 = vector.broadcast %broadcast_in_dim3A_2774 : vector<16x1xf32> to vector<16x4096xf32>
    %eq3A_2776 = arith.cmpf oeq, %select_n3A_2771, %eq3A_2775 : vector<16x4096xf32>
    %jit3A_2777 = arith.constant 2147483647 : i32
    %broadcast_in_dim3A_2778 = vector.broadcast %jit3A_2777 : i32 to vector<16x4096xi32>
    %select_n3A_2779 = arith.select %eq3A_2776, %add3A_2749, %broadcast_in_dim3A_2778 : vector<16x4096xi1>, vector<16x4096xi32>
    %reduce_min3A_2780 = arith.constant dense<2147483647> : vector<16xi32>
    %reduce_min3A_2781 = vector.multi_reduction <minsi>, %select_n3A_2779, %reduce_min3A_2780 [1] : vector<16x4096xi32> to vector<16xi32>
    %broadcast_in_dim3A_2782 = vector.shape_cast %reduce_min3A_2781 : vector<16xi32> to vector<16x1xi32>
    %eq3A_2783 = vector.broadcast %broadcast_in_dim3A_2782 : vector<16x1xi32> to vector<16x4096xi32>
    %eq3A_2784 = arith.cmpi eq, %add3A_2749, %eq3A_2783 : vector<16x4096xi32>
    %jit3A_2785 = arith.constant -3.000000e+38 : f32
    %broadcast_in_dim3A_2786 = vector.broadcast %jit3A_2785 : f32 to vector<16x4096xf32>
    %select_n3A_2787 = arith.select %eq3A_2784, %broadcast_in_dim3A_2786, %select_n3A_2771 : vector<16x4096xi1>, vector<16x4096xf32>
    %reduce_max3A_2788 = arith.constant dense<0xFF800000> : vector<16xf32>
    %reduce_max3A_2789 = vector.multi_reduction <maximumf>, %select_n3A_2787, %reduce_max3A_2788 [1] : vector<16x4096xf32> to vector<16xf32>
    %broadcast_in_dim3A_2790 = vector.shape_cast %reduce_max3A_2789 : vector<16xf32> to vector<16x1xf32>
    %eq3A_2791 = vector.broadcast %broadcast_in_dim3A_2790 : vector<16x1xf32> to vector<16x4096xf32>
    %eq3A_2792 = arith.cmpf oeq, %select_n3A_2787, %eq3A_2791 : vector<16x4096xf32>
    %jit3A_2793 = arith.constant 2147483647 : i32
    %broadcast_in_dim3A_2794 = vector.broadcast %jit3A_2793 : i32 to vector<16x4096xi32>
    %select_n3A_2795 = arith.select %eq3A_2792, %add3A_2749, %broadcast_in_dim3A_2794 : vector<16x4096xi1>, vector<16x4096xi32>
    %reduce_min3A_2796 = arith.constant dense<2147483647> : vector<16xi32>
    %reduce_min3A_2797 = vector.multi_reduction <minsi>, %select_n3A_2795, %reduce_min3A_2796 [1] : vector<16x4096xi32> to vector<16xi32>
    %broadcast_in_dim3A_2798 = vector.shape_cast %reduce_min3A_2797 : vector<16xi32> to vector<16x1xi32>
    %eq3A_2799 = vector.broadcast %broadcast_in_dim3A_2798 : vector<16x1xi32> to vector<16x4096xi32>
    %eq3A_2800 = arith.cmpi eq, %add3A_2749, %eq3A_2799 : vector<16x4096xi32>
    %jit3A_2801 = arith.constant -3.000000e+38 : f32
    %broadcast_in_dim3A_2802 = vector.broadcast %jit3A_2801 : f32 to vector<16x4096xf32>
    %select_n3A_2803 = arith.select %eq3A_2800, %broadcast_in_dim3A_2802, %select_n3A_2787 : vector<16x4096xi1>, vector<16x4096xf32>
    %reduce_max3A_2804 = arith.constant dense<0xFF800000> : vector<16xf32>
    %reduce_max3A_2805 = vector.multi_reduction <maximumf>, %select_n3A_2803, %reduce_max3A_2804 [1] : vector<16x4096xf32> to vector<16xf32>
    %broadcast_in_dim3A_2806 = vector.shape_cast %reduce_max3A_2805 : vector<16xf32> to vector<16x1xf32>
    %eq3A_2807 = vector.broadcast %broadcast_in_dim3A_2806 : vector<16x1xf32> to vector<16x4096xf32>
    %eq3A_2808 = arith.cmpf oeq, %select_n3A_2803, %eq3A_2807 : vector<16x4096xf32>
    %jit3A_2809 = arith.constant 2147483647 : i32
    %broadcast_in_dim3A_2810 = vector.broadcast %jit3A_2809 : i32 to vector<16x4096xi32>
    %select_n3A_2811 = arith.select %eq3A_2808, %add3A_2749, %broadcast_in_dim3A_2810 : vector<16x4096xi1>, vector<16x4096xi32>
    %reduce_min3A_2812 = arith.constant dense<2147483647> : vector<16xi32>
    %reduce_min3A_2813 = vector.multi_reduction <minsi>, %select_n3A_2811, %reduce_min3A_2812 [1] : vector<16x4096xi32> to vector<16xi32>
    %broadcast_in_dim3A_2814 = vector.shape_cast %reduce_min3A_2813 : vector<16xi32> to vector<16x1xi32>
    %eq3A_2815 = vector.broadcast %broadcast_in_dim3A_2814 : vector<16x1xi32> to vector<16x4096xi32>
    %eq3A_2816 = arith.cmpi eq, %add3A_2749, %eq3A_2815 : vector<16x4096xi32>
    %jit3A_2817 = arith.constant -3.000000e+38 : f32
    %broadcast_in_dim3A_2818 = vector.broadcast %jit3A_2817 : f32 to vector<16x4096xf32>
    %select_n3A_2819 = arith.select %eq3A_2816, %broadcast_in_dim3A_2818, %select_n3A_2803 : vector<16x4096xi1>, vector<16x4096xf32>
    %reduce_max3A_2820 = arith.constant dense<0xFF800000> : vector<16xf32>
    %reduce_max3A_2821 = vector.multi_reduction <maximumf>, %select_n3A_2819, %reduce_max3A_2820 [1] : vector<16x4096xf32> to vector<16xf32>
    %broadcast_in_dim3A_2822 = vector.shape_cast %reduce_max3A_2821 : vector<16xf32> to vector<16x1xf32>
    %eq3A_2823 = vector.broadcast %broadcast_in_dim3A_2822 : vector<16x1xf32> to vector<16x4096xf32>
    %eq3A_2824 = arith.cmpf oeq, %select_n3A_2819, %eq3A_2823 : vector<16x4096xf32>
    %jit3A_2825 = arith.constant 2147483647 : i32
    %broadcast_in_dim3A_2826 = vector.broadcast %jit3A_2825 : i32 to vector<16x4096xi32>
    %select_n3A_2827 = arith.select %eq3A_2824, %add3A_2749, %broadcast_in_dim3A_2826 : vector<16x4096xi1>, vector<16x4096xi32>
    %reduce_min3A_2828 = arith.constant dense<2147483647> : vector<16xi32>
    %reduce_min3A_2829 = vector.multi_reduction <minsi>, %select_n3A_2827, %reduce_min3A_2828 [1] : vector<16x4096xi32> to vector<16xi32>
    %broadcast_in_dim3A_2830 = vector.shape_cast %reduce_min3A_2829 : vector<16xi32> to vector<16x1xi32>
    %concatenate3A_2831 = tpu.concatenate %broadcast_in_dim3A_2758, %broadcast_in_dim3A_2774, %broadcast_in_dim3A_2790, %broadcast_in_dim3A_2806, %broadcast_in_dim3A_2822 in 1 : vector<16x1xf32>, vector<16x1xf32>, vector<16x1xf32>, vector<16x1xf32>, vector<16x1xf32> -> vector<16x5xf32>
    %concatenate3A_2832 = tpu.concatenate %broadcast_in_dim3A_2766, %broadcast_in_dim3A_2782, %broadcast_in_dim3A_2798, %broadcast_in_dim3A_2814, %broadcast_in_dim3A_2830 in 1 : vector<16x1xi32>, vector<16x1xi32>, vector<16x1xi32>, vector<16x1xi32>, vector<16x1xi32> -> vector<16x5xi32>
    %slice3A_2833 = vector.extract_strided_slice %sub3A_14 {offsets = [0, 126976], sizes = [16, 4096], strides = [1, 1]} : vector<16x131072xf32> to vector<16x4096xf32>
    %iota3A_2834 = tpu.iota {dimensions = array<i32: 1>} : vector<16x4096xi32>
    %mul3A_2835 = arith.constant 131072 : i32
    %mul3A_2836 = arith.muli %arg0, %mul3A_2835 : i32
    %add3A_2837 = arith.constant 126976 : i32
    %add3A_2838 = arith.addi %mul3A_2836, %add3A_2837 : i32
    %add3A_2839 = vector.broadcast %add3A_2838 : i32 to vector<16x4096xi32>
    %add3A_2840 = arith.addi %iota3A_2834, %add3A_2839 : vector<16x4096xi32>
    %lt3A_2841 = arith.constant 1000000 : i32
    %lt3A_2842 = vector.broadcast %lt3A_2841 : i32 to vector<16x4096xi32>
    %lt3A_2843 = arith.cmpi slt, %add3A_2840, %lt3A_2842 : vector<16x4096xi32>
    %jit3A_2844 = arith.constant -3.000000e+38 : f32
    %broadcast_in_dim3A_2845 = vector.broadcast %jit3A_2844 : f32 to vector<16x4096xf32>
    %select_n3A_2846 = arith.select %lt3A_2843, %slice3A_2833, %broadcast_in_dim3A_2845 : vector<16x4096xi1>, vector<16x4096xf32>
    %reduce_max3A_2847 = arith.constant dense<0xFF800000> : vector<16xf32>
    %reduce_max3A_2848 = vector.multi_reduction <maximumf>, %select_n3A_2846, %reduce_max3A_2847 [1] : vector<16x4096xf32> to vector<16xf32>
    %broadcast_in_dim3A_2849 = vector.shape_cast %reduce_max3A_2848 : vector<16xf32> to vector<16x1xf32>
    %eq3A_2850 = vector.broadcast %broadcast_in_dim3A_2849 : vector<16x1xf32> to vector<16x4096xf32>
    %eq3A_2851 = arith.cmpf oeq, %select_n3A_2846, %eq3A_2850 : vector<16x4096xf32>
    %jit3A_2852 = arith.constant 2147483647 : i32
    %broadcast_in_dim3A_2853 = vector.broadcast %jit3A_2852 : i32 to vector<16x4096xi32>
    %select_n3A_2854 = arith.select %eq3A_2851, %add3A_2840, %broadcast_in_dim3A_2853 : vector<16x4096xi1>, vector<16x4096xi32>
    %reduce_min3A_2855 = arith.constant dense<2147483647> : vector<16xi32>
    %reduce_min3A_2856 = vector.multi_reduction <minsi>, %select_n3A_2854, %reduce_min3A_2855 [1] : vector<16x4096xi32> to vector<16xi32>
    %broadcast_in_dim3A_2857 = vector.shape_cast %reduce_min3A_2856 : vector<16xi32> to vector<16x1xi32>
    %eq3A_2858 = vector.broadcast %broadcast_in_dim3A_2857 : vector<16x1xi32> to vector<16x4096xi32>
    %eq3A_2859 = arith.cmpi eq, %add3A_2840, %eq3A_2858 : vector<16x4096xi32>
    %jit3A_2860 = arith.constant -3.000000e+38 : f32
    %broadcast_in_dim3A_2861 = vector.broadcast %jit3A_2860 : f32 to vector<16x4096xf32>
    %select_n3A_2862 = arith.select %eq3A_2859, %broadcast_in_dim3A_2861, %select_n3A_2846 : vector<16x4096xi1>, vector<16x4096xf32>
    %reduce_max3A_2863 = arith.constant dense<0xFF800000> : vector<16xf32>
    %reduce_max3A_2864 = vector.multi_reduction <maximumf>, %select_n3A_2862, %reduce_max3A_2863 [1] : vector<16x4096xf32> to vector<16xf32>
    %broadcast_in_dim3A_2865 = vector.shape_cast %reduce_max3A_2864 : vector<16xf32> to vector<16x1xf32>
    %eq3A_2866 = vector.broadcast %broadcast_in_dim3A_2865 : vector<16x1xf32> to vector<16x4096xf32>
    %eq3A_2867 = arith.cmpf oeq, %select_n3A_2862, %eq3A_2866 : vector<16x4096xf32>
    %jit3A_2868 = arith.constant 2147483647 : i32
    %broadcast_in_dim3A_2869 = vector.broadcast %jit3A_2868 : i32 to vector<16x4096xi32>
    %select_n3A_2870 = arith.select %eq3A_2867, %add3A_2840, %broadcast_in_dim3A_2869 : vector<16x4096xi1>, vector<16x4096xi32>
    %reduce_min3A_2871 = arith.constant dense<2147483647> : vector<16xi32>
    %reduce_min3A_2872 = vector.multi_reduction <minsi>, %select_n3A_2870, %reduce_min3A_2871 [1] : vector<16x4096xi32> to vector<16xi32>
    %broadcast_in_dim3A_2873 = vector.shape_cast %reduce_min3A_2872 : vector<16xi32> to vector<16x1xi32>
    %eq3A_2874 = vector.broadcast %broadcast_in_dim3A_2873 : vector<16x1xi32> to vector<16x4096xi32>
    %eq3A_2875 = arith.cmpi eq, %add3A_2840, %eq3A_2874 : vector<16x4096xi32>
    %jit3A_2876 = arith.constant -3.000000e+38 : f32
    %broadcast_in_dim3A_2877 = vector.broadcast %jit3A_2876 : f32 to vector<16x4096xf32>
    %select_n3A_2878 = arith.select %eq3A_2875, %broadcast_in_dim3A_2877, %select_n3A_2862 : vector<16x4096xi1>, vector<16x4096xf32>
    %reduce_max3A_2879 = arith.constant dense<0xFF800000> : vector<16xf32>
    %reduce_max3A_2880 = vector.multi_reduction <maximumf>, %select_n3A_2878, %reduce_max3A_2879 [1] : vector<16x4096xf32> to vector<16xf32>
    %broadcast_in_dim3A_2881 = vector.shape_cast %reduce_max3A_2880 : vector<16xf32> to vector<16x1xf32>
    %eq3A_2882 = vector.broadcast %broadcast_in_dim3A_2881 : vector<16x1xf32> to vector<16x4096xf32>
    %eq3A_2883 = arith.cmpf oeq, %select_n3A_2878, %eq3A_2882 : vector<16x4096xf32>
    %jit3A_2884 = arith.constant 2147483647 : i32
    %broadcast_in_dim3A_2885 = vector.broadcast %jit3A_2884 : i32 to vector<16x4096xi32>
    %select_n3A_2886 = arith.select %eq3A_2883, %add3A_2840, %broadcast_in_dim3A_2885 : vector<16x4096xi1>, vector<16x4096xi32>
    %reduce_min3A_2887 = arith.constant dense<2147483647> : vector<16xi32>
    %reduce_min3A_2888 = vector.multi_reduction <minsi>, %select_n3A_2886, %reduce_min3A_2887 [1] : vector<16x4096xi32> to vector<16xi32>
    %broadcast_in_dim3A_2889 = vector.shape_cast %reduce_min3A_2888 : vector<16xi32> to vector<16x1xi32>
    %eq3A_2890 = vector.broadcast %broadcast_in_dim3A_2889 : vector<16x1xi32> to vector<16x4096xi32>
    %eq3A_2891 = arith.cmpi eq, %add3A_2840, %eq3A_2890 : vector<16x4096xi32>
    %jit3A_2892 = arith.constant -3.000000e+38 : f32
    %broadcast_in_dim3A_2893 = vector.broadcast %jit3A_2892 : f32 to vector<16x4096xf32>
    %select_n3A_2894 = arith.select %eq3A_2891, %broadcast_in_dim3A_2893, %select_n3A_2878 : vector<16x4096xi1>, vector<16x4096xf32>
    %reduce_max3A_2895 = arith.constant dense<0xFF800000> : vector<16xf32>
    %reduce_max3A_2896 = vector.multi_reduction <maximumf>, %select_n3A_2894, %reduce_max3A_2895 [1] : vector<16x4096xf32> to vector<16xf32>
    %broadcast_in_dim3A_2897 = vector.shape_cast %reduce_max3A_2896 : vector<16xf32> to vector<16x1xf32>
    %eq3A_2898 = vector.broadcast %broadcast_in_dim3A_2897 : vector<16x1xf32> to vector<16x4096xf32>
    %eq3A_2899 = arith.cmpf oeq, %select_n3A_2894, %eq3A_2898 : vector<16x4096xf32>
    %jit3A_2900 = arith.constant 2147483647 : i32
    %broadcast_in_dim3A_2901 = vector.broadcast %jit3A_2900 : i32 to vector<16x4096xi32>
    %select_n3A_2902 = arith.select %eq3A_2899, %add3A_2840, %broadcast_in_dim3A_2901 : vector<16x4096xi1>, vector<16x4096xi32>
    %reduce_min3A_2903 = arith.constant dense<2147483647> : vector<16xi32>
    %reduce_min3A_2904 = vector.multi_reduction <minsi>, %select_n3A_2902, %reduce_min3A_2903 [1] : vector<16x4096xi32> to vector<16xi32>
    %broadcast_in_dim3A_2905 = vector.shape_cast %reduce_min3A_2904 : vector<16xi32> to vector<16x1xi32>
    %eq3A_2906 = vector.broadcast %broadcast_in_dim3A_2905 : vector<16x1xi32> to vector<16x4096xi32>
    %eq3A_2907 = arith.cmpi eq, %add3A_2840, %eq3A_2906 : vector<16x4096xi32>
    %jit3A_2908 = arith.constant -3.000000e+38 : f32
    %broadcast_in_dim3A_2909 = vector.broadcast %jit3A_2908 : f32 to vector<16x4096xf32>
    %select_n3A_2910 = arith.select %eq3A_2907, %broadcast_in_dim3A_2909, %select_n3A_2894 : vector<16x4096xi1>, vector<16x4096xf32>
    %reduce_max3A_2911 = arith.constant dense<0xFF800000> : vector<16xf32>
    %reduce_max3A_2912 = vector.multi_reduction <maximumf>, %select_n3A_2910, %reduce_max3A_2911 [1] : vector<16x4096xf32> to vector<16xf32>
    %broadcast_in_dim3A_2913 = vector.shape_cast %reduce_max3A_2912 : vector<16xf32> to vector<16x1xf32>
    %eq3A_2914 = vector.broadcast %broadcast_in_dim3A_2913 : vector<16x1xf32> to vector<16x4096xf32>
    %eq3A_2915 = arith.cmpf oeq, %select_n3A_2910, %eq3A_2914 : vector<16x4096xf32>
    %jit3A_2916 = arith.constant 2147483647 : i32
    %broadcast_in_dim3A_2917 = vector.broadcast %jit3A_2916 : i32 to vector<16x4096xi32>
    %select_n3A_2918 = arith.select %eq3A_2915, %add3A_2840, %broadcast_in_dim3A_2917 : vector<16x4096xi1>, vector<16x4096xi32>
    %reduce_min3A_2919 = arith.constant dense<2147483647> : vector<16xi32>
    %reduce_min3A_2920 = vector.multi_reduction <minsi>, %select_n3A_2918, %reduce_min3A_2919 [1] : vector<16x4096xi32> to vector<16xi32>
    %broadcast_in_dim3A_2921 = vector.shape_cast %reduce_min3A_2920 : vector<16xi32> to vector<16x1xi32>
    %concatenate3A_2922 = tpu.concatenate %broadcast_in_dim3A_2849, %broadcast_in_dim3A_2865, %broadcast_in_dim3A_2881, %broadcast_in_dim3A_2897, %broadcast_in_dim3A_2913 in 1 : vector<16x1xf32>, vector<16x1xf32>, vector<16x1xf32>, vector<16x1xf32>, vector<16x1xf32> -> vector<16x5xf32>
    %concatenate3A_2923 = tpu.concatenate %broadcast_in_dim3A_2857, %broadcast_in_dim3A_2873, %broadcast_in_dim3A_2889, %broadcast_in_dim3A_2905, %broadcast_in_dim3A_2921 in 1 : vector<16x1xi32>, vector<16x1xi32>, vector<16x1xi32>, vector<16x1xi32>, vector<16x1xi32> -> vector<16x5xi32>
    %concatenate3A_2924 = tpu.concatenate %get3A_17, %concatenate3A, %concatenate3A_192, %concatenate3A_283, %concatenate3A_374, %concatenate3A_465, %concatenate3A_556, %concatenate3A_647, %concatenate3A_738, %concatenate3A_829, %concatenate3A_920, %concatenate3A_1011, %concatenate3A_1102, %concatenate3A_1193, %concatenate3A_1284, %concatenate3A_1375, %concatenate3A_1466, %concatenate3A_1557, %concatenate3A_1648, %concatenate3A_1739, %concatenate3A_1830, %concatenate3A_1921, %concatenate3A_2012, %concatenate3A_2103, %concatenate3A_2194, %concatenate3A_2285, %concatenate3A_2376, %concatenate3A_2467, %concatenate3A_2558, %concatenate3A_2649, %concatenate3A_2740, %concatenate3A_2831, %concatenate3A_2922 in 1 : vector<16x5xf32>, vector<16x5xf32>, vector<16x5xf32>, vector<16x5xf32>, vector<16x5xf32>, vector<16x5xf32>, vector<16x5xf32>, vector<16x5xf32>, vector<16x5xf32>, vector<16x5xf32>, vector<16x5xf32>, vector<16x5xf32>, vector<16x5xf32>, vector<16x5xf32>, vector<16x5xf32>, vector<16x5xf32>, vector<16x5xf32>, vector<16x5xf32>, vector<16x5xf32>, vector<16x5xf32>, vector<16x5xf32>, vector<16x5xf32>, vector<16x5xf32>, vector<16x5xf32>, vector<16x5xf32>, vector<16x5xf32>, vector<16x5xf32>, vector<16x5xf32>, vector<16x5xf32>, vector<16x5xf32>, vector<16x5xf32>, vector<16x5xf32>, vector<16x5xf32> -> vector<16x165xf32>
    %concatenate3A_2925 = tpu.concatenate %get3A_20, %concatenate3A_102, %concatenate3A_193, %concatenate3A_284, %concatenate3A_375, %concatenate3A_466, %concatenate3A_557, %concatenate3A_648, %concatenate3A_739, %concatenate3A_830, %concatenate3A_921, %concatenate3A_1012, %concatenate3A_1103, %concatenate3A_1194, %concatenate3A_1285, %concatenate3A_1376, %concatenate3A_1467, %concatenate3A_1558, %concatenate3A_1649, %concatenate3A_1740, %concatenate3A_1831, %concatenate3A_1922, %concatenate3A_2013, %concatenate3A_2104, %concatenate3A_2195, %concatenate3A_2286, %concatenate3A_2377, %concatenate3A_2468, %concatenate3A_2559, %concatenate3A_2650, %concatenate3A_2741, %concatenate3A_2832, %concatenate3A_2923 in 1 : vector<16x5xi32>, vector<16x5xi32>, vector<16x5xi32>, vector<16x5xi32>, vector<16x5xi32>, vector<16x5xi32>, vector<16x5xi32>, vector<16x5xi32>, vector<16x5xi32>, vector<16x5xi32>, vector<16x5xi32>, vector<16x5xi32>, vector<16x5xi32>, vector<16x5xi32>, vector<16x5xi32>, vector<16x5xi32>, vector<16x5xi32>, vector<16x5xi32>, vector<16x5xi32>, vector<16x5xi32>, vector<16x5xi32>, vector<16x5xi32>, vector<16x5xi32>, vector<16x5xi32>, vector<16x5xi32>, vector<16x5xi32>, vector<16x5xi32>, vector<16x5xi32>, vector<16x5xi32>, vector<16x5xi32>, vector<16x5xi32>, vector<16x5xi32>, vector<16x5xi32> -> vector<16x165xi32>
    %reduce_max3A_2926 = arith.constant dense<0xFF800000> : vector<16xf32>
    %reduce_max3A_2927 = vector.multi_reduction <maximumf>, %concatenate3A_2924, %reduce_max3A_2926 [1] : vector<16x165xf32> to vector<16xf32>
    %broadcast_in_dim3A_2928 = vector.shape_cast %reduce_max3A_2927 : vector<16xf32> to vector<16x1xf32>
    %eq3A_2929 = vector.broadcast %broadcast_in_dim3A_2928 : vector<16x1xf32> to vector<16x165xf32>
    %eq3A_2930 = arith.cmpf oeq, %concatenate3A_2924, %eq3A_2929 : vector<16x165xf32>
    %jit3A_2931 = arith.constant 2147483647 : i32
    %broadcast_in_dim3A_2932 = vector.broadcast %jit3A_2931 : i32 to vector<16x165xi32>
    %select_n3A_2933 = arith.select %eq3A_2930, %concatenate3A_2925, %broadcast_in_dim3A_2932 : vector<16x165xi1>, vector<16x165xi32>
    %reduce_min3A_2934 = arith.constant dense<2147483647> : vector<16xi32>
    %reduce_min3A_2935 = vector.multi_reduction <minsi>, %select_n3A_2933, %reduce_min3A_2934 [1] : vector<16x165xi32> to vector<16xi32>
    %broadcast_in_dim3A_2936 = vector.shape_cast %reduce_min3A_2935 : vector<16xi32> to vector<16x1xi32>
    %eq3A_2937 = vector.broadcast %broadcast_in_dim3A_2936 : vector<16x1xi32> to vector<16x165xi32>
    %eq3A_2938 = arith.cmpi eq, %concatenate3A_2925, %eq3A_2937 : vector<16x165xi32>
    %jit3A_2939 = arith.constant -3.000000e+38 : f32
    %broadcast_in_dim3A_2940 = vector.broadcast %jit3A_2939 : f32 to vector<16x165xf32>
    %select_n3A_2941 = arith.select %eq3A_2938, %broadcast_in_dim3A_2940, %concatenate3A_2924 : vector<16x165xi1>, vector<16x165xf32>
    %reduce_max3A_2942 = arith.constant dense<0xFF800000> : vector<16xf32>
    %reduce_max3A_2943 = vector.multi_reduction <maximumf>, %select_n3A_2941, %reduce_max3A_2942 [1] : vector<16x165xf32> to vector<16xf32>
    %broadcast_in_dim3A_2944 = vector.shape_cast %reduce_max3A_2943 : vector<16xf32> to vector<16x1xf32>
    %eq3A_2945 = vector.broadcast %broadcast_in_dim3A_2944 : vector<16x1xf32> to vector<16x165xf32>
    %eq3A_2946 = arith.cmpf oeq, %select_n3A_2941, %eq3A_2945 : vector<16x165xf32>
    %jit3A_2947 = arith.constant 2147483647 : i32
    %broadcast_in_dim3A_2948 = vector.broadcast %jit3A_2947 : i32 to vector<16x165xi32>
    %select_n3A_2949 = arith.select %eq3A_2946, %concatenate3A_2925, %broadcast_in_dim3A_2948 : vector<16x165xi1>, vector<16x165xi32>
    %reduce_min3A_2950 = arith.constant dense<2147483647> : vector<16xi32>
    %reduce_min3A_2951 = vector.multi_reduction <minsi>, %select_n3A_2949, %reduce_min3A_2950 [1] : vector<16x165xi32> to vector<16xi32>
    %broadcast_in_dim3A_2952 = vector.shape_cast %reduce_min3A_2951 : vector<16xi32> to vector<16x1xi32>
    %eq3A_2953 = vector.broadcast %broadcast_in_dim3A_2952 : vector<16x1xi32> to vector<16x165xi32>
    %eq3A_2954 = arith.cmpi eq, %concatenate3A_2925, %eq3A_2953 : vector<16x165xi32>
    %jit3A_2955 = arith.constant -3.000000e+38 : f32
    %broadcast_in_dim3A_2956 = vector.broadcast %jit3A_2955 : f32 to vector<16x165xf32>
    %select_n3A_2957 = arith.select %eq3A_2954, %broadcast_in_dim3A_2956, %select_n3A_2941 : vector<16x165xi1>, vector<16x165xf32>
    %reduce_max3A_2958 = arith.constant dense<0xFF800000> : vector<16xf32>
    %reduce_max3A_2959 = vector.multi_reduction <maximumf>, %select_n3A_2957, %reduce_max3A_2958 [1] : vector<16x165xf32> to vector<16xf32>
    %broadcast_in_dim3A_2960 = vector.shape_cast %reduce_max3A_2959 : vector<16xf32> to vector<16x1xf32>
    %eq3A_2961 = vector.broadcast %broadcast_in_dim3A_2960 : vector<16x1xf32> to vector<16x165xf32>
    %eq3A_2962 = arith.cmpf oeq, %select_n3A_2957, %eq3A_2961 : vector<16x165xf32>
    %jit3A_2963 = arith.constant 2147483647 : i32
    %broadcast_in_dim3A_2964 = vector.broadcast %jit3A_2963 : i32 to vector<16x165xi32>
    %select_n3A_2965 = arith.select %eq3A_2962, %concatenate3A_2925, %broadcast_in_dim3A_2964 : vector<16x165xi1>, vector<16x165xi32>
    %reduce_min3A_2966 = arith.constant dense<2147483647> : vector<16xi32>
    %reduce_min3A_2967 = vector.multi_reduction <minsi>, %select_n3A_2965, %reduce_min3A_2966 [1] : vector<16x165xi32> to vector<16xi32>
    %broadcast_in_dim3A_2968 = vector.shape_cast %reduce_min3A_2967 : vector<16xi32> to vector<16x1xi32>
    %eq3A_2969 = vector.broadcast %broadcast_in_dim3A_2968 : vector<16x1xi32> to vector<16x165xi32>
    %eq3A_2970 = arith.cmpi eq, %concatenate3A_2925, %eq3A_2969 : vector<16x165xi32>
    %jit3A_2971 = arith.constant -3.000000e+38 : f32
    %broadcast_in_dim3A_2972 = vector.broadcast %jit3A_2971 : f32 to vector<16x165xf32>
    %select_n3A_2973 = arith.select %eq3A_2970, %broadcast_in_dim3A_2972, %select_n3A_2957 : vector<16x165xi1>, vector<16x165xf32>
    %reduce_max3A_2974 = arith.constant dense<0xFF800000> : vector<16xf32>
    %reduce_max3A_2975 = vector.multi_reduction <maximumf>, %select_n3A_2973, %reduce_max3A_2974 [1] : vector<16x165xf32> to vector<16xf32>
    %broadcast_in_dim3A_2976 = vector.shape_cast %reduce_max3A_2975 : vector<16xf32> to vector<16x1xf32>
    %eq3A_2977 = vector.broadcast %broadcast_in_dim3A_2976 : vector<16x1xf32> to vector<16x165xf32>
    %eq3A_2978 = arith.cmpf oeq, %select_n3A_2973, %eq3A_2977 : vector<16x165xf32>
    %jit3A_2979 = arith.constant 2147483647 : i32
    %broadcast_in_dim3A_2980 = vector.broadcast %jit3A_2979 : i32 to vector<16x165xi32>
    %select_n3A_2981 = arith.select %eq3A_2978, %concatenate3A_2925, %broadcast_in_dim3A_2980 : vector<16x165xi1>, vector<16x165xi32>
    %reduce_min3A_2982 = arith.constant dense<2147483647> : vector<16xi32>
    %reduce_min3A_2983 = vector.multi_reduction <minsi>, %select_n3A_2981, %reduce_min3A_2982 [1] : vector<16x165xi32> to vector<16xi32>
    %broadcast_in_dim3A_2984 = vector.shape_cast %reduce_min3A_2983 : vector<16xi32> to vector<16x1xi32>
    %eq3A_2985 = vector.broadcast %broadcast_in_dim3A_2984 : vector<16x1xi32> to vector<16x165xi32>
    %eq3A_2986 = arith.cmpi eq, %concatenate3A_2925, %eq3A_2985 : vector<16x165xi32>
    %jit3A_2987 = arith.constant -3.000000e+38 : f32
    %broadcast_in_dim3A_2988 = vector.broadcast %jit3A_2987 : f32 to vector<16x165xf32>
    %select_n3A_2989 = arith.select %eq3A_2986, %broadcast_in_dim3A_2988, %select_n3A_2973 : vector<16x165xi1>, vector<16x165xf32>
    %reduce_max3A_2990 = arith.constant dense<0xFF800000> : vector<16xf32>
    %reduce_max3A_2991 = vector.multi_reduction <maximumf>, %select_n3A_2989, %reduce_max3A_2990 [1] : vector<16x165xf32> to vector<16xf32>
    %broadcast_in_dim3A_2992 = vector.shape_cast %reduce_max3A_2991 : vector<16xf32> to vector<16x1xf32>
    %eq3A_2993 = vector.broadcast %broadcast_in_dim3A_2992 : vector<16x1xf32> to vector<16x165xf32>
    %eq3A_2994 = arith.cmpf oeq, %select_n3A_2989, %eq3A_2993 : vector<16x165xf32>
    %jit3A_2995 = arith.constant 2147483647 : i32
    %broadcast_in_dim3A_2996 = vector.broadcast %jit3A_2995 : i32 to vector<16x165xi32>
    %select_n3A_2997 = arith.select %eq3A_2994, %concatenate3A_2925, %broadcast_in_dim3A_2996 : vector<16x165xi1>, vector<16x165xi32>
    %reduce_min3A_2998 = arith.constant dense<2147483647> : vector<16xi32>
    %reduce_min3A_2999 = vector.multi_reduction <minsi>, %select_n3A_2997, %reduce_min3A_2998 [1] : vector<16x165xi32> to vector<16xi32>
    %broadcast_in_dim3A_3000 = vector.shape_cast %reduce_min3A_2999 : vector<16xi32> to vector<16x1xi32>
    %concatenate3A_3001 = tpu.concatenate %broadcast_in_dim3A_2928, %broadcast_in_dim3A_2944, %broadcast_in_dim3A_2960, %broadcast_in_dim3A_2976, %broadcast_in_dim3A_2992 in 1 : vector<16x1xf32>, vector<16x1xf32>, vector<16x1xf32>, vector<16x1xf32>, vector<16x1xf32> -> vector<16x5xf32>
    %concatenate3A_3002 = tpu.concatenate %broadcast_in_dim3A_2936, %broadcast_in_dim3A_2952, %broadcast_in_dim3A_2968, %broadcast_in_dim3A_2984, %broadcast_in_dim3A_3000 in 1 : vector<16x1xi32>, vector<16x1xi32>, vector<16x1xi32>, vector<16x1xi32>, vector<16x1xi32> -> vector<16x5xi32>
    %swap3A = arith.constant 0 : index
    %swap3A_3003 = arith.constant 0 : index
    %swap3A_3004 = vector.load %arg5[%swap3A, %swap3A_3003] : memref<16x8xf32, #tpu.memory_space<vmem>>, vector<16x5xf32>
    tpu.vector_store %arg5[%swap3A, %swap3A_3003], %concatenate3A_3001 {strides = array<i32>} : memref<16x8xf32, #tpu.memory_space<vmem>>, vector<16x5xf32>,
    %swap3A_3005 = arith.constant 0 : index
    %swap3A_3006 = arith.constant 0 : index
    %swap3A_3007 = vector.load %arg6[%swap3A_3005, %swap3A_3006] : memref<16x8xi32, #tpu.memory_space<vmem>>, vector<16x5xi32>
    tpu.vector_store %arg6[%swap3A_3005, %swap3A_3006], %concatenate3A_3002 {strides = array<i32>} : memref<16x8xi32, #tpu.memory_space<vmem>>, vector<16x5xi32>,
    %eq3A_3008 = arith.constant 7 : i32
    %eq3A_3009 = arith.cmpi eq, %arg0, %eq3A_3008 : i32
    %convert_element_type3A_3010 = arith.extui %eq3A_3009 : i1 to i32
    %cond3A_3011 = arith.constant 0 : i32
    %cond3A_3012 = arith.cmpi ne, %convert_element_type3A_3010, %cond3A_3011 : i32
    scf.if %cond3A_3012 {
      %get3A_3013 = arith.constant 0 : index
      %get3A_3014 = arith.constant 0 : index
      %get3A_3015 = vector.load %arg1[%get3A_3013, %get3A_3014] : memref<16x16xf32, #tpu.memory_space<vmem>>, vector<16x16xf32>
      %mul3A_3016 = arith.mulf %get3A_3015, %get3A_3015 : vector<16x16xf32>
      %reduce_sum3A_3017 = arith.constant dense<0.000000e+00> : vector<16xf32>
      %reduce_sum3A_3018 = vector.multi_reduction <add>, %mul3A_3016, %reduce_sum3A_3017 [1] : vector<16x16xf32> to vector<16xf32>
      %broadcast_in_dim3A_3019 = vector.shape_cast %reduce_sum3A_3018 : vector<16xf32> to vector<16x1xf32>
      %get3A_3020 = arith.constant 0 : index
      %get3A_3021 = arith.constant 0 : index
      %get3A_3022 = vector.load %arg5[%get3A_3020, %get3A_3021] : memref<16x8xf32, #tpu.memory_space<vmem>>, vector<16x5xf32>
      %sub3A_3023 = vector.broadcast %broadcast_in_dim3A_3019 : vector<16x1xf32> to vector<16x5xf32>
      %sub3A_3024 = arith.subf %get3A_3022, %sub3A_3023 : vector<16x5xf32>
      %swap3A_3025 = arith.constant 0 : index
      %swap3A_3026 = arith.constant 0 : index
      %swap3A_3027 = vector.load %arg3[%swap3A_3025, %swap3A_3026] : memref<16x8xf32, #tpu.memory_space<vmem>>, vector<16x5xf32>
      tpu.vector_store %arg3[%swap3A_3025, %swap3A_3026], %sub3A_3024 {strides = array<i32>} : memref<16x8xf32, #tpu.memory_space<vmem>>, vector<16x5xf32>,
      %get3A_3028 = arith.constant 0 : index
      %get3A_3029 = arith.constant 0 : index
      %get3A_3030 = vector.load %arg6[%get3A_3028, %get3A_3029] : memref<16x8xi32, #tpu.memory_space<vmem>>, vector<16x5xi32>
      %swap3A_3031 = arith.constant 0 : index
      %swap3A_3032 = arith.constant 0 : index
      %swap3A_3033 = vector.load %arg4[%swap3A_3031, %swap3A_3032] : memref<16x8xi32, #tpu.memory_space<vmem>>, vector<16x5xi32>
      tpu.vector_store %arg4[%swap3A_3031, %swap3A_3032], %get3A_3030 {strides = array<i32>} : memref<16x8xi32, #tpu.memory_space<vmem>>, vector<16x5xi32>,
    } else {
    }
    return
  }
  func.func @transform_0(%arg0: i32) -> (i32, i32) {
    %c0_i32 = arith.constant 0 : i32
    %c0_i32_0 = arith.constant 0 : i32
    %c0_i32_1 = arith.constant 0 : i32
    return %c0_i32, %c0_i32_0 : i32, i32
  }
  func.func @transform_1(%arg0: i32) -> (i32, i32) {
    %c0_i32 = arith.constant 0 : i32
    %c0_i32_0 = arith.constant 0 : i32
    return %c0_i32, %arg0 : i32, i32
  }
  func.func @transform_2(%arg0: i32) -> (i32, i32) {
    %c0_i32 = arith.constant 0 : i32
    %c0_i32_0 = arith.constant 0 : i32
    %c0_i32_1 = arith.constant 0 : i32
    return %c0_i32, %c0_i32_0 : i32, i32
  }
  func.func @transform_3(%arg0: i32) -> (i32, i32) {
    %c0_i32 = arith.constant 0 : i32
    %c0_i32_0 = arith.constant 0 : i32
    %c0_i32_1 = arith.constant 0 : i32
    return %c0_i32, %c0_i32_0 : i32, i32
  }
}

</mosaic_0001>

<sc_bundles>
// kernel: kernel.4.cloned.1.call-start
scs
__scs_entry_jumppad:
0x0: {  	(pc) =	sbr.rel $0x88, $3  }
0x1: {  	(tag) =	ssettag $0x0;
	lr =	simm.s32 $0x1  }
0x2: {  	[smem:$0x3F9E] =	sst lr;
	_ =	strace $0xD0000000  }
0x3: {  	_ = 	snop  }
0x4: {  	_ = 	snop  }
0x5: {  	_ = 	snop  }
0x6: {  	_ = 	snop  }
0x7: {  	_ = 	snop  }
__scs_overlays_trampoline_lowered:
0x8: {  	[smem:$0x3FAD] =	sst s0  }
0x9: {  	[smem:$0x3FAE] =	sst s1  }
0xa: {  	[smem:$0x3FAF] =	sst s2  }
0xb: {  	[smem:$0x3FB0] =	sst s3  }
0xc: {  	[smem:$0x3FB1] =	sst s4  }
0xd: {  	[smem:$0x3FB2] =	sst s5  }
0xe: {  	[smem:$0x3FB3] =	sst s6  }
0xf: {  	[smem:$0x3FB4] =	sst s7  }
0x10: {  	[smem:$0x3FB5] =	sst s8  }
0x11: {  	[smem:$0x3FB6] =	sst s9;
	s0 =	simm.s32 @!p0 $0x0  }
0x12: {  	s1 =	sld [smem:$0x3F9C];
	s0 =	simm.s32 @p0 $0x1  }
0x13: {  	[smem:$0x3FB7] =	sst s0;
	s0 =	simm.s32 @!p1 $0x0  }
0x14: {  	s2 =	sld [smem:$0x3F9B];
	s0 =	simm.s32 @p1 $0x1  }
0x15: {  	[smem:$0x3FB8] =	sst s0;
	s0 =	simm.s32 @!p2 $0x0  }
0x16: {  	s3 =	sld [smem:$0x3FDB];
	s0 =	simm.s32 @p2 $0x1  }
0x17: {  	s4 =	simm.s32 $0x1BF5;
	[smem:$0x3FBA] =	sst s0  }
0x18: {  	s0 =	sld [smem:$0x3F9D];
	_ =	swait.ge [sflag:s4], $0x0  }
0x19: {  	s7 =	sld [smem:$0x3F9E]  }
0x1a: {  	s8 =	sadd.s32 $0xFFFFE003, lr  }
0x1b: {  	s9 =	sadd.s32 $0xFFFFFEF7, lr;
	s5 =	simm.s32 $0xFFFFFFFF;
	p2 =	slt.u32 s8, $0xFFFFF086  }
0x1c: {  	p1 =	slt.u32 s9, $0xF7A;
	s5 =	simm.s32 @!p2 $0x0  }
0x1d: {  	s5 =	simm.s32 @p1 $0x1;
	p0 =	seq.s32 s7, s2  }
0x1e: {  	s7 =	smul.u32 @!p0 $0xF7A, s2;
	p2 =	seq.s32 @!p0 s5, $0x0  }
0x1f: {  	s9 =	smul.u32 $0xF7A, s1;
	s8 =	simm.s32 @!p0 $0x1BF5;
	p2 =	por !p2, p0  }
0x20: {  	[sflag:s8] =	ssyncset.s32 @!p0 $0xFFFFF086;
	s6 =	sadd.s32 @!p0 s3, s7;
	s7 =	simm.s32 @!p0 $0x108  }
0x21: {  	s3 =	sadd.s32 s3, s9;
	s6 =	sadd.s32 @!p0 $0x88, s6;
	s7 =	simm.s32 @p2 $0x1082  }
0x22: {  	[simem:s7], [sflag:s8] =	dma.local @!p0 [hbm:s6], $0xF7A  }
0x23: {  	s9 =	sor.u32 $0xD0000000, s2;
	s6 =	simm.s32 $0x108;
	_ =	swait.ge @!p0 [sflag:s8], $0x0  }
0x24: {  	s3 =	sadd.s32 $0x88, s3;
	s6 =	simm.s32 @!p1 $0x1082;
	[sflag:s4] =	ssyncset.s32 $0xFFFFF086  }
0x25: {  	[simem:s6], [sflag:s4] =	dma.local [hbm:s3], $0xF7A  }
0x26: {  	[smem:$0x3F9E] =	sst s1;
	(tag) =	ssettag s2;
	_ =	strace s9  }
0x27: {  	s1 =	sld [smem:$0x3FAE]  }
0x28: {  	s2 =	sld [smem:$0x3FAF]  }
0x29: {  	s4 =	sld [smem:$0x3FB1]  }
0x2a: {  	p0 =	seq.s32 s5, $0x0;
	s5 =	sld [smem:$0x3FB2]  }
0x2b: {  	s6 =	sld [smem:$0x3FB3]  }
0x2c: {  	s7 =	sld [smem:$0x3FB4]  }
0x2d: {  	s3 =	simm.s32 $0x108;
	s8 =	sld [smem:$0x3FB5]  }
0x2e: {  	s3 =	simm.s32 @!p0 $0x1082;
	s9 =	sld [smem:$0x3FB6]  }
0x2f: {  	lr =	sadd.s32 s0, s3;
	s0 =	sld [smem:$0x3FAD]  }
0x30: {  	s3 =	sld [smem:$0x3FB0]  }
0x31: {  	[smem:$0x3FB9] =	sst s10  }
0x32: {  	s10 =	sld [smem:$0x3FB7];
	_ =	sdelay $0x3  }
0x33: {  	p0 =	seq.s32 s10, $0x1;
	s10 =	sld [smem:$0x3FB9];
	_ =	sdelay $0x3  }
0x34: {  	[smem:$0x3FB9] =	sst s10  }
0x35: {  	s10 =	sld [smem:$0x3FB8];
	_ =	sdelay $0x3  }
0x36: {  	p1 =	seq.s32 s10, $0x1;
	s10 =	sld [smem:$0x3FB9];
	_ =	sdelay $0x3  }
0x37: {  	[smem:$0x3FB9] =	sst s10  }
0x38: {  	s10 =	sld [smem:$0x3FBA]  }
0x39: {  	_ = 	snop;
	(pc) =	sbr.ind lr, $3  }
0x3a: {  	_ = 	snop  }
0x3b: {  	_ = 	snop  }
0x3c: {  	p2 =	seq.s32 s10, $0x1;
	s10 =	sld [smem:$0x3FB9]  }
0x3d: {  	_ =	shalt  }
0x3e: {  	_ =	shalt  }
0x3f: {  	_ =	shalt  }
0x40: {  	_ =	shalt  }
0x41: {  	_ =	shalt  }
0x42: {  	_ =	shalt  }
0x43: {  	_ =	shalt  }
0x44: {  	_ =	shalt  }
0x45: {  	_ =	shalt  }
0x46: {  	_ =	shalt  }
0x47: {  	_ =	shalt  }
0x48: {  	_ =	shalt  }
0x49: {  	_ =	shalt  }
0x4a: {  	_ =	shalt  }
0x4b: {  	_ =	shalt  }
0x4c: {  	_ =	shalt  }
0x4d: {  	_ =	shalt  }
0x4e: {  	_ =	shalt  }
0x4f: {  	_ =	shalt  }
0x50: {  	_ =	shalt  }
0x51: {  	_ =	shalt  }
0x52: {  	_ =	shalt  }
0x53: {  	_ =	shalt  }
0x54: {  	_ =	shalt  }
0x55: {  	_ =	shalt  }
0x56: {  	_ =	shalt  }
0x57: {  	_ =	shalt  }
0x58: {  	_ =	shalt  }
0x59: {  	_ =	shalt  }
0x5a: {  	_ =	shalt  }
0x5b: {  	_ =	shalt  }
0x5c: {  	_ =	shalt  }
0x5d: {  	_ =	shalt  }
0x5e: {  	_ =	shalt  }
0x5f: {  	_ =	shalt  }
0x60: {  	_ =	shalt  }
0x61: {  	_ =	shalt  }
0x62: {  	_ =	shalt  }
0x63: {  	_ =	shalt  }
0x64: {  	_ =	shalt  }
0x65: {  	_ =	shalt  }
0x66: {  	_ =	shalt  }
0x67: {  	_ =	shalt  }
0x68: {  	_ =	shalt  }
0x69: {  	_ =	shalt  }
0x6a: {  	_ =	shalt  }
0x6b: {  	_ =	shalt  }
0x6c: {  	_ =	shalt  }
0x6d: {  	_ =	shalt  }
0x6e: {  	_ =	shalt  }
0x6f: {  	_ =	shalt  }
0x70: {  	_ =	shalt  }
0x71: {  	_ =	shalt  }
0x72: {  	_ =	shalt  }
0x73: {  	_ =	shalt  }
0x74: {  	_ =	shalt  }
0x75: {  	_ =	shalt  }
0x76: {  	_ =	shalt  }
0x77: {  	_ =	shalt  }
0x78: {  	_ =	shalt  }
0x79: {  	_ =	shalt  }
0x7a: {  	_ =	shalt  }
0x7b: {  	_ =	shalt  }
0x7c: {  	_ =	shalt  }
0x7d: {  	_ =	shalt  }
0x7e: {  	_ =	shalt  }
0x7f: {  	_ =	shalt  }
0x80: {  	_ =	shalt  }
0x81: {  	_ =	shalt  }
0x82: {  	_ =	shalt  }
0x83: {  	_ =	shalt  }
0x84: {  	_ =	shalt  }
0x85: {  	_ =	shalt  }
0x86: {  	_ =	shalt  }
0x87: {  	_ =	shalt  }
.Lfunc_end0:
.L_simem_size_0:
called_computation_lowered:
.L_overlay_start_0:
0x88: {  	s2 =	sld [smem:$0x3FD9]  }
0x89: {  	s3 =	sld [smem:$0x3FFE];
	_ =	sdelay $0x1  }
0x8a: {  	s1 =	srdreg.scid  }
0x8b: {  	s0 =	sand.u32 $0x1, s1  }
0x8c: {  	s14 =	sshll.u32 s0, $0xA;
	s2 =	sadd.s32 s3, s2  }
0x8d: {  	s2 =	sadd.s32 s2, s14  }
0x8e: {  	[smem:$0x3FC5] =	sst s2  }
0x8f: {  	_ = 	snop  }
0x90: {  	s2 =	sld [smem:$0x3FD0];
	_ =	sdelay $0x2  }
0x91: {  	s4 =	simm.s32 $0xA;
	s5 =	simm.s32 $0x10;
	s15 =	sld [smem:$0x3FC7]  }
0x92: {  	[smem:s5], [sflag:s4] =	dma.local [hbm:s2], $0x1  }
0x93: {  	_ =	swait.eq [sflag:s4], $0x1  }
0x94: {  	[sflag:s4] =	ssyncset.done $0x0  }
0x95: {  	[sflag:s4] =	ssyncadd.s32 $0xFFFFFFFF  }
0x96: {  	s16 =	sld [smem:$0x10];
	(tm) =	ssettm $0x1  }
0x97: {  	s17 =	sld [smem:$0x3FFB];
	_ =	sdelay $0x3  }
0x98: {  	_ =	strace s17  }
0x99: {  	s4 =	sld [smem:$0x3FFC];
	_ =	sdelay $0x3  }
0x9a: {  	_ =	strace s4  }
0x9b: {  	s4 =	sld [smem:$0x3FFD];
	_ =	sdelay $0x3  }
0x9c: {  	_ =	strace s4  }
0x9d: {  	_ =	strace $0x8FFFFFFF  }
0x9e: {  	s18 =	sld [smem:$0x3FDB];
	_ =	sdelay $0x1  }
0x9f: {  	s19 =	simm.s32 $_scs_section_size  }
0xa0: {  	s6 =	simm.s32 $_size__tile_overlayer_lowered;
	s7 =	simm.s32 $_tile_overlayer_lowered  }
0xa1: {  	s22 =	simm.s32 $0x1BFF;
	s21 =	sshll.u32 s7, $0x1;
	s4 =	sadd.s32 s19, s18  }
0xa2: {  	s8 =	simm.s32 $0x0;
	s20 =	sshll.u32 s6, $0x1;
	s6 =	sadd.s32 s21, s4  }
0xa3: {  	[timem:s8], [sflag:s22] =	dma.local [hbm:s6], s20  }
0xa4: {  	_ =	swait.ge [sflag:s22], s20  }
0xa5: {  	s5 =	ssub.s32 $0x0, s20;
	[sflag:s22] =	ssyncset.done $0x0  }
0xa6: {  	[sflag:s22] =	ssyncadd.s32 s5;
	_ =	sdelay $0x1  }
0xa7: {  	s23 =	simm.s32 $0x1B8B  }
0xa8: {  	_ =	swait.ge [sflag:s23], $0x1  }
0xa9: {  	[sflag:s23] =	ssyncset.done $0x0  }
0xaa: {  	s25 =	simm.s32 $0x1B8E;
	s24 =	sld [smem:$0x3FFE];
	[sflag:s23] =	ssyncadd.s32 $0xFFFFFFFF  }
0xab: {  	s26 =	simm.s32 $execute0_lowered;
	[smem:$0x3FD2] =	sst s25  }
0xac: {  	s6 =	sshll.u32 s26, $0x1;
	_ =	strace $0x80000046;
	[dreg:$0x1] =	wrdreg $0xFFFFFFFF  }
0xad: {  	s28 =	simm.s32 $_size_execute0_lowered;
	s4 =	sadd.s32 s4, s6;
	[dreg:$0x0] =	wrdreg $0x0  }
0xae: {  	s6 =	sshll.u32 s28, $0x1;
	[dreg:$0x2] =	wrdreg s4  }
0xaf: {  	[dreg:$0x3] =	wrdreg s6  }
0xb0: {  	[dreg:$0x4] =	wrdreg $0xC0  }
0xb1: {  	_ =	task [dreg:s8], $0x5FFFF  }
0xb2: {  	[dreg:$0x1] =	wrdreg $0xFFFFFFFF  }
0xb3: {  	[dreg:$0x0] =	wrdreg $0x60  }
0xb4: {  	[dreg:$0x2] =	wrdreg s15  }
0xb5: {  	[dreg:$0x3] =	wrdreg s24  }
0xb6: {  	[dreg:$0x4] =	wrdreg s16  }
0xb7: {  	[dreg:$0x5] =	wrdreg $0x9  }
0xb8: {  	_ =	task.clear_ibuf [dreg:s8], $0x6FFFF;
	_ =	strace $0x90000046  }
0xb9: {  	s29 =	simm.s32 $0x9;
	_ =	strace $0x80000048  }
0xba: {  	_ =	swait.ge [sflag:s29], $0x1  }
0xbb: {  	[sflag:s29] =	ssyncadd.s32 $0xFFFFFFFF  }
0xbc: {  	_ =	strace $0x90000048  }
0xbd: {  	_ =	sfence  }
0xbe: {  	s30 =	sld [smem:$0x0];
	_ =	sdelay $0x2  }
0xbf: {  	s31 =	sshll.u32 s1, $0xD;
	s1 =	sshrl.u32 s1, $0x2  }
0xc0: {  	s3 =	sand.u32 $0x4000, s31;
	s1 =	sadd.s32 s1, s30  }
0xc1: {  	s0 =	sor.u32 s3, s0;
	s1 =	sshll.u32 s1, $0x11  }
0xc2: {  	s0 =	sor.u32 s1, s0  }
0xc3: {  	s0 =	sadd.s32 $0x8F2B, s0  }
0xc4: {  	[sflag:s0] =	ssyncadd.remote.s32 $0x1  }
0xc5: {  	_ =	sfence.sel $0xFFFF  }
0xc6: {  	[dreg:$0x0] =	wrdreg $0xFFFFFFFF;
	(pc) =	sbr.abs _section_cstart, $3  }
0xc7: {  	[dreg:$0x1] =	wrdreg $0xFFFFFFFF  }
0xc8: {  	_ =	task.clear_ibuf [dreg:s8], $0x2FFFF;
	_ =	strace $0x9FFFFFFF  }
0xc9: {  	(tm) =	ssettm $0x7FFFFFFF  }
tec
execute0_lowered:
.L_overlay_start_1:
0x0: {  	(tag) =	ssettag $0x1  }
0x1: {  	s0 =	srdreg.scid  }
0x2: {  	s5 =	sand.u32 $0x1, s0;
	s0 =	stileid.u32  }
0x3: {  	s6 =	sshll.u32 s0, $0x1;
	s7 =	ssub.s32 $0x0, s5  }
0x4: {  	p0 =	sne.s32 s6, s7  }
.Ltmp0:
0x5: {  	_ = 	snop;
	(pc) =	sbr.rel @p0 .LBB2_3-.Ltmp0, $4  }
0x6: {  	s1 =	rddreg [dreg:$0x0]  }
0x7: {  	s4 =	rddreg [dreg:$0x1]  }
0x8: {  	s3 =	rddreg [dreg:$0x2]  }
0x9: {  	s2 =	rddreg [dreg:$0x3];
	_ =	strace $0x80000047  }
0xa: {  	s5 =	ssub.s32 $0x2, s5;
	s4 =	sadd.s32 $0x800, s4  }
0xb: {  	s7 =	simm.s32 $0x2;
	s8 =	simm.s32 $0x50;
	s6 =	sshrl.u32 s5, $0x1  }
0xc: {  	s9 =	simm.s32 $0x80;
	s10 =	simm.s32 $0x1;
	s5 =	ssub.s32 s5, s6  }
0xd: {  	v0 =	vimm.s32 $0x0;
	s11 =	simm.s32 $0x100;
	s6 =	simm.s32 $0x0;
	s5 =	smax.u32 s5, $0x1  }
.LBB2_2:
0xe: {  	[tilespmem:s6], [sflag:$0x2] =	stream.linear.gather [hbm4b:s4+s6], $0x80, $0x38;
	[tilespmem:$0x180] =	vst v63  }
0xf: {  	_ =	swait.ge [sflag:s7], $0x80  }
0x10: {  	[sflag:s7] =	ssyncset.done $0x0  }
0x11: {  	[sflag:s7] =	ssyncadd.s32 $0xFFFFFF80  }
0x12: {  	[tilespmem:s9], [sflag:$0x1] =	stream.indirect.gather [hbm4b:s1+s8], $0x1, s6, s8, $0xb8;
	[tilespmem:$0x180] =	vst v63  }
0x13: {  	_ =	swait.ge [sflag:s10], $0x50  }
0x14: {  	[sflag:s10] =	ssyncset.done $0x0  }
0x15: {  	[sflag:s10] =	ssyncadd.s32 $0xFFFFFFB0  }
0x16: {  	v5 =	vld [tilespmem:$0x80]  }
0x17: {  	v4 =	vld [tilespmem:$0x90]  }
0x18: {  	v3 =	vld [tilespmem:$0xA0]  }
0x19: {  	v2 =	vld [tilespmem:$0xB0]  }
0x1a: {  	v1 =	vld [tilespmem:$0xC0];
	_ =	sdelay $0x2  }
0x1b: {  	vm0 =	veq.s32 v5, $0x0;
	vm1 =	veq.s32 v4, $0x0;
	vm7 =	veq.s32 v3, $0x0  }
0x1c: {  	vm8 =	veq.s32 v2, $0x0;
	vm9 =	veq.s32 v5, $0x1;
	vm10 =	veq.s32 v4, $0x1  }
0x1d: {  	vm11 =	veq.s32 v1, $0x0;
	vm12 =	veq.s32 v3, $0x1;
	vm13 =	veq.s32 v2, $0x1  }
0x1e: {  	vm14 =	veq.s32 v1, $0x1;
	vm15 =	veq.s32 v5, $0x2;
	vm4 =	veq.s32 v4, $0x2  }
0x1f: {  	vm5 =	veq.s32 v3, $0x2;
	vm6 =	veq.s32 v2, $0x2;
	v6 =	vsel vm0, $0x1, v0  }
0x20: {  	v7 =	vsel vm1, $0x1, v0;
	v35 =	vsel vm7, $0x1, v0;
	v36 =	vsel vm8, $0x1, v0  }
0x21: {  	v37 =	vsel vm9, $0x1, v0;
	v8 =	vsel vm10, $0x1, v0;
	v38 =	vsel vm12, $0x1, v0  }
0x22: {  	v9 =	vsel vm11, $0x1, v0;
	v39 =	vsel vm13, $0x1, v0;
	v40 =	vsel vm14, $0x1, v0  }
0x23: {  	v41 =	vsel vm15, $0x1, v0;
	v10 =	vsel vm4, $0x1, v0;
	v42 =	vsel vm5, $0x1, v0  }
0x24: {  	v43 =	vsel vm6, $0x1, v0;
	vm7 =	veq.s32 v1, $0x2;
	vm10 =	veq.s32 v5, $0x3  }
0x25: {  	vm11 =	veq.s32 v4, $0x3;
	vm12 =	veq.s32 v3, $0x3;
	vm13 =	veq.s32 v2, $0x3  }
0x26: {  	vm14 =	veq.s32 v1, $0x3;
	vm15 =	veq.s32 v5, $0x4;
	vm4 =	veq.s32 v4, $0x4  }
0x27: {  	vm6 =	veq.s32 v3, $0x4;
	v6 =	vadd.s32 v6, v7;
	v7 =	vadd.s32 v37, v8  }
0x28: {  	v45 =	vsel vm7, $0x1, v0;
	v49 =	vsel vm10, $0x1, v0;
	v50 =	vsel vm11, $0x1, v0  }
0x29: {  	v51 =	vsel vm12, $0x1, v0;
	v52 =	vsel vm13, $0x1, v0;
	v53 =	vsel vm14, $0x1, v0  }
0x2a: {  	v54 =	vsel vm15, $0x1, v0;
	v55 =	vsel vm4, $0x1, v0;
	v56 =	vsel vm6, $0x1, v0  }
0x2b: {  	vm7 =	veq.s32 v2, $0x4;
	vm10 =	veq.s32 v4, $0x5;
	vm11 =	veq.s32 v3, $0x5  }
0x2c: {  	vm12 =	veq.s32 v2, $0x5;
	vm13 =	veq.s32 v1, $0x5;
	vm4 =	veq.s32 v5, $0x6  }
0x2d: {  	vm6 =	veq.s32 v3, $0x6;
	v6 =	vadd.s32 v35, v6;
	v7 =	vadd.s32 v38, v7  }
0x2e: {  	v8 =	vadd.s32 v49, v50;
	v58 =	vsel vm7, $0x1, v0;
	v11 =	vsel vm10, $0x1, v0  }
0x2f: {  	v61 =	vsel vm11, $0x1, v0;
	v62 =	vsel vm12, $0x1, v0;
	v12 =	vsel vm13, $0x1, v0  }
0x30: {  	v14 =	vsel vm4, $0x1, v0;
	v16 =	vsel vm6, $0x1, v0;
	vm7 =	veq.s32 v2, $0x6  }
0x31: {  	vm10 =	veq.s32 v4, $0x7;
	vm12 =	veq.s32 v3, $0x7;
	vm13 =	veq.s32 v2, $0x7  }
0x32: {  	vm4 =	veq.s32 v4, $0x8;
	vm6 =	veq.s32 v2, $0x8;
	v6 =	vadd.s32 v36, v6  }
0x33: {  	v7 =	vadd.s32 v39, v7;
	v8 =	vadd.s32 v51, v8;
	v17 =	vsel vm7, $0x1, v0  }
0x34: {  	v20 =	vsel vm10, $0x1, v0;
	v21 =	vsel vm12, $0x1, v0;
	v23 =	vsel vm13, $0x1, v0  }
0x35: {  	v26 =	vsel vm4, $0x1, v0;
	v28 =	vsel vm6, $0x1, v0;
	vm7 =	veq.s32 v1, $0x8  }
0x36: {  	vm10 =	veq.s32 v5, $0x9;
	vm12 =	veq.s32 v3, $0x9;
	vm13 =	veq.s32 v2, $0x9  }
0x37: {  	vm4 =	veq.s32 v4, $0xA;
	vm6 =	veq.s32 v3, $0xA;
	v6 =	vadd.s32 v9, v6  }
0x38: {  	v9 =	vadd.s32 v41, v10;
	v7 =	vadd.s32 v40, v7;
	v8 =	vadd.s32 v52, v8  }
0x39: {  	v30 =	vsel vm7, $0x1, v0;
	v32 =	vsel vm10, $0x1, v0;
	v34 =	vsel vm12, $0x1, v0  }
0x3a: {  	v35 =	vsel vm13, $0x1, v0;
	v38 =	vsel vm4, $0x1, v0;
	v39 =	vsel vm6, $0x1, v0  }
0x3b: {  	vm7 =	veq.s32 v2, $0xA;
	vm10 =	veq.s32 v4, $0xB;
	vm12 =	veq.s32 v2, $0xB  }
0x3c: {  	vm13 =	veq.s32 v1, $0xB;
	vm4 =	veq.s32 v5, $0xC;
	vm6 =	veq.s32 v3, $0xC  }
0x3d: {  	v9 =	vadd.s32 v42, v9;
	vm8 =	vgt.u32 v7, v6;
	v6 =	vmax.u32 v7, v6  }
0x3e: {  	v8 =	vadd.s32 v53, v8;
	v41 =	vsel vm7, $0x1, v0;
	v50 =	vsel vm4, $0x1, v0  }
0x3f: {  	v52 =	vsel vm6, $0x1, v0;
	vm7 =	veq.s32 v2, $0xC;
	vm4 =	veq.s32 v4, $0xE  }
0x40: {  	vm6 =	veq.s32 v2, $0xE;
	v44 =	vadd.s32 v43, v9;
	v47 =	vsel vm8, $0x1, v0  }
0x41: {  	v9 =	vadd.s32 v54, v55;
	vm8 =	veq.s32 v1, $0x4;
	v53 =	vsel vm7, $0x1, v0  }
0x42: {  	vm7 =	veq.s32 v1, $0xE;
	v46 =	vadd.s32 v45, v44;
	v57 =	vadd.s32 v56, v9  }
0x43: {  	v59 =	vsel vm8, $0x1, v0;
	vm8 =	veq.s32 v1, $0x6;
	v44 =	vsel vm10, $0x1, v0  }
0x44: {  	vm10 =	veq.s32 v4, $0xD;
	vm9 =	vgt.u32 v46, v6;
	v6 =	vmax.u32 v46, v6  }
0x45: {  	v18 =	vsel vm8, $0x1, v0;
	v46 =	vsel vm12, $0x1, v0;
	v56 =	vsel vm10, $0x1, v0  }
0x46: {  	vm12 =	veq.s32 v3, $0xD;
	vm10 =	veq.s32 v5, $0xF;
	v48 =	vsel vm9, $0x2, v47  }
0x47: {  	vm5 =	vgt.u32 v8, v6;
	v6 =	vmax.u32 v8, v6;
	v8 =	vadd.s32 v58, v57  }
0x48: {  	vm9 =	veq.s32 v5, $0x5;
	v57 =	vsel vm12, $0x1, v0;
	vm12 =	veq.s32 v3, $0xF  }
0x49: {  	v7 =	vsel vm5, $0x3, v48;
	v60 =	vsel vm9, $0x1, v0;
	v8 =	vadd.s32 v59, v8  }
0x4a: {  	vm5 =	veq.s32 v4, $0x6;
	vm9 =	veq.s32 v5, $0x7;
	v48 =	vsel vm13, $0x1, v0  }
0x4b: {  	vm13 =	veq.s32 v2, $0xD;
	v10 =	vadd.s32 v60, v11;
	vm14 =	vgt.u32 v8, v6  }
0x4c: {  	v6 =	vmax.u32 v8, v6;
	v15 =	vsel vm5, $0x1, v0;
	v19 =	vsel vm9, $0x1, v0  }
0x4d: {  	vm5 =	veq.s32 v3, $0x8;
	v59 =	vsel vm13, $0x1, v0;
	vm13 =	veq.s32 v2, $0xF  }
0x4e: {  	v10 =	vadd.s32 v61, v10;
	v7 =	vsel vm14, $0x4, v7;
	v8 =	vadd.s32 v14, v15  }
0x4f: {  	v9 =	vadd.s32 v19, v20;
	vm14 =	veq.s32 v1, $0x7;
	v27 =	vsel vm5, $0x1, v0  }
0x50: {  	v14 =	vsel vm7, $0x1, v0;
	v19 =	vsel vm13, $0x1, v0;
	vm7 =	veq.s32 v2, $0x10  }
0x51: {  	vm13 =	veq.s32 v1, $0x11;
	v63 =	vadd.s32 v62, v10;
	v8 =	vadd.s32 v16, v8  }
0x52: {  	v22 =	vadd.s32 v21, v9;
	v24 =	vsel vm14, $0x1, v0;
	vm14 =	veq.s32 v1, $0x9  }
0x53: {  	v62 =	vsel vm4, $0x1, v0;
	v16 =	vsel vm10, $0x1, v0;
	vm4 =	veq.s32 v4, $0x10  }
0x54: {  	vm10 =	veq.s32 v4, $0x11;
	v13 =	vadd.s32 v12, v63;
	v8 =	vadd.s32 v17, v8  }
0x55: {  	v36 =	vsel vm14, $0x1, v0;
	v12 =	vsel vm6, $0x1, v0;
	vm6 =	veq.s32 v3, $0x10  }
0x56: {  	vm15 =	vgt.u32 v13, v6;
	v6 =	vmax.u32 v13, v6;
	v8 =	vadd.s32 v18, v8  }
0x57: {  	v18 =	vsel vm12, $0x1, v0;
	vm12 =	veq.s32 v2, $0x11;
	v7 =	vsel vm15, $0x5, v7  }
0x58: {  	vm11 =	vgt.u32 v8, v6;
	v6 =	vmax.u32 v8, v6;
	v8 =	vadd.s32 v23, v22  }
0x59: {  	vm15 =	veq.s32 v5, $0x8;
	v22 =	vsel vm4, $0x1, v0;
	v23 =	vsel vm6, $0x1, v0  }
0x5a: {  	vm4 =	veq.s32 v5, $0x12;
	vm6 =	veq.s32 v3, $0x12;
	v7 =	vsel vm11, $0x6, v7  }
0x5b: {  	v25 =	vsel vm15, $0x1, v0;
	v8 =	vadd.s32 v24, v8;
	vm11 =	veq.s32 v4, $0x9  }
0x5c: {  	vm15 =	veq.s32 v5, $0xA;
	v10 =	vadd.s32 v25, v26;
	vm8 =	vgt.u32 v8, v6  }
0x5d: {  	v6 =	vmax.u32 v8, v6;
	v33 =	vsel vm11, $0x1, v0;
	v37 =	vsel vm15, $0x1, v0  }
0x5e: {  	vm11 =	veq.s32 v3, $0xB;
	v25 =	vsel vm7, $0x1, v0;
	vm7 =	veq.s32 v2, $0x12  }
0x5f: {  	v10 =	vadd.s32 v27, v10;
	v7 =	vsel vm8, $0x7, v7;
	v8 =	vadd.s32 v32, v33  }
0x60: {  	v9 =	vadd.s32 v37, v38;
	vm8 =	veq.s32 v1, $0xA;
	v45 =	vsel vm11, $0x1, v0  }
0x61: {  	v32 =	vsel vm13, $0x1, v0;
	v37 =	vsel vm7, $0x1, v0;
	vm13 =	veq.s32 v2, $0x13  }
0x62: {  	vm7 =	veq.s32 v1, $0x14;
	v29 =	vadd.s32 v28, v10;
	v8 =	vadd.s32 v34, v8  }
0x63: {  	v40 =	vadd.s32 v39, v9;
	v42 =	vsel vm8, $0x1, v0;
	vm8 =	veq.s32 v1, $0xC  }
0x64: {  	v28 =	vsel vm10, $0x1, v0;
	v34 =	vsel vm4, $0x1, v0;
	vm10 =	veq.s32 v4, $0x13  }
0x65: {  	vm4 =	veq.s32 v4, $0x14;
	v31 =	vadd.s32 v30, v29;
	v8 =	vadd.s32 v35, v8  }
0x66: {  	v54 =	vsel vm8, $0x1, v0;
	v30 =	vsel vm12, $0x1, v0;
	vm12 =	veq.s32 v3, $0x13  }
0x67: {  	vm9 =	vgt.u32 v31, v6;
	v6 =	vmax.u32 v31, v6;
	v8 =	vadd.s32 v36, v8  }
0x68: {  	v36 =	vsel vm6, $0x1, v0;
	vm6 =	veq.s32 v2, $0x14;
	v7 =	vsel vm9, $0x8, v7  }
0x69: {  	vm5 =	vgt.u32 v8, v6;
	v6 =	vmax.u32 v8, v6;
	v8 =	vadd.s32 v41, v40  }
0x6a: {  	vm9 =	veq.s32 v5, $0xB;
	v40 =	vsel vm10, $0x1, v0;
	v41 =	vsel vm12, $0x1, v0  }
0x6b: {  	vm10 =	veq.s32 v5, $0x15;
	vm12 =	veq.s32 v3, $0x15;
	v7 =	vsel vm5, $0x9, v7  }
0x6c: {  	v43 =	vsel vm9, $0x1, v0;
	v8 =	vadd.s32 v42, v8;
	vm5 =	veq.s32 v4, $0xC  }
0x6d: {  	vm9 =	veq.s32 v5, $0xD;
	v10 =	vadd.s32 v43, v44;
	vm14 =	vgt.u32 v8, v6  }
0x6e: {  	v6 =	vmax.u32 v8, v6;
	v51 =	vsel vm5, $0x1, v0;
	v55 =	vsel vm9, $0x1, v0  }
0x6f: {  	vm5 =	veq.s32 v3, $0xE;
	v43 =	vsel vm13, $0x1, v0;
	vm13 =	veq.s32 v2, $0x15  }
0x70: {  	v10 =	vadd.s32 v45, v10;
	v7 =	vsel vm14, $0xA, v7;
	v8 =	vadd.s32 v50, v51  }
0x71: {  	v9 =	vadd.s32 v55, v56;
	vm14 =	veq.s32 v1, $0xD;
	v63 =	vsel vm5, $0x1, v0  }
0x72: {  	v50 =	vsel vm7, $0x1, v0;
	v55 =	vsel vm13, $0x1, v0;
	vm7 =	veq.s32 v2, $0x16  }
0x73: {  	vm13 =	veq.s32 v1, $0x17;
	v47 =	vadd.s32 v46, v10;
	v8 =	vadd.s32 v52, v8  }
0x74: {  	v58 =	vadd.s32 v57, v9;
	v60 =	vsel vm14, $0x1, v0;
	vm14 =	veq.s32 v1, $0xF  }
0x75: {  	v46 =	vsel vm4, $0x1, v0;
	v52 =	vsel vm10, $0x1, v0;
	vm4 =	veq.s32 v4, $0x16  }
0x76: {  	vm10 =	veq.s32 v4, $0x17;
	v49 =	vadd.s32 v48, v47;
	v8 =	vadd.s32 v53, v8  }
0x77: {  	v20 =	vsel vm14, $0x1, v0;
	v48 =	vsel vm6, $0x1, v0;
	vm6 =	veq.s32 v3, $0x16  }
0x78: {  	vm15 =	vgt.u32 v49, v6;
	v6 =	vmax.u32 v49, v6;
	v8 =	vadd.s32 v54, v8  }
0x79: {  	v54 =	vsel vm12, $0x1, v0;
	vm12 =	veq.s32 v2, $0x17;
	v7 =	vsel vm15, $0xB, v7  }
0x7a: {  	vm11 =	vgt.u32 v8, v6;
	v6 =	vmax.u32 v8, v6;
	v8 =	vadd.s32 v59, v58  }
0x7b: {  	vm15 =	veq.s32 v5, $0xE;
	v58 =	vsel vm4, $0x1, v0;
	v59 =	vsel vm6, $0x1, v0  }
0x7c: {  	vm4 =	veq.s32 v5, $0x18;
	vm6 =	veq.s32 v3, $0x18;
	v7 =	vsel vm11, $0xC, v7  }
0x7d: {  	v61 =	vsel vm15, $0x1, v0;
	v8 =	vadd.s32 v60, v8;
	vm11 =	veq.s32 v4, $0xF  }
0x7e: {  	vm15 =	veq.s32 v5, $0x10;
	v10 =	vadd.s32 v61, v62;
	vm8 =	vgt.u32 v8, v6  }
0x7f: {  	v6 =	vmax.u32 v8, v6;
	v17 =	vsel vm11, $0x1, v0;
	v21 =	vsel vm15, $0x1, v0  }
0x80: {  	vm11 =	veq.s32 v3, $0x11;
	v61 =	vsel vm7, $0x1, v0;
	vm7 =	veq.s32 v2, $0x18  }
0x81: {  	v10 =	vadd.s32 v63, v10;
	v7 =	vsel vm8, $0xD, v7;
	v8 =	vadd.s32 v16, v17  }
0x82: {  	v9 =	vadd.s32 v21, v22;
	vm8 =	veq.s32 v1, $0x10;
	v29 =	vsel vm11, $0x1, v0  }
0x83: {  	v16 =	vsel vm13, $0x1, v0;
	v21 =	vsel vm7, $0x1, v0;
	vm13 =	veq.s32 v2, $0x19  }
0x84: {  	vm7 =	veq.s32 v1, $0x1A;
	v13 =	vadd.s32 v12, v10;
	v8 =	vadd.s32 v18, v8  }
0x85: {  	v24 =	vadd.s32 v23, v9;
	v26 =	vsel vm8, $0x1, v0;
	vm8 =	veq.s32 v1, $0x12  }
0x86: {  	v12 =	vsel vm10, $0x1, v0;
	v18 =	vsel vm4, $0x1, v0;
	vm10 =	veq.s32 v4, $0x19  }
0x87: {  	vm4 =	veq.s32 v4, $0x1A;
	v15 =	vadd.s32 v14, v13;
	v8 =	vadd.s32 v19, v8  }
0x88: {  	v38 =	vsel vm8, $0x1, v0;
	v14 =	vsel vm12, $0x1, v0;
	vm12 =	veq.s32 v3, $0x19  }
0x89: {  	vm9 =	vgt.u32 v15, v6;
	v6 =	vmax.u32 v15, v6;
	v8 =	vadd.s32 v20, v8  }
0x8a: {  	v20 =	vsel vm6, $0x1, v0;
	vm6 =	veq.s32 v2, $0x1A;
	v7 =	vsel vm9, $0xE, v7  }
0x8b: {  	vm5 =	vgt.u32 v8, v6;
	v6 =	vmax.u32 v8, v6;
	v8 =	vadd.s32 v25, v24  }
0x8c: {  	vm9 =	veq.s32 v5, $0x11;
	v24 =	vsel vm10, $0x1, v0;
	v25 =	vsel vm12, $0x1, v0  }
0x8d: {  	vm10 =	veq.s32 v5, $0x1B;
	vm12 =	veq.s32 v3, $0x1B;
	v7 =	vsel vm5, $0xF, v7  }
0x8e: {  	v27 =	vsel vm9, $0x1, v0;
	v8 =	vadd.s32 v26, v8;
	vm5 =	veq.s32 v4, $0x12  }
0x8f: {  	vm9 =	veq.s32 v5, $0x13;
	v10 =	vadd.s32 v27, v28;
	vm14 =	vgt.u32 v8, v6  }
0x90: {  	v6 =	vmax.u32 v8, v6;
	v35 =	vsel vm5, $0x1, v0;
	v39 =	vsel vm9, $0x1, v0  }
0x91: {  	vm5 =	veq.s32 v3, $0x14;
	v27 =	vsel vm13, $0x1, v0;
	vm13 =	veq.s32 v2, $0x1B  }
0x92: {  	v10 =	vadd.s32 v29, v10;
	v7 =	vsel vm14, $0x10, v7;
	v8 =	vadd.s32 v34, v35  }
0x93: {  	v9 =	vadd.s32 v39, v40;
	vm14 =	veq.s32 v1, $0x13;
	v47 =	vsel vm5, $0x1, v0  }
0x94: {  	v34 =	vsel vm7, $0x1, v0;
	v39 =	vsel vm13, $0x1, v0;
	vm7 =	veq.s32 v2, $0x1C  }
0x95: {  	vm13 =	veq.s32 v1, $0x1D;
	v31 =	vadd.s32 v30, v10;
	v8 =	vadd.s32 v36, v8  }
0x96: {  	v42 =	vadd.s32 v41, v9;
	v44 =	vsel vm14, $0x1, v0;
	vm14 =	veq.s32 v1, $0x15  }
0x97: {  	v30 =	vsel vm4, $0x1, v0;
	v36 =	vsel vm10, $0x1, v0;
	vm4 =	veq.s32 v4, $0x1C  }
0x98: {  	vm10 =	veq.s32 v4, $0x1D;
	v33 =	vadd.s32 v32, v31;
	v8 =	vadd.s32 v37, v8  }
0x99: {  	v56 =	vsel vm14, $0x1, v0;
	v32 =	vsel vm6, $0x1, v0;
	vm6 =	veq.s32 v3, $0x1C  }
0x9a: {  	vm15 =	vgt.u32 v33, v6;
	v6 =	vmax.u32 v33, v6;
	v8 =	vadd.s32 v38, v8  }
0x9b: {  	v38 =	vsel vm12, $0x1, v0;
	vm12 =	veq.s32 v2, $0x1D;
	v7 =	vsel vm15, $0x11, v7  }
0x9c: {  	vm11 =	vgt.u32 v8, v6;
	v6 =	vmax.u32 v8, v6;
	v8 =	vadd.s32 v43, v42  }
0x9d: {  	vm15 =	veq.s32 v5, $0x14;
	v42 =	vsel vm4, $0x1, v0;
	v43 =	vsel vm6, $0x1, v0  }
0x9e: {  	vm4 =	veq.s32 v5, $0x1E;
	vm6 =	veq.s32 v3, $0x1E;
	v7 =	vsel vm11, $0x12, v7  }
0x9f: {  	v45 =	vsel vm15, $0x1, v0;
	v8 =	vadd.s32 v44, v8;
	vm11 =	veq.s32 v4, $0x15  }
0xa0: {  	vm15 =	veq.s32 v5, $0x16;
	v10 =	vadd.s32 v45, v46;
	vm8 =	vgt.u32 v8, v6  }
0xa1: {  	v6 =	vmax.u32 v8, v6;
	v53 =	vsel vm11, $0x1, v0;
	v57 =	vsel vm15, $0x1, v0  }
0xa2: {  	vm11 =	veq.s32 v3, $0x17;
	v45 =	vsel vm7, $0x1, v0;
	vm7 =	veq.s32 v2, $0x1E  }
0xa3: {  	v10 =	vadd.s32 v47, v10;
	v7 =	vsel vm8, $0x13, v7;
	v8 =	vadd.s32 v52, v53  }
0xa4: {  	v9 =	vadd.s32 v57, v58;
	vm8 =	veq.s32 v1, $0x16;
	v13 =	vsel vm11, $0x1, v0  }
0xa5: {  	v52 =	vsel vm13, $0x1, v0;
	v57 =	vsel vm7, $0x1, v0;
	vm13 =	veq.s32 v1, $0x1F  }
0xa6: {  	v49 =	vadd.s32 v48, v10;
	v8 =	vadd.s32 v54, v8;
	v60 =	vadd.s32 v59, v9  }
0xa7: {  	v62 =	vsel vm8, $0x1, v0;
	vm8 =	veq.s32 v1, $0x18;
	v48 =	vsel vm10, $0x1, v0  }
0xa8: {  	v54 =	vsel vm4, $0x1, v0;
	vm10 =	veq.s32 v4, $0x1F;
	v51 =	vadd.s32 v50, v49  }
0xa9: {  	v8 =	vadd.s32 v55, v8;
	v22 =	vsel vm8, $0x1, v0;
	v50 =	vsel vm12, $0x1, v0  }
0xaa: {  	vm12 =	veq.s32 v2, $0x1F;
	vm9 =	vgt.u32 v51, v6;
	v6 =	vmax.u32 v51, v6  }
0xab: {  	v8 =	vadd.s32 v56, v8;
	v56 =	vsel vm6, $0x1, v0;
	v7 =	vsel vm9, $0x14, v7  }
0xac: {  	vm5 =	vgt.u32 v8, v6;
	v6 =	vmax.u32 v8, v6;
	vm9 =	veq.s32 v5, $0x17  }
0xad: {  	v8 =	vadd.s32 v61, v60;
	v7 =	vsel vm5, $0x15, v7;
	v63 =	vsel vm9, $0x1, v0  }
0xae: {  	v8 =	vadd.s32 v62, v8;
	vm5 =	veq.s32 v4, $0x18;
	vm9 =	veq.s32 v5, $0x19  }
0xaf: {  	v62 =	vsel vm10, $0x1, v0;
	v10 =	vadd.s32 v63, v12;
	vm14 =	vgt.u32 v8, v6  }
0xb0: {  	v6 =	vmax.u32 v8, v6;
	v19 =	vsel vm5, $0x1, v0;
	v23 =	vsel vm9, $0x1, v0  }
0xb1: {  	vm5 =	veq.s32 v3, $0x1A;
	v10 =	vadd.s32 v13, v10;
	v7 =	vsel vm14, $0x16, v7  }
0xb2: {  	v8 =	vadd.s32 v18, v19;
	v9 =	vadd.s32 v23, v24;
	vm14 =	veq.s32 v1, $0x19  }
0xb3: {  	v31 =	vsel vm5, $0x1, v0;
	v15 =	vadd.s32 v14, v10;
	v8 =	vadd.s32 v20, v8  }
0xb4: {  	v26 =	vadd.s32 v25, v9;
	v28 =	vsel vm14, $0x1, v0;
	vm14 =	veq.s32 v1, $0x1B  }
0xb5: {  	v17 =	vadd.s32 v16, v15;
	v8 =	vadd.s32 v21, v8;
	v40 =	vsel vm14, $0x1, v0  }
0xb6: {  	vm15 =	vgt.u32 v17, v6;
	v6 =	vmax.u32 v17, v6;
	v8 =	vadd.s32 v22, v8  }
0xb7: {  	v7 =	vsel vm15, $0x17, v7;
	vm11 =	vgt.u32 v8, v6;
	v6 =	vmax.u32 v8, v6  }
0xb8: {  	v8 =	vadd.s32 v27, v26;
	vm15 =	veq.s32 v5, $0x1A;
	v7 =	vsel vm11, $0x18, v7  }
0xb9: {  	v29 =	vsel vm15, $0x1, v0;
	v8 =	vadd.s32 v28, v8;
	vm11 =	veq.s32 v4, $0x1B  }
0xba: {  	vm15 =	veq.s32 v5, $0x1C;
	v10 =	vadd.s32 v29, v30;
	vm8 =	vgt.u32 v8, v6  }
0xbb: {  	v6 =	vmax.u32 v8, v6;
	v37 =	vsel vm11, $0x1, v0;
	v41 =	vsel vm15, $0x1, v0  }
0xbc: {  	vm11 =	veq.s32 v3, $0x1D;
	v10 =	vadd.s32 v31, v10;
	v7 =	vsel vm8, $0x19, v7  }
0xbd: {  	v8 =	vadd.s32 v36, v37;
	v9 =	vadd.s32 v41, v42;
	vm8 =	veq.s32 v1, $0x1C  }
0xbe: {  	v49 =	vsel vm11, $0x1, v0;
	vm11 =	veq.s32 v3, $0x1F;
	v33 =	vadd.s32 v32, v10  }
0xbf: {  	v8 =	vadd.s32 v38, v8;
	v44 =	vadd.s32 v43, v9;
	v46 =	vsel vm8, $0x1, v0  }
0xc0: {  	vm8 =	veq.s32 v1, $0x1E;
	v63 =	vsel vm11, $0x1, v0;
	v35 =	vadd.s32 v34, v33  }
0xc1: {  	v8 =	vadd.s32 v39, v8;
	v58 =	vsel vm8, $0x1, v0;
	vm9 =	vgt.u32 v35, v6  }
0xc2: {  	v6 =	vmax.u32 v35, v6;
	v8 =	vadd.s32 v40, v8;
	v7 =	vsel vm9, $0x1A, v7  }
0xc3: {  	vm5 =	vgt.u32 v8, v6;
	v6 =	vmax.u32 v8, v6;
	vm9 =	veq.s32 v5, $0x1D  }
0xc4: {  	v8 =	vadd.s32 v45, v44;
	v7 =	vsel vm5, $0x1B, v7;
	v47 =	vsel vm9, $0x1, v0  }
0xc5: {  	v8 =	vadd.s32 v46, v8;
	vm5 =	veq.s32 v4, $0x1E;
	vm9 =	veq.s32 v5, $0x1F  }
0xc6: {  	v10 =	vadd.s32 v47, v48;
	vm14 =	vgt.u32 v8, v6;
	v6 =	vmax.u32 v8, v6  }
0xc7: {  	v55 =	vsel vm5, $0x1, v0;
	v60 =	vsel vm9, $0x1, v0;
	v10 =	vadd.s32 v49, v10  }
0xc8: {  	v7 =	vsel vm14, $0x1C, v7;
	v9 =	vadd.s32 v54, v55;
	v3 =	vadd.s32 v60, v62  }
0xc9: {  	v51 =	vadd.s32 v50, v10;
	v59 =	vadd.s32 v56, v9;
	v2 =	vadd.s32 v63, v3  }
0xca: {  	v3 =	vsel vm12, $0x1, v0;
	v53 =	vadd.s32 v52, v51;
	v61 =	vadd.s32 v57, v59  }
0xcb: {  	v2 =	vadd.s32 v3, v2;
	v3 =	vsel vm13, $0x1, v0;
	vm15 =	vgt.u32 v53, v6  }
0xcc: {  	v6 =	vmax.u32 v53, v6;
	v1 =	vadd.s32 v58, v61;
	v2 =	vadd.s32 v3, v2  }
0xcd: {  	v7 =	vsel vm15, $0x1D, v7;
	vm14 =	vgt.u32 v1, v6;
	v1 =	vmax.u32 v1, v6  }
0xce: {  	v3 =	vsel vm14, $0x1E, v7;
	vm15 =	vgt.u32 v2, v1  }
0xcf: {  	p0 =	sne.s32 s5, $0x1;
	v1 =	vsel vm15, $0x1F, v3  }
.Ltmp1:
0xd0: {  	[tilespmem:$0x100] =	vst v1;
	(pc) =	sbr.rel @p0 .LBB2_2-.Ltmp1, $4  }
0xd1: {  	[hbm4b:s3+s6] =	stream.linear.scatter [tilespmem:s11], [sflag:$0x2], $0x80, $0x38;
	[tilespmem:$0x180] =	vst v63  }
0xd2: {  	_ =	swait.ge [sflag:s7], $0x80  }
0xd3: {  	[sflag:s7] =	ssyncset.done $0x0  }
0xd4: {  	s5 =	sadd.s32 $0xFFFFFFFF, s5;
	[sflag:s7] =	ssyncadd.s32 $0xFFFFFF80  }
.LBB2_3:
0xd5: {  	_ =	sfence.sel $0x180000  }
0xd6: {  	[bflag:$0x0] =	sbarrier.arrive $0xFFFF  }
0xd7: {  	p0 =	sne.s32 s0, $0x0;
	_ =	strace $0x90000047  }
0xd8: {  	s0 =	sadd.s32 @!p0 $0x100000, s2;
	[bflag:$0x2] =	sbarrier.arrive $0xFFFF  }
0xd9: {  	[sflag:s0] =	ssyncadd.tile.s32 @!p0 $0x1;
	_ =	shalt  }
.Lfunc_end2:
_tile_overlayer_lowered:
.L_overlay_start_2:
0xda: {  	(tag) =	ssettag $0x2  }
0xdb: {  	s0 =	rddreg [dreg:$0x0];
	s2 =	stileid.u32  }
0xdc: {  	s1 =	rddreg [dreg:$0x1];
	p0 =	sne.s32 s2, $0x0  }
0xdd: {  	s3 =	rddreg [dreg:$0x2];
	[bflag:$0x3] =	sbarrier.arrive $0xFFFF;
	s2 =	simm.s32 @!p0 $0x1C02  }
0xde: {  	[timem:s3], [sflag:s2] =	dma.local @!p0 [hbm:s0], s1  }
0xdf: {  	s0 =	simm.s32 @!p0 $0x2  }
0xe0: {  	_ =	swait.ge @!p0 [sflag:s0], s1  }
0xe1: {  	s1 =	ssub.s32 @!p0 $0x0, s1;
	[sflag:s0] =	ssyncset.done @!p0 $0x0  }
0xe2: {  	[sflag:s0] =	ssyncadd.s32 @!p0 s1  }
0xe3: {  	[bflag:$0x3] =	sbarrier.arrive $0xFFFF  }
0xe4: {  	_ =	shalt  }

</sc_bundles>
